<compile_context>
chip_gen: v7x
topology: tpu7x:2x2x1
jax: 0.10.2.dev20260603
libtpu: 0.0.44.dev20260713+nightly
codegen_flags: <defaults>
</compile_context>

<pallas_src>
import functools

import jax
import jax.numpy as jnp
from jax import lax
from jax.experimental import pallas as pl
import jax.experimental.pallas.tpu as pltpu
from jax.experimental.pallas import tpu_sc as plsc

N = 10000
E = 320000
D = 128
NP = 10240
C0 = 64
CPT0 = 314
C1 = 128
CPT1 = 158
EPADI = 323840
TROWS = NP // 16
BLK = 64


def _sc_aggregate(x, srcp, dstp, zf, ones):
  mesh = plsc.VectorSubcoreMesh(core_axis_name="c", subcore_axis_name="s")

  @functools.partial(
      pl.kernel,
      out_type=jax.ShapeDtypeStruct((2, NP, D), jnp.float32),
      mesh=mesh,
      scratch_types=[
          pltpu.VMEM_SHARED((NP, D), jnp.float32),
          pltpu.VMEM((4 * C0, D), jnp.float32),
          pltpu.VMEM((4, C0), jnp.int32),
          pltpu.VMEM((6, C0), jnp.int32),
          pltpu.VMEM((C1,), jnp.int32),
          pltpu.VMEM((C1,), jnp.int32),
          pltpu.VMEM((C1,), jnp.int32),
          pltpu.VMEM((C1,), jnp.int32),
          pltpu.SemaphoreType.DMA,
          pltpu.SemaphoreType.DMA,
          pltpu.SemaphoreType.DMA,
          pltpu.SemaphoreType.DMA,
          pltpu.SemaphoreType.DMA,
          pltpu.SemaphoreType.DMA,
          pltpu.SemaphoreType.DMA,
          pltpu.SemaphoreType.DMA,
          pltpu.SemaphoreType.DMA,
          pltpu.SemaphoreType.DMA,
          pltpu.SemaphoreType.DMA,
          pltpu.SemaphoreType.DMA,
          pltpu.SemaphoreType.DMA,
          pltpu.SemaphoreType.DMA,
          pltpu.SemaphoreType.DMA,
          pltpu.SemaphoreType.DMA,
      ],
  )
  def body(x_hbm, src_hbm, dst_hbm, zf_hbm, ones_hbm, out_hbm,
           acc_sh, rowsb, sib, dib, e0, e1, e2, e3,
           semg0, semg1, semg2, semg3, sems0, sems1,
           semis0, semis1, semis2, semis3,
           semid0, semid1, semid2, semid3, semid4, semid5):
    cid = lax.axis_index("c")
    sid = lax.axis_index("s")
    semg = (semg0, semg1, semg2, semg3)
    sems = (sems0, sems1)
    semis = (semis0, semis1, semis2, semis3)
    semid = (semid0, semid1, semid2, semid3, semid4, semid5)
    e = (e0, e1, e2, e3)

    def rows(r):
      return rowsb.at[pl.ds(C0 * r, C0)]

    base = sid * TROWS
    pltpu.sync_copy(zf_hbm, rows(0))
    for k in range(TROWS // BLK):
      pltpu.sync_copy(rows(0), acc_sh.at[pl.ds(base + k * BLK, BLK)])
    plsc.subcore_barrier()

    @pl.when(cid == 0)
    def _features_main():
      cbase = sid * CPT0

      def ld_src(c, sem=None):
        sl = src_hbm.at[pl.ds((cbase + c) * C0, C0)]
        if sem is None:
          pltpu.sync_copy(sl, sib.at[c % 4])
        else:
          pltpu.async_copy(sl, sib.at[c % 4], sem)

      def ld_dst(c, sem=None):
        sl = dst_hbm.at[pl.ds((cbase + c) * C0, C0)]
        if sem is None:
          pltpu.sync_copy(sl, dib.at[c % 6])
        else:
          pltpu.async_copy(sl, dib.at[c % 6], sem)

      def gather(c):
        pltpu.async_copy(x_hbm.at[sib.at[c % 4]], rows(c % 4), semg[c % 4])

      def scatter(c):
        pltpu.async_copy(rows(c % 4), acc_sh.at[dib.at[c % 6]],
                         sems[c % 2], add=True)

      def wait_i(c):
        pltpu.make_async_copy(src_hbm.at[pl.ds(0, C0)], sib.at[c % 4],
                              semis[c % 4]).wait()

      def wait_d(c):
        pltpu.make_async_copy(dst_hbm.at[pl.ds(0, C0)], dib.at[c % 6],
                              semid[c % 6]).wait()

      def wait_g(c):
        pltpu.make_async_copy(x_hbm.at[pl.ds(0, C0)], rows(c % 4),
                              semg[c % 4]).wait()

      def wait_s(c):
        pltpu.make_async_copy(rows(0), acc_sh.at[pl.ds(0, C0)],
                              sems[c % 2]).wait()

      ld_src(0)
      ld_dst(0)
      ld_src(1)
      ld_dst(1)
      gather(0)
      gather(1)
      ld_src(2, semis[2])
      ld_dst(2, semid[2])
      wait_i(2)
      gather(2)
      ld_src(3, semis[3])
      ld_dst(3, semid[3])
      wait_g(0)
      scatter(0)
      wait_i(3)
      gather(3)
      ld_src(4, semis[0])
      ld_dst(4, semid[4])
      wait_g(1)
      scatter(1)

      def group(K, carry):
        for i in range(12):
          c = 12 * K + 2 + i
          ph = 2 + i
          del ph
          wait_s(i)
          wait_i(i + 4)
          pltpu.async_copy(x_hbm.at[sib.at[(i + 4) % 4]],
                           rows((i + 4) % 4), semg[(i + 4) % 4])
          pltpu.async_copy(
              src_hbm.at[pl.ds((cbase + c + 3) * C0, C0)],
              sib.at[(i + 5) % 4], semis[(i + 5) % 4])
          pltpu.async_copy(
              dst_hbm.at[pl.ds((cbase + c + 3) * C0, C0)],
              dib.at[(i + 5) % 6], semid[(i + 5) % 6])
          wait_d(i + 2)
          wait_g(i + 2)
          pltpu.async_copy(rows((i + 2) % 4),
                           acc_sh.at[dib.at[(i + 2) % 6]],
                           sems[i % 2], add=True)
        return carry

      lax.fori_loop(0, (CPT0 - 2) // 12, group, 0)

      wait_s(0)
      wait_s(1)
      wait_g(314)
      wait_g(315)
      wait_i(316)
      wait_d(314)
      wait_d(315)
      wait_d(316)

    @pl.when(cid == 1)
    def _counts():
      cbase = sid * CPT1
      ones_v = rowsb.at[pl.ds(0, C1)]
      ev = (e0, e1, e2, e3)
      semid4 = (semid0, semid1, semid2, semid3)
      pltpu.sync_copy(ones_hbm, ones_v)

      def ld(c, sem=None):
        sl = dst_hbm.at[pl.ds((cbase + c) * C1, C1)]
        if sem is None:
          pltpu.sync_copy(sl, ev[c % 4])
        else:
          pltpu.async_copy(sl, ev[c % 4], sem)

      def wait_e(c):
        pltpu.make_async_copy(dst_hbm.at[pl.ds(0, C1)], ev[c % 4],
                              semid4[c % 4]).wait()

      def wait_sc(c):
        pltpu.make_async_copy(ones_v, acc_sh.at[pl.ds(0, C1)],
                              sems[c % 2]).wait()

      def scatter(c):
        pltpu.async_copy(ones_v, acc_sh.at[ev[c % 4]], sems[c % 2], add=True)

      ld(0)
      ld(1)
      scatter(0)
      ld(2, semid4[2])
      scatter(1)
      ld(3, semid4[3])

      def group(K, carry):
        for i in range(4):
          c = 4 * K + 2 + i
          wait_e(i + 2)
          wait_sc(i)
          pltpu.async_copy(ones_v, acc_sh.at[ev[(i + 2) % 4]],
                           sems[i % 2], add=True)
          pltpu.async_copy(
              dst_hbm.at[pl.ds((cbase + c + 2) * C1, C1)],
              ev[i % 4], semid4[i % 4])
        return carry

      lax.fori_loop(0, (CPT1 - 2) // 4, group, 0)

      wait_sc(0)
      wait_sc(1)
      wait_e(2)
      wait_e(3)

    plsc.subcore_barrier()

    for k in range(TROWS // BLK):
      off = base + k * BLK
      pltpu.sync_copy(acc_sh.at[pl.ds(off, BLK)], rows(0))
      pltpu.sync_copy(rows(0), out_hbm.at[cid, pl.ds(off, BLK)])

  return body(x, srcp, dstp, zf, ones)


def _tc_body(x_ref, agg_ref, cnt_ref, wst_ref, wnt_ref, g_ref, b_ref,
             out_ref):
  cnt = cnt_ref[:, 0:1]
  mean = agg_ref[...] / (cnt + 1e-9)
  h = (jnp.dot(x_ref[...], wst_ref[...], preferred_element_type=jnp.float32)
       + jnp.dot(mean, wnt_ref[...], preferred_element_type=jnp.float32))
  mu = jnp.mean(h, axis=-1, keepdims=True)
  var = jnp.mean((h - mu) ** 2, axis=-1, keepdims=True)
  out_ref[...] = (h - mu) / jnp.sqrt(var + 1e-5) * g_ref[...] + b_ref[...]


def _tc_finish(x, agg, cnt, wst, wnt, gamma, beta):
  BR = 1024
  return pl.pallas_call(
      _tc_body,
      grid=(10,),
      in_specs=[
          pl.BlockSpec((BR, D), lambda i: (i, 0)),
          pl.BlockSpec((BR, D), lambda i: (i, 0)),
          pl.BlockSpec((BR, D), lambda i: (i, 0)),
          pl.BlockSpec((D, D), lambda i: (0, 0)),
          pl.BlockSpec((D, D), lambda i: (0, 0)),
          pl.BlockSpec((1, D), lambda i: (0, 0)),
          pl.BlockSpec((1, D), lambda i: (0, 0)),
      ],
      out_specs=pl.BlockSpec((BR, D), lambda i: (i, 0)),
      out_shape=jax.ShapeDtypeStruct((N, D), jnp.float32),
  )(x, agg, cnt, wst, wnt, gamma, beta)


def kernel(x, edge_index, W_self, W_neigh, ln_gamma, ln_beta):
  ei = edge_index.astype(jnp.int32)
  pad = EPADI - E
  srcp = jnp.concatenate([ei[0], jnp.zeros((pad,), jnp.int32)])
  dstp = jnp.concatenate([ei[1], jnp.full((pad,), N, jnp.int32)])
  zf = jnp.zeros((BLK, D), jnp.float32)
  ones = jnp.ones((C1, D), jnp.float32)
  out = _sc_aggregate(x, srcp, dstp, zf, ones)
  return _tc_finish(x, out[0], out[1],
                    W_self.T, W_neigh.T,
                    ln_gamma.reshape(1, D), ln_beta.reshape(1, D))

# --- scband reference (transcript-rebuilt; emitter-appended) ---
"""Pipeline reference for scband-sageconv-layer-32238024524460 (READ-ONLY COPY).

The authoritative reference and input builder live on the scoring server;
editing this copy changes nothing except your own understanding.
"""

import jax, jax.numpy as jnp
import numpy as np

N = 10000
E = 320000
D_IN = 128
D_OUT = 128


def setup_inputs(seed: int = 0) -> dict:
    key = jax.random.key(seed)
    k1, k2, k3, k4 = jax.random.split(key, 4)
    x = jax.random.normal(k1, (N, D_IN), dtype=jnp.float32)
    edge_index = jax.random.randint(k2, (2, E), 0, N, dtype=jnp.int64)
    # Linear weights (PyTorch default: kaiming-uniform-like; use uniform in [-b, b])
    bound = 1.0 / np.sqrt(D_IN)
    W_self = jax.random.uniform(k3, (D_OUT, D_IN), dtype=jnp.float32, minval=-bound, maxval=bound)
    W_neigh = jax.random.uniform(k4, (D_OUT, D_IN), dtype=jnp.float32, minval=-bound, maxval=bound)
    ln_gamma = jnp.ones((D_OUT,), dtype=jnp.float32)
    ln_beta = jnp.zeros((D_OUT,), dtype=jnp.float32)
    return {"x": x, "edge_index": edge_index, "W_self": W_self, "W_neigh": W_neigh,
            "ln_gamma": ln_gamma, "ln_beta": ln_beta}


def _layer_norm(h, gamma, beta, eps=1e-5):
    mu = jnp.mean(h, axis=-1, keepdims=True)
    var = jnp.mean((h - mu) ** 2, axis=-1, keepdims=True)
    return (h - mu) / jnp.sqrt(var + eps) * gamma + beta


def reference(x, edge_index, W_self, W_neigh, ln_gamma, ln_beta):
    src = edge_index[0]
    dst = edge_index[1]
    n = x.shape[0]
    # scatter-add of gathered source features onto destination nodes
    agg = jnp.zeros_like(x).at[dst].add(x[src])
    count = jnp.zeros((n, 1), dtype=x.dtype).at[dst].add(jnp.ones((src.shape[0], 1), dtype=x.dtype))
    neigh_mean = agg / (count + 1e-9)
    # dropout p=0.0 (eval/identity)
    out = x @ W_self.T + neigh_mean @ W_neigh.T
    return _layer_norm(out, ln_gamma, ln_beta)

if __name__ == "__main__":
    import jax
    _d = setup_inputs()
    print(jax.jit(kernel)(*tuple(_d.values())))

</pallas_src>

<mosaic_0001>
#map = affine_map<(d0, d1) -> (0, 0)>
#map1 = affine_map<(d0, d1) -> (0)>
#map2 = affine_map<(d0, d1) -> (0, 0, 0)>
module attributes {stable_mosaic.version = 14 : i64} {
  func.func @body(%arg0: i32, %arg1: i32, %arg2: memref<10000x128xf32, #tpu.memory_space<hbm>>, %arg3: memref<323840xi32, #tpu.memory_space<hbm>>, %arg4: memref<323840xi32, #tpu.memory_space<hbm>>, %arg5: memref<64x128xf32, #tpu.memory_space<hbm>>, %arg6: memref<128x128xf32, #tpu.memory_space<hbm>>, %arg7: memref<2x10240x128xf32, #tpu.memory_space<hbm>>, %arg8: memref<10240x128xf32, #tpu.memory_space<vmem_shared>>, %arg9: memref<256x128xf32, #tpu.memory_space<vmem>>, %arg10: memref<4x64xi32, #tpu.memory_space<vmem>>, %arg11: memref<6x64xi32, #tpu.memory_space<vmem>>, %arg12: memref<128xi32, #tpu.memory_space<vmem>>, %arg13: memref<128xi32, #tpu.memory_space<vmem>>, %arg14: memref<128xi32, #tpu.memory_space<vmem>>, %arg15: memref<128xi32, #tpu.memory_space<vmem>>, %arg16: memref<!tpu.dma_semaphore, #tpu.memory_space<semaphore_mem>>, %arg17: memref<!tpu.dma_semaphore, #tpu.memory_space<semaphore_mem>>, %arg18: memref<!tpu.dma_semaphore, #tpu.memory_space<semaphore_mem>>, %arg19: memref<!tpu.dma_semaphore, #tpu.memory_space<semaphore_mem>>, %arg20: memref<!tpu.dma_semaphore, #tpu.memory_space<semaphore_mem>>, %arg21: memref<!tpu.dma_semaphore, #tpu.memory_space<semaphore_mem>>, %arg22: memref<!tpu.dma_semaphore, #tpu.memory_space<semaphore_mem>>, %arg23: memref<!tpu.dma_semaphore, #tpu.memory_space<semaphore_mem>>, %arg24: memref<!tpu.dma_semaphore, #tpu.memory_space<semaphore_mem>>, %arg25: memref<!tpu.dma_semaphore, #tpu.memory_space<semaphore_mem>>, %arg26: memref<!tpu.dma_semaphore, #tpu.memory_space<semaphore_mem>>, %arg27: memref<!tpu.dma_semaphore, #tpu.memory_space<semaphore_mem>>, %arg28: memref<!tpu.dma_semaphore, #tpu.memory_space<semaphore_mem>>, %arg29: memref<!tpu.dma_semaphore, #tpu.memory_space<semaphore_mem>>, %arg30: memref<!tpu.dma_semaphore, #tpu.memory_space<semaphore_mem>>, %arg31: memref<!tpu.dma_semaphore, #tpu.memory_space<semaphore_mem>>) attributes {dimension_semantics = [#tpu.dimension_semantics<core_parallel>, #tpu.dimension_semantics<subcore_parallel>], iteration_bounds = array<i64: 2, 16>, scalar_prefetch = 0 : i64, scratch_operands = 24 : i64, tpu.core_type = #tpu.core_type<sc_vector_subcore>, window_params = [{transform_indices = #map}, {transform_indices = #map1}, {transform_indices = #map1}, {transform_indices = #map}, {transform_indices = #map}, {transform_indices = #map2}]} {
    %mul3A = arith.constant 640 : i32
    %mul3A_0 = arith.muli %arg1, %mul3A : i32
    "tpu.region"() ({
      %run_scoped3A = tpu.sem_alloc : memref<!tpu.dma_semaphore, #tpu.memory_space<semaphore_mem>>
      %dma_start3A = arith.constant 0 : i32
      %dma_start3A_48 = arith.constant 0 : i32
      %dma_start3A_49 = tpu.memref_slice %arg9[%dma_start3A, %dma_start3A_48] : memref<256x128xf32, #tpu.memory_space<vmem>> -> memref<64x128xf32, #tpu.memory_space<vmem>>
      %dma_start3A_50 = arith.constant 0 : i32
      %dma_start3A_51 = arith.constant 0 : i32
      %dma_start3A_52 = tpu.memref_slice %arg9[%dma_start3A_50, %dma_start3A_51] : memref<256x128xf32, #tpu.memory_space<vmem>> -> memref<64x128xf32, #tpu.memory_space<vmem>>
      tpu.enqueue_dma source(%arg5 : memref<64x128xf32, #tpu.memory_space<hbm>>) target(%dma_start3A_52 : memref<64x128xf32, #tpu.memory_space<vmem>>) target_semaphore(%run_scoped3A : memref<!tpu.dma_semaphore, #tpu.memory_space<semaphore_mem>>)
      %dma_wait3A = arith.constant 0 : i32
      %dma_wait3A_53 = arith.constant 0 : i32
      %dma_wait3A_54 = tpu.memref_slice %arg9[%dma_wait3A, %dma_wait3A_53] : memref<256x128xf32, #tpu.memory_space<vmem>> -> memref<64x128xf32, #tpu.memory_space<vmem>>
      %dma_wait3A_55 = arith.constant 0 : i32
      %dma_wait3A_56 = arith.constant 0 : i32
      %dma_wait3A_57 = tpu.memref_slice %arg9[%dma_wait3A_55, %dma_wait3A_56] : memref<256x128xf32, #tpu.memory_space<vmem>> -> memref<64x128xf32, #tpu.memory_space<vmem>>
      tpu.wait_dma2 semaphore(%run_scoped3A : memref<!tpu.dma_semaphore, #tpu.memory_space<semaphore_mem>>) src(%arg5 : memref<64x128xf32, #tpu.memory_space<hbm>>) dst(%dma_wait3A_57 : memref<64x128xf32, #tpu.memory_space<vmem>>)
      tpu.yield
    }) : () -> ()
    %add3A = arith.constant 0 : i32
    %add3A_1 = arith.addi %mul3A_0, %add3A : i32
    "tpu.region"() ({
      %run_scoped3A = tpu.sem_alloc : memref<!tpu.dma_semaphore, #tpu.memory_space<semaphore_mem>>
      %dma_start3A = arith.constant 0 : i32
      %dma_start3A_48 = arith.constant 0 : i32
      %dma_start3A_49 = tpu.memref_slice %arg9[%dma_start3A, %dma_start3A_48] : memref<256x128xf32, #tpu.memory_space<vmem>> -> memref<64x128xf32, #tpu.memory_space<vmem>>
      %dma_start3A_50 = arith.constant 0 : i32
      %dma_start3A_51 = tpu.memref_slice %arg8[%add3A_1, %dma_start3A_50] : memref<10240x128xf32, #tpu.memory_space<vmem_shared>> -> memref<64x128xf32, #tpu.memory_space<vmem_shared>>
      %dma_start3A_52 = arith.constant 0 : i32
      %dma_start3A_53 = tpu.memref_slice %arg8[%add3A_1, %dma_start3A_52] : memref<10240x128xf32, #tpu.memory_space<vmem_shared>> -> memref<64x128xf32, #tpu.memory_space<vmem_shared>>
      %dma_start3A_54 = arith.constant 0 : i32
      %dma_start3A_55 = arith.constant 0 : i32
      %dma_start3A_56 = tpu.memref_slice %arg9[%dma_start3A_54, %dma_start3A_55] : memref<256x128xf32, #tpu.memory_space<vmem>> -> memref<64x128xf32, #tpu.memory_space<vmem>>
      tpu.enqueue_dma source(%dma_start3A_56 : memref<64x128xf32, #tpu.memory_space<vmem>>) target(%dma_start3A_53 : memref<64x128xf32, #tpu.memory_space<vmem_shared>>) target_semaphore(%run_scoped3A : memref<!tpu.dma_semaphore, #tpu.memory_space<semaphore_mem>>)
      %dma_wait3A = arith.constant 0 : i32
      %dma_wait3A_57 = arith.constant 0 : i32
      %dma_wait3A_58 = tpu.memref_slice %arg9[%dma_wait3A, %dma_wait3A_57] : memref<256x128xf32, #tpu.memory_space<vmem>> -> memref<64x128xf32, #tpu.memory_space<vmem>>
      %dma_wait3A_59 = arith.constant 0 : i32
      %dma_wait3A_60 = tpu.memref_slice %arg8[%add3A_1, %dma_wait3A_59] : memref<10240x128xf32, #tpu.memory_space<vmem_shared>> -> memref<64x128xf32, #tpu.memory_space<vmem_shared>>
      %dma_wait3A_61 = arith.constant 0 : i32
      %dma_wait3A_62 = tpu.memref_slice %arg8[%add3A_1, %dma_wait3A_61] : memref<10240x128xf32, #tpu.memory_space<vmem_shared>> -> memref<64x128xf32, #tpu.memory_space<vmem_shared>>
      %dma_wait3A_63 = arith.constant 0 : i32
      %dma_wait3A_64 = arith.constant 0 : i32
      %dma_wait3A_65 = tpu.memref_slice %arg9[%dma_wait3A_63, %dma_wait3A_64] : memref<256x128xf32, #tpu.memory_space<vmem>> -> memref<64x128xf32, #tpu.memory_space<vmem>>
      tpu.wait_dma2 semaphore(%run_scoped3A : memref<!tpu.dma_semaphore, #tpu.memory_space<semaphore_mem>>) src(%dma_wait3A_65 : memref<64x128xf32, #tpu.memory_space<vmem>>) dst(%dma_wait3A_62 : memref<64x128xf32, #tpu.memory_space<vmem_shared>>)
      tpu.yield
    }) : () -> ()
    %add3A_2 = arith.constant 64 : i32
    %add3A_3 = arith.addi %mul3A_0, %add3A_2 : i32
    "tpu.region"() ({
      %run_scoped3A = tpu.sem_alloc : memref<!tpu.dma_semaphore, #tpu.memory_space<semaphore_mem>>
      %dma_start3A = arith.constant 0 : i32
      %dma_start3A_48 = arith.constant 0 : i32
      %dma_start3A_49 = tpu.memref_slice %arg9[%dma_start3A, %dma_start3A_48] : memref<256x128xf32, #tpu.memory_space<vmem>> -> memref<64x128xf32, #tpu.memory_space<vmem>>
      %dma_start3A_50 = arith.constant 0 : i32
      %dma_start3A_51 = tpu.memref_slice %arg8[%add3A_3, %dma_start3A_50] : memref<10240x128xf32, #tpu.memory_space<vmem_shared>> -> memref<64x128xf32, #tpu.memory_space<vmem_shared>>
      %dma_start3A_52 = arith.constant 0 : i32
      %dma_start3A_53 = tpu.memref_slice %arg8[%add3A_3, %dma_start3A_52] : memref<10240x128xf32, #tpu.memory_space<vmem_shared>> -> memref<64x128xf32, #tpu.memory_space<vmem_shared>>
      %dma_start3A_54 = arith.constant 0 : i32
      %dma_start3A_55 = arith.constant 0 : i32
      %dma_start3A_56 = tpu.memref_slice %arg9[%dma_start3A_54, %dma_start3A_55] : memref<256x128xf32, #tpu.memory_space<vmem>> -> memref<64x128xf32, #tpu.memory_space<vmem>>
      tpu.enqueue_dma source(%dma_start3A_56 : memref<64x128xf32, #tpu.memory_space<vmem>>) target(%dma_start3A_53 : memref<64x128xf32, #tpu.memory_space<vmem_shared>>) target_semaphore(%run_scoped3A : memref<!tpu.dma_semaphore, #tpu.memory_space<semaphore_mem>>)
      %dma_wait3A = arith.constant 0 : i32
      %dma_wait3A_57 = arith.constant 0 : i32
      %dma_wait3A_58 = tpu.memref_slice %arg9[%dma_wait3A, %dma_wait3A_57] : memref<256x128xf32, #tpu.memory_space<vmem>> -> memref<64x128xf32, #tpu.memory_space<vmem>>
      %dma_wait3A_59 = arith.constant 0 : i32
      %dma_wait3A_60 = tpu.memref_slice %arg8[%add3A_3, %dma_wait3A_59] : memref<10240x128xf32, #tpu.memory_space<vmem_shared>> -> memref<64x128xf32, #tpu.memory_space<vmem_shared>>
      %dma_wait3A_61 = arith.constant 0 : i32
      %dma_wait3A_62 = tpu.memref_slice %arg8[%add3A_3, %dma_wait3A_61] : memref<10240x128xf32, #tpu.memory_space<vmem_shared>> -> memref<64x128xf32, #tpu.memory_space<vmem_shared>>
      %dma_wait3A_63 = arith.constant 0 : i32
      %dma_wait3A_64 = arith.constant 0 : i32
      %dma_wait3A_65 = tpu.memref_slice %arg9[%dma_wait3A_63, %dma_wait3A_64] : memref<256x128xf32, #tpu.memory_space<vmem>> -> memref<64x128xf32, #tpu.memory_space<vmem>>
      tpu.wait_dma2 semaphore(%run_scoped3A : memref<!tpu.dma_semaphore, #tpu.memory_space<semaphore_mem>>) src(%dma_wait3A_65 : memref<64x128xf32, #tpu.memory_space<vmem>>) dst(%dma_wait3A_62 : memref<64x128xf32, #tpu.memory_space<vmem_shared>>)
      tpu.yield
    }) : () -> ()
    %add3A_4 = arith.constant 128 : i32
    %add3A_5 = arith.addi %mul3A_0, %add3A_4 : i32
    "tpu.region"() ({
      %run_scoped3A = tpu.sem_alloc : memref<!tpu.dma_semaphore, #tpu.memory_space<semaphore_mem>>
      %dma_start3A = arith.constant 0 : i32
      %dma_start3A_48 = arith.constant 0 : i32
      %dma_start3A_49 = tpu.memref_slice %arg9[%dma_start3A, %dma_start3A_48] : memref<256x128xf32, #tpu.memory_space<vmem>> -> memref<64x128xf32, #tpu.memory_space<vmem>>
      %dma_start3A_50 = arith.constant 0 : i32
      %dma_start3A_51 = tpu.memref_slice %arg8[%add3A_5, %dma_start3A_50] : memref<10240x128xf32, #tpu.memory_space<vmem_shared>> -> memref<64x128xf32, #tpu.memory_space<vmem_shared>>
      %dma_start3A_52 = arith.constant 0 : i32
      %dma_start3A_53 = tpu.memref_slice %arg8[%add3A_5, %dma_start3A_52] : memref<10240x128xf32, #tpu.memory_space<vmem_shared>> -> memref<64x128xf32, #tpu.memory_space<vmem_shared>>
      %dma_start3A_54 = arith.constant 0 : i32
      %dma_start3A_55 = arith.constant 0 : i32
      %dma_start3A_56 = tpu.memref_slice %arg9[%dma_start3A_54, %dma_start3A_55] : memref<256x128xf32, #tpu.memory_space<vmem>> -> memref<64x128xf32, #tpu.memory_space<vmem>>
      tpu.enqueue_dma source(%dma_start3A_56 : memref<64x128xf32, #tpu.memory_space<vmem>>) target(%dma_start3A_53 : memref<64x128xf32, #tpu.memory_space<vmem_shared>>) target_semaphore(%run_scoped3A : memref<!tpu.dma_semaphore, #tpu.memory_space<semaphore_mem>>)
      %dma_wait3A = arith.constant 0 : i32
      %dma_wait3A_57 = arith.constant 0 : i32
      %dma_wait3A_58 = tpu.memref_slice %arg9[%dma_wait3A, %dma_wait3A_57] : memref<256x128xf32, #tpu.memory_space<vmem>> -> memref<64x128xf32, #tpu.memory_space<vmem>>
      %dma_wait3A_59 = arith.constant 0 : i32
      %dma_wait3A_60 = tpu.memref_slice %arg8[%add3A_5, %dma_wait3A_59] : memref<10240x128xf32, #tpu.memory_space<vmem_shared>> -> memref<64x128xf32, #tpu.memory_space<vmem_shared>>
      %dma_wait3A_61 = arith.constant 0 : i32
      %dma_wait3A_62 = tpu.memref_slice %arg8[%add3A_5, %dma_wait3A_61] : memref<10240x128xf32, #tpu.memory_space<vmem_shared>> -> memref<64x128xf32, #tpu.memory_space<vmem_shared>>
      %dma_wait3A_63 = arith.constant 0 : i32
      %dma_wait3A_64 = arith.constant 0 : i32
      %dma_wait3A_65 = tpu.memref_slice %arg9[%dma_wait3A_63, %dma_wait3A_64] : memref<256x128xf32, #tpu.memory_space<vmem>> -> memref<64x128xf32, #tpu.memory_space<vmem>>
      tpu.wait_dma2 semaphore(%run_scoped3A : memref<!tpu.dma_semaphore, #tpu.memory_space<semaphore_mem>>) src(%dma_wait3A_65 : memref<64x128xf32, #tpu.memory_space<vmem>>) dst(%dma_wait3A_62 : memref<64x128xf32, #tpu.memory_space<vmem_shared>>)
      tpu.yield
    }) : () -> ()
    %add3A_6 = arith.constant 192 : i32
    %add3A_7 = arith.addi %mul3A_0, %add3A_6 : i32
    "tpu.region"() ({
      %run_scoped3A = tpu.sem_alloc : memref<!tpu.dma_semaphore, #tpu.memory_space<semaphore_mem>>
      %dma_start3A = arith.constant 0 : i32
      %dma_start3A_48 = arith.constant 0 : i32
      %dma_start3A_49 = tpu.memref_slice %arg9[%dma_start3A, %dma_start3A_48] : memref<256x128xf32, #tpu.memory_space<vmem>> -> memref<64x128xf32, #tpu.memory_space<vmem>>
      %dma_start3A_50 = arith.constant 0 : i32
      %dma_start3A_51 = tpu.memref_slice %arg8[%add3A_7, %dma_start3A_50] : memref<10240x128xf32, #tpu.memory_space<vmem_shared>> -> memref<64x128xf32, #tpu.memory_space<vmem_shared>>
      %dma_start3A_52 = arith.constant 0 : i32
      %dma_start3A_53 = tpu.memref_slice %arg8[%add3A_7, %dma_start3A_52] : memref<10240x128xf32, #tpu.memory_space<vmem_shared>> -> memref<64x128xf32, #tpu.memory_space<vmem_shared>>
      %dma_start3A_54 = arith.constant 0 : i32
      %dma_start3A_55 = arith.constant 0 : i32
      %dma_start3A_56 = tpu.memref_slice %arg9[%dma_start3A_54, %dma_start3A_55] : memref<256x128xf32, #tpu.memory_space<vmem>> -> memref<64x128xf32, #tpu.memory_space<vmem>>
      tpu.enqueue_dma source(%dma_start3A_56 : memref<64x128xf32, #tpu.memory_space<vmem>>) target(%dma_start3A_53 : memref<64x128xf32, #tpu.memory_space<vmem_shared>>) target_semaphore(%run_scoped3A : memref<!tpu.dma_semaphore, #tpu.memory_space<semaphore_mem>>)
      %dma_wait3A = arith.constant 0 : i32
      %dma_wait3A_57 = arith.constant 0 : i32
      %dma_wait3A_58 = tpu.memref_slice %arg9[%dma_wait3A, %dma_wait3A_57] : memref<256x128xf32, #tpu.memory_space<vmem>> -> memref<64x128xf32, #tpu.memory_space<vmem>>
      %dma_wait3A_59 = arith.constant 0 : i32
      %dma_wait3A_60 = tpu.memref_slice %arg8[%add3A_7, %dma_wait3A_59] : memref<10240x128xf32, #tpu.memory_space<vmem_shared>> -> memref<64x128xf32, #tpu.memory_space<vmem_shared>>
      %dma_wait3A_61 = arith.constant 0 : i32
      %dma_wait3A_62 = tpu.memref_slice %arg8[%add3A_7, %dma_wait3A_61] : memref<10240x128xf32, #tpu.memory_space<vmem_shared>> -> memref<64x128xf32, #tpu.memory_space<vmem_shared>>
      %dma_wait3A_63 = arith.constant 0 : i32
      %dma_wait3A_64 = arith.constant 0 : i32
      %dma_wait3A_65 = tpu.memref_slice %arg9[%dma_wait3A_63, %dma_wait3A_64] : memref<256x128xf32, #tpu.memory_space<vmem>> -> memref<64x128xf32, #tpu.memory_space<vmem>>
      tpu.wait_dma2 semaphore(%run_scoped3A : memref<!tpu.dma_semaphore, #tpu.memory_space<semaphore_mem>>) src(%dma_wait3A_65 : memref<64x128xf32, #tpu.memory_space<vmem>>) dst(%dma_wait3A_62 : memref<64x128xf32, #tpu.memory_space<vmem_shared>>)
      tpu.yield
    }) : () -> ()
    %add3A_8 = arith.constant 256 : i32
    %add3A_9 = arith.addi %mul3A_0, %add3A_8 : i32
    "tpu.region"() ({
      %run_scoped3A = tpu.sem_alloc : memref<!tpu.dma_semaphore, #tpu.memory_space<semaphore_mem>>
      %dma_start3A = arith.constant 0 : i32
      %dma_start3A_48 = arith.constant 0 : i32
      %dma_start3A_49 = tpu.memref_slice %arg9[%dma_start3A, %dma_start3A_48] : memref<256x128xf32, #tpu.memory_space<vmem>> -> memref<64x128xf32, #tpu.memory_space<vmem>>
      %dma_start3A_50 = arith.constant 0 : i32
      %dma_start3A_51 = tpu.memref_slice %arg8[%add3A_9, %dma_start3A_50] : memref<10240x128xf32, #tpu.memory_space<vmem_shared>> -> memref<64x128xf32, #tpu.memory_space<vmem_shared>>
      %dma_start3A_52 = arith.constant 0 : i32
      %dma_start3A_53 = tpu.memref_slice %arg8[%add3A_9, %dma_start3A_52] : memref<10240x128xf32, #tpu.memory_space<vmem_shared>> -> memref<64x128xf32, #tpu.memory_space<vmem_shared>>
      %dma_start3A_54 = arith.constant 0 : i32
      %dma_start3A_55 = arith.constant 0 : i32
      %dma_start3A_56 = tpu.memref_slice %arg9[%dma_start3A_54, %dma_start3A_55] : memref<256x128xf32, #tpu.memory_space<vmem>> -> memref<64x128xf32, #tpu.memory_space<vmem>>
      tpu.enqueue_dma source(%dma_start3A_56 : memref<64x128xf32, #tpu.memory_space<vmem>>) target(%dma_start3A_53 : memref<64x128xf32, #tpu.memory_space<vmem_shared>>) target_semaphore(%run_scoped3A : memref<!tpu.dma_semaphore, #tpu.memory_space<semaphore_mem>>)
      %dma_wait3A = arith.constant 0 : i32
      %dma_wait3A_57 = arith.constant 0 : i32
      %dma_wait3A_58 = tpu.memref_slice %arg9[%dma_wait3A, %dma_wait3A_57] : memref<256x128xf32, #tpu.memory_space<vmem>> -> memref<64x128xf32, #tpu.memory_space<vmem>>
      %dma_wait3A_59 = arith.constant 0 : i32
      %dma_wait3A_60 = tpu.memref_slice %arg8[%add3A_9, %dma_wait3A_59] : memref<10240x128xf32, #tpu.memory_space<vmem_shared>> -> memref<64x128xf32, #tpu.memory_space<vmem_shared>>
      %dma_wait3A_61 = arith.constant 0 : i32
      %dma_wait3A_62 = tpu.memref_slice %arg8[%add3A_9, %dma_wait3A_61] : memref<10240x128xf32, #tpu.memory_space<vmem_shared>> -> memref<64x128xf32, #tpu.memory_space<vmem_shared>>
      %dma_wait3A_63 = arith.constant 0 : i32
      %dma_wait3A_64 = arith.constant 0 : i32
      %dma_wait3A_65 = tpu.memref_slice %arg9[%dma_wait3A_63, %dma_wait3A_64] : memref<256x128xf32, #tpu.memory_space<vmem>> -> memref<64x128xf32, #tpu.memory_space<vmem>>
      tpu.wait_dma2 semaphore(%run_scoped3A : memref<!tpu.dma_semaphore, #tpu.memory_space<semaphore_mem>>) src(%dma_wait3A_65 : memref<64x128xf32, #tpu.memory_space<vmem>>) dst(%dma_wait3A_62 : memref<64x128xf32, #tpu.memory_space<vmem_shared>>)
      tpu.yield
    }) : () -> ()
    %add3A_10 = arith.constant 320 : i32
    %add3A_11 = arith.addi %mul3A_0, %add3A_10 : i32
    "tpu.region"() ({
      %run_scoped3A = tpu.sem_alloc : memref<!tpu.dma_semaphore, #tpu.memory_space<semaphore_mem>>
      %dma_start3A = arith.constant 0 : i32
      %dma_start3A_48 = arith.constant 0 : i32
      %dma_start3A_49 = tpu.memref_slice %arg9[%dma_start3A, %dma_start3A_48] : memref<256x128xf32, #tpu.memory_space<vmem>> -> memref<64x128xf32, #tpu.memory_space<vmem>>
      %dma_start3A_50 = arith.constant 0 : i32
      %dma_start3A_51 = tpu.memref_slice %arg8[%add3A_11, %dma_start3A_50] : memref<10240x128xf32, #tpu.memory_space<vmem_shared>> -> memref<64x128xf32, #tpu.memory_space<vmem_shared>>
      %dma_start3A_52 = arith.constant 0 : i32
      %dma_start3A_53 = tpu.memref_slice %arg8[%add3A_11, %dma_start3A_52] : memref<10240x128xf32, #tpu.memory_space<vmem_shared>> -> memref<64x128xf32, #tpu.memory_space<vmem_shared>>
      %dma_start3A_54 = arith.constant 0 : i32
      %dma_start3A_55 = arith.constant 0 : i32
      %dma_start3A_56 = tpu.memref_slice %arg9[%dma_start3A_54, %dma_start3A_55] : memref<256x128xf32, #tpu.memory_space<vmem>> -> memref<64x128xf32, #tpu.memory_space<vmem>>
      tpu.enqueue_dma source(%dma_start3A_56 : memref<64x128xf32, #tpu.memory_space<vmem>>) target(%dma_start3A_53 : memref<64x128xf32, #tpu.memory_space<vmem_shared>>) target_semaphore(%run_scoped3A : memref<!tpu.dma_semaphore, #tpu.memory_space<semaphore_mem>>)
      %dma_wait3A = arith.constant 0 : i32
      %dma_wait3A_57 = arith.constant 0 : i32
      %dma_wait3A_58 = tpu.memref_slice %arg9[%dma_wait3A, %dma_wait3A_57] : memref<256x128xf32, #tpu.memory_space<vmem>> -> memref<64x128xf32, #tpu.memory_space<vmem>>
      %dma_wait3A_59 = arith.constant 0 : i32
      %dma_wait3A_60 = tpu.memref_slice %arg8[%add3A_11, %dma_wait3A_59] : memref<10240x128xf32, #tpu.memory_space<vmem_shared>> -> memref<64x128xf32, #tpu.memory_space<vmem_shared>>
      %dma_wait3A_61 = arith.constant 0 : i32
      %dma_wait3A_62 = tpu.memref_slice %arg8[%add3A_11, %dma_wait3A_61] : memref<10240x128xf32, #tpu.memory_space<vmem_shared>> -> memref<64x128xf32, #tpu.memory_space<vmem_shared>>
      %dma_wait3A_63 = arith.constant 0 : i32
      %dma_wait3A_64 = arith.constant 0 : i32
      %dma_wait3A_65 = tpu.memref_slice %arg9[%dma_wait3A_63, %dma_wait3A_64] : memref<256x128xf32, #tpu.memory_space<vmem>> -> memref<64x128xf32, #tpu.memory_space<vmem>>
      tpu.wait_dma2 semaphore(%run_scoped3A : memref<!tpu.dma_semaphore, #tpu.memory_space<semaphore_mem>>) src(%dma_wait3A_65 : memref<64x128xf32, #tpu.memory_space<vmem>>) dst(%dma_wait3A_62 : memref<64x128xf32, #tpu.memory_space<vmem_shared>>)
      tpu.yield
    }) : () -> ()
    %add3A_12 = arith.constant 384 : i32
    %add3A_13 = arith.addi %mul3A_0, %add3A_12 : i32
    "tpu.region"() ({
      %run_scoped3A = tpu.sem_alloc : memref<!tpu.dma_semaphore, #tpu.memory_space<semaphore_mem>>
      %dma_start3A = arith.constant 0 : i32
      %dma_start3A_48 = arith.constant 0 : i32
      %dma_start3A_49 = tpu.memref_slice %arg9[%dma_start3A, %dma_start3A_48] : memref<256x128xf32, #tpu.memory_space<vmem>> -> memref<64x128xf32, #tpu.memory_space<vmem>>
      %dma_start3A_50 = arith.constant 0 : i32
      %dma_start3A_51 = tpu.memref_slice %arg8[%add3A_13, %dma_start3A_50] : memref<10240x128xf32, #tpu.memory_space<vmem_shared>> -> memref<64x128xf32, #tpu.memory_space<vmem_shared>>
      %dma_start3A_52 = arith.constant 0 : i32
      %dma_start3A_53 = tpu.memref_slice %arg8[%add3A_13, %dma_start3A_52] : memref<10240x128xf32, #tpu.memory_space<vmem_shared>> -> memref<64x128xf32, #tpu.memory_space<vmem_shared>>
      %dma_start3A_54 = arith.constant 0 : i32
      %dma_start3A_55 = arith.constant 0 : i32
      %dma_start3A_56 = tpu.memref_slice %arg9[%dma_start3A_54, %dma_start3A_55] : memref<256x128xf32, #tpu.memory_space<vmem>> -> memref<64x128xf32, #tpu.memory_space<vmem>>
      tpu.enqueue_dma source(%dma_start3A_56 : memref<64x128xf32, #tpu.memory_space<vmem>>) target(%dma_start3A_53 : memref<64x128xf32, #tpu.memory_space<vmem_shared>>) target_semaphore(%run_scoped3A : memref<!tpu.dma_semaphore, #tpu.memory_space<semaphore_mem>>)
      %dma_wait3A = arith.constant 0 : i32
      %dma_wait3A_57 = arith.constant 0 : i32
      %dma_wait3A_58 = tpu.memref_slice %arg9[%dma_wait3A, %dma_wait3A_57] : memref<256x128xf32, #tpu.memory_space<vmem>> -> memref<64x128xf32, #tpu.memory_space<vmem>>
      %dma_wait3A_59 = arith.constant 0 : i32
      %dma_wait3A_60 = tpu.memref_slice %arg8[%add3A_13, %dma_wait3A_59] : memref<10240x128xf32, #tpu.memory_space<vmem_shared>> -> memref<64x128xf32, #tpu.memory_space<vmem_shared>>
      %dma_wait3A_61 = arith.constant 0 : i32
      %dma_wait3A_62 = tpu.memref_slice %arg8[%add3A_13, %dma_wait3A_61] : memref<10240x128xf32, #tpu.memory_space<vmem_shared>> -> memref<64x128xf32, #tpu.memory_space<vmem_shared>>
      %dma_wait3A_63 = arith.constant 0 : i32
      %dma_wait3A_64 = arith.constant 0 : i32
      %dma_wait3A_65 = tpu.memref_slice %arg9[%dma_wait3A_63, %dma_wait3A_64] : memref<256x128xf32, #tpu.memory_space<vmem>> -> memref<64x128xf32, #tpu.memory_space<vmem>>
      tpu.wait_dma2 semaphore(%run_scoped3A : memref<!tpu.dma_semaphore, #tpu.memory_space<semaphore_mem>>) src(%dma_wait3A_65 : memref<64x128xf32, #tpu.memory_space<vmem>>) dst(%dma_wait3A_62 : memref<64x128xf32, #tpu.memory_space<vmem_shared>>)
      tpu.yield
    }) : () -> ()
    %add3A_14 = arith.constant 448 : i32
    %add3A_15 = arith.addi %mul3A_0, %add3A_14 : i32
    "tpu.region"() ({
      %run_scoped3A = tpu.sem_alloc : memref<!tpu.dma_semaphore, #tpu.memory_space<semaphore_mem>>
      %dma_start3A = arith.constant 0 : i32
      %dma_start3A_48 = arith.constant 0 : i32
      %dma_start3A_49 = tpu.memref_slice %arg9[%dma_start3A, %dma_start3A_48] : memref<256x128xf32, #tpu.memory_space<vmem>> -> memref<64x128xf32, #tpu.memory_space<vmem>>
      %dma_start3A_50 = arith.constant 0 : i32
      %dma_start3A_51 = tpu.memref_slice %arg8[%add3A_15, %dma_start3A_50] : memref<10240x128xf32, #tpu.memory_space<vmem_shared>> -> memref<64x128xf32, #tpu.memory_space<vmem_shared>>
      %dma_start3A_52 = arith.constant 0 : i32
      %dma_start3A_53 = tpu.memref_slice %arg8[%add3A_15, %dma_start3A_52] : memref<10240x128xf32, #tpu.memory_space<vmem_shared>> -> memref<64x128xf32, #tpu.memory_space<vmem_shared>>
      %dma_start3A_54 = arith.constant 0 : i32
      %dma_start3A_55 = arith.constant 0 : i32
      %dma_start3A_56 = tpu.memref_slice %arg9[%dma_start3A_54, %dma_start3A_55] : memref<256x128xf32, #tpu.memory_space<vmem>> -> memref<64x128xf32, #tpu.memory_space<vmem>>
      tpu.enqueue_dma source(%dma_start3A_56 : memref<64x128xf32, #tpu.memory_space<vmem>>) target(%dma_start3A_53 : memref<64x128xf32, #tpu.memory_space<vmem_shared>>) target_semaphore(%run_scoped3A : memref<!tpu.dma_semaphore, #tpu.memory_space<semaphore_mem>>)
      %dma_wait3A = arith.constant 0 : i32
      %dma_wait3A_57 = arith.constant 0 : i32
      %dma_wait3A_58 = tpu.memref_slice %arg9[%dma_wait3A, %dma_wait3A_57] : memref<256x128xf32, #tpu.memory_space<vmem>> -> memref<64x128xf32, #tpu.memory_space<vmem>>
      %dma_wait3A_59 = arith.constant 0 : i32
      %dma_wait3A_60 = tpu.memref_slice %arg8[%add3A_15, %dma_wait3A_59] : memref<10240x128xf32, #tpu.memory_space<vmem_shared>> -> memref<64x128xf32, #tpu.memory_space<vmem_shared>>
      %dma_wait3A_61 = arith.constant 0 : i32
      %dma_wait3A_62 = tpu.memref_slice %arg8[%add3A_15, %dma_wait3A_61] : memref<10240x128xf32, #tpu.memory_space<vmem_shared>> -> memref<64x128xf32, #tpu.memory_space<vmem_shared>>
      %dma_wait3A_63 = arith.constant 0 : i32
      %dma_wait3A_64 = arith.constant 0 : i32
      %dma_wait3A_65 = tpu.memref_slice %arg9[%dma_wait3A_63, %dma_wait3A_64] : memref<256x128xf32, #tpu.memory_space<vmem>> -> memref<64x128xf32, #tpu.memory_space<vmem>>
      tpu.wait_dma2 semaphore(%run_scoped3A : memref<!tpu.dma_semaphore, #tpu.memory_space<semaphore_mem>>) src(%dma_wait3A_65 : memref<64x128xf32, #tpu.memory_space<vmem>>) dst(%dma_wait3A_62 : memref<64x128xf32, #tpu.memory_space<vmem_shared>>)
      tpu.yield
    }) : () -> ()
    %add3A_16 = arith.constant 512 : i32
    %add3A_17 = arith.addi %mul3A_0, %add3A_16 : i32
    "tpu.region"() ({
      %run_scoped3A = tpu.sem_alloc : memref<!tpu.dma_semaphore, #tpu.memory_space<semaphore_mem>>
      %dma_start3A = arith.constant 0 : i32
      %dma_start3A_48 = arith.constant 0 : i32
      %dma_start3A_49 = tpu.memref_slice %arg9[%dma_start3A, %dma_start3A_48] : memref<256x128xf32, #tpu.memory_space<vmem>> -> memref<64x128xf32, #tpu.memory_space<vmem>>
      %dma_start3A_50 = arith.constant 0 : i32
      %dma_start3A_51 = tpu.memref_slice %arg8[%add3A_17, %dma_start3A_50] : memref<10240x128xf32, #tpu.memory_space<vmem_shared>> -> memref<64x128xf32, #tpu.memory_space<vmem_shared>>
      %dma_start3A_52 = arith.constant 0 : i32
      %dma_start3A_53 = tpu.memref_slice %arg8[%add3A_17, %dma_start3A_52] : memref<10240x128xf32, #tpu.memory_space<vmem_shared>> -> memref<64x128xf32, #tpu.memory_space<vmem_shared>>
      %dma_start3A_54 = arith.constant 0 : i32
      %dma_start3A_55 = arith.constant 0 : i32
      %dma_start3A_56 = tpu.memref_slice %arg9[%dma_start3A_54, %dma_start3A_55] : memref<256x128xf32, #tpu.memory_space<vmem>> -> memref<64x128xf32, #tpu.memory_space<vmem>>
      tpu.enqueue_dma source(%dma_start3A_56 : memref<64x128xf32, #tpu.memory_space<vmem>>) target(%dma_start3A_53 : memref<64x128xf32, #tpu.memory_space<vmem_shared>>) target_semaphore(%run_scoped3A : memref<!tpu.dma_semaphore, #tpu.memory_space<semaphore_mem>>)
      %dma_wait3A = arith.constant 0 : i32
      %dma_wait3A_57 = arith.constant 0 : i32
      %dma_wait3A_58 = tpu.memref_slice %arg9[%dma_wait3A, %dma_wait3A_57] : memref<256x128xf32, #tpu.memory_space<vmem>> -> memref<64x128xf32, #tpu.memory_space<vmem>>
      %dma_wait3A_59 = arith.constant 0 : i32
      %dma_wait3A_60 = tpu.memref_slice %arg8[%add3A_17, %dma_wait3A_59] : memref<10240x128xf32, #tpu.memory_space<vmem_shared>> -> memref<64x128xf32, #tpu.memory_space<vmem_shared>>
      %dma_wait3A_61 = arith.constant 0 : i32
      %dma_wait3A_62 = tpu.memref_slice %arg8[%add3A_17, %dma_wait3A_61] : memref<10240x128xf32, #tpu.memory_space<vmem_shared>> -> memref<64x128xf32, #tpu.memory_space<vmem_shared>>
      %dma_wait3A_63 = arith.constant 0 : i32
      %dma_wait3A_64 = arith.constant 0 : i32
      %dma_wait3A_65 = tpu.memref_slice %arg9[%dma_wait3A_63, %dma_wait3A_64] : memref<256x128xf32, #tpu.memory_space<vmem>> -> memref<64x128xf32, #tpu.memory_space<vmem>>
      tpu.wait_dma2 semaphore(%run_scoped3A : memref<!tpu.dma_semaphore, #tpu.memory_space<semaphore_mem>>) src(%dma_wait3A_65 : memref<64x128xf32, #tpu.memory_space<vmem>>) dst(%dma_wait3A_62 : memref<64x128xf32, #tpu.memory_space<vmem_shared>>)
      tpu.yield
    }) : () -> ()
    %add3A_18 = arith.constant 576 : i32
    %add3A_19 = arith.addi %mul3A_0, %add3A_18 : i32
    "tpu.region"() ({
      %run_scoped3A = tpu.sem_alloc : memref<!tpu.dma_semaphore, #tpu.memory_space<semaphore_mem>>
      %dma_start3A = arith.constant 0 : i32
      %dma_start3A_48 = arith.constant 0 : i32
      %dma_start3A_49 = tpu.memref_slice %arg9[%dma_start3A, %dma_start3A_48] : memref<256x128xf32, #tpu.memory_space<vmem>> -> memref<64x128xf32, #tpu.memory_space<vmem>>
      %dma_start3A_50 = arith.constant 0 : i32
      %dma_start3A_51 = tpu.memref_slice %arg8[%add3A_19, %dma_start3A_50] : memref<10240x128xf32, #tpu.memory_space<vmem_shared>> -> memref<64x128xf32, #tpu.memory_space<vmem_shared>>
      %dma_start3A_52 = arith.constant 0 : i32
      %dma_start3A_53 = tpu.memref_slice %arg8[%add3A_19, %dma_start3A_52] : memref<10240x128xf32, #tpu.memory_space<vmem_shared>> -> memref<64x128xf32, #tpu.memory_space<vmem_shared>>
      %dma_start3A_54 = arith.constant 0 : i32
      %dma_start3A_55 = arith.constant 0 : i32
      %dma_start3A_56 = tpu.memref_slice %arg9[%dma_start3A_54, %dma_start3A_55] : memref<256x128xf32, #tpu.memory_space<vmem>> -> memref<64x128xf32, #tpu.memory_space<vmem>>
      tpu.enqueue_dma source(%dma_start3A_56 : memref<64x128xf32, #tpu.memory_space<vmem>>) target(%dma_start3A_53 : memref<64x128xf32, #tpu.memory_space<vmem_shared>>) target_semaphore(%run_scoped3A : memref<!tpu.dma_semaphore, #tpu.memory_space<semaphore_mem>>)
      %dma_wait3A = arith.constant 0 : i32
      %dma_wait3A_57 = arith.constant 0 : i32
      %dma_wait3A_58 = tpu.memref_slice %arg9[%dma_wait3A, %dma_wait3A_57] : memref<256x128xf32, #tpu.memory_space<vmem>> -> memref<64x128xf32, #tpu.memory_space<vmem>>
      %dma_wait3A_59 = arith.constant 0 : i32
      %dma_wait3A_60 = tpu.memref_slice %arg8[%add3A_19, %dma_wait3A_59] : memref<10240x128xf32, #tpu.memory_space<vmem_shared>> -> memref<64x128xf32, #tpu.memory_space<vmem_shared>>
      %dma_wait3A_61 = arith.constant 0 : i32
      %dma_wait3A_62 = tpu.memref_slice %arg8[%add3A_19, %dma_wait3A_61] : memref<10240x128xf32, #tpu.memory_space<vmem_shared>> -> memref<64x128xf32, #tpu.memory_space<vmem_shared>>
      %dma_wait3A_63 = arith.constant 0 : i32
      %dma_wait3A_64 = arith.constant 0 : i32
      %dma_wait3A_65 = tpu.memref_slice %arg9[%dma_wait3A_63, %dma_wait3A_64] : memref<256x128xf32, #tpu.memory_space<vmem>> -> memref<64x128xf32, #tpu.memory_space<vmem>>
      tpu.wait_dma2 semaphore(%run_scoped3A : memref<!tpu.dma_semaphore, #tpu.memory_space<semaphore_mem>>) src(%dma_wait3A_65 : memref<64x128xf32, #tpu.memory_space<vmem>>) dst(%dma_wait3A_62 : memref<64x128xf32, #tpu.memory_space<vmem_shared>>)
      tpu.yield
    }) : () -> ()
    %barrier3A = arith.constant 0 : index
    tpu.barrier barrier_id(%barrier3A)
    %eq3A = arith.constant 0 : i32
    %eq3A_20 = arith.cmpi eq, %arg0, %eq3A : i32
    %convert_element_type3A = arith.extui %eq3A_20 : i1 to i32
    %cond3A = arith.constant 0 : i32
    %cond3A_21 = arith.cmpi ne, %convert_element_type3A, %cond3A : i32
    scf.if %cond3A_21 {
      %mul3A_48 = arith.constant 314 : i32
      %mul3A_49 = arith.muli %arg1, %mul3A_48 : i32
      %add3A_50 = arith.constant 0 : i32
      %add3A_51 = arith.addi %mul3A_49, %add3A_50 : i32
      %mul3A_52 = arith.constant 64 : i32
      %mul3A_53 = arith.muli %add3A_51, %mul3A_52 : i32
      %run_scoped3A = arith.constant 0 : i32
      "tpu.region"() ({
        %run_scoped3A_348 = tpu.sem_alloc : memref<!tpu.dma_semaphore, #tpu.memory_space<semaphore_mem>>
        %dma_start3A_349 = arith.constant 0 : i32
        %dma_start3A_350 = tpu.memref_slice %arg10[%run_scoped3A, %dma_start3A_349] : memref<4x64xi32, #tpu.memory_space<vmem>> -> memref<1x64xi32, #tpu.memory_space<vmem>>
        %dma_start3A_351 = tpu.memref_squeeze %dma_start3A_350 : memref<1x64xi32, #tpu.memory_space<vmem>> -> memref<64xi32, #tpu.memory_space<vmem>>
        %dma_start3A_352 = tpu.memref_slice %arg3[%mul3A_53] : memref<323840xi32, #tpu.memory_space<hbm>> -> memref<64xi32, #tpu.memory_space<hbm>>
        %dma_start3A_353 = arith.constant 0 : i32
        %dma_start3A_354 = tpu.memref_slice %arg10[%run_scoped3A, %dma_start3A_353] : memref<4x64xi32, #tpu.memory_space<vmem>> -> memref<1x64xi32, #tpu.memory_space<vmem>>
        %dma_start3A_355 = tpu.memref_squeeze %dma_start3A_354 : memref<1x64xi32, #tpu.memory_space<vmem>> -> memref<64xi32, #tpu.memory_space<vmem>>
        %dma_start3A_356 = tpu.memref_slice %arg3[%mul3A_53] : memref<323840xi32, #tpu.memory_space<hbm>> -> memref<64xi32, #tpu.memory_space<hbm>>
        tpu.enqueue_dma source(%dma_start3A_356 : memref<64xi32, #tpu.memory_space<hbm>>) target(%dma_start3A_355 : memref<64xi32, #tpu.memory_space<vmem>>) target_semaphore(%run_scoped3A_348 : memref<!tpu.dma_semaphore, #tpu.memory_space<semaphore_mem>>)
        %dma_wait3A_357 = arith.constant 0 : i32
        %dma_wait3A_358 = tpu.memref_slice %arg10[%run_scoped3A, %dma_wait3A_357] : memref<4x64xi32, #tpu.memory_space<vmem>> -> memref<1x64xi32, #tpu.memory_space<vmem>>
        %dma_wait3A_359 = tpu.memref_squeeze %dma_wait3A_358 : memref<1x64xi32, #tpu.memory_space<vmem>> -> memref<64xi32, #tpu.memory_space<vmem>>
        %dma_wait3A_360 = tpu.memref_slice %arg3[%mul3A_53] : memref<323840xi32, #tpu.memory_space<hbm>> -> memref<64xi32, #tpu.memory_space<hbm>>
        %dma_wait3A_361 = arith.constant 0 : i32
        %dma_wait3A_362 = tpu.memref_slice %arg10[%run_scoped3A, %dma_wait3A_361] : memref<4x64xi32, #tpu.memory_space<vmem>> -> memref<1x64xi32, #tpu.memory_space<vmem>>
        %dma_wait3A_363 = tpu.memref_squeeze %dma_wait3A_362 : memref<1x64xi32, #tpu.memory_space<vmem>> -> memref<64xi32, #tpu.memory_space<vmem>>
        %dma_wait3A_364 = tpu.memref_slice %arg3[%mul3A_53] : memref<323840xi32, #tpu.memory_space<hbm>> -> memref<64xi32, #tpu.memory_space<hbm>>
        tpu.wait_dma2 semaphore(%run_scoped3A_348 : memref<!tpu.dma_semaphore, #tpu.memory_space<semaphore_mem>>) src(%dma_wait3A_364 : memref<64xi32, #tpu.memory_space<hbm>>) dst(%dma_wait3A_363 : memref<64xi32, #tpu.memory_space<vmem>>)
        tpu.yield
      }) : () -> ()
      %add3A_54 = arith.constant 0 : i32
      %add3A_55 = arith.addi %mul3A_49, %add3A_54 : i32
      %mul3A_56 = arith.constant 64 : i32
      %mul3A_57 = arith.muli %add3A_55, %mul3A_56 : i32
      %run_scoped3A_58 = arith.constant 0 : i32
      "tpu.region"() ({
        %run_scoped3A_348 = tpu.sem_alloc : memref<!tpu.dma_semaphore, #tpu.memory_space<semaphore_mem>>
        %dma_start3A_349 = arith.constant 0 : i32
        %dma_start3A_350 = tpu.memref_slice %arg11[%run_scoped3A_58, %dma_start3A_349] : memref<6x64xi32, #tpu.memory_space<vmem>> -> memref<1x64xi32, #tpu.memory_space<vmem>>
        %dma_start3A_351 = tpu.memref_squeeze %dma_start3A_350 : memref<1x64xi32, #tpu.memory_space<vmem>> -> memref<64xi32, #tpu.memory_space<vmem>>
        %dma_start3A_352 = tpu.memref_slice %arg4[%mul3A_57] : memref<323840xi32, #tpu.memory_space<hbm>> -> memref<64xi32, #tpu.memory_space<hbm>>
        %dma_start3A_353 = arith.constant 0 : i32
        %dma_start3A_354 = tpu.memref_slice %arg11[%run_scoped3A_58, %dma_start3A_353] : memref<6x64xi32, #tpu.memory_space<vmem>> -> memref<1x64xi32, #tpu.memory_space<vmem>>
        %dma_start3A_355 = tpu.memref_squeeze %dma_start3A_354 : memref<1x64xi32, #tpu.memory_space<vmem>> -> memref<64xi32, #tpu.memory_space<vmem>>
        %dma_start3A_356 = tpu.memref_slice %arg4[%mul3A_57] : memref<323840xi32, #tpu.memory_space<hbm>> -> memref<64xi32, #tpu.memory_space<hbm>>
        tpu.enqueue_dma source(%dma_start3A_356 : memref<64xi32, #tpu.memory_space<hbm>>) target(%dma_start3A_355 : memref<64xi32, #tpu.memory_space<vmem>>) target_semaphore(%run_scoped3A_348 : memref<!tpu.dma_semaphore, #tpu.memory_space<semaphore_mem>>)
        %dma_wait3A_357 = arith.constant 0 : i32
        %dma_wait3A_358 = tpu.memref_slice %arg11[%run_scoped3A_58, %dma_wait3A_357] : memref<6x64xi32, #tpu.memory_space<vmem>> -> memref<1x64xi32, #tpu.memory_space<vmem>>
        %dma_wait3A_359 = tpu.memref_squeeze %dma_wait3A_358 : memref<1x64xi32, #tpu.memory_space<vmem>> -> memref<64xi32, #tpu.memory_space<vmem>>
        %dma_wait3A_360 = tpu.memref_slice %arg4[%mul3A_57] : memref<323840xi32, #tpu.memory_space<hbm>> -> memref<64xi32, #tpu.memory_space<hbm>>
        %dma_wait3A_361 = arith.constant 0 : i32
        %dma_wait3A_362 = tpu.memref_slice %arg11[%run_scoped3A_58, %dma_wait3A_361] : memref<6x64xi32, #tpu.memory_space<vmem>> -> memref<1x64xi32, #tpu.memory_space<vmem>>
        %dma_wait3A_363 = tpu.memref_squeeze %dma_wait3A_362 : memref<1x64xi32, #tpu.memory_space<vmem>> -> memref<64xi32, #tpu.memory_space<vmem>>
        %dma_wait3A_364 = tpu.memref_slice %arg4[%mul3A_57] : memref<323840xi32, #tpu.memory_space<hbm>> -> memref<64xi32, #tpu.memory_space<hbm>>
        tpu.wait_dma2 semaphore(%run_scoped3A_348 : memref<!tpu.dma_semaphore, #tpu.memory_space<semaphore_mem>>) src(%dma_wait3A_364 : memref<64xi32, #tpu.memory_space<hbm>>) dst(%dma_wait3A_363 : memref<64xi32, #tpu.memory_space<vmem>>)
        tpu.yield
      }) : () -> ()
      %add3A_59 = arith.constant 1 : i32
      %add3A_60 = arith.addi %mul3A_49, %add3A_59 : i32
      %mul3A_61 = arith.constant 64 : i32
      %mul3A_62 = arith.muli %add3A_60, %mul3A_61 : i32
      %run_scoped3A_63 = arith.constant 1 : i32
      "tpu.region"() ({
        %run_scoped3A_348 = tpu.sem_alloc : memref<!tpu.dma_semaphore, #tpu.memory_space<semaphore_mem>>
        %dma_start3A_349 = arith.constant 0 : i32
        %dma_start3A_350 = tpu.memref_slice %arg10[%run_scoped3A_63, %dma_start3A_349] : memref<4x64xi32, #tpu.memory_space<vmem>> -> memref<1x64xi32, #tpu.memory_space<vmem>>
        %dma_start3A_351 = tpu.memref_squeeze %dma_start3A_350 : memref<1x64xi32, #tpu.memory_space<vmem>> -> memref<64xi32, #tpu.memory_space<vmem>>
        %dma_start3A_352 = tpu.memref_slice %arg3[%mul3A_62] : memref<323840xi32, #tpu.memory_space<hbm>> -> memref<64xi32, #tpu.memory_space<hbm>>
        %dma_start3A_353 = arith.constant 0 : i32
        %dma_start3A_354 = tpu.memref_slice %arg10[%run_scoped3A_63, %dma_start3A_353] : memref<4x64xi32, #tpu.memory_space<vmem>> -> memref<1x64xi32, #tpu.memory_space<vmem>>
        %dma_start3A_355 = tpu.memref_squeeze %dma_start3A_354 : memref<1x64xi32, #tpu.memory_space<vmem>> -> memref<64xi32, #tpu.memory_space<vmem>>
        %dma_start3A_356 = tpu.memref_slice %arg3[%mul3A_62] : memref<323840xi32, #tpu.memory_space<hbm>> -> memref<64xi32, #tpu.memory_space<hbm>>
        tpu.enqueue_dma source(%dma_start3A_356 : memref<64xi32, #tpu.memory_space<hbm>>) target(%dma_start3A_355 : memref<64xi32, #tpu.memory_space<vmem>>) target_semaphore(%run_scoped3A_348 : memref<!tpu.dma_semaphore, #tpu.memory_space<semaphore_mem>>)
        %dma_wait3A_357 = arith.constant 0 : i32
        %dma_wait3A_358 = tpu.memref_slice %arg10[%run_scoped3A_63, %dma_wait3A_357] : memref<4x64xi32, #tpu.memory_space<vmem>> -> memref<1x64xi32, #tpu.memory_space<vmem>>
        %dma_wait3A_359 = tpu.memref_squeeze %dma_wait3A_358 : memref<1x64xi32, #tpu.memory_space<vmem>> -> memref<64xi32, #tpu.memory_space<vmem>>
        %dma_wait3A_360 = tpu.memref_slice %arg3[%mul3A_62] : memref<323840xi32, #tpu.memory_space<hbm>> -> memref<64xi32, #tpu.memory_space<hbm>>
        %dma_wait3A_361 = arith.constant 0 : i32
        %dma_wait3A_362 = tpu.memref_slice %arg10[%run_scoped3A_63, %dma_wait3A_361] : memref<4x64xi32, #tpu.memory_space<vmem>> -> memref<1x64xi32, #tpu.memory_space<vmem>>
        %dma_wait3A_363 = tpu.memref_squeeze %dma_wait3A_362 : memref<1x64xi32, #tpu.memory_space<vmem>> -> memref<64xi32, #tpu.memory_space<vmem>>
        %dma_wait3A_364 = tpu.memref_slice %arg3[%mul3A_62] : memref<323840xi32, #tpu.memory_space<hbm>> -> memref<64xi32, #tpu.memory_space<hbm>>
        tpu.wait_dma2 semaphore(%run_scoped3A_348 : memref<!tpu.dma_semaphore, #tpu.memory_space<semaphore_mem>>) src(%dma_wait3A_364 : memref<64xi32, #tpu.memory_space<hbm>>) dst(%dma_wait3A_363 : memref<64xi32, #tpu.memory_space<vmem>>)
        tpu.yield
      }) : () -> ()
      %add3A_64 = arith.constant 1 : i32
      %add3A_65 = arith.addi %mul3A_49, %add3A_64 : i32
      %mul3A_66 = arith.constant 64 : i32
      %mul3A_67 = arith.muli %add3A_65, %mul3A_66 : i32
      %run_scoped3A_68 = arith.constant 1 : i32
      "tpu.region"() ({
        %run_scoped3A_348 = tpu.sem_alloc : memref<!tpu.dma_semaphore, #tpu.memory_space<semaphore_mem>>
        %dma_start3A_349 = arith.constant 0 : i32
        %dma_start3A_350 = tpu.memref_slice %arg11[%run_scoped3A_68, %dma_start3A_349] : memref<6x64xi32, #tpu.memory_space<vmem>> -> memref<1x64xi32, #tpu.memory_space<vmem>>
        %dma_start3A_351 = tpu.memref_squeeze %dma_start3A_350 : memref<1x64xi32, #tpu.memory_space<vmem>> -> memref<64xi32, #tpu.memory_space<vmem>>
        %dma_start3A_352 = tpu.memref_slice %arg4[%mul3A_67] : memref<323840xi32, #tpu.memory_space<hbm>> -> memref<64xi32, #tpu.memory_space<hbm>>
        %dma_start3A_353 = arith.constant 0 : i32
        %dma_start3A_354 = tpu.memref_slice %arg11[%run_scoped3A_68, %dma_start3A_353] : memref<6x64xi32, #tpu.memory_space<vmem>> -> memref<1x64xi32, #tpu.memory_space<vmem>>
        %dma_start3A_355 = tpu.memref_squeeze %dma_start3A_354 : memref<1x64xi32, #tpu.memory_space<vmem>> -> memref<64xi32, #tpu.memory_space<vmem>>
        %dma_start3A_356 = tpu.memref_slice %arg4[%mul3A_67] : memref<323840xi32, #tpu.memory_space<hbm>> -> memref<64xi32, #tpu.memory_space<hbm>>
        tpu.enqueue_dma source(%dma_start3A_356 : memref<64xi32, #tpu.memory_space<hbm>>) target(%dma_start3A_355 : memref<64xi32, #tpu.memory_space<vmem>>) target_semaphore(%run_scoped3A_348 : memref<!tpu.dma_semaphore, #tpu.memory_space<semaphore_mem>>)
        %dma_wait3A_357 = arith.constant 0 : i32
        %dma_wait3A_358 = tpu.memref_slice %arg11[%run_scoped3A_68, %dma_wait3A_357] : memref<6x64xi32, #tpu.memory_space<vmem>> -> memref<1x64xi32, #tpu.memory_space<vmem>>
        %dma_wait3A_359 = tpu.memref_squeeze %dma_wait3A_358 : memref<1x64xi32, #tpu.memory_space<vmem>> -> memref<64xi32, #tpu.memory_space<vmem>>
        %dma_wait3A_360 = tpu.memref_slice %arg4[%mul3A_67] : memref<323840xi32, #tpu.memory_space<hbm>> -> memref<64xi32, #tpu.memory_space<hbm>>
        %dma_wait3A_361 = arith.constant 0 : i32
        %dma_wait3A_362 = tpu.memref_slice %arg11[%run_scoped3A_68, %dma_wait3A_361] : memref<6x64xi32, #tpu.memory_space<vmem>> -> memref<1x64xi32, #tpu.memory_space<vmem>>
        %dma_wait3A_363 = tpu.memref_squeeze %dma_wait3A_362 : memref<1x64xi32, #tpu.memory_space<vmem>> -> memref<64xi32, #tpu.memory_space<vmem>>
        %dma_wait3A_364 = tpu.memref_slice %arg4[%mul3A_67] : memref<323840xi32, #tpu.memory_space<hbm>> -> memref<64xi32, #tpu.memory_space<hbm>>
        tpu.wait_dma2 semaphore(%run_scoped3A_348 : memref<!tpu.dma_semaphore, #tpu.memory_space<semaphore_mem>>) src(%dma_wait3A_364 : memref<64xi32, #tpu.memory_space<hbm>>) dst(%dma_wait3A_363 : memref<64xi32, #tpu.memory_space<vmem>>)
        tpu.yield
      }) : () -> ()
      %dma_start3A = arith.constant 0 : i32
      %dma_start3A_69 = arith.constant 0 : i32
      %dma_start3A_70 = arith.constant 0 : i32
      %dma_start3A_71 = tpu.memref_slice %arg9[%dma_start3A_69, %dma_start3A_70] : memref<256x128xf32, #tpu.memory_space<vmem>> -> memref<64x128xf32, #tpu.memory_space<vmem>>
      %dma_start3A_72 = arith.constant 0 : i32
      %dma_start3A_73 = tpu.memref_slice %arg10[%dma_start3A, %dma_start3A_72] : memref<4x64xi32, #tpu.memory_space<vmem>> -> memref<1x64xi32, #tpu.memory_space<vmem>>
      %dma_start3A_74 = tpu.memref_squeeze %dma_start3A_73 : memref<1x64xi32, #tpu.memory_space<vmem>> -> memref<64xi32, #tpu.memory_space<vmem>>
      %dma_start3A_75 = arith.constant 0 : i32
      %dma_start3A_76 = arith.constant 0 : i32
      %dma_start3A_77 = tpu.memref_slice %arg2[%dma_start3A_75, %dma_start3A_76] : memref<10000x128xf32, #tpu.memory_space<hbm>> -> memref<10000x128xf32, #tpu.memory_space<hbm>>
      tpu.enqueue_indirect_dma source(%dma_start3A_77 : memref<10000x128xf32, #tpu.memory_space<hbm>>) target(%dma_start3A_71 : memref<64x128xf32, #tpu.memory_space<vmem>>) offsets(%dma_start3A_74 : memref<64xi32, #tpu.memory_space<vmem>>) semaphore(%arg16 : memref<!tpu.dma_semaphore, #tpu.memory_space<semaphore_mem>>)
      %dma_start3A_78 = arith.constant 1 : i32
      %dma_start3A_79 = arith.constant 64 : i32
      %dma_start3A_80 = arith.constant 0 : i32
      %dma_start3A_81 = tpu.memref_slice %arg9[%dma_start3A_79, %dma_start3A_80] : memref<256x128xf32, #tpu.memory_space<vmem>> -> memref<64x128xf32, #tpu.memory_space<vmem>>
      %dma_start3A_82 = arith.constant 0 : i32
      %dma_start3A_83 = tpu.memref_slice %arg10[%dma_start3A_78, %dma_start3A_82] : memref<4x64xi32, #tpu.memory_space<vmem>> -> memref<1x64xi32, #tpu.memory_space<vmem>>
      %dma_start3A_84 = tpu.memref_squeeze %dma_start3A_83 : memref<1x64xi32, #tpu.memory_space<vmem>> -> memref<64xi32, #tpu.memory_space<vmem>>
      %dma_start3A_85 = arith.constant 0 : i32
      %dma_start3A_86 = arith.constant 0 : i32
      %dma_start3A_87 = tpu.memref_slice %arg2[%dma_start3A_85, %dma_start3A_86] : memref<10000x128xf32, #tpu.memory_space<hbm>> -> memref<10000x128xf32, #tpu.memory_space<hbm>>
      tpu.enqueue_indirect_dma source(%dma_start3A_87 : memref<10000x128xf32, #tpu.memory_space<hbm>>) target(%dma_start3A_81 : memref<64x128xf32, #tpu.memory_space<vmem>>) offsets(%dma_start3A_84 : memref<64xi32, #tpu.memory_space<vmem>>) semaphore(%arg17 : memref<!tpu.dma_semaphore, #tpu.memory_space<semaphore_mem>>)
      %add3A_88 = arith.constant 2 : i32
      %add3A_89 = arith.addi %mul3A_49, %add3A_88 : i32
      %mul3A_90 = arith.constant 64 : i32
      %mul3A_91 = arith.muli %add3A_89, %mul3A_90 : i32
      %dma_start3A_92 = arith.constant 2 : i32
      %dma_start3A_93 = arith.constant 0 : i32
      %dma_start3A_94 = tpu.memref_slice %arg10[%dma_start3A_92, %dma_start3A_93] : memref<4x64xi32, #tpu.memory_space<vmem>> -> memref<1x64xi32, #tpu.memory_space<vmem>>
      %dma_start3A_95 = tpu.memref_squeeze %dma_start3A_94 : memref<1x64xi32, #tpu.memory_space<vmem>> -> memref<64xi32, #tpu.memory_space<vmem>>
      %dma_start3A_96 = tpu.memref_slice %arg3[%mul3A_91] : memref<323840xi32, #tpu.memory_space<hbm>> -> memref<64xi32, #tpu.memory_space<hbm>>
      %dma_start3A_97 = arith.constant 0 : i32
      %dma_start3A_98 = tpu.memref_slice %arg10[%dma_start3A_92, %dma_start3A_97] : memref<4x64xi32, #tpu.memory_space<vmem>> -> memref<1x64xi32, #tpu.memory_space<vmem>>
      %dma_start3A_99 = tpu.memref_squeeze %dma_start3A_98 : memref<1x64xi32, #tpu.memory_space<vmem>> -> memref<64xi32, #tpu.memory_space<vmem>>
      %dma_start3A_100 = tpu.memref_slice %arg3[%mul3A_91] : memref<323840xi32, #tpu.memory_space<hbm>> -> memref<64xi32, #tpu.memory_space<hbm>>
      tpu.enqueue_dma source(%dma_start3A_100 : memref<64xi32, #tpu.memory_space<hbm>>) target(%dma_start3A_99 : memref<64xi32, #tpu.memory_space<vmem>>) target_semaphore(%arg24 : memref<!tpu.dma_semaphore, #tpu.memory_space<semaphore_mem>>)
      %add3A_101 = arith.constant 2 : i32
      %add3A_102 = arith.addi %mul3A_49, %add3A_101 : i32
      %mul3A_103 = arith.constant 64 : i32
      %mul3A_104 = arith.muli %add3A_102, %mul3A_103 : i32
      %dma_start3A_105 = arith.constant 2 : i32
      %dma_start3A_106 = arith.constant 0 : i32
      %dma_start3A_107 = tpu.memref_slice %arg11[%dma_start3A_105, %dma_start3A_106] : memref<6x64xi32, #tpu.memory_space<vmem>> -> memref<1x64xi32, #tpu.memory_space<vmem>>
      %dma_start3A_108 = tpu.memref_squeeze %dma_start3A_107 : memref<1x64xi32, #tpu.memory_space<vmem>> -> memref<64xi32, #tpu.memory_space<vmem>>
      %dma_start3A_109 = tpu.memref_slice %arg4[%mul3A_104] : memref<323840xi32, #tpu.memory_space<hbm>> -> memref<64xi32, #tpu.memory_space<hbm>>
      %dma_start3A_110 = arith.constant 0 : i32
      %dma_start3A_111 = tpu.memref_slice %arg11[%dma_start3A_105, %dma_start3A_110] : memref<6x64xi32, #tpu.memory_space<vmem>> -> memref<1x64xi32, #tpu.memory_space<vmem>>
      %dma_start3A_112 = tpu.memref_squeeze %dma_start3A_111 : memref<1x64xi32, #tpu.memory_space<vmem>> -> memref<64xi32, #tpu.memory_space<vmem>>
      %dma_start3A_113 = tpu.memref_slice %arg4[%mul3A_104] : memref<323840xi32, #tpu.memory_space<hbm>> -> memref<64xi32, #tpu.memory_space<hbm>>
      tpu.enqueue_dma source(%dma_start3A_113 : memref<64xi32, #tpu.memory_space<hbm>>) target(%dma_start3A_112 : memref<64xi32, #tpu.memory_space<vmem>>) target_semaphore(%arg28 : memref<!tpu.dma_semaphore, #tpu.memory_space<semaphore_mem>>)
      %dma_wait3A = arith.constant 2 : i32
      %dma_wait3A_114 = arith.constant 0 : i32
      %dma_wait3A_115 = tpu.memref_slice %arg10[%dma_wait3A, %dma_wait3A_114] : memref<4x64xi32, #tpu.memory_space<vmem>> -> memref<1x64xi32, #tpu.memory_space<vmem>>
      %dma_wait3A_116 = tpu.memref_squeeze %dma_wait3A_115 : memref<1x64xi32, #tpu.memory_space<vmem>> -> memref<64xi32, #tpu.memory_space<vmem>>
      %dma_wait3A_117 = arith.constant 0 : i32
      %dma_wait3A_118 = tpu.memref_slice %arg3[%dma_wait3A_117] : memref<323840xi32, #tpu.memory_space<hbm>> -> memref<64xi32, #tpu.memory_space<hbm>>
      %dma_wait3A_119 = arith.constant 0 : i32
      %dma_wait3A_120 = tpu.memref_slice %arg10[%dma_wait3A, %dma_wait3A_119] : memref<4x64xi32, #tpu.memory_space<vmem>> -> memref<1x64xi32, #tpu.memory_space<vmem>>
      %dma_wait3A_121 = tpu.memref_squeeze %dma_wait3A_120 : memref<1x64xi32, #tpu.memory_space<vmem>> -> memref<64xi32, #tpu.memory_space<vmem>>
      %dma_wait3A_122 = arith.constant 0 : i32
      %dma_wait3A_123 = tpu.memref_slice %arg3[%dma_wait3A_122] : memref<323840xi32, #tpu.memory_space<hbm>> -> memref<64xi32, #tpu.memory_space<hbm>>
      tpu.wait_dma2 semaphore(%arg24 : memref<!tpu.dma_semaphore, #tpu.memory_space<semaphore_mem>>) src(%dma_wait3A_123 : memref<64xi32, #tpu.memory_space<hbm>>) dst(%dma_wait3A_121 : memref<64xi32, #tpu.memory_space<vmem>>)
      %dma_start3A_124 = arith.constant 2 : i32
      %dma_start3A_125 = arith.constant 128 : i32
      %dma_start3A_126 = arith.constant 0 : i32
      %dma_start3A_127 = tpu.memref_slice %arg9[%dma_start3A_125, %dma_start3A_126] : memref<256x128xf32, #tpu.memory_space<vmem>> -> memref<64x128xf32, #tpu.memory_space<vmem>>
      %dma_start3A_128 = arith.constant 0 : i32
      %dma_start3A_129 = tpu.memref_slice %arg10[%dma_start3A_124, %dma_start3A_128] : memref<4x64xi32, #tpu.memory_space<vmem>> -> memref<1x64xi32, #tpu.memory_space<vmem>>
      %dma_start3A_130 = tpu.memref_squeeze %dma_start3A_129 : memref<1x64xi32, #tpu.memory_space<vmem>> -> memref<64xi32, #tpu.memory_space<vmem>>
      %dma_start3A_131 = arith.constant 0 : i32
      %dma_start3A_132 = arith.constant 0 : i32
      %dma_start3A_133 = tpu.memref_slice %arg2[%dma_start3A_131, %dma_start3A_132] : memref<10000x128xf32, #tpu.memory_space<hbm>> -> memref<10000x128xf32, #tpu.memory_space<hbm>>
      tpu.enqueue_indirect_dma source(%dma_start3A_133 : memref<10000x128xf32, #tpu.memory_space<hbm>>) target(%dma_start3A_127 : memref<64x128xf32, #tpu.memory_space<vmem>>) offsets(%dma_start3A_130 : memref<64xi32, #tpu.memory_space<vmem>>) semaphore(%arg18 : memref<!tpu.dma_semaphore, #tpu.memory_space<semaphore_mem>>)
      %add3A_134 = arith.constant 3 : i32
      %add3A_135 = arith.addi %mul3A_49, %add3A_134 : i32
      %mul3A_136 = arith.constant 64 : i32
      %mul3A_137 = arith.muli %add3A_135, %mul3A_136 : i32
      %dma_start3A_138 = arith.constant 3 : i32
      %dma_start3A_139 = arith.constant 0 : i32
      %dma_start3A_140 = tpu.memref_slice %arg10[%dma_start3A_138, %dma_start3A_139] : memref<4x64xi32, #tpu.memory_space<vmem>> -> memref<1x64xi32, #tpu.memory_space<vmem>>
      %dma_start3A_141 = tpu.memref_squeeze %dma_start3A_140 : memref<1x64xi32, #tpu.memory_space<vmem>> -> memref<64xi32, #tpu.memory_space<vmem>>
      %dma_start3A_142 = tpu.memref_slice %arg3[%mul3A_137] : memref<323840xi32, #tpu.memory_space<hbm>> -> memref<64xi32, #tpu.memory_space<hbm>>
      %dma_start3A_143 = arith.constant 0 : i32
      %dma_start3A_144 = tpu.memref_slice %arg10[%dma_start3A_138, %dma_start3A_143] : memref<4x64xi32, #tpu.memory_space<vmem>> -> memref<1x64xi32, #tpu.memory_space<vmem>>
      %dma_start3A_145 = tpu.memref_squeeze %dma_start3A_144 : memref<1x64xi32, #tpu.memory_space<vmem>> -> memref<64xi32, #tpu.memory_space<vmem>>
      %dma_start3A_146 = tpu.memref_slice %arg3[%mul3A_137] : memref<323840xi32, #tpu.memory_space<hbm>> -> memref<64xi32, #tpu.memory_space<hbm>>
      tpu.enqueue_dma source(%dma_start3A_146 : memref<64xi32, #tpu.memory_space<hbm>>) target(%dma_start3A_145 : memref<64xi32, #tpu.memory_space<vmem>>) target_semaphore(%arg25 : memref<!tpu.dma_semaphore, #tpu.memory_space<semaphore_mem>>)
      %add3A_147 = arith.constant 3 : i32
      %add3A_148 = arith.addi %mul3A_49, %add3A_147 : i32
      %mul3A_149 = arith.constant 64 : i32
      %mul3A_150 = arith.muli %add3A_148, %mul3A_149 : i32
      %dma_start3A_151 = arith.constant 3 : i32
      %dma_start3A_152 = arith.constant 0 : i32
      %dma_start3A_153 = tpu.memref_slice %arg11[%dma_start3A_151, %dma_start3A_152] : memref<6x64xi32, #tpu.memory_space<vmem>> -> memref<1x64xi32, #tpu.memory_space<vmem>>
      %dma_start3A_154 = tpu.memref_squeeze %dma_start3A_153 : memref<1x64xi32, #tpu.memory_space<vmem>> -> memref<64xi32, #tpu.memory_space<vmem>>
      %dma_start3A_155 = tpu.memref_slice %arg4[%mul3A_150] : memref<323840xi32, #tpu.memory_space<hbm>> -> memref<64xi32, #tpu.memory_space<hbm>>
      %dma_start3A_156 = arith.constant 0 : i32
      %dma_start3A_157 = tpu.memref_slice %arg11[%dma_start3A_151, %dma_start3A_156] : memref<6x64xi32, #tpu.memory_space<vmem>> -> memref<1x64xi32, #tpu.memory_space<vmem>>
      %dma_start3A_158 = tpu.memref_squeeze %dma_start3A_157 : memref<1x64xi32, #tpu.memory_space<vmem>> -> memref<64xi32, #tpu.memory_space<vmem>>
      %dma_start3A_159 = tpu.memref_slice %arg4[%mul3A_150] : memref<323840xi32, #tpu.memory_space<hbm>> -> memref<64xi32, #tpu.memory_space<hbm>>
      tpu.enqueue_dma source(%dma_start3A_159 : memref<64xi32, #tpu.memory_space<hbm>>) target(%dma_start3A_158 : memref<64xi32, #tpu.memory_space<vmem>>) target_semaphore(%arg29 : memref<!tpu.dma_semaphore, #tpu.memory_space<semaphore_mem>>)
      %dma_wait3A_160 = arith.constant 0 : i32
      %dma_wait3A_161 = arith.constant 0 : i32
      %dma_wait3A_162 = tpu.memref_slice %arg9[%dma_wait3A_160, %dma_wait3A_161] : memref<256x128xf32, #tpu.memory_space<vmem>> -> memref<64x128xf32, #tpu.memory_space<vmem>>
      %dma_wait3A_163 = arith.constant 0 : i32
      %dma_wait3A_164 = arith.constant 0 : i32
      %dma_wait3A_165 = tpu.memref_slice %arg2[%dma_wait3A_163, %dma_wait3A_164] : memref<10000x128xf32, #tpu.memory_space<hbm>> -> memref<64x128xf32, #tpu.memory_space<hbm>>
      %dma_wait3A_166 = arith.constant 0 : i32
      %dma_wait3A_167 = arith.constant 0 : i32
      %dma_wait3A_168 = tpu.memref_slice %arg9[%dma_wait3A_166, %dma_wait3A_167] : memref<256x128xf32, #tpu.memory_space<vmem>> -> memref<64x128xf32, #tpu.memory_space<vmem>>
      %dma_wait3A_169 = arith.constant 0 : i32
      %dma_wait3A_170 = arith.constant 0 : i32
      %dma_wait3A_171 = tpu.memref_slice %arg2[%dma_wait3A_169, %dma_wait3A_170] : memref<10000x128xf32, #tpu.memory_space<hbm>> -> memref<64x128xf32, #tpu.memory_space<hbm>>
      tpu.wait_dma2 semaphore(%arg16 : memref<!tpu.dma_semaphore, #tpu.memory_space<semaphore_mem>>) src(%dma_wait3A_171 : memref<64x128xf32, #tpu.memory_space<hbm>>) dst(%dma_wait3A_168 : memref<64x128xf32, #tpu.memory_space<vmem>>)
      %dma_start3A_172 = arith.constant 0 : i32
      %dma_start3A_173 = arith.constant 0 : i32
      %dma_start3A_174 = arith.constant 0 : i32
      %dma_start3A_175 = tpu.memref_slice %arg9[%dma_start3A_173, %dma_start3A_174] : memref<256x128xf32, #tpu.memory_space<vmem>> -> memref<64x128xf32, #tpu.memory_space<vmem>>
      %dma_start3A_176 = arith.constant 0 : i32
      %dma_start3A_177 = tpu.memref_slice %arg11[%dma_start3A_172, %dma_start3A_176] : memref<6x64xi32, #tpu.memory_space<vmem>> -> memref<1x64xi32, #tpu.memory_space<vmem>>
      %dma_start3A_178 = tpu.memref_squeeze %dma_start3A_177 : memref<1x64xi32, #tpu.memory_space<vmem>> -> memref<64xi32, #tpu.memory_space<vmem>>
      %dma_start3A_179 = arith.constant 0 : i32
      %dma_start3A_180 = arith.constant 0 : i32
      %dma_start3A_181 = tpu.memref_slice %arg8[%dma_start3A_179, %dma_start3A_180] : memref<10240x128xf32, #tpu.memory_space<vmem_shared>> -> memref<10240x128xf32, #tpu.memory_space<vmem_shared>>
      tpu.enqueue_indirect_dma source(%dma_start3A_175 : memref<64x128xf32, #tpu.memory_space<vmem>>) target(%dma_start3A_181 : memref<10240x128xf32, #tpu.memory_space<vmem_shared>>) offsets(%dma_start3A_178 : memref<64xi32, #tpu.memory_space<vmem>>) semaphore(%arg20 : memref<!tpu.dma_semaphore, #tpu.memory_space<semaphore_mem>>) {add = true}
      %dma_wait3A_182 = arith.constant 3 : i32
      %dma_wait3A_183 = arith.constant 0 : i32
      %dma_wait3A_184 = tpu.memref_slice %arg10[%dma_wait3A_182, %dma_wait3A_183] : memref<4x64xi32, #tpu.memory_space<vmem>> -> memref<1x64xi32, #tpu.memory_space<vmem>>
      %dma_wait3A_185 = tpu.memref_squeeze %dma_wait3A_184 : memref<1x64xi32, #tpu.memory_space<vmem>> -> memref<64xi32, #tpu.memory_space<vmem>>
      %dma_wait3A_186 = arith.constant 0 : i32
      %dma_wait3A_187 = tpu.memref_slice %arg3[%dma_wait3A_186] : memref<323840xi32, #tpu.memory_space<hbm>> -> memref<64xi32, #tpu.memory_space<hbm>>
      %dma_wait3A_188 = arith.constant 0 : i32
      %dma_wait3A_189 = tpu.memref_slice %arg10[%dma_wait3A_182, %dma_wait3A_188] : memref<4x64xi32, #tpu.memory_space<vmem>> -> memref<1x64xi32, #tpu.memory_space<vmem>>
      %dma_wait3A_190 = tpu.memref_squeeze %dma_wait3A_189 : memref<1x64xi32, #tpu.memory_space<vmem>> -> memref<64xi32, #tpu.memory_space<vmem>>
      %dma_wait3A_191 = arith.constant 0 : i32
      %dma_wait3A_192 = tpu.memref_slice %arg3[%dma_wait3A_191] : memref<323840xi32, #tpu.memory_space<hbm>> -> memref<64xi32, #tpu.memory_space<hbm>>
      tpu.wait_dma2 semaphore(%arg25 : memref<!tpu.dma_semaphore, #tpu.memory_space<semaphore_mem>>) src(%dma_wait3A_192 : memref<64xi32, #tpu.memory_space<hbm>>) dst(%dma_wait3A_190 : memref<64xi32, #tpu.memory_space<vmem>>)
      %dma_start3A_193 = arith.constant 3 : i32
      %dma_start3A_194 = arith.constant 192 : i32
      %dma_start3A_195 = arith.constant 0 : i32
      %dma_start3A_196 = tpu.memref_slice %arg9[%dma_start3A_194, %dma_start3A_195] : memref<256x128xf32, #tpu.memory_space<vmem>> -> memref<64x128xf32, #tpu.memory_space<vmem>>
      %dma_start3A_197 = arith.constant 0 : i32
      %dma_start3A_198 = tpu.memref_slice %arg10[%dma_start3A_193, %dma_start3A_197] : memref<4x64xi32, #tpu.memory_space<vmem>> -> memref<1x64xi32, #tpu.memory_space<vmem>>
      %dma_start3A_199 = tpu.memref_squeeze %dma_start3A_198 : memref<1x64xi32, #tpu.memory_space<vmem>> -> memref<64xi32, #tpu.memory_space<vmem>>
      %dma_start3A_200 = arith.constant 0 : i32
      %dma_start3A_201 = arith.constant 0 : i32
      %dma_start3A_202 = tpu.memref_slice %arg2[%dma_start3A_200, %dma_start3A_201] : memref<10000x128xf32, #tpu.memory_space<hbm>> -> memref<10000x128xf32, #tpu.memory_space<hbm>>
      tpu.enqueue_indirect_dma source(%dma_start3A_202 : memref<10000x128xf32, #tpu.memory_space<hbm>>) target(%dma_start3A_196 : memref<64x128xf32, #tpu.memory_space<vmem>>) offsets(%dma_start3A_199 : memref<64xi32, #tpu.memory_space<vmem>>) semaphore(%arg19 : memref<!tpu.dma_semaphore, #tpu.memory_space<semaphore_mem>>)
      %add3A_203 = arith.constant 4 : i32
      %add3A_204 = arith.addi %mul3A_49, %add3A_203 : i32
      %mul3A_205 = arith.constant 64 : i32
      %mul3A_206 = arith.muli %add3A_204, %mul3A_205 : i32
      %dma_start3A_207 = arith.constant 0 : i32
      %dma_start3A_208 = arith.constant 0 : i32
      %dma_start3A_209 = tpu.memref_slice %arg10[%dma_start3A_207, %dma_start3A_208] : memref<4x64xi32, #tpu.memory_space<vmem>> -> memref<1x64xi32, #tpu.memory_space<vmem>>
      %dma_start3A_210 = tpu.memref_squeeze %dma_start3A_209 : memref<1x64xi32, #tpu.memory_space<vmem>> -> memref<64xi32, #tpu.memory_space<vmem>>
      %dma_start3A_211 = tpu.memref_slice %arg3[%mul3A_206] : memref<323840xi32, #tpu.memory_space<hbm>> -> memref<64xi32, #tpu.memory_space<hbm>>
      %dma_start3A_212 = arith.constant 0 : i32
      %dma_start3A_213 = tpu.memref_slice %arg10[%dma_start3A_207, %dma_start3A_212] : memref<4x64xi32, #tpu.memory_space<vmem>> -> memref<1x64xi32, #tpu.memory_space<vmem>>
      %dma_start3A_214 = tpu.memref_squeeze %dma_start3A_213 : memref<1x64xi32, #tpu.memory_space<vmem>> -> memref<64xi32, #tpu.memory_space<vmem>>
      %dma_start3A_215 = tpu.memref_slice %arg3[%mul3A_206] : memref<323840xi32, #tpu.memory_space<hbm>> -> memref<64xi32, #tpu.memory_space<hbm>>
      tpu.enqueue_dma source(%dma_start3A_215 : memref<64xi32, #tpu.memory_space<hbm>>) target(%dma_start3A_214 : memref<64xi32, #tpu.memory_space<vmem>>) target_semaphore(%arg22 : memref<!tpu.dma_semaphore, #tpu.memory_space<semaphore_mem>>)
      %add3A_216 = arith.constant 4 : i32
      %add3A_217 = arith.addi %mul3A_49, %add3A_216 : i32
      %mul3A_218 = arith.constant 64 : i32
      %mul3A_219 = arith.muli %add3A_217, %mul3A_218 : i32
      %dma_start3A_220 = arith.constant 4 : i32
      %dma_start3A_221 = arith.constant 0 : i32
      %dma_start3A_222 = tpu.memref_slice %arg11[%dma_start3A_220, %dma_start3A_221] : memref<6x64xi32, #tpu.memory_space<vmem>> -> memref<1x64xi32, #tpu.memory_space<vmem>>
      %dma_start3A_223 = tpu.memref_squeeze %dma_start3A_222 : memref<1x64xi32, #tpu.memory_space<vmem>> -> memref<64xi32, #tpu.memory_space<vmem>>
      %dma_start3A_224 = tpu.memref_slice %arg4[%mul3A_219] : memref<323840xi32, #tpu.memory_space<hbm>> -> memref<64xi32, #tpu.memory_space<hbm>>
      %dma_start3A_225 = arith.constant 0 : i32
      %dma_start3A_226 = tpu.memref_slice %arg11[%dma_start3A_220, %dma_start3A_225] : memref<6x64xi32, #tpu.memory_space<vmem>> -> memref<1x64xi32, #tpu.memory_space<vmem>>
      %dma_start3A_227 = tpu.memref_squeeze %dma_start3A_226 : memref<1x64xi32, #tpu.memory_space<vmem>> -> memref<64xi32, #tpu.memory_space<vmem>>
      %dma_start3A_228 = tpu.memref_slice %arg4[%mul3A_219] : memref<323840xi32, #tpu.memory_space<hbm>> -> memref<64xi32, #tpu.memory_space<hbm>>
      tpu.enqueue_dma source(%dma_start3A_228 : memref<64xi32, #tpu.memory_space<hbm>>) target(%dma_start3A_227 : memref<64xi32, #tpu.memory_space<vmem>>) target_semaphore(%arg30 : memref<!tpu.dma_semaphore, #tpu.memory_space<semaphore_mem>>)
      %dma_wait3A_229 = arith.constant 64 : i32
      %dma_wait3A_230 = arith.constant 0 : i32
      %dma_wait3A_231 = tpu.memref_slice %arg9[%dma_wait3A_229, %dma_wait3A_230] : memref<256x128xf32, #tpu.memory_space<vmem>> -> memref<64x128xf32, #tpu.memory_space<vmem>>
      %dma_wait3A_232 = arith.constant 0 : i32
      %dma_wait3A_233 = arith.constant 0 : i32
      %dma_wait3A_234 = tpu.memref_slice %arg2[%dma_wait3A_232, %dma_wait3A_233] : memref<10000x128xf32, #tpu.memory_space<hbm>> -> memref<64x128xf32, #tpu.memory_space<hbm>>
      %dma_wait3A_235 = arith.constant 64 : i32
      %dma_wait3A_236 = arith.constant 0 : i32
      %dma_wait3A_237 = tpu.memref_slice %arg9[%dma_wait3A_235, %dma_wait3A_236] : memref<256x128xf32, #tpu.memory_space<vmem>> -> memref<64x128xf32, #tpu.memory_space<vmem>>
      %dma_wait3A_238 = arith.constant 0 : i32
      %dma_wait3A_239 = arith.constant 0 : i32
      %dma_wait3A_240 = tpu.memref_slice %arg2[%dma_wait3A_238, %dma_wait3A_239] : memref<10000x128xf32, #tpu.memory_space<hbm>> -> memref<64x128xf32, #tpu.memory_space<hbm>>
      tpu.wait_dma2 semaphore(%arg17 : memref<!tpu.dma_semaphore, #tpu.memory_space<semaphore_mem>>) src(%dma_wait3A_240 : memref<64x128xf32, #tpu.memory_space<hbm>>) dst(%dma_wait3A_237 : memref<64x128xf32, #tpu.memory_space<vmem>>)
      %dma_start3A_241 = arith.constant 1 : i32
      %dma_start3A_242 = arith.constant 64 : i32
      %dma_start3A_243 = arith.constant 0 : i32
      %dma_start3A_244 = tpu.memref_slice %arg9[%dma_start3A_242, %dma_start3A_243] : memref<256x128xf32, #tpu.memory_space<vmem>> -> memref<64x128xf32, #tpu.memory_space<vmem>>
      %dma_start3A_245 = arith.constant 0 : i32
      %dma_start3A_246 = tpu.memref_slice %arg11[%dma_start3A_241, %dma_start3A_245] : memref<6x64xi32, #tpu.memory_space<vmem>> -> memref<1x64xi32, #tpu.memory_space<vmem>>
      %dma_start3A_247 = tpu.memref_squeeze %dma_start3A_246 : memref<1x64xi32, #tpu.memory_space<vmem>> -> memref<64xi32, #tpu.memory_space<vmem>>
      %dma_start3A_248 = arith.constant 0 : i32
      %dma_start3A_249 = arith.constant 0 : i32
      %dma_start3A_250 = tpu.memref_slice %arg8[%dma_start3A_248, %dma_start3A_249] : memref<10240x128xf32, #tpu.memory_space<vmem_shared>> -> memref<10240x128xf32, #tpu.memory_space<vmem_shared>>
      tpu.enqueue_indirect_dma source(%dma_start3A_244 : memref<64x128xf32, #tpu.memory_space<vmem>>) target(%dma_start3A_250 : memref<10240x128xf32, #tpu.memory_space<vmem_shared>>) offsets(%dma_start3A_247 : memref<64xi32, #tpu.memory_space<vmem>>) semaphore(%arg21 : memref<!tpu.dma_semaphore, #tpu.memory_space<semaphore_mem>>) {add = true}
      %scan3A = arith.constant 0 : i32
      %scan3A_251 = arith.constant 0 : i32
      %scan3A_252 = arith.constant 26 : i32
      %scan3A_253 = arith.addi %scan3A_251, %scan3A_252 : i32
      %scan3A_254 = arith.constant 1 : i32
      scf.for %scan3A_348 = %scan3A_251 to %scan3A_253 step %scan3A_254  : i32 {
        %mul3A_349 = arith.constant 12 : i32
        %mul3A_350 = arith.muli %mul3A_349, %scan3A_348 : i32
        %add3A_351 = arith.constant 2 : i32
        %add3A_352 = arith.addi %mul3A_350, %add3A_351 : i32
        %add3A_353 = arith.constant 0 : i32
        %add3A_354 = arith.addi %add3A_352, %add3A_353 : i32
        %dma_wait3A_355 = arith.constant 0 : i32
        %dma_wait3A_356 = arith.constant 0 : i32
        %dma_wait3A_357 = tpu.memref_slice %arg9[%dma_wait3A_355, %dma_wait3A_356] : memref<256x128xf32, #tpu.memory_space<vmem>> -> memref<64x128xf32, #tpu.memory_space<vmem>>
        %dma_wait3A_358 = arith.constant 0 : i32
        %dma_wait3A_359 = arith.constant 0 : i32
        %dma_wait3A_360 = tpu.memref_slice %arg8[%dma_wait3A_358, %dma_wait3A_359] : memref<10240x128xf32, #tpu.memory_space<vmem_shared>> -> memref<64x128xf32, #tpu.memory_space<vmem_shared>>
        %dma_wait3A_361 = arith.constant 0 : i32
        %dma_wait3A_362 = arith.constant 0 : i32
        %dma_wait3A_363 = tpu.memref_slice %arg8[%dma_wait3A_361, %dma_wait3A_362] : memref<10240x128xf32, #tpu.memory_space<vmem_shared>> -> memref<64x128xf32, #tpu.memory_space<vmem_shared>>
        %dma_wait3A_364 = arith.constant 0 : i32
        %dma_wait3A_365 = arith.constant 0 : i32
        %dma_wait3A_366 = tpu.memref_slice %arg9[%dma_wait3A_364, %dma_wait3A_365] : memref<256x128xf32, #tpu.memory_space<vmem>> -> memref<64x128xf32, #tpu.memory_space<vmem>>
        tpu.wait_dma2 semaphore(%arg20 : memref<!tpu.dma_semaphore, #tpu.memory_space<semaphore_mem>>) src(%dma_wait3A_366 : memref<64x128xf32, #tpu.memory_space<vmem>>) dst(%dma_wait3A_363 : memref<64x128xf32, #tpu.memory_space<vmem_shared>>)
        %dma_wait3A_367 = arith.constant 0 : i32
        %dma_wait3A_368 = arith.constant 0 : i32
        %dma_wait3A_369 = tpu.memref_slice %arg10[%dma_wait3A_367, %dma_wait3A_368] : memref<4x64xi32, #tpu.memory_space<vmem>> -> memref<1x64xi32, #tpu.memory_space<vmem>>
        %dma_wait3A_370 = tpu.memref_squeeze %dma_wait3A_369 : memref<1x64xi32, #tpu.memory_space<vmem>> -> memref<64xi32, #tpu.memory_space<vmem>>
        %dma_wait3A_371 = arith.constant 0 : i32
        %dma_wait3A_372 = tpu.memref_slice %arg3[%dma_wait3A_371] : memref<323840xi32, #tpu.memory_space<hbm>> -> memref<64xi32, #tpu.memory_space<hbm>>
        %dma_wait3A_373 = arith.constant 0 : i32
        %dma_wait3A_374 = tpu.memref_slice %arg10[%dma_wait3A_367, %dma_wait3A_373] : memref<4x64xi32, #tpu.memory_space<vmem>> -> memref<1x64xi32, #tpu.memory_space<vmem>>
        %dma_wait3A_375 = tpu.memref_squeeze %dma_wait3A_374 : memref<1x64xi32, #tpu.memory_space<vmem>> -> memref<64xi32, #tpu.memory_space<vmem>>
        %dma_wait3A_376 = arith.constant 0 : i32
        %dma_wait3A_377 = tpu.memref_slice %arg3[%dma_wait3A_376] : memref<323840xi32, #tpu.memory_space<hbm>> -> memref<64xi32, #tpu.memory_space<hbm>>
        tpu.wait_dma2 semaphore(%arg22 : memref<!tpu.dma_semaphore, #tpu.memory_space<semaphore_mem>>) src(%dma_wait3A_377 : memref<64xi32, #tpu.memory_space<hbm>>) dst(%dma_wait3A_375 : memref<64xi32, #tpu.memory_space<vmem>>)
        %dma_start3A_378 = arith.constant 0 : i32
        %dma_start3A_379 = arith.constant 0 : i32
        %dma_start3A_380 = arith.constant 0 : i32
        %dma_start3A_381 = tpu.memref_slice %arg9[%dma_start3A_379, %dma_start3A_380] : memref<256x128xf32, #tpu.memory_space<vmem>> -> memref<64x128xf32, #tpu.memory_space<vmem>>
        %dma_start3A_382 = arith.constant 0 : i32
        %dma_start3A_383 = tpu.memref_slice %arg10[%dma_start3A_378, %dma_start3A_382] : memref<4x64xi32, #tpu.memory_space<vmem>> -> memref<1x64xi32, #tpu.memory_space<vmem>>
        %dma_start3A_384 = tpu.memref_squeeze %dma_start3A_383 : memref<1x64xi32, #tpu.memory_space<vmem>> -> memref<64xi32, #tpu.memory_space<vmem>>
        %dma_start3A_385 = arith.constant 0 : i32
        %dma_start3A_386 = arith.constant 0 : i32
        %dma_start3A_387 = tpu.memref_slice %arg2[%dma_start3A_385, %dma_start3A_386] : memref<10000x128xf32, #tpu.memory_space<hbm>> -> memref<10000x128xf32, #tpu.memory_space<hbm>>
        tpu.enqueue_indirect_dma source(%dma_start3A_387 : memref<10000x128xf32, #tpu.memory_space<hbm>>) target(%dma_start3A_381 : memref<64x128xf32, #tpu.memory_space<vmem>>) offsets(%dma_start3A_384 : memref<64xi32, #tpu.memory_space<vmem>>) semaphore(%arg16 : memref<!tpu.dma_semaphore, #tpu.memory_space<semaphore_mem>>)
        %add3A_388 = arith.addi %mul3A_49, %add3A_354 : i32
        %add3A_389 = arith.constant 3 : i32
        %add3A_390 = arith.addi %add3A_388, %add3A_389 : i32
        %mul3A_391 = arith.constant 64 : i32
        %mul3A_392 = arith.muli %add3A_390, %mul3A_391 : i32
        %dma_start3A_393 = arith.constant 1 : i32
        %dma_start3A_394 = arith.constant 0 : i32
        %dma_start3A_395 = tpu.memref_slice %arg10[%dma_start3A_393, %dma_start3A_394] : memref<4x64xi32, #tpu.memory_space<vmem>> -> memref<1x64xi32, #tpu.memory_space<vmem>>
        %dma_start3A_396 = tpu.memref_squeeze %dma_start3A_395 : memref<1x64xi32, #tpu.memory_space<vmem>> -> memref<64xi32, #tpu.memory_space<vmem>>
        %dma_start3A_397 = tpu.memref_slice %arg3[%mul3A_392] : memref<323840xi32, #tpu.memory_space<hbm>> -> memref<64xi32, #tpu.memory_space<hbm>>
        %dma_start3A_398 = arith.constant 0 : i32
        %dma_start3A_399 = tpu.memref_slice %arg10[%dma_start3A_393, %dma_start3A_398] : memref<4x64xi32, #tpu.memory_space<vmem>> -> memref<1x64xi32, #tpu.memory_space<vmem>>
        %dma_start3A_400 = tpu.memref_squeeze %dma_start3A_399 : memref<1x64xi32, #tpu.memory_space<vmem>> -> memref<64xi32, #tpu.memory_space<vmem>>
        %dma_start3A_401 = tpu.memref_slice %arg3[%mul3A_392] : memref<323840xi32, #tpu.memory_space<hbm>> -> memref<64xi32, #tpu.memory_space<hbm>>
        tpu.enqueue_dma source(%dma_start3A_401 : memref<64xi32, #tpu.memory_space<hbm>>) target(%dma_start3A_400 : memref<64xi32, #tpu.memory_space<vmem>>) target_semaphore(%arg23 : memref<!tpu.dma_semaphore, #tpu.memory_space<semaphore_mem>>)
        %add3A_402 = arith.addi %mul3A_49, %add3A_354 : i32
        %add3A_403 = arith.constant 3 : i32
        %add3A_404 = arith.addi %add3A_402, %add3A_403 : i32
        %mul3A_405 = arith.constant 64 : i32
        %mul3A_406 = arith.muli %add3A_404, %mul3A_405 : i32
        %dma_start3A_407 = arith.constant 5 : i32
        %dma_start3A_408 = arith.constant 0 : i32
        %dma_start3A_409 = tpu.memref_slice %arg11[%dma_start3A_407, %dma_start3A_408] : memref<6x64xi32, #tpu.memory_space<vmem>> -> memref<1x64xi32, #tpu.memory_space<vmem>>
        %dma_start3A_410 = tpu.memref_squeeze %dma_start3A_409 : memref<1x64xi32, #tpu.memory_space<vmem>> -> memref<64xi32, #tpu.memory_space<vmem>>
        %dma_start3A_411 = tpu.memref_slice %arg4[%mul3A_406] : memref<323840xi32, #tpu.memory_space<hbm>> -> memref<64xi32, #tpu.memory_space<hbm>>
        %dma_start3A_412 = arith.constant 0 : i32
        %dma_start3A_413 = tpu.memref_slice %arg11[%dma_start3A_407, %dma_start3A_412] : memref<6x64xi32, #tpu.memory_space<vmem>> -> memref<1x64xi32, #tpu.memory_space<vmem>>
        %dma_start3A_414 = tpu.memref_squeeze %dma_start3A_413 : memref<1x64xi32, #tpu.memory_space<vmem>> -> memref<64xi32, #tpu.memory_space<vmem>>
        %dma_start3A_415 = tpu.memref_slice %arg4[%mul3A_406] : memref<323840xi32, #tpu.memory_space<hbm>> -> memref<64xi32, #tpu.memory_space<hbm>>
        tpu.enqueue_dma source(%dma_start3A_415 : memref<64xi32, #tpu.memory_space<hbm>>) target(%dma_start3A_414 : memref<64xi32, #tpu.memory_space<vmem>>) target_semaphore(%arg31 : memref<!tpu.dma_semaphore, #tpu.memory_space<semaphore_mem>>)
        %dma_wait3A_416 = arith.constant 2 : i32
        %dma_wait3A_417 = arith.constant 0 : i32
        %dma_wait3A_418 = tpu.memref_slice %arg11[%dma_wait3A_416, %dma_wait3A_417] : memref<6x64xi32, #tpu.memory_space<vmem>> -> memref<1x64xi32, #tpu.memory_space<vmem>>
        %dma_wait3A_419 = tpu.memref_squeeze %dma_wait3A_418 : memref<1x64xi32, #tpu.memory_space<vmem>> -> memref<64xi32, #tpu.memory_space<vmem>>
        %dma_wait3A_420 = arith.constant 0 : i32
        %dma_wait3A_421 = tpu.memref_slice %arg4[%dma_wait3A_420] : memref<323840xi32, #tpu.memory_space<hbm>> -> memref<64xi32, #tpu.memory_space<hbm>>
        %dma_wait3A_422 = arith.constant 0 : i32
        %dma_wait3A_423 = tpu.memref_slice %arg11[%dma_wait3A_416, %dma_wait3A_422] : memref<6x64xi32, #tpu.memory_space<vmem>> -> memref<1x64xi32, #tpu.memory_space<vmem>>
        %dma_wait3A_424 = tpu.memref_squeeze %dma_wait3A_423 : memref<1x64xi32, #tpu.memory_space<vmem>> -> memref<64xi32, #tpu.memory_space<vmem>>
        %dma_wait3A_425 = arith.constant 0 : i32
        %dma_wait3A_426 = tpu.memref_slice %arg4[%dma_wait3A_425] : memref<323840xi32, #tpu.memory_space<hbm>> -> memref<64xi32, #tpu.memory_space<hbm>>
        tpu.wait_dma2 semaphore(%arg28 : memref<!tpu.dma_semaphore, #tpu.memory_space<semaphore_mem>>) src(%dma_wait3A_426 : memref<64xi32, #tpu.memory_space<hbm>>) dst(%dma_wait3A_424 : memref<64xi32, #tpu.memory_space<vmem>>)
        %dma_wait3A_427 = arith.constant 128 : i32
        %dma_wait3A_428 = arith.constant 0 : i32
        %dma_wait3A_429 = tpu.memref_slice %arg9[%dma_wait3A_427, %dma_wait3A_428] : memref<256x128xf32, #tpu.memory_space<vmem>> -> memref<64x128xf32, #tpu.memory_space<vmem>>
        %dma_wait3A_430 = arith.constant 0 : i32
        %dma_wait3A_431 = arith.constant 0 : i32
        %dma_wait3A_432 = tpu.memref_slice %arg2[%dma_wait3A_430, %dma_wait3A_431] : memref<10000x128xf32, #tpu.memory_space<hbm>> -> memref<64x128xf32, #tpu.memory_space<hbm>>
        %dma_wait3A_433 = arith.constant 128 : i32
        %dma_wait3A_434 = arith.constant 0 : i32
        %dma_wait3A_435 = tpu.memref_slice %arg9[%dma_wait3A_433, %dma_wait3A_434] : memref<256x128xf32, #tpu.memory_space<vmem>> -> memref<64x128xf32, #tpu.memory_space<vmem>>
        %dma_wait3A_436 = arith.constant 0 : i32
        %dma_wait3A_437 = arith.constant 0 : i32
        %dma_wait3A_438 = tpu.memref_slice %arg2[%dma_wait3A_436, %dma_wait3A_437] : memref<10000x128xf32, #tpu.memory_space<hbm>> -> memref<64x128xf32, #tpu.memory_space<hbm>>
        tpu.wait_dma2 semaphore(%arg18 : memref<!tpu.dma_semaphore, #tpu.memory_space<semaphore_mem>>) src(%dma_wait3A_438 : memref<64x128xf32, #tpu.memory_space<hbm>>) dst(%dma_wait3A_435 : memref<64x128xf32, #tpu.memory_space<vmem>>)
        %dma_start3A_439 = arith.constant 2 : i32
        %dma_start3A_440 = arith.constant 128 : i32
        %dma_start3A_441 = arith.constant 0 : i32
        %dma_start3A_442 = tpu.memref_slice %arg9[%dma_start3A_440, %dma_start3A_441] : memref<256x128xf32, #tpu.memory_space<vmem>> -> memref<64x128xf32, #tpu.memory_space<vmem>>
        %dma_start3A_443 = arith.constant 0 : i32
        %dma_start3A_444 = tpu.memref_slice %arg11[%dma_start3A_439, %dma_start3A_443] : memref<6x64xi32, #tpu.memory_space<vmem>> -> memref<1x64xi32, #tpu.memory_space<vmem>>
        %dma_start3A_445 = tpu.memref_squeeze %dma_start3A_444 : memref<1x64xi32, #tpu.memory_space<vmem>> -> memref<64xi32, #tpu.memory_space<vmem>>
        %dma_start3A_446 = arith.constant 0 : i32
        %dma_start3A_447 = arith.constant 0 : i32
        %dma_start3A_448 = tpu.memref_slice %arg8[%dma_start3A_446, %dma_start3A_447] : memref<10240x128xf32, #tpu.memory_space<vmem_shared>> -> memref<10240x128xf32, #tpu.memory_space<vmem_shared>>
        tpu.enqueue_indirect_dma source(%dma_start3A_442 : memref<64x128xf32, #tpu.memory_space<vmem>>) target(%dma_start3A_448 : memref<10240x128xf32, #tpu.memory_space<vmem_shared>>) offsets(%dma_start3A_445 : memref<64xi32, #tpu.memory_space<vmem>>) semaphore(%arg20 : memref<!tpu.dma_semaphore, #tpu.memory_space<semaphore_mem>>) {add = true}
        %mul3A_449 = arith.constant 12 : i32
        %mul3A_450 = arith.muli %mul3A_449, %scan3A_348 : i32
        %add3A_451 = arith.constant 2 : i32
        %add3A_452 = arith.addi %mul3A_450, %add3A_451 : i32
        %add3A_453 = arith.constant 1 : i32
        %add3A_454 = arith.addi %add3A_452, %add3A_453 : i32
        %dma_wait3A_455 = arith.constant 0 : i32
        %dma_wait3A_456 = arith.constant 0 : i32
        %dma_wait3A_457 = tpu.memref_slice %arg9[%dma_wait3A_455, %dma_wait3A_456] : memref<256x128xf32, #tpu.memory_space<vmem>> -> memref<64x128xf32, #tpu.memory_space<vmem>>
        %dma_wait3A_458 = arith.constant 0 : i32
        %dma_wait3A_459 = arith.constant 0 : i32
        %dma_wait3A_460 = tpu.memref_slice %arg8[%dma_wait3A_458, %dma_wait3A_459] : memref<10240x128xf32, #tpu.memory_space<vmem_shared>> -> memref<64x128xf32, #tpu.memory_space<vmem_shared>>
        %dma_wait3A_461 = arith.constant 0 : i32
        %dma_wait3A_462 = arith.constant 0 : i32
        %dma_wait3A_463 = tpu.memref_slice %arg8[%dma_wait3A_461, %dma_wait3A_462] : memref<10240x128xf32, #tpu.memory_space<vmem_shared>> -> memref<64x128xf32, #tpu.memory_space<vmem_shared>>
        %dma_wait3A_464 = arith.constant 0 : i32
        %dma_wait3A_465 = arith.constant 0 : i32
        %dma_wait3A_466 = tpu.memref_slice %arg9[%dma_wait3A_464, %dma_wait3A_465] : memref<256x128xf32, #tpu.memory_space<vmem>> -> memref<64x128xf32, #tpu.memory_space<vmem>>
        tpu.wait_dma2 semaphore(%arg21 : memref<!tpu.dma_semaphore, #tpu.memory_space<semaphore_mem>>) src(%dma_wait3A_466 : memref<64x128xf32, #tpu.memory_space<vmem>>) dst(%dma_wait3A_463 : memref<64x128xf32, #tpu.memory_space<vmem_shared>>)
        %dma_wait3A_467 = arith.constant 1 : i32
        %dma_wait3A_468 = arith.constant 0 : i32
        %dma_wait3A_469 = tpu.memref_slice %arg10[%dma_wait3A_467, %dma_wait3A_468] : memref<4x64xi32, #tpu.memory_space<vmem>> -> memref<1x64xi32, #tpu.memory_space<vmem>>
        %dma_wait3A_470 = tpu.memref_squeeze %dma_wait3A_469 : memref<1x64xi32, #tpu.memory_space<vmem>> -> memref<64xi32, #tpu.memory_space<vmem>>
        %dma_wait3A_471 = arith.constant 0 : i32
        %dma_wait3A_472 = tpu.memref_slice %arg3[%dma_wait3A_471] : memref<323840xi32, #tpu.memory_space<hbm>> -> memref<64xi32, #tpu.memory_space<hbm>>
        %dma_wait3A_473 = arith.constant 0 : i32
        %dma_wait3A_474 = tpu.memref_slice %arg10[%dma_wait3A_467, %dma_wait3A_473] : memref<4x64xi32, #tpu.memory_space<vmem>> -> memref<1x64xi32, #tpu.memory_space<vmem>>
        %dma_wait3A_475 = tpu.memref_squeeze %dma_wait3A_474 : memref<1x64xi32, #tpu.memory_space<vmem>> -> memref<64xi32, #tpu.memory_space<vmem>>
        %dma_wait3A_476 = arith.constant 0 : i32
        %dma_wait3A_477 = tpu.memref_slice %arg3[%dma_wait3A_476] : memref<323840xi32, #tpu.memory_space<hbm>> -> memref<64xi32, #tpu.memory_space<hbm>>
        tpu.wait_dma2 semaphore(%arg23 : memref<!tpu.dma_semaphore, #tpu.memory_space<semaphore_mem>>) src(%dma_wait3A_477 : memref<64xi32, #tpu.memory_space<hbm>>) dst(%dma_wait3A_475 : memref<64xi32, #tpu.memory_space<vmem>>)
        %dma_start3A_478 = arith.constant 1 : i32
        %dma_start3A_479 = arith.constant 64 : i32
        %dma_start3A_480 = arith.constant 0 : i32
        %dma_start3A_481 = tpu.memref_slice %arg9[%dma_start3A_479, %dma_start3A_480] : memref<256x128xf32, #tpu.memory_space<vmem>> -> memref<64x128xf32, #tpu.memory_space<vmem>>
        %dma_start3A_482 = arith.constant 0 : i32
        %dma_start3A_483 = tpu.memref_slice %arg10[%dma_start3A_478, %dma_start3A_482] : memref<4x64xi32, #tpu.memory_space<vmem>> -> memref<1x64xi32, #tpu.memory_space<vmem>>
        %dma_start3A_484 = tpu.memref_squeeze %dma_start3A_483 : memref<1x64xi32, #tpu.memory_space<vmem>> -> memref<64xi32, #tpu.memory_space<vmem>>
        %dma_start3A_485 = arith.constant 0 : i32
        %dma_start3A_486 = arith.constant 0 : i32
        %dma_start3A_487 = tpu.memref_slice %arg2[%dma_start3A_485, %dma_start3A_486] : memref<10000x128xf32, #tpu.memory_space<hbm>> -> memref<10000x128xf32, #tpu.memory_space<hbm>>
        tpu.enqueue_indirect_dma source(%dma_start3A_487 : memref<10000x128xf32, #tpu.memory_space<hbm>>) target(%dma_start3A_481 : memref<64x128xf32, #tpu.memory_space<vmem>>) offsets(%dma_start3A_484 : memref<64xi32, #tpu.memory_space<vmem>>) semaphore(%arg17 : memref<!tpu.dma_semaphore, #tpu.memory_space<semaphore_mem>>)
        %add3A_488 = arith.addi %mul3A_49, %add3A_454 : i32
        %add3A_489 = arith.constant 3 : i32
        %add3A_490 = arith.addi %add3A_488, %add3A_489 : i32
        %mul3A_491 = arith.constant 64 : i32
        %mul3A_492 = arith.muli %add3A_490, %mul3A_491 : i32
        %dma_start3A_493 = arith.constant 2 : i32
        %dma_start3A_494 = arith.constant 0 : i32
        %dma_start3A_495 = tpu.memref_slice %arg10[%dma_start3A_493, %dma_start3A_494] : memref<4x64xi32, #tpu.memory_space<vmem>> -> memref<1x64xi32, #tpu.memory_space<vmem>>
        %dma_start3A_496 = tpu.memref_squeeze %dma_start3A_495 : memref<1x64xi32, #tpu.memory_space<vmem>> -> memref<64xi32, #tpu.memory_space<vmem>>
        %dma_start3A_497 = tpu.memref_slice %arg3[%mul3A_492] : memref<323840xi32, #tpu.memory_space<hbm>> -> memref<64xi32, #tpu.memory_space<hbm>>
        %dma_start3A_498 = arith.constant 0 : i32
        %dma_start3A_499 = tpu.memref_slice %arg10[%dma_start3A_493, %dma_start3A_498] : memref<4x64xi32, #tpu.memory_space<vmem>> -> memref<1x64xi32, #tpu.memory_space<vmem>>
        %dma_start3A_500 = tpu.memref_squeeze %dma_start3A_499 : memref<1x64xi32, #tpu.memory_space<vmem>> -> memref<64xi32, #tpu.memory_space<vmem>>
        %dma_start3A_501 = tpu.memref_slice %arg3[%mul3A_492] : memref<323840xi32, #tpu.memory_space<hbm>> -> memref<64xi32, #tpu.memory_space<hbm>>
        tpu.enqueue_dma source(%dma_start3A_501 : memref<64xi32, #tpu.memory_space<hbm>>) target(%dma_start3A_500 : memref<64xi32, #tpu.memory_space<vmem>>) target_semaphore(%arg24 : memref<!tpu.dma_semaphore, #tpu.memory_space<semaphore_mem>>)
        %add3A_502 = arith.addi %mul3A_49, %add3A_454 : i32
        %add3A_503 = arith.constant 3 : i32
        %add3A_504 = arith.addi %add3A_502, %add3A_503 : i32
        %mul3A_505 = arith.constant 64 : i32
        %mul3A_506 = arith.muli %add3A_504, %mul3A_505 : i32
        %dma_start3A_507 = arith.constant 0 : i32
        %dma_start3A_508 = arith.constant 0 : i32
        %dma_start3A_509 = tpu.memref_slice %arg11[%dma_start3A_507, %dma_start3A_508] : memref<6x64xi32, #tpu.memory_space<vmem>> -> memref<1x64xi32, #tpu.memory_space<vmem>>
        %dma_start3A_510 = tpu.memref_squeeze %dma_start3A_509 : memref<1x64xi32, #tpu.memory_space<vmem>> -> memref<64xi32, #tpu.memory_space<vmem>>
        %dma_start3A_511 = tpu.memref_slice %arg4[%mul3A_506] : memref<323840xi32, #tpu.memory_space<hbm>> -> memref<64xi32, #tpu.memory_space<hbm>>
        %dma_start3A_512 = arith.constant 0 : i32
        %dma_start3A_513 = tpu.memref_slice %arg11[%dma_start3A_507, %dma_start3A_512] : memref<6x64xi32, #tpu.memory_space<vmem>> -> memref<1x64xi32, #tpu.memory_space<vmem>>
        %dma_start3A_514 = tpu.memref_squeeze %dma_start3A_513 : memref<1x64xi32, #tpu.memory_space<vmem>> -> memref<64xi32, #tpu.memory_space<vmem>>
        %dma_start3A_515 = tpu.memref_slice %arg4[%mul3A_506] : memref<323840xi32, #tpu.memory_space<hbm>> -> memref<64xi32, #tpu.memory_space<hbm>>
        tpu.enqueue_dma source(%dma_start3A_515 : memref<64xi32, #tpu.memory_space<hbm>>) target(%dma_start3A_514 : memref<64xi32, #tpu.memory_space<vmem>>) target_semaphore(%arg26 : memref<!tpu.dma_semaphore, #tpu.memory_space<semaphore_mem>>)
        %dma_wait3A_516 = arith.constant 3 : i32
        %dma_wait3A_517 = arith.constant 0 : i32
        %dma_wait3A_518 = tpu.memref_slice %arg11[%dma_wait3A_516, %dma_wait3A_517] : memref<6x64xi32, #tpu.memory_space<vmem>> -> memref<1x64xi32, #tpu.memory_space<vmem>>
        %dma_wait3A_519 = tpu.memref_squeeze %dma_wait3A_518 : memref<1x64xi32, #tpu.memory_space<vmem>> -> memref<64xi32, #tpu.memory_space<vmem>>
        %dma_wait3A_520 = arith.constant 0 : i32
        %dma_wait3A_521 = tpu.memref_slice %arg4[%dma_wait3A_520] : memref<323840xi32, #tpu.memory_space<hbm>> -> memref<64xi32, #tpu.memory_space<hbm>>
        %dma_wait3A_522 = arith.constant 0 : i32
        %dma_wait3A_523 = tpu.memref_slice %arg11[%dma_wait3A_516, %dma_wait3A_522] : memref<6x64xi32, #tpu.memory_space<vmem>> -> memref<1x64xi32, #tpu.memory_space<vmem>>
        %dma_wait3A_524 = tpu.memref_squeeze %dma_wait3A_523 : memref<1x64xi32, #tpu.memory_space<vmem>> -> memref<64xi32, #tpu.memory_space<vmem>>
        %dma_wait3A_525 = arith.constant 0 : i32
        %dma_wait3A_526 = tpu.memref_slice %arg4[%dma_wait3A_525] : memref<323840xi32, #tpu.memory_space<hbm>> -> memref<64xi32, #tpu.memory_space<hbm>>
        tpu.wait_dma2 semaphore(%arg29 : memref<!tpu.dma_semaphore, #tpu.memory_space<semaphore_mem>>) src(%dma_wait3A_526 : memref<64xi32, #tpu.memory_space<hbm>>) dst(%dma_wait3A_524 : memref<64xi32, #tpu.memory_space<vmem>>)
        %dma_wait3A_527 = arith.constant 192 : i32
        %dma_wait3A_528 = arith.constant 0 : i32
        %dma_wait3A_529 = tpu.memref_slice %arg9[%dma_wait3A_527, %dma_wait3A_528] : memref<256x128xf32, #tpu.memory_space<vmem>> -> memref<64x128xf32, #tpu.memory_space<vmem>>
        %dma_wait3A_530 = arith.constant 0 : i32
        %dma_wait3A_531 = arith.constant 0 : i32
        %dma_wait3A_532 = tpu.memref_slice %arg2[%dma_wait3A_530, %dma_wait3A_531] : memref<10000x128xf32, #tpu.memory_space<hbm>> -> memref<64x128xf32, #tpu.memory_space<hbm>>
        %dma_wait3A_533 = arith.constant 192 : i32
        %dma_wait3A_534 = arith.constant 0 : i32
        %dma_wait3A_535 = tpu.memref_slice %arg9[%dma_wait3A_533, %dma_wait3A_534] : memref<256x128xf32, #tpu.memory_space<vmem>> -> memref<64x128xf32, #tpu.memory_space<vmem>>
        %dma_wait3A_536 = arith.constant 0 : i32
        %dma_wait3A_537 = arith.constant 0 : i32
        %dma_wait3A_538 = tpu.memref_slice %arg2[%dma_wait3A_536, %dma_wait3A_537] : memref<10000x128xf32, #tpu.memory_space<hbm>> -> memref<64x128xf32, #tpu.memory_space<hbm>>
        tpu.wait_dma2 semaphore(%arg19 : memref<!tpu.dma_semaphore, #tpu.memory_space<semaphore_mem>>) src(%dma_wait3A_538 : memref<64x128xf32, #tpu.memory_space<hbm>>) dst(%dma_wait3A_535 : memref<64x128xf32, #tpu.memory_space<vmem>>)
        %dma_start3A_539 = arith.constant 3 : i32
        %dma_start3A_540 = arith.constant 192 : i32
        %dma_start3A_541 = arith.constant 0 : i32
        %dma_start3A_542 = tpu.memref_slice %arg9[%dma_start3A_540, %dma_start3A_541] : memref<256x128xf32, #tpu.memory_space<vmem>> -> memref<64x128xf32, #tpu.memory_space<vmem>>
        %dma_start3A_543 = arith.constant 0 : i32
        %dma_start3A_544 = tpu.memref_slice %arg11[%dma_start3A_539, %dma_start3A_543] : memref<6x64xi32, #tpu.memory_space<vmem>> -> memref<1x64xi32, #tpu.memory_space<vmem>>
        %dma_start3A_545 = tpu.memref_squeeze %dma_start3A_544 : memref<1x64xi32, #tpu.memory_space<vmem>> -> memref<64xi32, #tpu.memory_space<vmem>>
        %dma_start3A_546 = arith.constant 0 : i32
        %dma_start3A_547 = arith.constant 0 : i32
        %dma_start3A_548 = tpu.memref_slice %arg8[%dma_start3A_546, %dma_start3A_547] : memref<10240x128xf32, #tpu.memory_space<vmem_shared>> -> memref<10240x128xf32, #tpu.memory_space<vmem_shared>>
        tpu.enqueue_indirect_dma source(%dma_start3A_542 : memref<64x128xf32, #tpu.memory_space<vmem>>) target(%dma_start3A_548 : memref<10240x128xf32, #tpu.memory_space<vmem_shared>>) offsets(%dma_start3A_545 : memref<64xi32, #tpu.memory_space<vmem>>) semaphore(%arg21 : memref<!tpu.dma_semaphore, #tpu.memory_space<semaphore_mem>>) {add = true}
        %mul3A_549 = arith.constant 12 : i32
        %mul3A_550 = arith.muli %mul3A_549, %scan3A_348 : i32
        %add3A_551 = arith.constant 2 : i32
        %add3A_552 = arith.addi %mul3A_550, %add3A_551 : i32
        %add3A_553 = arith.constant 2 : i32
        %add3A_554 = arith.addi %add3A_552, %add3A_553 : i32
        %dma_wait3A_555 = arith.constant 0 : i32
        %dma_wait3A_556 = arith.constant 0 : i32
        %dma_wait3A_557 = tpu.memref_slice %arg9[%dma_wait3A_555, %dma_wait3A_556] : memref<256x128xf32, #tpu.memory_space<vmem>> -> memref<64x128xf32, #tpu.memory_space<vmem>>
        %dma_wait3A_558 = arith.constant 0 : i32
        %dma_wait3A_559 = arith.constant 0 : i32
        %dma_wait3A_560 = tpu.memref_slice %arg8[%dma_wait3A_558, %dma_wait3A_559] : memref<10240x128xf32, #tpu.memory_space<vmem_shared>> -> memref<64x128xf32, #tpu.memory_space<vmem_shared>>
        %dma_wait3A_561 = arith.constant 0 : i32
        %dma_wait3A_562 = arith.constant 0 : i32
        %dma_wait3A_563 = tpu.memref_slice %arg8[%dma_wait3A_561, %dma_wait3A_562] : memref<10240x128xf32, #tpu.memory_space<vmem_shared>> -> memref<64x128xf32, #tpu.memory_space<vmem_shared>>
        %dma_wait3A_564 = arith.constant 0 : i32
        %dma_wait3A_565 = arith.constant 0 : i32
        %dma_wait3A_566 = tpu.memref_slice %arg9[%dma_wait3A_564, %dma_wait3A_565] : memref<256x128xf32, #tpu.memory_space<vmem>> -> memref<64x128xf32, #tpu.memory_space<vmem>>
        tpu.wait_dma2 semaphore(%arg20 : memref<!tpu.dma_semaphore, #tpu.memory_space<semaphore_mem>>) src(%dma_wait3A_566 : memref<64x128xf32, #tpu.memory_space<vmem>>) dst(%dma_wait3A_563 : memref<64x128xf32, #tpu.memory_space<vmem_shared>>)
        %dma_wait3A_567 = arith.constant 2 : i32
        %dma_wait3A_568 = arith.constant 0 : i32
        %dma_wait3A_569 = tpu.memref_slice %arg10[%dma_wait3A_567, %dma_wait3A_568] : memref<4x64xi32, #tpu.memory_space<vmem>> -> memref<1x64xi32, #tpu.memory_space<vmem>>
        %dma_wait3A_570 = tpu.memref_squeeze %dma_wait3A_569 : memref<1x64xi32, #tpu.memory_space<vmem>> -> memref<64xi32, #tpu.memory_space<vmem>>
        %dma_wait3A_571 = arith.constant 0 : i32
        %dma_wait3A_572 = tpu.memref_slice %arg3[%dma_wait3A_571] : memref<323840xi32, #tpu.memory_space<hbm>> -> memref<64xi32, #tpu.memory_space<hbm>>
        %dma_wait3A_573 = arith.constant 0 : i32
        %dma_wait3A_574 = tpu.memref_slice %arg10[%dma_wait3A_567, %dma_wait3A_573] : memref<4x64xi32, #tpu.memory_space<vmem>> -> memref<1x64xi32, #tpu.memory_space<vmem>>
        %dma_wait3A_575 = tpu.memref_squeeze %dma_wait3A_574 : memref<1x64xi32, #tpu.memory_space<vmem>> -> memref<64xi32, #tpu.memory_space<vmem>>
        %dma_wait3A_576 = arith.constant 0 : i32
        %dma_wait3A_577 = tpu.memref_slice %arg3[%dma_wait3A_576] : memref<323840xi32, #tpu.memory_space<hbm>> -> memref<64xi32, #tpu.memory_space<hbm>>
        tpu.wait_dma2 semaphore(%arg24 : memref<!tpu.dma_semaphore, #tpu.memory_space<semaphore_mem>>) src(%dma_wait3A_577 : memref<64xi32, #tpu.memory_space<hbm>>) dst(%dma_wait3A_575 : memref<64xi32, #tpu.memory_space<vmem>>)
        %dma_start3A_578 = arith.constant 2 : i32
        %dma_start3A_579 = arith.constant 128 : i32
        %dma_start3A_580 = arith.constant 0 : i32
        %dma_start3A_581 = tpu.memref_slice %arg9[%dma_start3A_579, %dma_start3A_580] : memref<256x128xf32, #tpu.memory_space<vmem>> -> memref<64x128xf32, #tpu.memory_space<vmem>>
        %dma_start3A_582 = arith.constant 0 : i32
        %dma_start3A_583 = tpu.memref_slice %arg10[%dma_start3A_578, %dma_start3A_582] : memref<4x64xi32, #tpu.memory_space<vmem>> -> memref<1x64xi32, #tpu.memory_space<vmem>>
        %dma_start3A_584 = tpu.memref_squeeze %dma_start3A_583 : memref<1x64xi32, #tpu.memory_space<vmem>> -> memref<64xi32, #tpu.memory_space<vmem>>
        %dma_start3A_585 = arith.constant 0 : i32
        %dma_start3A_586 = arith.constant 0 : i32
        %dma_start3A_587 = tpu.memref_slice %arg2[%dma_start3A_585, %dma_start3A_586] : memref<10000x128xf32, #tpu.memory_space<hbm>> -> memref<10000x128xf32, #tpu.memory_space<hbm>>
        tpu.enqueue_indirect_dma source(%dma_start3A_587 : memref<10000x128xf32, #tpu.memory_space<hbm>>) target(%dma_start3A_581 : memref<64x128xf32, #tpu.memory_space<vmem>>) offsets(%dma_start3A_584 : memref<64xi32, #tpu.memory_space<vmem>>) semaphore(%arg18 : memref<!tpu.dma_semaphore, #tpu.memory_space<semaphore_mem>>)
        %add3A_588 = arith.addi %mul3A_49, %add3A_554 : i32
        %add3A_589 = arith.constant 3 : i32
        %add3A_590 = arith.addi %add3A_588, %add3A_589 : i32
        %mul3A_591 = arith.constant 64 : i32
        %mul3A_592 = arith.muli %add3A_590, %mul3A_591 : i32
        %dma_start3A_593 = arith.constant 3 : i32
        %dma_start3A_594 = arith.constant 0 : i32
        %dma_start3A_595 = tpu.memref_slice %arg10[%dma_start3A_593, %dma_start3A_594] : memref<4x64xi32, #tpu.memory_space<vmem>> -> memref<1x64xi32, #tpu.memory_space<vmem>>
        %dma_start3A_596 = tpu.memref_squeeze %dma_start3A_595 : memref<1x64xi32, #tpu.memory_space<vmem>> -> memref<64xi32, #tpu.memory_space<vmem>>
        %dma_start3A_597 = tpu.memref_slice %arg3[%mul3A_592] : memref<323840xi32, #tpu.memory_space<hbm>> -> memref<64xi32, #tpu.memory_space<hbm>>
        %dma_start3A_598 = arith.constant 0 : i32
        %dma_start3A_599 = tpu.memref_slice %arg10[%dma_start3A_593, %dma_start3A_598] : memref<4x64xi32, #tpu.memory_space<vmem>> -> memref<1x64xi32, #tpu.memory_space<vmem>>
        %dma_start3A_600 = tpu.memref_squeeze %dma_start3A_599 : memref<1x64xi32, #tpu.memory_space<vmem>> -> memref<64xi32, #tpu.memory_space<vmem>>
        %dma_start3A_601 = tpu.memref_slice %arg3[%mul3A_592] : memref<323840xi32, #tpu.memory_space<hbm>> -> memref<64xi32, #tpu.memory_space<hbm>>
        tpu.enqueue_dma source(%dma_start3A_601 : memref<64xi32, #tpu.memory_space<hbm>>) target(%dma_start3A_600 : memref<64xi32, #tpu.memory_space<vmem>>) target_semaphore(%arg25 : memref<!tpu.dma_semaphore, #tpu.memory_space<semaphore_mem>>)
        %add3A_602 = arith.addi %mul3A_49, %add3A_554 : i32
        %add3A_603 = arith.constant 3 : i32
        %add3A_604 = arith.addi %add3A_602, %add3A_603 : i32
        %mul3A_605 = arith.constant 64 : i32
        %mul3A_606 = arith.muli %add3A_604, %mul3A_605 : i32
        %dma_start3A_607 = arith.constant 1 : i32
        %dma_start3A_608 = arith.constant 0 : i32
        %dma_start3A_609 = tpu.memref_slice %arg11[%dma_start3A_607, %dma_start3A_608] : memref<6x64xi32, #tpu.memory_space<vmem>> -> memref<1x64xi32, #tpu.memory_space<vmem>>
        %dma_start3A_610 = tpu.memref_squeeze %dma_start3A_609 : memref<1x64xi32, #tpu.memory_space<vmem>> -> memref<64xi32, #tpu.memory_space<vmem>>
        %dma_start3A_611 = tpu.memref_slice %arg4[%mul3A_606] : memref<323840xi32, #tpu.memory_space<hbm>> -> memref<64xi32, #tpu.memory_space<hbm>>
        %dma_start3A_612 = arith.constant 0 : i32
        %dma_start3A_613 = tpu.memref_slice %arg11[%dma_start3A_607, %dma_start3A_612] : memref<6x64xi32, #tpu.memory_space<vmem>> -> memref<1x64xi32, #tpu.memory_space<vmem>>
        %dma_start3A_614 = tpu.memref_squeeze %dma_start3A_613 : memref<1x64xi32, #tpu.memory_space<vmem>> -> memref<64xi32, #tpu.memory_space<vmem>>
        %dma_start3A_615 = tpu.memref_slice %arg4[%mul3A_606] : memref<323840xi32, #tpu.memory_space<hbm>> -> memref<64xi32, #tpu.memory_space<hbm>>
        tpu.enqueue_dma source(%dma_start3A_615 : memref<64xi32, #tpu.memory_space<hbm>>) target(%dma_start3A_614 : memref<64xi32, #tpu.memory_space<vmem>>) target_semaphore(%arg27 : memref<!tpu.dma_semaphore, #tpu.memory_space<semaphore_mem>>)
        %dma_wait3A_616 = arith.constant 4 : i32
        %dma_wait3A_617 = arith.constant 0 : i32
        %dma_wait3A_618 = tpu.memref_slice %arg11[%dma_wait3A_616, %dma_wait3A_617] : memref<6x64xi32, #tpu.memory_space<vmem>> -> memref<1x64xi32, #tpu.memory_space<vmem>>
        %dma_wait3A_619 = tpu.memref_squeeze %dma_wait3A_618 : memref<1x64xi32, #tpu.memory_space<vmem>> -> memref<64xi32, #tpu.memory_space<vmem>>
        %dma_wait3A_620 = arith.constant 0 : i32
        %dma_wait3A_621 = tpu.memref_slice %arg4[%dma_wait3A_620] : memref<323840xi32, #tpu.memory_space<hbm>> -> memref<64xi32, #tpu.memory_space<hbm>>
        %dma_wait3A_622 = arith.constant 0 : i32
        %dma_wait3A_623 = tpu.memref_slice %arg11[%dma_wait3A_616, %dma_wait3A_622] : memref<6x64xi32, #tpu.memory_space<vmem>> -> memref<1x64xi32, #tpu.memory_space<vmem>>
        %dma_wait3A_624 = tpu.memref_squeeze %dma_wait3A_623 : memref<1x64xi32, #tpu.memory_space<vmem>> -> memref<64xi32, #tpu.memory_space<vmem>>
        %dma_wait3A_625 = arith.constant 0 : i32
        %dma_wait3A_626 = tpu.memref_slice %arg4[%dma_wait3A_625] : memref<323840xi32, #tpu.memory_space<hbm>> -> memref<64xi32, #tpu.memory_space<hbm>>
        tpu.wait_dma2 semaphore(%arg30 : memref<!tpu.dma_semaphore, #tpu.memory_space<semaphore_mem>>) src(%dma_wait3A_626 : memref<64xi32, #tpu.memory_space<hbm>>) dst(%dma_wait3A_624 : memref<64xi32, #tpu.memory_space<vmem>>)
        %dma_wait3A_627 = arith.constant 0 : i32
        %dma_wait3A_628 = arith.constant 0 : i32
        %dma_wait3A_629 = tpu.memref_slice %arg9[%dma_wait3A_627, %dma_wait3A_628] : memref<256x128xf32, #tpu.memory_space<vmem>> -> memref<64x128xf32, #tpu.memory_space<vmem>>
        %dma_wait3A_630 = arith.constant 0 : i32
        %dma_wait3A_631 = arith.constant 0 : i32
        %dma_wait3A_632 = tpu.memref_slice %arg2[%dma_wait3A_630, %dma_wait3A_631] : memref<10000x128xf32, #tpu.memory_space<hbm>> -> memref<64x128xf32, #tpu.memory_space<hbm>>
        %dma_wait3A_633 = arith.constant 0 : i32
        %dma_wait3A_634 = arith.constant 0 : i32
        %dma_wait3A_635 = tpu.memref_slice %arg9[%dma_wait3A_633, %dma_wait3A_634] : memref<256x128xf32, #tpu.memory_space<vmem>> -> memref<64x128xf32, #tpu.memory_space<vmem>>
        %dma_wait3A_636 = arith.constant 0 : i32
        %dma_wait3A_637 = arith.constant 0 : i32
        %dma_wait3A_638 = tpu.memref_slice %arg2[%dma_wait3A_636, %dma_wait3A_637] : memref<10000x128xf32, #tpu.memory_space<hbm>> -> memref<64x128xf32, #tpu.memory_space<hbm>>
        tpu.wait_dma2 semaphore(%arg16 : memref<!tpu.dma_semaphore, #tpu.memory_space<semaphore_mem>>) src(%dma_wait3A_638 : memref<64x128xf32, #tpu.memory_space<hbm>>) dst(%dma_wait3A_635 : memref<64x128xf32, #tpu.memory_space<vmem>>)
        %dma_start3A_639 = arith.constant 4 : i32
        %dma_start3A_640 = arith.constant 0 : i32
        %dma_start3A_641 = arith.constant 0 : i32
        %dma_start3A_642 = tpu.memref_slice %arg9[%dma_start3A_640, %dma_start3A_641] : memref<256x128xf32, #tpu.memory_space<vmem>> -> memref<64x128xf32, #tpu.memory_space<vmem>>
        %dma_start3A_643 = arith.constant 0 : i32
        %dma_start3A_644 = tpu.memref_slice %arg11[%dma_start3A_639, %dma_start3A_643] : memref<6x64xi32, #tpu.memory_space<vmem>> -> memref<1x64xi32, #tpu.memory_space<vmem>>
        %dma_start3A_645 = tpu.memref_squeeze %dma_start3A_644 : memref<1x64xi32, #tpu.memory_space<vmem>> -> memref<64xi32, #tpu.memory_space<vmem>>
        %dma_start3A_646 = arith.constant 0 : i32
        %dma_start3A_647 = arith.constant 0 : i32
        %dma_start3A_648 = tpu.memref_slice %arg8[%dma_start3A_646, %dma_start3A_647] : memref<10240x128xf32, #tpu.memory_space<vmem_shared>> -> memref<10240x128xf32, #tpu.memory_space<vmem_shared>>
        tpu.enqueue_indirect_dma source(%dma_start3A_642 : memref<64x128xf32, #tpu.memory_space<vmem>>) target(%dma_start3A_648 : memref<10240x128xf32, #tpu.memory_space<vmem_shared>>) offsets(%dma_start3A_645 : memref<64xi32, #tpu.memory_space<vmem>>) semaphore(%arg20 : memref<!tpu.dma_semaphore, #tpu.memory_space<semaphore_mem>>) {add = true}
        %mul3A_649 = arith.constant 12 : i32
        %mul3A_650 = arith.muli %mul3A_649, %scan3A_348 : i32
        %add3A_651 = arith.constant 2 : i32
        %add3A_652 = arith.addi %mul3A_650, %add3A_651 : i32
        %add3A_653 = arith.constant 3 : i32
        %add3A_654 = arith.addi %add3A_652, %add3A_653 : i32
        %dma_wait3A_655 = arith.constant 0 : i32
        %dma_wait3A_656 = arith.constant 0 : i32
        %dma_wait3A_657 = tpu.memref_slice %arg9[%dma_wait3A_655, %dma_wait3A_656] : memref<256x128xf32, #tpu.memory_space<vmem>> -> memref<64x128xf32, #tpu.memory_space<vmem>>
        %dma_wait3A_658 = arith.constant 0 : i32
        %dma_wait3A_659 = arith.constant 0 : i32
        %dma_wait3A_660 = tpu.memref_slice %arg8[%dma_wait3A_658, %dma_wait3A_659] : memref<10240x128xf32, #tpu.memory_space<vmem_shared>> -> memref<64x128xf32, #tpu.memory_space<vmem_shared>>
        %dma_wait3A_661 = arith.constant 0 : i32
        %dma_wait3A_662 = arith.constant 0 : i32
        %dma_wait3A_663 = tpu.memref_slice %arg8[%dma_wait3A_661, %dma_wait3A_662] : memref<10240x128xf32, #tpu.memory_space<vmem_shared>> -> memref<64x128xf32, #tpu.memory_space<vmem_shared>>
        %dma_wait3A_664 = arith.constant 0 : i32
        %dma_wait3A_665 = arith.constant 0 : i32
        %dma_wait3A_666 = tpu.memref_slice %arg9[%dma_wait3A_664, %dma_wait3A_665] : memref<256x128xf32, #tpu.memory_space<vmem>> -> memref<64x128xf32, #tpu.memory_space<vmem>>
        tpu.wait_dma2 semaphore(%arg21 : memref<!tpu.dma_semaphore, #tpu.memory_space<semaphore_mem>>) src(%dma_wait3A_666 : memref<64x128xf32, #tpu.memory_space<vmem>>) dst(%dma_wait3A_663 : memref<64x128xf32, #tpu.memory_space<vmem_shared>>)
        %dma_wait3A_667 = arith.constant 3 : i32
        %dma_wait3A_668 = arith.constant 0 : i32
        %dma_wait3A_669 = tpu.memref_slice %arg10[%dma_wait3A_667, %dma_wait3A_668] : memref<4x64xi32, #tpu.memory_space<vmem>> -> memref<1x64xi32, #tpu.memory_space<vmem>>
        %dma_wait3A_670 = tpu.memref_squeeze %dma_wait3A_669 : memref<1x64xi32, #tpu.memory_space<vmem>> -> memref<64xi32, #tpu.memory_space<vmem>>
        %dma_wait3A_671 = arith.constant 0 : i32
        %dma_wait3A_672 = tpu.memref_slice %arg3[%dma_wait3A_671] : memref<323840xi32, #tpu.memory_space<hbm>> -> memref<64xi32, #tpu.memory_space<hbm>>
        %dma_wait3A_673 = arith.constant 0 : i32
        %dma_wait3A_674 = tpu.memref_slice %arg10[%dma_wait3A_667, %dma_wait3A_673] : memref<4x64xi32, #tpu.memory_space<vmem>> -> memref<1x64xi32, #tpu.memory_space<vmem>>
        %dma_wait3A_675 = tpu.memref_squeeze %dma_wait3A_674 : memref<1x64xi32, #tpu.memory_space<vmem>> -> memref<64xi32, #tpu.memory_space<vmem>>
        %dma_wait3A_676 = arith.constant 0 : i32
        %dma_wait3A_677 = tpu.memref_slice %arg3[%dma_wait3A_676] : memref<323840xi32, #tpu.memory_space<hbm>> -> memref<64xi32, #tpu.memory_space<hbm>>
        tpu.wait_dma2 semaphore(%arg25 : memref<!tpu.dma_semaphore, #tpu.memory_space<semaphore_mem>>) src(%dma_wait3A_677 : memref<64xi32, #tpu.memory_space<hbm>>) dst(%dma_wait3A_675 : memref<64xi32, #tpu.memory_space<vmem>>)
        %dma_start3A_678 = arith.constant 3 : i32
        %dma_start3A_679 = arith.constant 192 : i32
        %dma_start3A_680 = arith.constant 0 : i32
        %dma_start3A_681 = tpu.memref_slice %arg9[%dma_start3A_679, %dma_start3A_680] : memref<256x128xf32, #tpu.memory_space<vmem>> -> memref<64x128xf32, #tpu.memory_space<vmem>>
        %dma_start3A_682 = arith.constant 0 : i32
        %dma_start3A_683 = tpu.memref_slice %arg10[%dma_start3A_678, %dma_start3A_682] : memref<4x64xi32, #tpu.memory_space<vmem>> -> memref<1x64xi32, #tpu.memory_space<vmem>>
        %dma_start3A_684 = tpu.memref_squeeze %dma_start3A_683 : memref<1x64xi32, #tpu.memory_space<vmem>> -> memref<64xi32, #tpu.memory_space<vmem>>
        %dma_start3A_685 = arith.constant 0 : i32
        %dma_start3A_686 = arith.constant 0 : i32
        %dma_start3A_687 = tpu.memref_slice %arg2[%dma_start3A_685, %dma_start3A_686] : memref<10000x128xf32, #tpu.memory_space<hbm>> -> memref<10000x128xf32, #tpu.memory_space<hbm>>
        tpu.enqueue_indirect_dma source(%dma_start3A_687 : memref<10000x128xf32, #tpu.memory_space<hbm>>) target(%dma_start3A_681 : memref<64x128xf32, #tpu.memory_space<vmem>>) offsets(%dma_start3A_684 : memref<64xi32, #tpu.memory_space<vmem>>) semaphore(%arg19 : memref<!tpu.dma_semaphore, #tpu.memory_space<semaphore_mem>>)
        %add3A_688 = arith.addi %mul3A_49, %add3A_654 : i32
        %add3A_689 = arith.constant 3 : i32
        %add3A_690 = arith.addi %add3A_688, %add3A_689 : i32
        %mul3A_691 = arith.constant 64 : i32
        %mul3A_692 = arith.muli %add3A_690, %mul3A_691 : i32
        %dma_start3A_693 = arith.constant 0 : i32
        %dma_start3A_694 = arith.constant 0 : i32
        %dma_start3A_695 = tpu.memref_slice %arg10[%dma_start3A_693, %dma_start3A_694] : memref<4x64xi32, #tpu.memory_space<vmem>> -> memref<1x64xi32, #tpu.memory_space<vmem>>
        %dma_start3A_696 = tpu.memref_squeeze %dma_start3A_695 : memref<1x64xi32, #tpu.memory_space<vmem>> -> memref<64xi32, #tpu.memory_space<vmem>>
        %dma_start3A_697 = tpu.memref_slice %arg3[%mul3A_692] : memref<323840xi32, #tpu.memory_space<hbm>> -> memref<64xi32, #tpu.memory_space<hbm>>
        %dma_start3A_698 = arith.constant 0 : i32
        %dma_start3A_699 = tpu.memref_slice %arg10[%dma_start3A_693, %dma_start3A_698] : memref<4x64xi32, #tpu.memory_space<vmem>> -> memref<1x64xi32, #tpu.memory_space<vmem>>
        %dma_start3A_700 = tpu.memref_squeeze %dma_start3A_699 : memref<1x64xi32, #tpu.memory_space<vmem>> -> memref<64xi32, #tpu.memory_space<vmem>>
        %dma_start3A_701 = tpu.memref_slice %arg3[%mul3A_692] : memref<323840xi32, #tpu.memory_space<hbm>> -> memref<64xi32, #tpu.memory_space<hbm>>
        tpu.enqueue_dma source(%dma_start3A_701 : memref<64xi32, #tpu.memory_space<hbm>>) target(%dma_start3A_700 : memref<64xi32, #tpu.memory_space<vmem>>) target_semaphore(%arg22 : memref<!tpu.dma_semaphore, #tpu.memory_space<semaphore_mem>>)
        %add3A_702 = arith.addi %mul3A_49, %add3A_654 : i32
        %add3A_703 = arith.constant 3 : i32
        %add3A_704 = arith.addi %add3A_702, %add3A_703 : i32
        %mul3A_705 = arith.constant 64 : i32
        %mul3A_706 = arith.muli %add3A_704, %mul3A_705 : i32
        %dma_start3A_707 = arith.constant 2 : i32
        %dma_start3A_708 = arith.constant 0 : i32
        %dma_start3A_709 = tpu.memref_slice %arg11[%dma_start3A_707, %dma_start3A_708] : memref<6x64xi32, #tpu.memory_space<vmem>> -> memref<1x64xi32, #tpu.memory_space<vmem>>
        %dma_start3A_710 = tpu.memref_squeeze %dma_start3A_709 : memref<1x64xi32, #tpu.memory_space<vmem>> -> memref<64xi32, #tpu.memory_space<vmem>>
        %dma_start3A_711 = tpu.memref_slice %arg4[%mul3A_706] : memref<323840xi32, #tpu.memory_space<hbm>> -> memref<64xi32, #tpu.memory_space<hbm>>
        %dma_start3A_712 = arith.constant 0 : i32
        %dma_start3A_713 = tpu.memref_slice %arg11[%dma_start3A_707, %dma_start3A_712] : memref<6x64xi32, #tpu.memory_space<vmem>> -> memref<1x64xi32, #tpu.memory_space<vmem>>
        %dma_start3A_714 = tpu.memref_squeeze %dma_start3A_713 : memref<1x64xi32, #tpu.memory_space<vmem>> -> memref<64xi32, #tpu.memory_space<vmem>>
        %dma_start3A_715 = tpu.memref_slice %arg4[%mul3A_706] : memref<323840xi32, #tpu.memory_space<hbm>> -> memref<64xi32, #tpu.memory_space<hbm>>
        tpu.enqueue_dma source(%dma_start3A_715 : memref<64xi32, #tpu.memory_space<hbm>>) target(%dma_start3A_714 : memref<64xi32, #tpu.memory_space<vmem>>) target_semaphore(%arg28 : memref<!tpu.dma_semaphore, #tpu.memory_space<semaphore_mem>>)
        %dma_wait3A_716 = arith.constant 5 : i32
        %dma_wait3A_717 = arith.constant 0 : i32
        %dma_wait3A_718 = tpu.memref_slice %arg11[%dma_wait3A_716, %dma_wait3A_717] : memref<6x64xi32, #tpu.memory_space<vmem>> -> memref<1x64xi32, #tpu.memory_space<vmem>>
        %dma_wait3A_719 = tpu.memref_squeeze %dma_wait3A_718 : memref<1x64xi32, #tpu.memory_space<vmem>> -> memref<64xi32, #tpu.memory_space<vmem>>
        %dma_wait3A_720 = arith.constant 0 : i32
        %dma_wait3A_721 = tpu.memref_slice %arg4[%dma_wait3A_720] : memref<323840xi32, #tpu.memory_space<hbm>> -> memref<64xi32, #tpu.memory_space<hbm>>
        %dma_wait3A_722 = arith.constant 0 : i32
        %dma_wait3A_723 = tpu.memref_slice %arg11[%dma_wait3A_716, %dma_wait3A_722] : memref<6x64xi32, #tpu.memory_space<vmem>> -> memref<1x64xi32, #tpu.memory_space<vmem>>
        %dma_wait3A_724 = tpu.memref_squeeze %dma_wait3A_723 : memref<1x64xi32, #tpu.memory_space<vmem>> -> memref<64xi32, #tpu.memory_space<vmem>>
        %dma_wait3A_725 = arith.constant 0 : i32
        %dma_wait3A_726 = tpu.memref_slice %arg4[%dma_wait3A_725] : memref<323840xi32, #tpu.memory_space<hbm>> -> memref<64xi32, #tpu.memory_space<hbm>>
        tpu.wait_dma2 semaphore(%arg31 : memref<!tpu.dma_semaphore, #tpu.memory_space<semaphore_mem>>) src(%dma_wait3A_726 : memref<64xi32, #tpu.memory_space<hbm>>) dst(%dma_wait3A_724 : memref<64xi32, #tpu.memory_space<vmem>>)
        %dma_wait3A_727 = arith.constant 64 : i32
        %dma_wait3A_728 = arith.constant 0 : i32
        %dma_wait3A_729 = tpu.memref_slice %arg9[%dma_wait3A_727, %dma_wait3A_728] : memref<256x128xf32, #tpu.memory_space<vmem>> -> memref<64x128xf32, #tpu.memory_space<vmem>>
        %dma_wait3A_730 = arith.constant 0 : i32
        %dma_wait3A_731 = arith.constant 0 : i32
        %dma_wait3A_732 = tpu.memref_slice %arg2[%dma_wait3A_730, %dma_wait3A_731] : memref<10000x128xf32, #tpu.memory_space<hbm>> -> memref<64x128xf32, #tpu.memory_space<hbm>>
        %dma_wait3A_733 = arith.constant 64 : i32
        %dma_wait3A_734 = arith.constant 0 : i32
        %dma_wait3A_735 = tpu.memref_slice %arg9[%dma_wait3A_733, %dma_wait3A_734] : memref<256x128xf32, #tpu.memory_space<vmem>> -> memref<64x128xf32, #tpu.memory_space<vmem>>
        %dma_wait3A_736 = arith.constant 0 : i32
        %dma_wait3A_737 = arith.constant 0 : i32
        %dma_wait3A_738 = tpu.memref_slice %arg2[%dma_wait3A_736, %dma_wait3A_737] : memref<10000x128xf32, #tpu.memory_space<hbm>> -> memref<64x128xf32, #tpu.memory_space<hbm>>
        tpu.wait_dma2 semaphore(%arg17 : memref<!tpu.dma_semaphore, #tpu.memory_space<semaphore_mem>>) src(%dma_wait3A_738 : memref<64x128xf32, #tpu.memory_space<hbm>>) dst(%dma_wait3A_735 : memref<64x128xf32, #tpu.memory_space<vmem>>)
        %dma_start3A_739 = arith.constant 5 : i32
        %dma_start3A_740 = arith.constant 64 : i32
        %dma_start3A_741 = arith.constant 0 : i32
        %dma_start3A_742 = tpu.memref_slice %arg9[%dma_start3A_740, %dma_start3A_741] : memref<256x128xf32, #tpu.memory_space<vmem>> -> memref<64x128xf32, #tpu.memory_space<vmem>>
        %dma_start3A_743 = arith.constant 0 : i32
        %dma_start3A_744 = tpu.memref_slice %arg11[%dma_start3A_739, %dma_start3A_743] : memref<6x64xi32, #tpu.memory_space<vmem>> -> memref<1x64xi32, #tpu.memory_space<vmem>>
        %dma_start3A_745 = tpu.memref_squeeze %dma_start3A_744 : memref<1x64xi32, #tpu.memory_space<vmem>> -> memref<64xi32, #tpu.memory_space<vmem>>
        %dma_start3A_746 = arith.constant 0 : i32
        %dma_start3A_747 = arith.constant 0 : i32
        %dma_start3A_748 = tpu.memref_slice %arg8[%dma_start3A_746, %dma_start3A_747] : memref<10240x128xf32, #tpu.memory_space<vmem_shared>> -> memref<10240x128xf32, #tpu.memory_space<vmem_shared>>
        tpu.enqueue_indirect_dma source(%dma_start3A_742 : memref<64x128xf32, #tpu.memory_space<vmem>>) target(%dma_start3A_748 : memref<10240x128xf32, #tpu.memory_space<vmem_shared>>) offsets(%dma_start3A_745 : memref<64xi32, #tpu.memory_space<vmem>>) semaphore(%arg21 : memref<!tpu.dma_semaphore, #tpu.memory_space<semaphore_mem>>) {add = true}
        %mul3A_749 = arith.constant 12 : i32
        %mul3A_750 = arith.muli %mul3A_749, %scan3A_348 : i32
        %add3A_751 = arith.constant 2 : i32
        %add3A_752 = arith.addi %mul3A_750, %add3A_751 : i32
        %add3A_753 = arith.constant 4 : i32
        %add3A_754 = arith.addi %add3A_752, %add3A_753 : i32
        %dma_wait3A_755 = arith.constant 0 : i32
        %dma_wait3A_756 = arith.constant 0 : i32
        %dma_wait3A_757 = tpu.memref_slice %arg9[%dma_wait3A_755, %dma_wait3A_756] : memref<256x128xf32, #tpu.memory_space<vmem>> -> memref<64x128xf32, #tpu.memory_space<vmem>>
        %dma_wait3A_758 = arith.constant 0 : i32
        %dma_wait3A_759 = arith.constant 0 : i32
        %dma_wait3A_760 = tpu.memref_slice %arg8[%dma_wait3A_758, %dma_wait3A_759] : memref<10240x128xf32, #tpu.memory_space<vmem_shared>> -> memref<64x128xf32, #tpu.memory_space<vmem_shared>>
        %dma_wait3A_761 = arith.constant 0 : i32
        %dma_wait3A_762 = arith.constant 0 : i32
        %dma_wait3A_763 = tpu.memref_slice %arg8[%dma_wait3A_761, %dma_wait3A_762] : memref<10240x128xf32, #tpu.memory_space<vmem_shared>> -> memref<64x128xf32, #tpu.memory_space<vmem_shared>>
        %dma_wait3A_764 = arith.constant 0 : i32
        %dma_wait3A_765 = arith.constant 0 : i32
        %dma_wait3A_766 = tpu.memref_slice %arg9[%dma_wait3A_764, %dma_wait3A_765] : memref<256x128xf32, #tpu.memory_space<vmem>> -> memref<64x128xf32, #tpu.memory_space<vmem>>
        tpu.wait_dma2 semaphore(%arg20 : memref<!tpu.dma_semaphore, #tpu.memory_space<semaphore_mem>>) src(%dma_wait3A_766 : memref<64x128xf32, #tpu.memory_space<vmem>>) dst(%dma_wait3A_763 : memref<64x128xf32, #tpu.memory_space<vmem_shared>>)
        %dma_wait3A_767 = arith.constant 0 : i32
        %dma_wait3A_768 = arith.constant 0 : i32
        %dma_wait3A_769 = tpu.memref_slice %arg10[%dma_wait3A_767, %dma_wait3A_768] : memref<4x64xi32, #tpu.memory_space<vmem>> -> memref<1x64xi32, #tpu.memory_space<vmem>>
        %dma_wait3A_770 = tpu.memref_squeeze %dma_wait3A_769 : memref<1x64xi32, #tpu.memory_space<vmem>> -> memref<64xi32, #tpu.memory_space<vmem>>
        %dma_wait3A_771 = arith.constant 0 : i32
        %dma_wait3A_772 = tpu.memref_slice %arg3[%dma_wait3A_771] : memref<323840xi32, #tpu.memory_space<hbm>> -> memref<64xi32, #tpu.memory_space<hbm>>
        %dma_wait3A_773 = arith.constant 0 : i32
        %dma_wait3A_774 = tpu.memref_slice %arg10[%dma_wait3A_767, %dma_wait3A_773] : memref<4x64xi32, #tpu.memory_space<vmem>> -> memref<1x64xi32, #tpu.memory_space<vmem>>
        %dma_wait3A_775 = tpu.memref_squeeze %dma_wait3A_774 : memref<1x64xi32, #tpu.memory_space<vmem>> -> memref<64xi32, #tpu.memory_space<vmem>>
        %dma_wait3A_776 = arith.constant 0 : i32
        %dma_wait3A_777 = tpu.memref_slice %arg3[%dma_wait3A_776] : memref<323840xi32, #tpu.memory_space<hbm>> -> memref<64xi32, #tpu.memory_space<hbm>>
        tpu.wait_dma2 semaphore(%arg22 : memref<!tpu.dma_semaphore, #tpu.memory_space<semaphore_mem>>) src(%dma_wait3A_777 : memref<64xi32, #tpu.memory_space<hbm>>) dst(%dma_wait3A_775 : memref<64xi32, #tpu.memory_space<vmem>>)
        %dma_start3A_778 = arith.constant 0 : i32
        %dma_start3A_779 = arith.constant 0 : i32
        %dma_start3A_780 = arith.constant 0 : i32
        %dma_start3A_781 = tpu.memref_slice %arg9[%dma_start3A_779, %dma_start3A_780] : memref<256x128xf32, #tpu.memory_space<vmem>> -> memref<64x128xf32, #tpu.memory_space<vmem>>
        %dma_start3A_782 = arith.constant 0 : i32
        %dma_start3A_783 = tpu.memref_slice %arg10[%dma_start3A_778, %dma_start3A_782] : memref<4x64xi32, #tpu.memory_space<vmem>> -> memref<1x64xi32, #tpu.memory_space<vmem>>
        %dma_start3A_784 = tpu.memref_squeeze %dma_start3A_783 : memref<1x64xi32, #tpu.memory_space<vmem>> -> memref<64xi32, #tpu.memory_space<vmem>>
        %dma_start3A_785 = arith.constant 0 : i32
        %dma_start3A_786 = arith.constant 0 : i32
        %dma_start3A_787 = tpu.memref_slice %arg2[%dma_start3A_785, %dma_start3A_786] : memref<10000x128xf32, #tpu.memory_space<hbm>> -> memref<10000x128xf32, #tpu.memory_space<hbm>>
        tpu.enqueue_indirect_dma source(%dma_start3A_787 : memref<10000x128xf32, #tpu.memory_space<hbm>>) target(%dma_start3A_781 : memref<64x128xf32, #tpu.memory_space<vmem>>) offsets(%dma_start3A_784 : memref<64xi32, #tpu.memory_space<vmem>>) semaphore(%arg16 : memref<!tpu.dma_semaphore, #tpu.memory_space<semaphore_mem>>)
        %add3A_788 = arith.addi %mul3A_49, %add3A_754 : i32
        %add3A_789 = arith.constant 3 : i32
        %add3A_790 = arith.addi %add3A_788, %add3A_789 : i32
        %mul3A_791 = arith.constant 64 : i32
        %mul3A_792 = arith.muli %add3A_790, %mul3A_791 : i32
        %dma_start3A_793 = arith.constant 1 : i32
        %dma_start3A_794 = arith.constant 0 : i32
        %dma_start3A_795 = tpu.memref_slice %arg10[%dma_start3A_793, %dma_start3A_794] : memref<4x64xi32, #tpu.memory_space<vmem>> -> memref<1x64xi32, #tpu.memory_space<vmem>>
        %dma_start3A_796 = tpu.memref_squeeze %dma_start3A_795 : memref<1x64xi32, #tpu.memory_space<vmem>> -> memref<64xi32, #tpu.memory_space<vmem>>
        %dma_start3A_797 = tpu.memref_slice %arg3[%mul3A_792] : memref<323840xi32, #tpu.memory_space<hbm>> -> memref<64xi32, #tpu.memory_space<hbm>>
        %dma_start3A_798 = arith.constant 0 : i32
        %dma_start3A_799 = tpu.memref_slice %arg10[%dma_start3A_793, %dma_start3A_798] : memref<4x64xi32, #tpu.memory_space<vmem>> -> memref<1x64xi32, #tpu.memory_space<vmem>>
        %dma_start3A_800 = tpu.memref_squeeze %dma_start3A_799 : memref<1x64xi32, #tpu.memory_space<vmem>> -> memref<64xi32, #tpu.memory_space<vmem>>
        %dma_start3A_801 = tpu.memref_slice %arg3[%mul3A_792] : memref<323840xi32, #tpu.memory_space<hbm>> -> memref<64xi32, #tpu.memory_space<hbm>>
        tpu.enqueue_dma source(%dma_start3A_801 : memref<64xi32, #tpu.memory_space<hbm>>) target(%dma_start3A_800 : memref<64xi32, #tpu.memory_space<vmem>>) target_semaphore(%arg23 : memref<!tpu.dma_semaphore, #tpu.memory_space<semaphore_mem>>)
        %add3A_802 = arith.addi %mul3A_49, %add3A_754 : i32
        %add3A_803 = arith.constant 3 : i32
        %add3A_804 = arith.addi %add3A_802, %add3A_803 : i32
        %mul3A_805 = arith.constant 64 : i32
        %mul3A_806 = arith.muli %add3A_804, %mul3A_805 : i32
        %dma_start3A_807 = arith.constant 3 : i32
        %dma_start3A_808 = arith.constant 0 : i32
        %dma_start3A_809 = tpu.memref_slice %arg11[%dma_start3A_807, %dma_start3A_808] : memref<6x64xi32, #tpu.memory_space<vmem>> -> memref<1x64xi32, #tpu.memory_space<vmem>>
        %dma_start3A_810 = tpu.memref_squeeze %dma_start3A_809 : memref<1x64xi32, #tpu.memory_space<vmem>> -> memref<64xi32, #tpu.memory_space<vmem>>
        %dma_start3A_811 = tpu.memref_slice %arg4[%mul3A_806] : memref<323840xi32, #tpu.memory_space<hbm>> -> memref<64xi32, #tpu.memory_space<hbm>>
        %dma_start3A_812 = arith.constant 0 : i32
        %dma_start3A_813 = tpu.memref_slice %arg11[%dma_start3A_807, %dma_start3A_812] : memref<6x64xi32, #tpu.memory_space<vmem>> -> memref<1x64xi32, #tpu.memory_space<vmem>>
        %dma_start3A_814 = tpu.memref_squeeze %dma_start3A_813 : memref<1x64xi32, #tpu.memory_space<vmem>> -> memref<64xi32, #tpu.memory_space<vmem>>
        %dma_start3A_815 = tpu.memref_slice %arg4[%mul3A_806] : memref<323840xi32, #tpu.memory_space<hbm>> -> memref<64xi32, #tpu.memory_space<hbm>>
        tpu.enqueue_dma source(%dma_start3A_815 : memref<64xi32, #tpu.memory_space<hbm>>) target(%dma_start3A_814 : memref<64xi32, #tpu.memory_space<vmem>>) target_semaphore(%arg29 : memref<!tpu.dma_semaphore, #tpu.memory_space<semaphore_mem>>)
        %dma_wait3A_816 = arith.constant 0 : i32
        %dma_wait3A_817 = arith.constant 0 : i32
        %dma_wait3A_818 = tpu.memref_slice %arg11[%dma_wait3A_816, %dma_wait3A_817] : memref<6x64xi32, #tpu.memory_space<vmem>> -> memref<1x64xi32, #tpu.memory_space<vmem>>
        %dma_wait3A_819 = tpu.memref_squeeze %dma_wait3A_818 : memref<1x64xi32, #tpu.memory_space<vmem>> -> memref<64xi32, #tpu.memory_space<vmem>>
        %dma_wait3A_820 = arith.constant 0 : i32
        %dma_wait3A_821 = tpu.memref_slice %arg4[%dma_wait3A_820] : memref<323840xi32, #tpu.memory_space<hbm>> -> memref<64xi32, #tpu.memory_space<hbm>>
        %dma_wait3A_822 = arith.constant 0 : i32
        %dma_wait3A_823 = tpu.memref_slice %arg11[%dma_wait3A_816, %dma_wait3A_822] : memref<6x64xi32, #tpu.memory_space<vmem>> -> memref<1x64xi32, #tpu.memory_space<vmem>>
        %dma_wait3A_824 = tpu.memref_squeeze %dma_wait3A_823 : memref<1x64xi32, #tpu.memory_space<vmem>> -> memref<64xi32, #tpu.memory_space<vmem>>
        %dma_wait3A_825 = arith.constant 0 : i32
        %dma_wait3A_826 = tpu.memref_slice %arg4[%dma_wait3A_825] : memref<323840xi32, #tpu.memory_space<hbm>> -> memref<64xi32, #tpu.memory_space<hbm>>
        tpu.wait_dma2 semaphore(%arg26 : memref<!tpu.dma_semaphore, #tpu.memory_space<semaphore_mem>>) src(%dma_wait3A_826 : memref<64xi32, #tpu.memory_space<hbm>>) dst(%dma_wait3A_824 : memref<64xi32, #tpu.memory_space<vmem>>)
        %dma_wait3A_827 = arith.constant 128 : i32
        %dma_wait3A_828 = arith.constant 0 : i32
        %dma_wait3A_829 = tpu.memref_slice %arg9[%dma_wait3A_827, %dma_wait3A_828] : memref<256x128xf32, #tpu.memory_space<vmem>> -> memref<64x128xf32, #tpu.memory_space<vmem>>
        %dma_wait3A_830 = arith.constant 0 : i32
        %dma_wait3A_831 = arith.constant 0 : i32
        %dma_wait3A_832 = tpu.memref_slice %arg2[%dma_wait3A_830, %dma_wait3A_831] : memref<10000x128xf32, #tpu.memory_space<hbm>> -> memref<64x128xf32, #tpu.memory_space<hbm>>
        %dma_wait3A_833 = arith.constant 128 : i32
        %dma_wait3A_834 = arith.constant 0 : i32
        %dma_wait3A_835 = tpu.memref_slice %arg9[%dma_wait3A_833, %dma_wait3A_834] : memref<256x128xf32, #tpu.memory_space<vmem>> -> memref<64x128xf32, #tpu.memory_space<vmem>>
        %dma_wait3A_836 = arith.constant 0 : i32
        %dma_wait3A_837 = arith.constant 0 : i32
        %dma_wait3A_838 = tpu.memref_slice %arg2[%dma_wait3A_836, %dma_wait3A_837] : memref<10000x128xf32, #tpu.memory_space<hbm>> -> memref<64x128xf32, #tpu.memory_space<hbm>>
        tpu.wait_dma2 semaphore(%arg18 : memref<!tpu.dma_semaphore, #tpu.memory_space<semaphore_mem>>) src(%dma_wait3A_838 : memref<64x128xf32, #tpu.memory_space<hbm>>) dst(%dma_wait3A_835 : memref<64x128xf32, #tpu.memory_space<vmem>>)
        %dma_start3A_839 = arith.constant 0 : i32
        %dma_start3A_840 = arith.constant 128 : i32
        %dma_start3A_841 = arith.constant 0 : i32
        %dma_start3A_842 = tpu.memref_slice %arg9[%dma_start3A_840, %dma_start3A_841] : memref<256x128xf32, #tpu.memory_space<vmem>> -> memref<64x128xf32, #tpu.memory_space<vmem>>
        %dma_start3A_843 = arith.constant 0 : i32
        %dma_start3A_844 = tpu.memref_slice %arg11[%dma_start3A_839, %dma_start3A_843] : memref<6x64xi32, #tpu.memory_space<vmem>> -> memref<1x64xi32, #tpu.memory_space<vmem>>
        %dma_start3A_845 = tpu.memref_squeeze %dma_start3A_844 : memref<1x64xi32, #tpu.memory_space<vmem>> -> memref<64xi32, #tpu.memory_space<vmem>>
        %dma_start3A_846 = arith.constant 0 : i32
        %dma_start3A_847 = arith.constant 0 : i32
        %dma_start3A_848 = tpu.memref_slice %arg8[%dma_start3A_846, %dma_start3A_847] : memref<10240x128xf32, #tpu.memory_space<vmem_shared>> -> memref<10240x128xf32, #tpu.memory_space<vmem_shared>>
        tpu.enqueue_indirect_dma source(%dma_start3A_842 : memref<64x128xf32, #tpu.memory_space<vmem>>) target(%dma_start3A_848 : memref<10240x128xf32, #tpu.memory_space<vmem_shared>>) offsets(%dma_start3A_845 : memref<64xi32, #tpu.memory_space<vmem>>) semaphore(%arg20 : memref<!tpu.dma_semaphore, #tpu.memory_space<semaphore_mem>>) {add = true}
        %mul3A_849 = arith.constant 12 : i32
        %mul3A_850 = arith.muli %mul3A_849, %scan3A_348 : i32
        %add3A_851 = arith.constant 2 : i32
        %add3A_852 = arith.addi %mul3A_850, %add3A_851 : i32
        %add3A_853 = arith.constant 5 : i32
        %add3A_854 = arith.addi %add3A_852, %add3A_853 : i32
        %dma_wait3A_855 = arith.constant 0 : i32
        %dma_wait3A_856 = arith.constant 0 : i32
        %dma_wait3A_857 = tpu.memref_slice %arg9[%dma_wait3A_855, %dma_wait3A_856] : memref<256x128xf32, #tpu.memory_space<vmem>> -> memref<64x128xf32, #tpu.memory_space<vmem>>
        %dma_wait3A_858 = arith.constant 0 : i32
        %dma_wait3A_859 = arith.constant 0 : i32
        %dma_wait3A_860 = tpu.memref_slice %arg8[%dma_wait3A_858, %dma_wait3A_859] : memref<10240x128xf32, #tpu.memory_space<vmem_shared>> -> memref<64x128xf32, #tpu.memory_space<vmem_shared>>
        %dma_wait3A_861 = arith.constant 0 : i32
        %dma_wait3A_862 = arith.constant 0 : i32
        %dma_wait3A_863 = tpu.memref_slice %arg8[%dma_wait3A_861, %dma_wait3A_862] : memref<10240x128xf32, #tpu.memory_space<vmem_shared>> -> memref<64x128xf32, #tpu.memory_space<vmem_shared>>
        %dma_wait3A_864 = arith.constant 0 : i32
        %dma_wait3A_865 = arith.constant 0 : i32
        %dma_wait3A_866 = tpu.memref_slice %arg9[%dma_wait3A_864, %dma_wait3A_865] : memref<256x128xf32, #tpu.memory_space<vmem>> -> memref<64x128xf32, #tpu.memory_space<vmem>>
        tpu.wait_dma2 semaphore(%arg21 : memref<!tpu.dma_semaphore, #tpu.memory_space<semaphore_mem>>) src(%dma_wait3A_866 : memref<64x128xf32, #tpu.memory_space<vmem>>) dst(%dma_wait3A_863 : memref<64x128xf32, #tpu.memory_space<vmem_shared>>)
        %dma_wait3A_867 = arith.constant 1 : i32
        %dma_wait3A_868 = arith.constant 0 : i32
        %dma_wait3A_869 = tpu.memref_slice %arg10[%dma_wait3A_867, %dma_wait3A_868] : memref<4x64xi32, #tpu.memory_space<vmem>> -> memref<1x64xi32, #tpu.memory_space<vmem>>
        %dma_wait3A_870 = tpu.memref_squeeze %dma_wait3A_869 : memref<1x64xi32, #tpu.memory_space<vmem>> -> memref<64xi32, #tpu.memory_space<vmem>>
        %dma_wait3A_871 = arith.constant 0 : i32
        %dma_wait3A_872 = tpu.memref_slice %arg3[%dma_wait3A_871] : memref<323840xi32, #tpu.memory_space<hbm>> -> memref<64xi32, #tpu.memory_space<hbm>>
        %dma_wait3A_873 = arith.constant 0 : i32
        %dma_wait3A_874 = tpu.memref_slice %arg10[%dma_wait3A_867, %dma_wait3A_873] : memref<4x64xi32, #tpu.memory_space<vmem>> -> memref<1x64xi32, #tpu.memory_space<vmem>>
        %dma_wait3A_875 = tpu.memref_squeeze %dma_wait3A_874 : memref<1x64xi32, #tpu.memory_space<vmem>> -> memref<64xi32, #tpu.memory_space<vmem>>
        %dma_wait3A_876 = arith.constant 0 : i32
        %dma_wait3A_877 = tpu.memref_slice %arg3[%dma_wait3A_876] : memref<323840xi32, #tpu.memory_space<hbm>> -> memref<64xi32, #tpu.memory_space<hbm>>
        tpu.wait_dma2 semaphore(%arg23 : memref<!tpu.dma_semaphore, #tpu.memory_space<semaphore_mem>>) src(%dma_wait3A_877 : memref<64xi32, #tpu.memory_space<hbm>>) dst(%dma_wait3A_875 : memref<64xi32, #tpu.memory_space<vmem>>)
        %dma_start3A_878 = arith.constant 1 : i32
        %dma_start3A_879 = arith.constant 64 : i32
        %dma_start3A_880 = arith.constant 0 : i32
        %dma_start3A_881 = tpu.memref_slice %arg9[%dma_start3A_879, %dma_start3A_880] : memref<256x128xf32, #tpu.memory_space<vmem>> -> memref<64x128xf32, #tpu.memory_space<vmem>>
        %dma_start3A_882 = arith.constant 0 : i32
        %dma_start3A_883 = tpu.memref_slice %arg10[%dma_start3A_878, %dma_start3A_882] : memref<4x64xi32, #tpu.memory_space<vmem>> -> memref<1x64xi32, #tpu.memory_space<vmem>>
        %dma_start3A_884 = tpu.memref_squeeze %dma_start3A_883 : memref<1x64xi32, #tpu.memory_space<vmem>> -> memref<64xi32, #tpu.memory_space<vmem>>
        %dma_start3A_885 = arith.constant 0 : i32
        %dma_start3A_886 = arith.constant 0 : i32
        %dma_start3A_887 = tpu.memref_slice %arg2[%dma_start3A_885, %dma_start3A_886] : memref<10000x128xf32, #tpu.memory_space<hbm>> -> memref<10000x128xf32, #tpu.memory_space<hbm>>
        tpu.enqueue_indirect_dma source(%dma_start3A_887 : memref<10000x128xf32, #tpu.memory_space<hbm>>) target(%dma_start3A_881 : memref<64x128xf32, #tpu.memory_space<vmem>>) offsets(%dma_start3A_884 : memref<64xi32, #tpu.memory_space<vmem>>) semaphore(%arg17 : memref<!tpu.dma_semaphore, #tpu.memory_space<semaphore_mem>>)
        %add3A_888 = arith.addi %mul3A_49, %add3A_854 : i32
        %add3A_889 = arith.constant 3 : i32
        %add3A_890 = arith.addi %add3A_888, %add3A_889 : i32
        %mul3A_891 = arith.constant 64 : i32
        %mul3A_892 = arith.muli %add3A_890, %mul3A_891 : i32
        %dma_start3A_893 = arith.constant 2 : i32
        %dma_start3A_894 = arith.constant 0 : i32
        %dma_start3A_895 = tpu.memref_slice %arg10[%dma_start3A_893, %dma_start3A_894] : memref<4x64xi32, #tpu.memory_space<vmem>> -> memref<1x64xi32, #tpu.memory_space<vmem>>
        %dma_start3A_896 = tpu.memref_squeeze %dma_start3A_895 : memref<1x64xi32, #tpu.memory_space<vmem>> -> memref<64xi32, #tpu.memory_space<vmem>>
        %dma_start3A_897 = tpu.memref_slice %arg3[%mul3A_892] : memref<323840xi32, #tpu.memory_space<hbm>> -> memref<64xi32, #tpu.memory_space<hbm>>
        %dma_start3A_898 = arith.constant 0 : i32
        %dma_start3A_899 = tpu.memref_slice %arg10[%dma_start3A_893, %dma_start3A_898] : memref<4x64xi32, #tpu.memory_space<vmem>> -> memref<1x64xi32, #tpu.memory_space<vmem>>
        %dma_start3A_900 = tpu.memref_squeeze %dma_start3A_899 : memref<1x64xi32, #tpu.memory_space<vmem>> -> memref<64xi32, #tpu.memory_space<vmem>>
        %dma_start3A_901 = tpu.memref_slice %arg3[%mul3A_892] : memref<323840xi32, #tpu.memory_space<hbm>> -> memref<64xi32, #tpu.memory_space<hbm>>
        tpu.enqueue_dma source(%dma_start3A_901 : memref<64xi32, #tpu.memory_space<hbm>>) target(%dma_start3A_900 : memref<64xi32, #tpu.memory_space<vmem>>) target_semaphore(%arg24 : memref<!tpu.dma_semaphore, #tpu.memory_space<semaphore_mem>>)
        %add3A_902 = arith.addi %mul3A_49, %add3A_854 : i32
        %add3A_903 = arith.constant 3 : i32
        %add3A_904 = arith.addi %add3A_902, %add3A_903 : i32
        %mul3A_905 = arith.constant 64 : i32
        %mul3A_906 = arith.muli %add3A_904, %mul3A_905 : i32
        %dma_start3A_907 = arith.constant 4 : i32
        %dma_start3A_908 = arith.constant 0 : i32
        %dma_start3A_909 = tpu.memref_slice %arg11[%dma_start3A_907, %dma_start3A_908] : memref<6x64xi32, #tpu.memory_space<vmem>> -> memref<1x64xi32, #tpu.memory_space<vmem>>
        %dma_start3A_910 = tpu.memref_squeeze %dma_start3A_909 : memref<1x64xi32, #tpu.memory_space<vmem>> -> memref<64xi32, #tpu.memory_space<vmem>>
        %dma_start3A_911 = tpu.memref_slice %arg4[%mul3A_906] : memref<323840xi32, #tpu.memory_space<hbm>> -> memref<64xi32, #tpu.memory_space<hbm>>
        %dma_start3A_912 = arith.constant 0 : i32
        %dma_start3A_913 = tpu.memref_slice %arg11[%dma_start3A_907, %dma_start3A_912] : memref<6x64xi32, #tpu.memory_space<vmem>> -> memref<1x64xi32, #tpu.memory_space<vmem>>
        %dma_start3A_914 = tpu.memref_squeeze %dma_start3A_913 : memref<1x64xi32, #tpu.memory_space<vmem>> -> memref<64xi32, #tpu.memory_space<vmem>>
        %dma_start3A_915 = tpu.memref_slice %arg4[%mul3A_906] : memref<323840xi32, #tpu.memory_space<hbm>> -> memref<64xi32, #tpu.memory_space<hbm>>
        tpu.enqueue_dma source(%dma_start3A_915 : memref<64xi32, #tpu.memory_space<hbm>>) target(%dma_start3A_914 : memref<64xi32, #tpu.memory_space<vmem>>) target_semaphore(%arg30 : memref<!tpu.dma_semaphore, #tpu.memory_space<semaphore_mem>>)
        %dma_wait3A_916 = arith.constant 1 : i32
        %dma_wait3A_917 = arith.constant 0 : i32
        %dma_wait3A_918 = tpu.memref_slice %arg11[%dma_wait3A_916, %dma_wait3A_917] : memref<6x64xi32, #tpu.memory_space<vmem>> -> memref<1x64xi32, #tpu.memory_space<vmem>>
        %dma_wait3A_919 = tpu.memref_squeeze %dma_wait3A_918 : memref<1x64xi32, #tpu.memory_space<vmem>> -> memref<64xi32, #tpu.memory_space<vmem>>
        %dma_wait3A_920 = arith.constant 0 : i32
        %dma_wait3A_921 = tpu.memref_slice %arg4[%dma_wait3A_920] : memref<323840xi32, #tpu.memory_space<hbm>> -> memref<64xi32, #tpu.memory_space<hbm>>
        %dma_wait3A_922 = arith.constant 0 : i32
        %dma_wait3A_923 = tpu.memref_slice %arg11[%dma_wait3A_916, %dma_wait3A_922] : memref<6x64xi32, #tpu.memory_space<vmem>> -> memref<1x64xi32, #tpu.memory_space<vmem>>
        %dma_wait3A_924 = tpu.memref_squeeze %dma_wait3A_923 : memref<1x64xi32, #tpu.memory_space<vmem>> -> memref<64xi32, #tpu.memory_space<vmem>>
        %dma_wait3A_925 = arith.constant 0 : i32
        %dma_wait3A_926 = tpu.memref_slice %arg4[%dma_wait3A_925] : memref<323840xi32, #tpu.memory_space<hbm>> -> memref<64xi32, #tpu.memory_space<hbm>>
        tpu.wait_dma2 semaphore(%arg27 : memref<!tpu.dma_semaphore, #tpu.memory_space<semaphore_mem>>) src(%dma_wait3A_926 : memref<64xi32, #tpu.memory_space<hbm>>) dst(%dma_wait3A_924 : memref<64xi32, #tpu.memory_space<vmem>>)
        %dma_wait3A_927 = arith.constant 192 : i32
        %dma_wait3A_928 = arith.constant 0 : i32
        %dma_wait3A_929 = tpu.memref_slice %arg9[%dma_wait3A_927, %dma_wait3A_928] : memref<256x128xf32, #tpu.memory_space<vmem>> -> memref<64x128xf32, #tpu.memory_space<vmem>>
        %dma_wait3A_930 = arith.constant 0 : i32
        %dma_wait3A_931 = arith.constant 0 : i32
        %dma_wait3A_932 = tpu.memref_slice %arg2[%dma_wait3A_930, %dma_wait3A_931] : memref<10000x128xf32, #tpu.memory_space<hbm>> -> memref<64x128xf32, #tpu.memory_space<hbm>>
        %dma_wait3A_933 = arith.constant 192 : i32
        %dma_wait3A_934 = arith.constant 0 : i32
        %dma_wait3A_935 = tpu.memref_slice %arg9[%dma_wait3A_933, %dma_wait3A_934] : memref<256x128xf32, #tpu.memory_space<vmem>> -> memref<64x128xf32, #tpu.memory_space<vmem>>
        %dma_wait3A_936 = arith.constant 0 : i32
        %dma_wait3A_937 = arith.constant 0 : i32
        %dma_wait3A_938 = tpu.memref_slice %arg2[%dma_wait3A_936, %dma_wait3A_937] : memref<10000x128xf32, #tpu.memory_space<hbm>> -> memref<64x128xf32, #tpu.memory_space<hbm>>
        tpu.wait_dma2 semaphore(%arg19 : memref<!tpu.dma_semaphore, #tpu.memory_space<semaphore_mem>>) src(%dma_wait3A_938 : memref<64x128xf32, #tpu.memory_space<hbm>>) dst(%dma_wait3A_935 : memref<64x128xf32, #tpu.memory_space<vmem>>)
        %dma_start3A_939 = arith.constant 1 : i32
        %dma_start3A_940 = arith.constant 192 : i32
        %dma_start3A_941 = arith.constant 0 : i32
        %dma_start3A_942 = tpu.memref_slice %arg9[%dma_start3A_940, %dma_start3A_941] : memref<256x128xf32, #tpu.memory_space<vmem>> -> memref<64x128xf32, #tpu.memory_space<vmem>>
        %dma_start3A_943 = arith.constant 0 : i32
        %dma_start3A_944 = tpu.memref_slice %arg11[%dma_start3A_939, %dma_start3A_943] : memref<6x64xi32, #tpu.memory_space<vmem>> -> memref<1x64xi32, #tpu.memory_space<vmem>>
        %dma_start3A_945 = tpu.memref_squeeze %dma_start3A_944 : memref<1x64xi32, #tpu.memory_space<vmem>> -> memref<64xi32, #tpu.memory_space<vmem>>
        %dma_start3A_946 = arith.constant 0 : i32
        %dma_start3A_947 = arith.constant 0 : i32
        %dma_start3A_948 = tpu.memref_slice %arg8[%dma_start3A_946, %dma_start3A_947] : memref<10240x128xf32, #tpu.memory_space<vmem_shared>> -> memref<10240x128xf32, #tpu.memory_space<vmem_shared>>
        tpu.enqueue_indirect_dma source(%dma_start3A_942 : memref<64x128xf32, #tpu.memory_space<vmem>>) target(%dma_start3A_948 : memref<10240x128xf32, #tpu.memory_space<vmem_shared>>) offsets(%dma_start3A_945 : memref<64xi32, #tpu.memory_space<vmem>>) semaphore(%arg21 : memref<!tpu.dma_semaphore, #tpu.memory_space<semaphore_mem>>) {add = true}
        %mul3A_949 = arith.constant 12 : i32
        %mul3A_950 = arith.muli %mul3A_949, %scan3A_348 : i32
        %add3A_951 = arith.constant 2 : i32
        %add3A_952 = arith.addi %mul3A_950, %add3A_951 : i32
        %add3A_953 = arith.constant 6 : i32
        %add3A_954 = arith.addi %add3A_952, %add3A_953 : i32
        %dma_wait3A_955 = arith.constant 0 : i32
        %dma_wait3A_956 = arith.constant 0 : i32
        %dma_wait3A_957 = tpu.memref_slice %arg9[%dma_wait3A_955, %dma_wait3A_956] : memref<256x128xf32, #tpu.memory_space<vmem>> -> memref<64x128xf32, #tpu.memory_space<vmem>>
        %dma_wait3A_958 = arith.constant 0 : i32
        %dma_wait3A_959 = arith.constant 0 : i32
        %dma_wait3A_960 = tpu.memref_slice %arg8[%dma_wait3A_958, %dma_wait3A_959] : memref<10240x128xf32, #tpu.memory_space<vmem_shared>> -> memref<64x128xf32, #tpu.memory_space<vmem_shared>>
        %dma_wait3A_961 = arith.constant 0 : i32
        %dma_wait3A_962 = arith.constant 0 : i32
        %dma_wait3A_963 = tpu.memref_slice %arg8[%dma_wait3A_961, %dma_wait3A_962] : memref<10240x128xf32, #tpu.memory_space<vmem_shared>> -> memref<64x128xf32, #tpu.memory_space<vmem_shared>>
        %dma_wait3A_964 = arith.constant 0 : i32
        %dma_wait3A_965 = arith.constant 0 : i32
        %dma_wait3A_966 = tpu.memref_slice %arg9[%dma_wait3A_964, %dma_wait3A_965] : memref<256x128xf32, #tpu.memory_space<vmem>> -> memref<64x128xf32, #tpu.memory_space<vmem>>
        tpu.wait_dma2 semaphore(%arg20 : memref<!tpu.dma_semaphore, #tpu.memory_space<semaphore_mem>>) src(%dma_wait3A_966 : memref<64x128xf32, #tpu.memory_space<vmem>>) dst(%dma_wait3A_963 : memref<64x128xf32, #tpu.memory_space<vmem_shared>>)
        %dma_wait3A_967 = arith.constant 2 : i32
        %dma_wait3A_968 = arith.constant 0 : i32
        %dma_wait3A_969 = tpu.memref_slice %arg10[%dma_wait3A_967, %dma_wait3A_968] : memref<4x64xi32, #tpu.memory_space<vmem>> -> memref<1x64xi32, #tpu.memory_space<vmem>>
        %dma_wait3A_970 = tpu.memref_squeeze %dma_wait3A_969 : memref<1x64xi32, #tpu.memory_space<vmem>> -> memref<64xi32, #tpu.memory_space<vmem>>
        %dma_wait3A_971 = arith.constant 0 : i32
        %dma_wait3A_972 = tpu.memref_slice %arg3[%dma_wait3A_971] : memref<323840xi32, #tpu.memory_space<hbm>> -> memref<64xi32, #tpu.memory_space<hbm>>
        %dma_wait3A_973 = arith.constant 0 : i32
        %dma_wait3A_974 = tpu.memref_slice %arg10[%dma_wait3A_967, %dma_wait3A_973] : memref<4x64xi32, #tpu.memory_space<vmem>> -> memref<1x64xi32, #tpu.memory_space<vmem>>
        %dma_wait3A_975 = tpu.memref_squeeze %dma_wait3A_974 : memref<1x64xi32, #tpu.memory_space<vmem>> -> memref<64xi32, #tpu.memory_space<vmem>>
        %dma_wait3A_976 = arith.constant 0 : i32
        %dma_wait3A_977 = tpu.memref_slice %arg3[%dma_wait3A_976] : memref<323840xi32, #tpu.memory_space<hbm>> -> memref<64xi32, #tpu.memory_space<hbm>>
        tpu.wait_dma2 semaphore(%arg24 : memref<!tpu.dma_semaphore, #tpu.memory_space<semaphore_mem>>) src(%dma_wait3A_977 : memref<64xi32, #tpu.memory_space<hbm>>) dst(%dma_wait3A_975 : memref<64xi32, #tpu.memory_space<vmem>>)
        %dma_start3A_978 = arith.constant 2 : i32
        %dma_start3A_979 = arith.constant 128 : i32
        %dma_start3A_980 = arith.constant 0 : i32
        %dma_start3A_981 = tpu.memref_slice %arg9[%dma_start3A_979, %dma_start3A_980] : memref<256x128xf32, #tpu.memory_space<vmem>> -> memref<64x128xf32, #tpu.memory_space<vmem>>
        %dma_start3A_982 = arith.constant 0 : i32
        %dma_start3A_983 = tpu.memref_slice %arg10[%dma_start3A_978, %dma_start3A_982] : memref<4x64xi32, #tpu.memory_space<vmem>> -> memref<1x64xi32, #tpu.memory_space<vmem>>
        %dma_start3A_984 = tpu.memref_squeeze %dma_start3A_983 : memref<1x64xi32, #tpu.memory_space<vmem>> -> memref<64xi32, #tpu.memory_space<vmem>>
        %dma_start3A_985 = arith.constant 0 : i32
        %dma_start3A_986 = arith.constant 0 : i32
        %dma_start3A_987 = tpu.memref_slice %arg2[%dma_start3A_985, %dma_start3A_986] : memref<10000x128xf32, #tpu.memory_space<hbm>> -> memref<10000x128xf32, #tpu.memory_space<hbm>>
        tpu.enqueue_indirect_dma source(%dma_start3A_987 : memref<10000x128xf32, #tpu.memory_space<hbm>>) target(%dma_start3A_981 : memref<64x128xf32, #tpu.memory_space<vmem>>) offsets(%dma_start3A_984 : memref<64xi32, #tpu.memory_space<vmem>>) semaphore(%arg18 : memref<!tpu.dma_semaphore, #tpu.memory_space<semaphore_mem>>)
        %add3A_988 = arith.addi %mul3A_49, %add3A_954 : i32
        %add3A_989 = arith.constant 3 : i32
        %add3A_990 = arith.addi %add3A_988, %add3A_989 : i32
        %mul3A_991 = arith.constant 64 : i32
        %mul3A_992 = arith.muli %add3A_990, %mul3A_991 : i32
        %dma_start3A_993 = arith.constant 3 : i32
        %dma_start3A_994 = arith.constant 0 : i32
        %dma_start3A_995 = tpu.memref_slice %arg10[%dma_start3A_993, %dma_start3A_994] : memref<4x64xi32, #tpu.memory_space<vmem>> -> memref<1x64xi32, #tpu.memory_space<vmem>>
        %dma_start3A_996 = tpu.memref_squeeze %dma_start3A_995 : memref<1x64xi32, #tpu.memory_space<vmem>> -> memref<64xi32, #tpu.memory_space<vmem>>
        %dma_start3A_997 = tpu.memref_slice %arg3[%mul3A_992] : memref<323840xi32, #tpu.memory_space<hbm>> -> memref<64xi32, #tpu.memory_space<hbm>>
        %dma_start3A_998 = arith.constant 0 : i32
        %dma_start3A_999 = tpu.memref_slice %arg10[%dma_start3A_993, %dma_start3A_998] : memref<4x64xi32, #tpu.memory_space<vmem>> -> memref<1x64xi32, #tpu.memory_space<vmem>>
        %dma_start3A_1000 = tpu.memref_squeeze %dma_start3A_999 : memref<1x64xi32, #tpu.memory_space<vmem>> -> memref<64xi32, #tpu.memory_space<vmem>>
        %dma_start3A_1001 = tpu.memref_slice %arg3[%mul3A_992] : memref<323840xi32, #tpu.memory_space<hbm>> -> memref<64xi32, #tpu.memory_space<hbm>>
        tpu.enqueue_dma source(%dma_start3A_1001 : memref<64xi32, #tpu.memory_space<hbm>>) target(%dma_start3A_1000 : memref<64xi32, #tpu.memory_space<vmem>>) target_semaphore(%arg25 : memref<!tpu.dma_semaphore, #tpu.memory_space<semaphore_mem>>)
        %add3A_1002 = arith.addi %mul3A_49, %add3A_954 : i32
        %add3A_1003 = arith.constant 3 : i32
        %add3A_1004 = arith.addi %add3A_1002, %add3A_1003 : i32
        %mul3A_1005 = arith.constant 64 : i32
        %mul3A_1006 = arith.muli %add3A_1004, %mul3A_1005 : i32
        %dma_start3A_1007 = arith.constant 5 : i32
        %dma_start3A_1008 = arith.constant 0 : i32
        %dma_start3A_1009 = tpu.memref_slice %arg11[%dma_start3A_1007, %dma_start3A_1008] : memref<6x64xi32, #tpu.memory_space<vmem>> -> memref<1x64xi32, #tpu.memory_space<vmem>>
        %dma_start3A_1010 = tpu.memref_squeeze %dma_start3A_1009 : memref<1x64xi32, #tpu.memory_space<vmem>> -> memref<64xi32, #tpu.memory_space<vmem>>
        %dma_start3A_1011 = tpu.memref_slice %arg4[%mul3A_1006] : memref<323840xi32, #tpu.memory_space<hbm>> -> memref<64xi32, #tpu.memory_space<hbm>>
        %dma_start3A_1012 = arith.constant 0 : i32
        %dma_start3A_1013 = tpu.memref_slice %arg11[%dma_start3A_1007, %dma_start3A_1012] : memref<6x64xi32, #tpu.memory_space<vmem>> -> memref<1x64xi32, #tpu.memory_space<vmem>>
        %dma_start3A_1014 = tpu.memref_squeeze %dma_start3A_1013 : memref<1x64xi32, #tpu.memory_space<vmem>> -> memref<64xi32, #tpu.memory_space<vmem>>
        %dma_start3A_1015 = tpu.memref_slice %arg4[%mul3A_1006] : memref<323840xi32, #tpu.memory_space<hbm>> -> memref<64xi32, #tpu.memory_space<hbm>>
        tpu.enqueue_dma source(%dma_start3A_1015 : memref<64xi32, #tpu.memory_space<hbm>>) target(%dma_start3A_1014 : memref<64xi32, #tpu.memory_space<vmem>>) target_semaphore(%arg31 : memref<!tpu.dma_semaphore, #tpu.memory_space<semaphore_mem>>)
        %dma_wait3A_1016 = arith.constant 2 : i32
        %dma_wait3A_1017 = arith.constant 0 : i32
        %dma_wait3A_1018 = tpu.memref_slice %arg11[%dma_wait3A_1016, %dma_wait3A_1017] : memref<6x64xi32, #tpu.memory_space<vmem>> -> memref<1x64xi32, #tpu.memory_space<vmem>>
        %dma_wait3A_1019 = tpu.memref_squeeze %dma_wait3A_1018 : memref<1x64xi32, #tpu.memory_space<vmem>> -> memref<64xi32, #tpu.memory_space<vmem>>
        %dma_wait3A_1020 = arith.constant 0 : i32
        %dma_wait3A_1021 = tpu.memref_slice %arg4[%dma_wait3A_1020] : memref<323840xi32, #tpu.memory_space<hbm>> -> memref<64xi32, #tpu.memory_space<hbm>>
        %dma_wait3A_1022 = arith.constant 0 : i32
        %dma_wait3A_1023 = tpu.memref_slice %arg11[%dma_wait3A_1016, %dma_wait3A_1022] : memref<6x64xi32, #tpu.memory_space<vmem>> -> memref<1x64xi32, #tpu.memory_space<vmem>>
        %dma_wait3A_1024 = tpu.memref_squeeze %dma_wait3A_1023 : memref<1x64xi32, #tpu.memory_space<vmem>> -> memref<64xi32, #tpu.memory_space<vmem>>
        %dma_wait3A_1025 = arith.constant 0 : i32
        %dma_wait3A_1026 = tpu.memref_slice %arg4[%dma_wait3A_1025] : memref<323840xi32, #tpu.memory_space<hbm>> -> memref<64xi32, #tpu.memory_space<hbm>>
        tpu.wait_dma2 semaphore(%arg28 : memref<!tpu.dma_semaphore, #tpu.memory_space<semaphore_mem>>) src(%dma_wait3A_1026 : memref<64xi32, #tpu.memory_space<hbm>>) dst(%dma_wait3A_1024 : memref<64xi32, #tpu.memory_space<vmem>>)
        %dma_wait3A_1027 = arith.constant 0 : i32
        %dma_wait3A_1028 = arith.constant 0 : i32
        %dma_wait3A_1029 = tpu.memref_slice %arg9[%dma_wait3A_1027, %dma_wait3A_1028] : memref<256x128xf32, #tpu.memory_space<vmem>> -> memref<64x128xf32, #tpu.memory_space<vmem>>
        %dma_wait3A_1030 = arith.constant 0 : i32
        %dma_wait3A_1031 = arith.constant 0 : i32
        %dma_wait3A_1032 = tpu.memref_slice %arg2[%dma_wait3A_1030, %dma_wait3A_1031] : memref<10000x128xf32, #tpu.memory_space<hbm>> -> memref<64x128xf32, #tpu.memory_space<hbm>>
        %dma_wait3A_1033 = arith.constant 0 : i32
        %dma_wait3A_1034 = arith.constant 0 : i32
        %dma_wait3A_1035 = tpu.memref_slice %arg9[%dma_wait3A_1033, %dma_wait3A_1034] : memref<256x128xf32, #tpu.memory_space<vmem>> -> memref<64x128xf32, #tpu.memory_space<vmem>>
        %dma_wait3A_1036 = arith.constant 0 : i32
        %dma_wait3A_1037 = arith.constant 0 : i32
        %dma_wait3A_1038 = tpu.memref_slice %arg2[%dma_wait3A_1036, %dma_wait3A_1037] : memref<10000x128xf32, #tpu.memory_space<hbm>> -> memref<64x128xf32, #tpu.memory_space<hbm>>
        tpu.wait_dma2 semaphore(%arg16 : memref<!tpu.dma_semaphore, #tpu.memory_space<semaphore_mem>>) src(%dma_wait3A_1038 : memref<64x128xf32, #tpu.memory_space<hbm>>) dst(%dma_wait3A_1035 : memref<64x128xf32, #tpu.memory_space<vmem>>)
        %dma_start3A_1039 = arith.constant 2 : i32
        %dma_start3A_1040 = arith.constant 0 : i32
        %dma_start3A_1041 = arith.constant 0 : i32
        %dma_start3A_1042 = tpu.memref_slice %arg9[%dma_start3A_1040, %dma_start3A_1041] : memref<256x128xf32, #tpu.memory_space<vmem>> -> memref<64x128xf32, #tpu.memory_space<vmem>>
        %dma_start3A_1043 = arith.constant 0 : i32
        %dma_start3A_1044 = tpu.memref_slice %arg11[%dma_start3A_1039, %dma_start3A_1043] : memref<6x64xi32, #tpu.memory_space<vmem>> -> memref<1x64xi32, #tpu.memory_space<vmem>>
        %dma_start3A_1045 = tpu.memref_squeeze %dma_start3A_1044 : memref<1x64xi32, #tpu.memory_space<vmem>> -> memref<64xi32, #tpu.memory_space<vmem>>
        %dma_start3A_1046 = arith.constant 0 : i32
        %dma_start3A_1047 = arith.constant 0 : i32
        %dma_start3A_1048 = tpu.memref_slice %arg8[%dma_start3A_1046, %dma_start3A_1047] : memref<10240x128xf32, #tpu.memory_space<vmem_shared>> -> memref<10240x128xf32, #tpu.memory_space<vmem_shared>>
        tpu.enqueue_indirect_dma source(%dma_start3A_1042 : memref<64x128xf32, #tpu.memory_space<vmem>>) target(%dma_start3A_1048 : memref<10240x128xf32, #tpu.memory_space<vmem_shared>>) offsets(%dma_start3A_1045 : memref<64xi32, #tpu.memory_space<vmem>>) semaphore(%arg20 : memref<!tpu.dma_semaphore, #tpu.memory_space<semaphore_mem>>) {add = true}
        %mul3A_1049 = arith.constant 12 : i32
        %mul3A_1050 = arith.muli %mul3A_1049, %scan3A_348 : i32
        %add3A_1051 = arith.constant 2 : i32
        %add3A_1052 = arith.addi %mul3A_1050, %add3A_1051 : i32
        %add3A_1053 = arith.constant 7 : i32
        %add3A_1054 = arith.addi %add3A_1052, %add3A_1053 : i32
        %dma_wait3A_1055 = arith.constant 0 : i32
        %dma_wait3A_1056 = arith.constant 0 : i32
        %dma_wait3A_1057 = tpu.memref_slice %arg9[%dma_wait3A_1055, %dma_wait3A_1056] : memref<256x128xf32, #tpu.memory_space<vmem>> -> memref<64x128xf32, #tpu.memory_space<vmem>>
        %dma_wait3A_1058 = arith.constant 0 : i32
        %dma_wait3A_1059 = arith.constant 0 : i32
        %dma_wait3A_1060 = tpu.memref_slice %arg8[%dma_wait3A_1058, %dma_wait3A_1059] : memref<10240x128xf32, #tpu.memory_space<vmem_shared>> -> memref<64x128xf32, #tpu.memory_space<vmem_shared>>
        %dma_wait3A_1061 = arith.constant 0 : i32
        %dma_wait3A_1062 = arith.constant 0 : i32
        %dma_wait3A_1063 = tpu.memref_slice %arg8[%dma_wait3A_1061, %dma_wait3A_1062] : memref<10240x128xf32, #tpu.memory_space<vmem_shared>> -> memref<64x128xf32, #tpu.memory_space<vmem_shared>>
        %dma_wait3A_1064 = arith.constant 0 : i32
        %dma_wait3A_1065 = arith.constant 0 : i32
        %dma_wait3A_1066 = tpu.memref_slice %arg9[%dma_wait3A_1064, %dma_wait3A_1065] : memref<256x128xf32, #tpu.memory_space<vmem>> -> memref<64x128xf32, #tpu.memory_space<vmem>>
        tpu.wait_dma2 semaphore(%arg21 : memref<!tpu.dma_semaphore, #tpu.memory_space<semaphore_mem>>) src(%dma_wait3A_1066 : memref<64x128xf32, #tpu.memory_space<vmem>>) dst(%dma_wait3A_1063 : memref<64x128xf32, #tpu.memory_space<vmem_shared>>)
        %dma_wait3A_1067 = arith.constant 3 : i32
        %dma_wait3A_1068 = arith.constant 0 : i32
        %dma_wait3A_1069 = tpu.memref_slice %arg10[%dma_wait3A_1067, %dma_wait3A_1068] : memref<4x64xi32, #tpu.memory_space<vmem>> -> memref<1x64xi32, #tpu.memory_space<vmem>>
        %dma_wait3A_1070 = tpu.memref_squeeze %dma_wait3A_1069 : memref<1x64xi32, #tpu.memory_space<vmem>> -> memref<64xi32, #tpu.memory_space<vmem>>
        %dma_wait3A_1071 = arith.constant 0 : i32
        %dma_wait3A_1072 = tpu.memref_slice %arg3[%dma_wait3A_1071] : memref<323840xi32, #tpu.memory_space<hbm>> -> memref<64xi32, #tpu.memory_space<hbm>>
        %dma_wait3A_1073 = arith.constant 0 : i32
        %dma_wait3A_1074 = tpu.memref_slice %arg10[%dma_wait3A_1067, %dma_wait3A_1073] : memref<4x64xi32, #tpu.memory_space<vmem>> -> memref<1x64xi32, #tpu.memory_space<vmem>>
        %dma_wait3A_1075 = tpu.memref_squeeze %dma_wait3A_1074 : memref<1x64xi32, #tpu.memory_space<vmem>> -> memref<64xi32, #tpu.memory_space<vmem>>
        %dma_wait3A_1076 = arith.constant 0 : i32
        %dma_wait3A_1077 = tpu.memref_slice %arg3[%dma_wait3A_1076] : memref<323840xi32, #tpu.memory_space<hbm>> -> memref<64xi32, #tpu.memory_space<hbm>>
        tpu.wait_dma2 semaphore(%arg25 : memref<!tpu.dma_semaphore, #tpu.memory_space<semaphore_mem>>) src(%dma_wait3A_1077 : memref<64xi32, #tpu.memory_space<hbm>>) dst(%dma_wait3A_1075 : memref<64xi32, #tpu.memory_space<vmem>>)
        %dma_start3A_1078 = arith.constant 3 : i32
        %dma_start3A_1079 = arith.constant 192 : i32
        %dma_start3A_1080 = arith.constant 0 : i32
        %dma_start3A_1081 = tpu.memref_slice %arg9[%dma_start3A_1079, %dma_start3A_1080] : memref<256x128xf32, #tpu.memory_space<vmem>> -> memref<64x128xf32, #tpu.memory_space<vmem>>
        %dma_start3A_1082 = arith.constant 0 : i32
        %dma_start3A_1083 = tpu.memref_slice %arg10[%dma_start3A_1078, %dma_start3A_1082] : memref<4x64xi32, #tpu.memory_space<vmem>> -> memref<1x64xi32, #tpu.memory_space<vmem>>
        %dma_start3A_1084 = tpu.memref_squeeze %dma_start3A_1083 : memref<1x64xi32, #tpu.memory_space<vmem>> -> memref<64xi32, #tpu.memory_space<vmem>>
        %dma_start3A_1085 = arith.constant 0 : i32
        %dma_start3A_1086 = arith.constant 0 : i32
        %dma_start3A_1087 = tpu.memref_slice %arg2[%dma_start3A_1085, %dma_start3A_1086] : memref<10000x128xf32, #tpu.memory_space<hbm>> -> memref<10000x128xf32, #tpu.memory_space<hbm>>
        tpu.enqueue_indirect_dma source(%dma_start3A_1087 : memref<10000x128xf32, #tpu.memory_space<hbm>>) target(%dma_start3A_1081 : memref<64x128xf32, #tpu.memory_space<vmem>>) offsets(%dma_start3A_1084 : memref<64xi32, #tpu.memory_space<vmem>>) semaphore(%arg19 : memref<!tpu.dma_semaphore, #tpu.memory_space<semaphore_mem>>)
        %add3A_1088 = arith.addi %mul3A_49, %add3A_1054 : i32
        %add3A_1089 = arith.constant 3 : i32
        %add3A_1090 = arith.addi %add3A_1088, %add3A_1089 : i32
        %mul3A_1091 = arith.constant 64 : i32
        %mul3A_1092 = arith.muli %add3A_1090, %mul3A_1091 : i32
        %dma_start3A_1093 = arith.constant 0 : i32
        %dma_start3A_1094 = arith.constant 0 : i32
        %dma_start3A_1095 = tpu.memref_slice %arg10[%dma_start3A_1093, %dma_start3A_1094] : memref<4x64xi32, #tpu.memory_space<vmem>> -> memref<1x64xi32, #tpu.memory_space<vmem>>
        %dma_start3A_1096 = tpu.memref_squeeze %dma_start3A_1095 : memref<1x64xi32, #tpu.memory_space<vmem>> -> memref<64xi32, #tpu.memory_space<vmem>>
        %dma_start3A_1097 = tpu.memref_slice %arg3[%mul3A_1092] : memref<323840xi32, #tpu.memory_space<hbm>> -> memref<64xi32, #tpu.memory_space<hbm>>
        %dma_start3A_1098 = arith.constant 0 : i32
        %dma_start3A_1099 = tpu.memref_slice %arg10[%dma_start3A_1093, %dma_start3A_1098] : memref<4x64xi32, #tpu.memory_space<vmem>> -> memref<1x64xi32, #tpu.memory_space<vmem>>
        %dma_start3A_1100 = tpu.memref_squeeze %dma_start3A_1099 : memref<1x64xi32, #tpu.memory_space<vmem>> -> memref<64xi32, #tpu.memory_space<vmem>>
        %dma_start3A_1101 = tpu.memref_slice %arg3[%mul3A_1092] : memref<323840xi32, #tpu.memory_space<hbm>> -> memref<64xi32, #tpu.memory_space<hbm>>
        tpu.enqueue_dma source(%dma_start3A_1101 : memref<64xi32, #tpu.memory_space<hbm>>) target(%dma_start3A_1100 : memref<64xi32, #tpu.memory_space<vmem>>) target_semaphore(%arg22 : memref<!tpu.dma_semaphore, #tpu.memory_space<semaphore_mem>>)
        %add3A_1102 = arith.addi %mul3A_49, %add3A_1054 : i32
        %add3A_1103 = arith.constant 3 : i32
        %add3A_1104 = arith.addi %add3A_1102, %add3A_1103 : i32
        %mul3A_1105 = arith.constant 64 : i32
        %mul3A_1106 = arith.muli %add3A_1104, %mul3A_1105 : i32
        %dma_start3A_1107 = arith.constant 0 : i32
        %dma_start3A_1108 = arith.constant 0 : i32
        %dma_start3A_1109 = tpu.memref_slice %arg11[%dma_start3A_1107, %dma_start3A_1108] : memref<6x64xi32, #tpu.memory_space<vmem>> -> memref<1x64xi32, #tpu.memory_space<vmem>>
        %dma_start3A_1110 = tpu.memref_squeeze %dma_start3A_1109 : memref<1x64xi32, #tpu.memory_space<vmem>> -> memref<64xi32, #tpu.memory_space<vmem>>
        %dma_start3A_1111 = tpu.memref_slice %arg4[%mul3A_1106] : memref<323840xi32, #tpu.memory_space<hbm>> -> memref<64xi32, #tpu.memory_space<hbm>>
        %dma_start3A_1112 = arith.constant 0 : i32
        %dma_start3A_1113 = tpu.memref_slice %arg11[%dma_start3A_1107, %dma_start3A_1112] : memref<6x64xi32, #tpu.memory_space<vmem>> -> memref<1x64xi32, #tpu.memory_space<vmem>>
        %dma_start3A_1114 = tpu.memref_squeeze %dma_start3A_1113 : memref<1x64xi32, #tpu.memory_space<vmem>> -> memref<64xi32, #tpu.memory_space<vmem>>
        %dma_start3A_1115 = tpu.memref_slice %arg4[%mul3A_1106] : memref<323840xi32, #tpu.memory_space<hbm>> -> memref<64xi32, #tpu.memory_space<hbm>>
        tpu.enqueue_dma source(%dma_start3A_1115 : memref<64xi32, #tpu.memory_space<hbm>>) target(%dma_start3A_1114 : memref<64xi32, #tpu.memory_space<vmem>>) target_semaphore(%arg26 : memref<!tpu.dma_semaphore, #tpu.memory_space<semaphore_mem>>)
        %dma_wait3A_1116 = arith.constant 3 : i32
        %dma_wait3A_1117 = arith.constant 0 : i32
        %dma_wait3A_1118 = tpu.memref_slice %arg11[%dma_wait3A_1116, %dma_wait3A_1117] : memref<6x64xi32, #tpu.memory_space<vmem>> -> memref<1x64xi32, #tpu.memory_space<vmem>>
        %dma_wait3A_1119 = tpu.memref_squeeze %dma_wait3A_1118 : memref<1x64xi32, #tpu.memory_space<vmem>> -> memref<64xi32, #tpu.memory_space<vmem>>
        %dma_wait3A_1120 = arith.constant 0 : i32
        %dma_wait3A_1121 = tpu.memref_slice %arg4[%dma_wait3A_1120] : memref<323840xi32, #tpu.memory_space<hbm>> -> memref<64xi32, #tpu.memory_space<hbm>>
        %dma_wait3A_1122 = arith.constant 0 : i32
        %dma_wait3A_1123 = tpu.memref_slice %arg11[%dma_wait3A_1116, %dma_wait3A_1122] : memref<6x64xi32, #tpu.memory_space<vmem>> -> memref<1x64xi32, #tpu.memory_space<vmem>>
        %dma_wait3A_1124 = tpu.memref_squeeze %dma_wait3A_1123 : memref<1x64xi32, #tpu.memory_space<vmem>> -> memref<64xi32, #tpu.memory_space<vmem>>
        %dma_wait3A_1125 = arith.constant 0 : i32
        %dma_wait3A_1126 = tpu.memref_slice %arg4[%dma_wait3A_1125] : memref<323840xi32, #tpu.memory_space<hbm>> -> memref<64xi32, #tpu.memory_space<hbm>>
        tpu.wait_dma2 semaphore(%arg29 : memref<!tpu.dma_semaphore, #tpu.memory_space<semaphore_mem>>) src(%dma_wait3A_1126 : memref<64xi32, #tpu.memory_space<hbm>>) dst(%dma_wait3A_1124 : memref<64xi32, #tpu.memory_space<vmem>>)
        %dma_wait3A_1127 = arith.constant 64 : i32
        %dma_wait3A_1128 = arith.constant 0 : i32
        %dma_wait3A_1129 = tpu.memref_slice %arg9[%dma_wait3A_1127, %dma_wait3A_1128] : memref<256x128xf32, #tpu.memory_space<vmem>> -> memref<64x128xf32, #tpu.memory_space<vmem>>
        %dma_wait3A_1130 = arith.constant 0 : i32
        %dma_wait3A_1131 = arith.constant 0 : i32
        %dma_wait3A_1132 = tpu.memref_slice %arg2[%dma_wait3A_1130, %dma_wait3A_1131] : memref<10000x128xf32, #tpu.memory_space<hbm>> -> memref<64x128xf32, #tpu.memory_space<hbm>>
        %dma_wait3A_1133 = arith.constant 64 : i32
        %dma_wait3A_1134 = arith.constant 0 : i32
        %dma_wait3A_1135 = tpu.memref_slice %arg9[%dma_wait3A_1133, %dma_wait3A_1134] : memref<256x128xf32, #tpu.memory_space<vmem>> -> memref<64x128xf32, #tpu.memory_space<vmem>>
        %dma_wait3A_1136 = arith.constant 0 : i32
        %dma_wait3A_1137 = arith.constant 0 : i32
        %dma_wait3A_1138 = tpu.memref_slice %arg2[%dma_wait3A_1136, %dma_wait3A_1137] : memref<10000x128xf32, #tpu.memory_space<hbm>> -> memref<64x128xf32, #tpu.memory_space<hbm>>
        tpu.wait_dma2 semaphore(%arg17 : memref<!tpu.dma_semaphore, #tpu.memory_space<semaphore_mem>>) src(%dma_wait3A_1138 : memref<64x128xf32, #tpu.memory_space<hbm>>) dst(%dma_wait3A_1135 : memref<64x128xf32, #tpu.memory_space<vmem>>)
        %dma_start3A_1139 = arith.constant 3 : i32
        %dma_start3A_1140 = arith.constant 64 : i32
        %dma_start3A_1141 = arith.constant 0 : i32
        %dma_start3A_1142 = tpu.memref_slice %arg9[%dma_start3A_1140, %dma_start3A_1141] : memref<256x128xf32, #tpu.memory_space<vmem>> -> memref<64x128xf32, #tpu.memory_space<vmem>>
        %dma_start3A_1143 = arith.constant 0 : i32
        %dma_start3A_1144 = tpu.memref_slice %arg11[%dma_start3A_1139, %dma_start3A_1143] : memref<6x64xi32, #tpu.memory_space<vmem>> -> memref<1x64xi32, #tpu.memory_space<vmem>>
        %dma_start3A_1145 = tpu.memref_squeeze %dma_start3A_1144 : memref<1x64xi32, #tpu.memory_space<vmem>> -> memref<64xi32, #tpu.memory_space<vmem>>
        %dma_start3A_1146 = arith.constant 0 : i32
        %dma_start3A_1147 = arith.constant 0 : i32
        %dma_start3A_1148 = tpu.memref_slice %arg8[%dma_start3A_1146, %dma_start3A_1147] : memref<10240x128xf32, #tpu.memory_space<vmem_shared>> -> memref<10240x128xf32, #tpu.memory_space<vmem_shared>>
        tpu.enqueue_indirect_dma source(%dma_start3A_1142 : memref<64x128xf32, #tpu.memory_space<vmem>>) target(%dma_start3A_1148 : memref<10240x128xf32, #tpu.memory_space<vmem_shared>>) offsets(%dma_start3A_1145 : memref<64xi32, #tpu.memory_space<vmem>>) semaphore(%arg21 : memref<!tpu.dma_semaphore, #tpu.memory_space<semaphore_mem>>) {add = true}
        %mul3A_1149 = arith.constant 12 : i32
        %mul3A_1150 = arith.muli %mul3A_1149, %scan3A_348 : i32
        %add3A_1151 = arith.constant 2 : i32
        %add3A_1152 = arith.addi %mul3A_1150, %add3A_1151 : i32
        %add3A_1153 = arith.constant 8 : i32
        %add3A_1154 = arith.addi %add3A_1152, %add3A_1153 : i32
        %dma_wait3A_1155 = arith.constant 0 : i32
        %dma_wait3A_1156 = arith.constant 0 : i32
        %dma_wait3A_1157 = tpu.memref_slice %arg9[%dma_wait3A_1155, %dma_wait3A_1156] : memref<256x128xf32, #tpu.memory_space<vmem>> -> memref<64x128xf32, #tpu.memory_space<vmem>>
        %dma_wait3A_1158 = arith.constant 0 : i32
        %dma_wait3A_1159 = arith.constant 0 : i32
        %dma_wait3A_1160 = tpu.memref_slice %arg8[%dma_wait3A_1158, %dma_wait3A_1159] : memref<10240x128xf32, #tpu.memory_space<vmem_shared>> -> memref<64x128xf32, #tpu.memory_space<vmem_shared>>
        %dma_wait3A_1161 = arith.constant 0 : i32
        %dma_wait3A_1162 = arith.constant 0 : i32
        %dma_wait3A_1163 = tpu.memref_slice %arg8[%dma_wait3A_1161, %dma_wait3A_1162] : memref<10240x128xf32, #tpu.memory_space<vmem_shared>> -> memref<64x128xf32, #tpu.memory_space<vmem_shared>>
        %dma_wait3A_1164 = arith.constant 0 : i32
        %dma_wait3A_1165 = arith.constant 0 : i32
        %dma_wait3A_1166 = tpu.memref_slice %arg9[%dma_wait3A_1164, %dma_wait3A_1165] : memref<256x128xf32, #tpu.memory_space<vmem>> -> memref<64x128xf32, #tpu.memory_space<vmem>>
        tpu.wait_dma2 semaphore(%arg20 : memref<!tpu.dma_semaphore, #tpu.memory_space<semaphore_mem>>) src(%dma_wait3A_1166 : memref<64x128xf32, #tpu.memory_space<vmem>>) dst(%dma_wait3A_1163 : memref<64x128xf32, #tpu.memory_space<vmem_shared>>)
        %dma_wait3A_1167 = arith.constant 0 : i32
        %dma_wait3A_1168 = arith.constant 0 : i32
        %dma_wait3A_1169 = tpu.memref_slice %arg10[%dma_wait3A_1167, %dma_wait3A_1168] : memref<4x64xi32, #tpu.memory_space<vmem>> -> memref<1x64xi32, #tpu.memory_space<vmem>>
        %dma_wait3A_1170 = tpu.memref_squeeze %dma_wait3A_1169 : memref<1x64xi32, #tpu.memory_space<vmem>> -> memref<64xi32, #tpu.memory_space<vmem>>
        %dma_wait3A_1171 = arith.constant 0 : i32
        %dma_wait3A_1172 = tpu.memref_slice %arg3[%dma_wait3A_1171] : memref<323840xi32, #tpu.memory_space<hbm>> -> memref<64xi32, #tpu.memory_space<hbm>>
        %dma_wait3A_1173 = arith.constant 0 : i32
        %dma_wait3A_1174 = tpu.memref_slice %arg10[%dma_wait3A_1167, %dma_wait3A_1173] : memref<4x64xi32, #tpu.memory_space<vmem>> -> memref<1x64xi32, #tpu.memory_space<vmem>>
        %dma_wait3A_1175 = tpu.memref_squeeze %dma_wait3A_1174 : memref<1x64xi32, #tpu.memory_space<vmem>> -> memref<64xi32, #tpu.memory_space<vmem>>
        %dma_wait3A_1176 = arith.constant 0 : i32
        %dma_wait3A_1177 = tpu.memref_slice %arg3[%dma_wait3A_1176] : memref<323840xi32, #tpu.memory_space<hbm>> -> memref<64xi32, #tpu.memory_space<hbm>>
        tpu.wait_dma2 semaphore(%arg22 : memref<!tpu.dma_semaphore, #tpu.memory_space<semaphore_mem>>) src(%dma_wait3A_1177 : memref<64xi32, #tpu.memory_space<hbm>>) dst(%dma_wait3A_1175 : memref<64xi32, #tpu.memory_space<vmem>>)
        %dma_start3A_1178 = arith.constant 0 : i32
        %dma_start3A_1179 = arith.constant 0 : i32
        %dma_start3A_1180 = arith.constant 0 : i32
        %dma_start3A_1181 = tpu.memref_slice %arg9[%dma_start3A_1179, %dma_start3A_1180] : memref<256x128xf32, #tpu.memory_space<vmem>> -> memref<64x128xf32, #tpu.memory_space<vmem>>
        %dma_start3A_1182 = arith.constant 0 : i32
        %dma_start3A_1183 = tpu.memref_slice %arg10[%dma_start3A_1178, %dma_start3A_1182] : memref<4x64xi32, #tpu.memory_space<vmem>> -> memref<1x64xi32, #tpu.memory_space<vmem>>
        %dma_start3A_1184 = tpu.memref_squeeze %dma_start3A_1183 : memref<1x64xi32, #tpu.memory_space<vmem>> -> memref<64xi32, #tpu.memory_space<vmem>>
        %dma_start3A_1185 = arith.constant 0 : i32
        %dma_start3A_1186 = arith.constant 0 : i32
        %dma_start3A_1187 = tpu.memref_slice %arg2[%dma_start3A_1185, %dma_start3A_1186] : memref<10000x128xf32, #tpu.memory_space<hbm>> -> memref<10000x128xf32, #tpu.memory_space<hbm>>
        tpu.enqueue_indirect_dma source(%dma_start3A_1187 : memref<10000x128xf32, #tpu.memory_space<hbm>>) target(%dma_start3A_1181 : memref<64x128xf32, #tpu.memory_space<vmem>>) offsets(%dma_start3A_1184 : memref<64xi32, #tpu.memory_space<vmem>>) semaphore(%arg16 : memref<!tpu.dma_semaphore, #tpu.memory_space<semaphore_mem>>)
        %add3A_1188 = arith.addi %mul3A_49, %add3A_1154 : i32
        %add3A_1189 = arith.constant 3 : i32
        %add3A_1190 = arith.addi %add3A_1188, %add3A_1189 : i32
        %mul3A_1191 = arith.constant 64 : i32
        %mul3A_1192 = arith.muli %add3A_1190, %mul3A_1191 : i32
        %dma_start3A_1193 = arith.constant 1 : i32
        %dma_start3A_1194 = arith.constant 0 : i32
        %dma_start3A_1195 = tpu.memref_slice %arg10[%dma_start3A_1193, %dma_start3A_1194] : memref<4x64xi32, #tpu.memory_space<vmem>> -> memref<1x64xi32, #tpu.memory_space<vmem>>
        %dma_start3A_1196 = tpu.memref_squeeze %dma_start3A_1195 : memref<1x64xi32, #tpu.memory_space<vmem>> -> memref<64xi32, #tpu.memory_space<vmem>>
        %dma_start3A_1197 = tpu.memref_slice %arg3[%mul3A_1192] : memref<323840xi32, #tpu.memory_space<hbm>> -> memref<64xi32, #tpu.memory_space<hbm>>
        %dma_start3A_1198 = arith.constant 0 : i32
        %dma_start3A_1199 = tpu.memref_slice %arg10[%dma_start3A_1193, %dma_start3A_1198] : memref<4x64xi32, #tpu.memory_space<vmem>> -> memref<1x64xi32, #tpu.memory_space<vmem>>
        %dma_start3A_1200 = tpu.memref_squeeze %dma_start3A_1199 : memref<1x64xi32, #tpu.memory_space<vmem>> -> memref<64xi32, #tpu.memory_space<vmem>>
        %dma_start3A_1201 = tpu.memref_slice %arg3[%mul3A_1192] : memref<323840xi32, #tpu.memory_space<hbm>> -> memref<64xi32, #tpu.memory_space<hbm>>
        tpu.enqueue_dma source(%dma_start3A_1201 : memref<64xi32, #tpu.memory_space<hbm>>) target(%dma_start3A_1200 : memref<64xi32, #tpu.memory_space<vmem>>) target_semaphore(%arg23 : memref<!tpu.dma_semaphore, #tpu.memory_space<semaphore_mem>>)
        %add3A_1202 = arith.addi %mul3A_49, %add3A_1154 : i32
        %add3A_1203 = arith.constant 3 : i32
        %add3A_1204 = arith.addi %add3A_1202, %add3A_1203 : i32
        %mul3A_1205 = arith.constant 64 : i32
        %mul3A_1206 = arith.muli %add3A_1204, %mul3A_1205 : i32
        %dma_start3A_1207 = arith.constant 1 : i32
        %dma_start3A_1208 = arith.constant 0 : i32
        %dma_start3A_1209 = tpu.memref_slice %arg11[%dma_start3A_1207, %dma_start3A_1208] : memref<6x64xi32, #tpu.memory_space<vmem>> -> memref<1x64xi32, #tpu.memory_space<vmem>>
        %dma_start3A_1210 = tpu.memref_squeeze %dma_start3A_1209 : memref<1x64xi32, #tpu.memory_space<vmem>> -> memref<64xi32, #tpu.memory_space<vmem>>
        %dma_start3A_1211 = tpu.memref_slice %arg4[%mul3A_1206] : memref<323840xi32, #tpu.memory_space<hbm>> -> memref<64xi32, #tpu.memory_space<hbm>>
        %dma_start3A_1212 = arith.constant 0 : i32
        %dma_start3A_1213 = tpu.memref_slice %arg11[%dma_start3A_1207, %dma_start3A_1212] : memref<6x64xi32, #tpu.memory_space<vmem>> -> memref<1x64xi32, #tpu.memory_space<vmem>>
        %dma_start3A_1214 = tpu.memref_squeeze %dma_start3A_1213 : memref<1x64xi32, #tpu.memory_space<vmem>> -> memref<64xi32, #tpu.memory_space<vmem>>
        %dma_start3A_1215 = tpu.memref_slice %arg4[%mul3A_1206] : memref<323840xi32, #tpu.memory_space<hbm>> -> memref<64xi32, #tpu.memory_space<hbm>>
        tpu.enqueue_dma source(%dma_start3A_1215 : memref<64xi32, #tpu.memory_space<hbm>>) target(%dma_start3A_1214 : memref<64xi32, #tpu.memory_space<vmem>>) target_semaphore(%arg27 : memref<!tpu.dma_semaphore, #tpu.memory_space<semaphore_mem>>)
        %dma_wait3A_1216 = arith.constant 4 : i32
        %dma_wait3A_1217 = arith.constant 0 : i32
        %dma_wait3A_1218 = tpu.memref_slice %arg11[%dma_wait3A_1216, %dma_wait3A_1217] : memref<6x64xi32, #tpu.memory_space<vmem>> -> memref<1x64xi32, #tpu.memory_space<vmem>>
        %dma_wait3A_1219 = tpu.memref_squeeze %dma_wait3A_1218 : memref<1x64xi32, #tpu.memory_space<vmem>> -> memref<64xi32, #tpu.memory_space<vmem>>
        %dma_wait3A_1220 = arith.constant 0 : i32
        %dma_wait3A_1221 = tpu.memref_slice %arg4[%dma_wait3A_1220] : memref<323840xi32, #tpu.memory_space<hbm>> -> memref<64xi32, #tpu.memory_space<hbm>>
        %dma_wait3A_1222 = arith.constant 0 : i32
        %dma_wait3A_1223 = tpu.memref_slice %arg11[%dma_wait3A_1216, %dma_wait3A_1222] : memref<6x64xi32, #tpu.memory_space<vmem>> -> memref<1x64xi32, #tpu.memory_space<vmem>>
        %dma_wait3A_1224 = tpu.memref_squeeze %dma_wait3A_1223 : memref<1x64xi32, #tpu.memory_space<vmem>> -> memref<64xi32, #tpu.memory_space<vmem>>
        %dma_wait3A_1225 = arith.constant 0 : i32
        %dma_wait3A_1226 = tpu.memref_slice %arg4[%dma_wait3A_1225] : memref<323840xi32, #tpu.memory_space<hbm>> -> memref<64xi32, #tpu.memory_space<hbm>>
        tpu.wait_dma2 semaphore(%arg30 : memref<!tpu.dma_semaphore, #tpu.memory_space<semaphore_mem>>) src(%dma_wait3A_1226 : memref<64xi32, #tpu.memory_space<hbm>>) dst(%dma_wait3A_1224 : memref<64xi32, #tpu.memory_space<vmem>>)
        %dma_wait3A_1227 = arith.constant 128 : i32
        %dma_wait3A_1228 = arith.constant 0 : i32
        %dma_wait3A_1229 = tpu.memref_slice %arg9[%dma_wait3A_1227, %dma_wait3A_1228] : memref<256x128xf32, #tpu.memory_space<vmem>> -> memref<64x128xf32, #tpu.memory_space<vmem>>
        %dma_wait3A_1230 = arith.constant 0 : i32
        %dma_wait3A_1231 = arith.constant 0 : i32
        %dma_wait3A_1232 = tpu.memref_slice %arg2[%dma_wait3A_1230, %dma_wait3A_1231] : memref<10000x128xf32, #tpu.memory_space<hbm>> -> memref<64x128xf32, #tpu.memory_space<hbm>>
        %dma_wait3A_1233 = arith.constant 128 : i32
        %dma_wait3A_1234 = arith.constant 0 : i32
        %dma_wait3A_1235 = tpu.memref_slice %arg9[%dma_wait3A_1233, %dma_wait3A_1234] : memref<256x128xf32, #tpu.memory_space<vmem>> -> memref<64x128xf32, #tpu.memory_space<vmem>>
        %dma_wait3A_1236 = arith.constant 0 : i32
        %dma_wait3A_1237 = arith.constant 0 : i32
        %dma_wait3A_1238 = tpu.memref_slice %arg2[%dma_wait3A_1236, %dma_wait3A_1237] : memref<10000x128xf32, #tpu.memory_space<hbm>> -> memref<64x128xf32, #tpu.memory_space<hbm>>
        tpu.wait_dma2 semaphore(%arg18 : memref<!tpu.dma_semaphore, #tpu.memory_space<semaphore_mem>>) src(%dma_wait3A_1238 : memref<64x128xf32, #tpu.memory_space<hbm>>) dst(%dma_wait3A_1235 : memref<64x128xf32, #tpu.memory_space<vmem>>)
        %dma_start3A_1239 = arith.constant 4 : i32
        %dma_start3A_1240 = arith.constant 128 : i32
        %dma_start3A_1241 = arith.constant 0 : i32
        %dma_start3A_1242 = tpu.memref_slice %arg9[%dma_start3A_1240, %dma_start3A_1241] : memref<256x128xf32, #tpu.memory_space<vmem>> -> memref<64x128xf32, #tpu.memory_space<vmem>>
        %dma_start3A_1243 = arith.constant 0 : i32
        %dma_start3A_1244 = tpu.memref_slice %arg11[%dma_start3A_1239, %dma_start3A_1243] : memref<6x64xi32, #tpu.memory_space<vmem>> -> memref<1x64xi32, #tpu.memory_space<vmem>>
        %dma_start3A_1245 = tpu.memref_squeeze %dma_start3A_1244 : memref<1x64xi32, #tpu.memory_space<vmem>> -> memref<64xi32, #tpu.memory_space<vmem>>
        %dma_start3A_1246 = arith.constant 0 : i32
        %dma_start3A_1247 = arith.constant 0 : i32
        %dma_start3A_1248 = tpu.memref_slice %arg8[%dma_start3A_1246, %dma_start3A_1247] : memref<10240x128xf32, #tpu.memory_space<vmem_shared>> -> memref<10240x128xf32, #tpu.memory_space<vmem_shared>>
        tpu.enqueue_indirect_dma source(%dma_start3A_1242 : memref<64x128xf32, #tpu.memory_space<vmem>>) target(%dma_start3A_1248 : memref<10240x128xf32, #tpu.memory_space<vmem_shared>>) offsets(%dma_start3A_1245 : memref<64xi32, #tpu.memory_space<vmem>>) semaphore(%arg20 : memref<!tpu.dma_semaphore, #tpu.memory_space<semaphore_mem>>) {add = true}
        %mul3A_1249 = arith.constant 12 : i32
        %mul3A_1250 = arith.muli %mul3A_1249, %scan3A_348 : i32
        %add3A_1251 = arith.constant 2 : i32
        %add3A_1252 = arith.addi %mul3A_1250, %add3A_1251 : i32
        %add3A_1253 = arith.constant 9 : i32
        %add3A_1254 = arith.addi %add3A_1252, %add3A_1253 : i32
        %dma_wait3A_1255 = arith.constant 0 : i32
        %dma_wait3A_1256 = arith.constant 0 : i32
        %dma_wait3A_1257 = tpu.memref_slice %arg9[%dma_wait3A_1255, %dma_wait3A_1256] : memref<256x128xf32, #tpu.memory_space<vmem>> -> memref<64x128xf32, #tpu.memory_space<vmem>>
        %dma_wait3A_1258 = arith.constant 0 : i32
        %dma_wait3A_1259 = arith.constant 0 : i32
        %dma_wait3A_1260 = tpu.memref_slice %arg8[%dma_wait3A_1258, %dma_wait3A_1259] : memref<10240x128xf32, #tpu.memory_space<vmem_shared>> -> memref<64x128xf32, #tpu.memory_space<vmem_shared>>
        %dma_wait3A_1261 = arith.constant 0 : i32
        %dma_wait3A_1262 = arith.constant 0 : i32
        %dma_wait3A_1263 = tpu.memref_slice %arg8[%dma_wait3A_1261, %dma_wait3A_1262] : memref<10240x128xf32, #tpu.memory_space<vmem_shared>> -> memref<64x128xf32, #tpu.memory_space<vmem_shared>>
        %dma_wait3A_1264 = arith.constant 0 : i32
        %dma_wait3A_1265 = arith.constant 0 : i32
        %dma_wait3A_1266 = tpu.memref_slice %arg9[%dma_wait3A_1264, %dma_wait3A_1265] : memref<256x128xf32, #tpu.memory_space<vmem>> -> memref<64x128xf32, #tpu.memory_space<vmem>>
        tpu.wait_dma2 semaphore(%arg21 : memref<!tpu.dma_semaphore, #tpu.memory_space<semaphore_mem>>) src(%dma_wait3A_1266 : memref<64x128xf32, #tpu.memory_space<vmem>>) dst(%dma_wait3A_1263 : memref<64x128xf32, #tpu.memory_space<vmem_shared>>)
        %dma_wait3A_1267 = arith.constant 1 : i32
        %dma_wait3A_1268 = arith.constant 0 : i32
        %dma_wait3A_1269 = tpu.memref_slice %arg10[%dma_wait3A_1267, %dma_wait3A_1268] : memref<4x64xi32, #tpu.memory_space<vmem>> -> memref<1x64xi32, #tpu.memory_space<vmem>>
        %dma_wait3A_1270 = tpu.memref_squeeze %dma_wait3A_1269 : memref<1x64xi32, #tpu.memory_space<vmem>> -> memref<64xi32, #tpu.memory_space<vmem>>
        %dma_wait3A_1271 = arith.constant 0 : i32
        %dma_wait3A_1272 = tpu.memref_slice %arg3[%dma_wait3A_1271] : memref<323840xi32, #tpu.memory_space<hbm>> -> memref<64xi32, #tpu.memory_space<hbm>>
        %dma_wait3A_1273 = arith.constant 0 : i32
        %dma_wait3A_1274 = tpu.memref_slice %arg10[%dma_wait3A_1267, %dma_wait3A_1273] : memref<4x64xi32, #tpu.memory_space<vmem>> -> memref<1x64xi32, #tpu.memory_space<vmem>>
        %dma_wait3A_1275 = tpu.memref_squeeze %dma_wait3A_1274 : memref<1x64xi32, #tpu.memory_space<vmem>> -> memref<64xi32, #tpu.memory_space<vmem>>
        %dma_wait3A_1276 = arith.constant 0 : i32
        %dma_wait3A_1277 = tpu.memref_slice %arg3[%dma_wait3A_1276] : memref<323840xi32, #tpu.memory_space<hbm>> -> memref<64xi32, #tpu.memory_space<hbm>>
        tpu.wait_dma2 semaphore(%arg23 : memref<!tpu.dma_semaphore, #tpu.memory_space<semaphore_mem>>) src(%dma_wait3A_1277 : memref<64xi32, #tpu.memory_space<hbm>>) dst(%dma_wait3A_1275 : memref<64xi32, #tpu.memory_space<vmem>>)
        %dma_start3A_1278 = arith.constant 1 : i32
        %dma_start3A_1279 = arith.constant 64 : i32
        %dma_start3A_1280 = arith.constant 0 : i32
        %dma_start3A_1281 = tpu.memref_slice %arg9[%dma_start3A_1279, %dma_start3A_1280] : memref<256x128xf32, #tpu.memory_space<vmem>> -> memref<64x128xf32, #tpu.memory_space<vmem>>
        %dma_start3A_1282 = arith.constant 0 : i32
        %dma_start3A_1283 = tpu.memref_slice %arg10[%dma_start3A_1278, %dma_start3A_1282] : memref<4x64xi32, #tpu.memory_space<vmem>> -> memref<1x64xi32, #tpu.memory_space<vmem>>
        %dma_start3A_1284 = tpu.memref_squeeze %dma_start3A_1283 : memref<1x64xi32, #tpu.memory_space<vmem>> -> memref<64xi32, #tpu.memory_space<vmem>>
        %dma_start3A_1285 = arith.constant 0 : i32
        %dma_start3A_1286 = arith.constant 0 : i32
        %dma_start3A_1287 = tpu.memref_slice %arg2[%dma_start3A_1285, %dma_start3A_1286] : memref<10000x128xf32, #tpu.memory_space<hbm>> -> memref<10000x128xf32, #tpu.memory_space<hbm>>
        tpu.enqueue_indirect_dma source(%dma_start3A_1287 : memref<10000x128xf32, #tpu.memory_space<hbm>>) target(%dma_start3A_1281 : memref<64x128xf32, #tpu.memory_space<vmem>>) offsets(%dma_start3A_1284 : memref<64xi32, #tpu.memory_space<vmem>>) semaphore(%arg17 : memref<!tpu.dma_semaphore, #tpu.memory_space<semaphore_mem>>)
        %add3A_1288 = arith.addi %mul3A_49, %add3A_1254 : i32
        %add3A_1289 = arith.constant 3 : i32
        %add3A_1290 = arith.addi %add3A_1288, %add3A_1289 : i32
        %mul3A_1291 = arith.constant 64 : i32
        %mul3A_1292 = arith.muli %add3A_1290, %mul3A_1291 : i32
        %dma_start3A_1293 = arith.constant 2 : i32
        %dma_start3A_1294 = arith.constant 0 : i32
        %dma_start3A_1295 = tpu.memref_slice %arg10[%dma_start3A_1293, %dma_start3A_1294] : memref<4x64xi32, #tpu.memory_space<vmem>> -> memref<1x64xi32, #tpu.memory_space<vmem>>
        %dma_start3A_1296 = tpu.memref_squeeze %dma_start3A_1295 : memref<1x64xi32, #tpu.memory_space<vmem>> -> memref<64xi32, #tpu.memory_space<vmem>>
        %dma_start3A_1297 = tpu.memref_slice %arg3[%mul3A_1292] : memref<323840xi32, #tpu.memory_space<hbm>> -> memref<64xi32, #tpu.memory_space<hbm>>
        %dma_start3A_1298 = arith.constant 0 : i32
        %dma_start3A_1299 = tpu.memref_slice %arg10[%dma_start3A_1293, %dma_start3A_1298] : memref<4x64xi32, #tpu.memory_space<vmem>> -> memref<1x64xi32, #tpu.memory_space<vmem>>
        %dma_start3A_1300 = tpu.memref_squeeze %dma_start3A_1299 : memref<1x64xi32, #tpu.memory_space<vmem>> -> memref<64xi32, #tpu.memory_space<vmem>>
        %dma_start3A_1301 = tpu.memref_slice %arg3[%mul3A_1292] : memref<323840xi32, #tpu.memory_space<hbm>> -> memref<64xi32, #tpu.memory_space<hbm>>
        tpu.enqueue_dma source(%dma_start3A_1301 : memref<64xi32, #tpu.memory_space<hbm>>) target(%dma_start3A_1300 : memref<64xi32, #tpu.memory_space<vmem>>) target_semaphore(%arg24 : memref<!tpu.dma_semaphore, #tpu.memory_space<semaphore_mem>>)
        %add3A_1302 = arith.addi %mul3A_49, %add3A_1254 : i32
        %add3A_1303 = arith.constant 3 : i32
        %add3A_1304 = arith.addi %add3A_1302, %add3A_1303 : i32
        %mul3A_1305 = arith.constant 64 : i32
        %mul3A_1306 = arith.muli %add3A_1304, %mul3A_1305 : i32
        %dma_start3A_1307 = arith.constant 2 : i32
        %dma_start3A_1308 = arith.constant 0 : i32
        %dma_start3A_1309 = tpu.memref_slice %arg11[%dma_start3A_1307, %dma_start3A_1308] : memref<6x64xi32, #tpu.memory_space<vmem>> -> memref<1x64xi32, #tpu.memory_space<vmem>>
        %dma_start3A_1310 = tpu.memref_squeeze %dma_start3A_1309 : memref<1x64xi32, #tpu.memory_space<vmem>> -> memref<64xi32, #tpu.memory_space<vmem>>
        %dma_start3A_1311 = tpu.memref_slice %arg4[%mul3A_1306] : memref<323840xi32, #tpu.memory_space<hbm>> -> memref<64xi32, #tpu.memory_space<hbm>>
        %dma_start3A_1312 = arith.constant 0 : i32
        %dma_start3A_1313 = tpu.memref_slice %arg11[%dma_start3A_1307, %dma_start3A_1312] : memref<6x64xi32, #tpu.memory_space<vmem>> -> memref<1x64xi32, #tpu.memory_space<vmem>>
        %dma_start3A_1314 = tpu.memref_squeeze %dma_start3A_1313 : memref<1x64xi32, #tpu.memory_space<vmem>> -> memref<64xi32, #tpu.memory_space<vmem>>
        %dma_start3A_1315 = tpu.memref_slice %arg4[%mul3A_1306] : memref<323840xi32, #tpu.memory_space<hbm>> -> memref<64xi32, #tpu.memory_space<hbm>>
        tpu.enqueue_dma source(%dma_start3A_1315 : memref<64xi32, #tpu.memory_space<hbm>>) target(%dma_start3A_1314 : memref<64xi32, #tpu.memory_space<vmem>>) target_semaphore(%arg28 : memref<!tpu.dma_semaphore, #tpu.memory_space<semaphore_mem>>)
        %dma_wait3A_1316 = arith.constant 5 : i32
        %dma_wait3A_1317 = arith.constant 0 : i32
        %dma_wait3A_1318 = tpu.memref_slice %arg11[%dma_wait3A_1316, %dma_wait3A_1317] : memref<6x64xi32, #tpu.memory_space<vmem>> -> memref<1x64xi32, #tpu.memory_space<vmem>>
        %dma_wait3A_1319 = tpu.memref_squeeze %dma_wait3A_1318 : memref<1x64xi32, #tpu.memory_space<vmem>> -> memref<64xi32, #tpu.memory_space<vmem>>
        %dma_wait3A_1320 = arith.constant 0 : i32
        %dma_wait3A_1321 = tpu.memref_slice %arg4[%dma_wait3A_1320] : memref<323840xi32, #tpu.memory_space<hbm>> -> memref<64xi32, #tpu.memory_space<hbm>>
        %dma_wait3A_1322 = arith.constant 0 : i32
        %dma_wait3A_1323 = tpu.memref_slice %arg11[%dma_wait3A_1316, %dma_wait3A_1322] : memref<6x64xi32, #tpu.memory_space<vmem>> -> memref<1x64xi32, #tpu.memory_space<vmem>>
        %dma_wait3A_1324 = tpu.memref_squeeze %dma_wait3A_1323 : memref<1x64xi32, #tpu.memory_space<vmem>> -> memref<64xi32, #tpu.memory_space<vmem>>
        %dma_wait3A_1325 = arith.constant 0 : i32
        %dma_wait3A_1326 = tpu.memref_slice %arg4[%dma_wait3A_1325] : memref<323840xi32, #tpu.memory_space<hbm>> -> memref<64xi32, #tpu.memory_space<hbm>>
        tpu.wait_dma2 semaphore(%arg31 : memref<!tpu.dma_semaphore, #tpu.memory_space<semaphore_mem>>) src(%dma_wait3A_1326 : memref<64xi32, #tpu.memory_space<hbm>>) dst(%dma_wait3A_1324 : memref<64xi32, #tpu.memory_space<vmem>>)
        %dma_wait3A_1327 = arith.constant 192 : i32
        %dma_wait3A_1328 = arith.constant 0 : i32
        %dma_wait3A_1329 = tpu.memref_slice %arg9[%dma_wait3A_1327, %dma_wait3A_1328] : memref<256x128xf32, #tpu.memory_space<vmem>> -> memref<64x128xf32, #tpu.memory_space<vmem>>
        %dma_wait3A_1330 = arith.constant 0 : i32
        %dma_wait3A_1331 = arith.constant 0 : i32
        %dma_wait3A_1332 = tpu.memref_slice %arg2[%dma_wait3A_1330, %dma_wait3A_1331] : memref<10000x128xf32, #tpu.memory_space<hbm>> -> memref<64x128xf32, #tpu.memory_space<hbm>>
        %dma_wait3A_1333 = arith.constant 192 : i32
        %dma_wait3A_1334 = arith.constant 0 : i32
        %dma_wait3A_1335 = tpu.memref_slice %arg9[%dma_wait3A_1333, %dma_wait3A_1334] : memref<256x128xf32, #tpu.memory_space<vmem>> -> memref<64x128xf32, #tpu.memory_space<vmem>>
        %dma_wait3A_1336 = arith.constant 0 : i32
        %dma_wait3A_1337 = arith.constant 0 : i32
        %dma_wait3A_1338 = tpu.memref_slice %arg2[%dma_wait3A_1336, %dma_wait3A_1337] : memref<10000x128xf32, #tpu.memory_space<hbm>> -> memref<64x128xf32, #tpu.memory_space<hbm>>
        tpu.wait_dma2 semaphore(%arg19 : memref<!tpu.dma_semaphore, #tpu.memory_space<semaphore_mem>>) src(%dma_wait3A_1338 : memref<64x128xf32, #tpu.memory_space<hbm>>) dst(%dma_wait3A_1335 : memref<64x128xf32, #tpu.memory_space<vmem>>)
        %dma_start3A_1339 = arith.constant 5 : i32
        %dma_start3A_1340 = arith.constant 192 : i32
        %dma_start3A_1341 = arith.constant 0 : i32
        %dma_start3A_1342 = tpu.memref_slice %arg9[%dma_start3A_1340, %dma_start3A_1341] : memref<256x128xf32, #tpu.memory_space<vmem>> -> memref<64x128xf32, #tpu.memory_space<vmem>>
        %dma_start3A_1343 = arith.constant 0 : i32
        %dma_start3A_1344 = tpu.memref_slice %arg11[%dma_start3A_1339, %dma_start3A_1343] : memref<6x64xi32, #tpu.memory_space<vmem>> -> memref<1x64xi32, #tpu.memory_space<vmem>>
        %dma_start3A_1345 = tpu.memref_squeeze %dma_start3A_1344 : memref<1x64xi32, #tpu.memory_space<vmem>> -> memref<64xi32, #tpu.memory_space<vmem>>
        %dma_start3A_1346 = arith.constant 0 : i32
        %dma_start3A_1347 = arith.constant 0 : i32
        %dma_start3A_1348 = tpu.memref_slice %arg8[%dma_start3A_1346, %dma_start3A_1347] : memref<10240x128xf32, #tpu.memory_space<vmem_shared>> -> memref<10240x128xf32, #tpu.memory_space<vmem_shared>>
        tpu.enqueue_indirect_dma source(%dma_start3A_1342 : memref<64x128xf32, #tpu.memory_space<vmem>>) target(%dma_start3A_1348 : memref<10240x128xf32, #tpu.memory_space<vmem_shared>>) offsets(%dma_start3A_1345 : memref<64xi32, #tpu.memory_space<vmem>>) semaphore(%arg21 : memref<!tpu.dma_semaphore, #tpu.memory_space<semaphore_mem>>) {add = true}
        %mul3A_1349 = arith.constant 12 : i32
        %mul3A_1350 = arith.muli %mul3A_1349, %scan3A_348 : i32
        %add3A_1351 = arith.constant 2 : i32
        %add3A_1352 = arith.addi %mul3A_1350, %add3A_1351 : i32
        %add3A_1353 = arith.constant 10 : i32
        %add3A_1354 = arith.addi %add3A_1352, %add3A_1353 : i32
        %dma_wait3A_1355 = arith.constant 0 : i32
        %dma_wait3A_1356 = arith.constant 0 : i32
        %dma_wait3A_1357 = tpu.memref_slice %arg9[%dma_wait3A_1355, %dma_wait3A_1356] : memref<256x128xf32, #tpu.memory_space<vmem>> -> memref<64x128xf32, #tpu.memory_space<vmem>>
        %dma_wait3A_1358 = arith.constant 0 : i32
        %dma_wait3A_1359 = arith.constant 0 : i32
        %dma_wait3A_1360 = tpu.memref_slice %arg8[%dma_wait3A_1358, %dma_wait3A_1359] : memref<10240x128xf32, #tpu.memory_space<vmem_shared>> -> memref<64x128xf32, #tpu.memory_space<vmem_shared>>
        %dma_wait3A_1361 = arith.constant 0 : i32
        %dma_wait3A_1362 = arith.constant 0 : i32
        %dma_wait3A_1363 = tpu.memref_slice %arg8[%dma_wait3A_1361, %dma_wait3A_1362] : memref<10240x128xf32, #tpu.memory_space<vmem_shared>> -> memref<64x128xf32, #tpu.memory_space<vmem_shared>>
        %dma_wait3A_1364 = arith.constant 0 : i32
        %dma_wait3A_1365 = arith.constant 0 : i32
        %dma_wait3A_1366 = tpu.memref_slice %arg9[%dma_wait3A_1364, %dma_wait3A_1365] : memref<256x128xf32, #tpu.memory_space<vmem>> -> memref<64x128xf32, #tpu.memory_space<vmem>>
        tpu.wait_dma2 semaphore(%arg20 : memref<!tpu.dma_semaphore, #tpu.memory_space<semaphore_mem>>) src(%dma_wait3A_1366 : memref<64x128xf32, #tpu.memory_space<vmem>>) dst(%dma_wait3A_1363 : memref<64x128xf32, #tpu.memory_space<vmem_shared>>)
        %dma_wait3A_1367 = arith.constant 2 : i32
        %dma_wait3A_1368 = arith.constant 0 : i32
        %dma_wait3A_1369 = tpu.memref_slice %arg10[%dma_wait3A_1367, %dma_wait3A_1368] : memref<4x64xi32, #tpu.memory_space<vmem>> -> memref<1x64xi32, #tpu.memory_space<vmem>>
        %dma_wait3A_1370 = tpu.memref_squeeze %dma_wait3A_1369 : memref<1x64xi32, #tpu.memory_space<vmem>> -> memref<64xi32, #tpu.memory_space<vmem>>
        %dma_wait3A_1371 = arith.constant 0 : i32
        %dma_wait3A_1372 = tpu.memref_slice %arg3[%dma_wait3A_1371] : memref<323840xi32, #tpu.memory_space<hbm>> -> memref<64xi32, #tpu.memory_space<hbm>>
        %dma_wait3A_1373 = arith.constant 0 : i32
        %dma_wait3A_1374 = tpu.memref_slice %arg10[%dma_wait3A_1367, %dma_wait3A_1373] : memref<4x64xi32, #tpu.memory_space<vmem>> -> memref<1x64xi32, #tpu.memory_space<vmem>>
        %dma_wait3A_1375 = tpu.memref_squeeze %dma_wait3A_1374 : memref<1x64xi32, #tpu.memory_space<vmem>> -> memref<64xi32, #tpu.memory_space<vmem>>
        %dma_wait3A_1376 = arith.constant 0 : i32
        %dma_wait3A_1377 = tpu.memref_slice %arg3[%dma_wait3A_1376] : memref<323840xi32, #tpu.memory_space<hbm>> -> memref<64xi32, #tpu.memory_space<hbm>>
        tpu.wait_dma2 semaphore(%arg24 : memref<!tpu.dma_semaphore, #tpu.memory_space<semaphore_mem>>) src(%dma_wait3A_1377 : memref<64xi32, #tpu.memory_space<hbm>>) dst(%dma_wait3A_1375 : memref<64xi32, #tpu.memory_space<vmem>>)
        %dma_start3A_1378 = arith.constant 2 : i32
        %dma_start3A_1379 = arith.constant 128 : i32
        %dma_start3A_1380 = arith.constant 0 : i32
        %dma_start3A_1381 = tpu.memref_slice %arg9[%dma_start3A_1379, %dma_start3A_1380] : memref<256x128xf32, #tpu.memory_space<vmem>> -> memref<64x128xf32, #tpu.memory_space<vmem>>
        %dma_start3A_1382 = arith.constant 0 : i32
        %dma_start3A_1383 = tpu.memref_slice %arg10[%dma_start3A_1378, %dma_start3A_1382] : memref<4x64xi32, #tpu.memory_space<vmem>> -> memref<1x64xi32, #tpu.memory_space<vmem>>
        %dma_start3A_1384 = tpu.memref_squeeze %dma_start3A_1383 : memref<1x64xi32, #tpu.memory_space<vmem>> -> memref<64xi32, #tpu.memory_space<vmem>>
        %dma_start3A_1385 = arith.constant 0 : i32
        %dma_start3A_1386 = arith.constant 0 : i32
        %dma_start3A_1387 = tpu.memref_slice %arg2[%dma_start3A_1385, %dma_start3A_1386] : memref<10000x128xf32, #tpu.memory_space<hbm>> -> memref<10000x128xf32, #tpu.memory_space<hbm>>
        tpu.enqueue_indirect_dma source(%dma_start3A_1387 : memref<10000x128xf32, #tpu.memory_space<hbm>>) target(%dma_start3A_1381 : memref<64x128xf32, #tpu.memory_space<vmem>>) offsets(%dma_start3A_1384 : memref<64xi32, #tpu.memory_space<vmem>>) semaphore(%arg18 : memref<!tpu.dma_semaphore, #tpu.memory_space<semaphore_mem>>)
        %add3A_1388 = arith.addi %mul3A_49, %add3A_1354 : i32
        %add3A_1389 = arith.constant 3 : i32
        %add3A_1390 = arith.addi %add3A_1388, %add3A_1389 : i32
        %mul3A_1391 = arith.constant 64 : i32
        %mul3A_1392 = arith.muli %add3A_1390, %mul3A_1391 : i32
        %dma_start3A_1393 = arith.constant 3 : i32
        %dma_start3A_1394 = arith.constant 0 : i32
        %dma_start3A_1395 = tpu.memref_slice %arg10[%dma_start3A_1393, %dma_start3A_1394] : memref<4x64xi32, #tpu.memory_space<vmem>> -> memref<1x64xi32, #tpu.memory_space<vmem>>
        %dma_start3A_1396 = tpu.memref_squeeze %dma_start3A_1395 : memref<1x64xi32, #tpu.memory_space<vmem>> -> memref<64xi32, #tpu.memory_space<vmem>>
        %dma_start3A_1397 = tpu.memref_slice %arg3[%mul3A_1392] : memref<323840xi32, #tpu.memory_space<hbm>> -> memref<64xi32, #tpu.memory_space<hbm>>
        %dma_start3A_1398 = arith.constant 0 : i32
        %dma_start3A_1399 = tpu.memref_slice %arg10[%dma_start3A_1393, %dma_start3A_1398] : memref<4x64xi32, #tpu.memory_space<vmem>> -> memref<1x64xi32, #tpu.memory_space<vmem>>
        %dma_start3A_1400 = tpu.memref_squeeze %dma_start3A_1399 : memref<1x64xi32, #tpu.memory_space<vmem>> -> memref<64xi32, #tpu.memory_space<vmem>>
        %dma_start3A_1401 = tpu.memref_slice %arg3[%mul3A_1392] : memref<323840xi32, #tpu.memory_space<hbm>> -> memref<64xi32, #tpu.memory_space<hbm>>
        tpu.enqueue_dma source(%dma_start3A_1401 : memref<64xi32, #tpu.memory_space<hbm>>) target(%dma_start3A_1400 : memref<64xi32, #tpu.memory_space<vmem>>) target_semaphore(%arg25 : memref<!tpu.dma_semaphore, #tpu.memory_space<semaphore_mem>>)
        %add3A_1402 = arith.addi %mul3A_49, %add3A_1354 : i32
        %add3A_1403 = arith.constant 3 : i32
        %add3A_1404 = arith.addi %add3A_1402, %add3A_1403 : i32
        %mul3A_1405 = arith.constant 64 : i32
        %mul3A_1406 = arith.muli %add3A_1404, %mul3A_1405 : i32
        %dma_start3A_1407 = arith.constant 3 : i32
        %dma_start3A_1408 = arith.constant 0 : i32
        %dma_start3A_1409 = tpu.memref_slice %arg11[%dma_start3A_1407, %dma_start3A_1408] : memref<6x64xi32, #tpu.memory_space<vmem>> -> memref<1x64xi32, #tpu.memory_space<vmem>>
        %dma_start3A_1410 = tpu.memref_squeeze %dma_start3A_1409 : memref<1x64xi32, #tpu.memory_space<vmem>> -> memref<64xi32, #tpu.memory_space<vmem>>
        %dma_start3A_1411 = tpu.memref_slice %arg4[%mul3A_1406] : memref<323840xi32, #tpu.memory_space<hbm>> -> memref<64xi32, #tpu.memory_space<hbm>>
        %dma_start3A_1412 = arith.constant 0 : i32
        %dma_start3A_1413 = tpu.memref_slice %arg11[%dma_start3A_1407, %dma_start3A_1412] : memref<6x64xi32, #tpu.memory_space<vmem>> -> memref<1x64xi32, #tpu.memory_space<vmem>>
        %dma_start3A_1414 = tpu.memref_squeeze %dma_start3A_1413 : memref<1x64xi32, #tpu.memory_space<vmem>> -> memref<64xi32, #tpu.memory_space<vmem>>
        %dma_start3A_1415 = tpu.memref_slice %arg4[%mul3A_1406] : memref<323840xi32, #tpu.memory_space<hbm>> -> memref<64xi32, #tpu.memory_space<hbm>>
        tpu.enqueue_dma source(%dma_start3A_1415 : memref<64xi32, #tpu.memory_space<hbm>>) target(%dma_start3A_1414 : memref<64xi32, #tpu.memory_space<vmem>>) target_semaphore(%arg29 : memref<!tpu.dma_semaphore, #tpu.memory_space<semaphore_mem>>)
        %dma_wait3A_1416 = arith.constant 0 : i32
        %dma_wait3A_1417 = arith.constant 0 : i32
        %dma_wait3A_1418 = tpu.memref_slice %arg11[%dma_wait3A_1416, %dma_wait3A_1417] : memref<6x64xi32, #tpu.memory_space<vmem>> -> memref<1x64xi32, #tpu.memory_space<vmem>>
        %dma_wait3A_1419 = tpu.memref_squeeze %dma_wait3A_1418 : memref<1x64xi32, #tpu.memory_space<vmem>> -> memref<64xi32, #tpu.memory_space<vmem>>
        %dma_wait3A_1420 = arith.constant 0 : i32
        %dma_wait3A_1421 = tpu.memref_slice %arg4[%dma_wait3A_1420] : memref<323840xi32, #tpu.memory_space<hbm>> -> memref<64xi32, #tpu.memory_space<hbm>>
        %dma_wait3A_1422 = arith.constant 0 : i32
        %dma_wait3A_1423 = tpu.memref_slice %arg11[%dma_wait3A_1416, %dma_wait3A_1422] : memref<6x64xi32, #tpu.memory_space<vmem>> -> memref<1x64xi32, #tpu.memory_space<vmem>>
        %dma_wait3A_1424 = tpu.memref_squeeze %dma_wait3A_1423 : memref<1x64xi32, #tpu.memory_space<vmem>> -> memref<64xi32, #tpu.memory_space<vmem>>
        %dma_wait3A_1425 = arith.constant 0 : i32
        %dma_wait3A_1426 = tpu.memref_slice %arg4[%dma_wait3A_1425] : memref<323840xi32, #tpu.memory_space<hbm>> -> memref<64xi32, #tpu.memory_space<hbm>>
        tpu.wait_dma2 semaphore(%arg26 : memref<!tpu.dma_semaphore, #tpu.memory_space<semaphore_mem>>) src(%dma_wait3A_1426 : memref<64xi32, #tpu.memory_space<hbm>>) dst(%dma_wait3A_1424 : memref<64xi32, #tpu.memory_space<vmem>>)
        %dma_wait3A_1427 = arith.constant 0 : i32
        %dma_wait3A_1428 = arith.constant 0 : i32
        %dma_wait3A_1429 = tpu.memref_slice %arg9[%dma_wait3A_1427, %dma_wait3A_1428] : memref<256x128xf32, #tpu.memory_space<vmem>> -> memref<64x128xf32, #tpu.memory_space<vmem>>
        %dma_wait3A_1430 = arith.constant 0 : i32
        %dma_wait3A_1431 = arith.constant 0 : i32
        %dma_wait3A_1432 = tpu.memref_slice %arg2[%dma_wait3A_1430, %dma_wait3A_1431] : memref<10000x128xf32, #tpu.memory_space<hbm>> -> memref<64x128xf32, #tpu.memory_space<hbm>>
        %dma_wait3A_1433 = arith.constant 0 : i32
        %dma_wait3A_1434 = arith.constant 0 : i32
        %dma_wait3A_1435 = tpu.memref_slice %arg9[%dma_wait3A_1433, %dma_wait3A_1434] : memref<256x128xf32, #tpu.memory_space<vmem>> -> memref<64x128xf32, #tpu.memory_space<vmem>>
        %dma_wait3A_1436 = arith.constant 0 : i32
        %dma_wait3A_1437 = arith.constant 0 : i32
        %dma_wait3A_1438 = tpu.memref_slice %arg2[%dma_wait3A_1436, %dma_wait3A_1437] : memref<10000x128xf32, #tpu.memory_space<hbm>> -> memref<64x128xf32, #tpu.memory_space<hbm>>
        tpu.wait_dma2 semaphore(%arg16 : memref<!tpu.dma_semaphore, #tpu.memory_space<semaphore_mem>>) src(%dma_wait3A_1438 : memref<64x128xf32, #tpu.memory_space<hbm>>) dst(%dma_wait3A_1435 : memref<64x128xf32, #tpu.memory_space<vmem>>)
        %dma_start3A_1439 = arith.constant 0 : i32
        %dma_start3A_1440 = arith.constant 0 : i32
        %dma_start3A_1441 = arith.constant 0 : i32
        %dma_start3A_1442 = tpu.memref_slice %arg9[%dma_start3A_1440, %dma_start3A_1441] : memref<256x128xf32, #tpu.memory_space<vmem>> -> memref<64x128xf32, #tpu.memory_space<vmem>>
        %dma_start3A_1443 = arith.constant 0 : i32
        %dma_start3A_1444 = tpu.memref_slice %arg11[%dma_start3A_1439, %dma_start3A_1443] : memref<6x64xi32, #tpu.memory_space<vmem>> -> memref<1x64xi32, #tpu.memory_space<vmem>>
        %dma_start3A_1445 = tpu.memref_squeeze %dma_start3A_1444 : memref<1x64xi32, #tpu.memory_space<vmem>> -> memref<64xi32, #tpu.memory_space<vmem>>
        %dma_start3A_1446 = arith.constant 0 : i32
        %dma_start3A_1447 = arith.constant 0 : i32
        %dma_start3A_1448 = tpu.memref_slice %arg8[%dma_start3A_1446, %dma_start3A_1447] : memref<10240x128xf32, #tpu.memory_space<vmem_shared>> -> memref<10240x128xf32, #tpu.memory_space<vmem_shared>>
        tpu.enqueue_indirect_dma source(%dma_start3A_1442 : memref<64x128xf32, #tpu.memory_space<vmem>>) target(%dma_start3A_1448 : memref<10240x128xf32, #tpu.memory_space<vmem_shared>>) offsets(%dma_start3A_1445 : memref<64xi32, #tpu.memory_space<vmem>>) semaphore(%arg20 : memref<!tpu.dma_semaphore, #tpu.memory_space<semaphore_mem>>) {add = true}
        %mul3A_1449 = arith.constant 12 : i32
        %mul3A_1450 = arith.muli %mul3A_1449, %scan3A_348 : i32
        %add3A_1451 = arith.constant 2 : i32
        %add3A_1452 = arith.addi %mul3A_1450, %add3A_1451 : i32
        %add3A_1453 = arith.constant 11 : i32
        %add3A_1454 = arith.addi %add3A_1452, %add3A_1453 : i32
        %dma_wait3A_1455 = arith.constant 0 : i32
        %dma_wait3A_1456 = arith.constant 0 : i32
        %dma_wait3A_1457 = tpu.memref_slice %arg9[%dma_wait3A_1455, %dma_wait3A_1456] : memref<256x128xf32, #tpu.memory_space<vmem>> -> memref<64x128xf32, #tpu.memory_space<vmem>>
        %dma_wait3A_1458 = arith.constant 0 : i32
        %dma_wait3A_1459 = arith.constant 0 : i32
        %dma_wait3A_1460 = tpu.memref_slice %arg8[%dma_wait3A_1458, %dma_wait3A_1459] : memref<10240x128xf32, #tpu.memory_space<vmem_shared>> -> memref<64x128xf32, #tpu.memory_space<vmem_shared>>
        %dma_wait3A_1461 = arith.constant 0 : i32
        %dma_wait3A_1462 = arith.constant 0 : i32
        %dma_wait3A_1463 = tpu.memref_slice %arg8[%dma_wait3A_1461, %dma_wait3A_1462] : memref<10240x128xf32, #tpu.memory_space<vmem_shared>> -> memref<64x128xf32, #tpu.memory_space<vmem_shared>>
        %dma_wait3A_1464 = arith.constant 0 : i32
        %dma_wait3A_1465 = arith.constant 0 : i32
        %dma_wait3A_1466 = tpu.memref_slice %arg9[%dma_wait3A_1464, %dma_wait3A_1465] : memref<256x128xf32, #tpu.memory_space<vmem>> -> memref<64x128xf32, #tpu.memory_space<vmem>>
        tpu.wait_dma2 semaphore(%arg21 : memref<!tpu.dma_semaphore, #tpu.memory_space<semaphore_mem>>) src(%dma_wait3A_1466 : memref<64x128xf32, #tpu.memory_space<vmem>>) dst(%dma_wait3A_1463 : memref<64x128xf32, #tpu.memory_space<vmem_shared>>)
        %dma_wait3A_1467 = arith.constant 3 : i32
        %dma_wait3A_1468 = arith.constant 0 : i32
        %dma_wait3A_1469 = tpu.memref_slice %arg10[%dma_wait3A_1467, %dma_wait3A_1468] : memref<4x64xi32, #tpu.memory_space<vmem>> -> memref<1x64xi32, #tpu.memory_space<vmem>>
        %dma_wait3A_1470 = tpu.memref_squeeze %dma_wait3A_1469 : memref<1x64xi32, #tpu.memory_space<vmem>> -> memref<64xi32, #tpu.memory_space<vmem>>
        %dma_wait3A_1471 = arith.constant 0 : i32
        %dma_wait3A_1472 = tpu.memref_slice %arg3[%dma_wait3A_1471] : memref<323840xi32, #tpu.memory_space<hbm>> -> memref<64xi32, #tpu.memory_space<hbm>>
        %dma_wait3A_1473 = arith.constant 0 : i32
        %dma_wait3A_1474 = tpu.memref_slice %arg10[%dma_wait3A_1467, %dma_wait3A_1473] : memref<4x64xi32, #tpu.memory_space<vmem>> -> memref<1x64xi32, #tpu.memory_space<vmem>>
        %dma_wait3A_1475 = tpu.memref_squeeze %dma_wait3A_1474 : memref<1x64xi32, #tpu.memory_space<vmem>> -> memref<64xi32, #tpu.memory_space<vmem>>
        %dma_wait3A_1476 = arith.constant 0 : i32
        %dma_wait3A_1477 = tpu.memref_slice %arg3[%dma_wait3A_1476] : memref<323840xi32, #tpu.memory_space<hbm>> -> memref<64xi32, #tpu.memory_space<hbm>>
        tpu.wait_dma2 semaphore(%arg25 : memref<!tpu.dma_semaphore, #tpu.memory_space<semaphore_mem>>) src(%dma_wait3A_1477 : memref<64xi32, #tpu.memory_space<hbm>>) dst(%dma_wait3A_1475 : memref<64xi32, #tpu.memory_space<vmem>>)
        %dma_start3A_1478 = arith.constant 3 : i32
        %dma_start3A_1479 = arith.constant 192 : i32
        %dma_start3A_1480 = arith.constant 0 : i32
        %dma_start3A_1481 = tpu.memref_slice %arg9[%dma_start3A_1479, %dma_start3A_1480] : memref<256x128xf32, #tpu.memory_space<vmem>> -> memref<64x128xf32, #tpu.memory_space<vmem>>
        %dma_start3A_1482 = arith.constant 0 : i32
        %dma_start3A_1483 = tpu.memref_slice %arg10[%dma_start3A_1478, %dma_start3A_1482] : memref<4x64xi32, #tpu.memory_space<vmem>> -> memref<1x64xi32, #tpu.memory_space<vmem>>
        %dma_start3A_1484 = tpu.memref_squeeze %dma_start3A_1483 : memref<1x64xi32, #tpu.memory_space<vmem>> -> memref<64xi32, #tpu.memory_space<vmem>>
        %dma_start3A_1485 = arith.constant 0 : i32
        %dma_start3A_1486 = arith.constant 0 : i32
        %dma_start3A_1487 = tpu.memref_slice %arg2[%dma_start3A_1485, %dma_start3A_1486] : memref<10000x128xf32, #tpu.memory_space<hbm>> -> memref<10000x128xf32, #tpu.memory_space<hbm>>
        tpu.enqueue_indirect_dma source(%dma_start3A_1487 : memref<10000x128xf32, #tpu.memory_space<hbm>>) target(%dma_start3A_1481 : memref<64x128xf32, #tpu.memory_space<vmem>>) offsets(%dma_start3A_1484 : memref<64xi32, #tpu.memory_space<vmem>>) semaphore(%arg19 : memref<!tpu.dma_semaphore, #tpu.memory_space<semaphore_mem>>)
        %add3A_1488 = arith.addi %mul3A_49, %add3A_1454 : i32
        %add3A_1489 = arith.constant 3 : i32
        %add3A_1490 = arith.addi %add3A_1488, %add3A_1489 : i32
        %mul3A_1491 = arith.constant 64 : i32
        %mul3A_1492 = arith.muli %add3A_1490, %mul3A_1491 : i32
        %dma_start3A_1493 = arith.constant 0 : i32
        %dma_start3A_1494 = arith.constant 0 : i32
        %dma_start3A_1495 = tpu.memref_slice %arg10[%dma_start3A_1493, %dma_start3A_1494] : memref<4x64xi32, #tpu.memory_space<vmem>> -> memref<1x64xi32, #tpu.memory_space<vmem>>
        %dma_start3A_1496 = tpu.memref_squeeze %dma_start3A_1495 : memref<1x64xi32, #tpu.memory_space<vmem>> -> memref<64xi32, #tpu.memory_space<vmem>>
        %dma_start3A_1497 = tpu.memref_slice %arg3[%mul3A_1492] : memref<323840xi32, #tpu.memory_space<hbm>> -> memref<64xi32, #tpu.memory_space<hbm>>
        %dma_start3A_1498 = arith.constant 0 : i32
        %dma_start3A_1499 = tpu.memref_slice %arg10[%dma_start3A_1493, %dma_start3A_1498] : memref<4x64xi32, #tpu.memory_space<vmem>> -> memref<1x64xi32, #tpu.memory_space<vmem>>
        %dma_start3A_1500 = tpu.memref_squeeze %dma_start3A_1499 : memref<1x64xi32, #tpu.memory_space<vmem>> -> memref<64xi32, #tpu.memory_space<vmem>>
        %dma_start3A_1501 = tpu.memref_slice %arg3[%mul3A_1492] : memref<323840xi32, #tpu.memory_space<hbm>> -> memref<64xi32, #tpu.memory_space<hbm>>
        tpu.enqueue_dma source(%dma_start3A_1501 : memref<64xi32, #tpu.memory_space<hbm>>) target(%dma_start3A_1500 : memref<64xi32, #tpu.memory_space<vmem>>) target_semaphore(%arg22 : memref<!tpu.dma_semaphore, #tpu.memory_space<semaphore_mem>>)
        %add3A_1502 = arith.addi %mul3A_49, %add3A_1454 : i32
        %add3A_1503 = arith.constant 3 : i32
        %add3A_1504 = arith.addi %add3A_1502, %add3A_1503 : i32
        %mul3A_1505 = arith.constant 64 : i32
        %mul3A_1506 = arith.muli %add3A_1504, %mul3A_1505 : i32
        %dma_start3A_1507 = arith.constant 4 : i32
        %dma_start3A_1508 = arith.constant 0 : i32
        %dma_start3A_1509 = tpu.memref_slice %arg11[%dma_start3A_1507, %dma_start3A_1508] : memref<6x64xi32, #tpu.memory_space<vmem>> -> memref<1x64xi32, #tpu.memory_space<vmem>>
        %dma_start3A_1510 = tpu.memref_squeeze %dma_start3A_1509 : memref<1x64xi32, #tpu.memory_space<vmem>> -> memref<64xi32, #tpu.memory_space<vmem>>
        %dma_start3A_1511 = tpu.memref_slice %arg4[%mul3A_1506] : memref<323840xi32, #tpu.memory_space<hbm>> -> memref<64xi32, #tpu.memory_space<hbm>>
        %dma_start3A_1512 = arith.constant 0 : i32
        %dma_start3A_1513 = tpu.memref_slice %arg11[%dma_start3A_1507, %dma_start3A_1512] : memref<6x64xi32, #tpu.memory_space<vmem>> -> memref<1x64xi32, #tpu.memory_space<vmem>>
        %dma_start3A_1514 = tpu.memref_squeeze %dma_start3A_1513 : memref<1x64xi32, #tpu.memory_space<vmem>> -> memref<64xi32, #tpu.memory_space<vmem>>
        %dma_start3A_1515 = tpu.memref_slice %arg4[%mul3A_1506] : memref<323840xi32, #tpu.memory_space<hbm>> -> memref<64xi32, #tpu.memory_space<hbm>>
        tpu.enqueue_dma source(%dma_start3A_1515 : memref<64xi32, #tpu.memory_space<hbm>>) target(%dma_start3A_1514 : memref<64xi32, #tpu.memory_space<vmem>>) target_semaphore(%arg30 : memref<!tpu.dma_semaphore, #tpu.memory_space<semaphore_mem>>)
        %dma_wait3A_1516 = arith.constant 1 : i32
        %dma_wait3A_1517 = arith.constant 0 : i32
        %dma_wait3A_1518 = tpu.memref_slice %arg11[%dma_wait3A_1516, %dma_wait3A_1517] : memref<6x64xi32, #tpu.memory_space<vmem>> -> memref<1x64xi32, #tpu.memory_space<vmem>>
        %dma_wait3A_1519 = tpu.memref_squeeze %dma_wait3A_1518 : memref<1x64xi32, #tpu.memory_space<vmem>> -> memref<64xi32, #tpu.memory_space<vmem>>
        %dma_wait3A_1520 = arith.constant 0 : i32
        %dma_wait3A_1521 = tpu.memref_slice %arg4[%dma_wait3A_1520] : memref<323840xi32, #tpu.memory_space<hbm>> -> memref<64xi32, #tpu.memory_space<hbm>>
        %dma_wait3A_1522 = arith.constant 0 : i32
        %dma_wait3A_1523 = tpu.memref_slice %arg11[%dma_wait3A_1516, %dma_wait3A_1522] : memref<6x64xi32, #tpu.memory_space<vmem>> -> memref<1x64xi32, #tpu.memory_space<vmem>>
        %dma_wait3A_1524 = tpu.memref_squeeze %dma_wait3A_1523 : memref<1x64xi32, #tpu.memory_space<vmem>> -> memref<64xi32, #tpu.memory_space<vmem>>
        %dma_wait3A_1525 = arith.constant 0 : i32
        %dma_wait3A_1526 = tpu.memref_slice %arg4[%dma_wait3A_1525] : memref<323840xi32, #tpu.memory_space<hbm>> -> memref<64xi32, #tpu.memory_space<hbm>>
        tpu.wait_dma2 semaphore(%arg27 : memref<!tpu.dma_semaphore, #tpu.memory_space<semaphore_mem>>) src(%dma_wait3A_1526 : memref<64xi32, #tpu.memory_space<hbm>>) dst(%dma_wait3A_1524 : memref<64xi32, #tpu.memory_space<vmem>>)
        %dma_wait3A_1527 = arith.constant 64 : i32
        %dma_wait3A_1528 = arith.constant 0 : i32
        %dma_wait3A_1529 = tpu.memref_slice %arg9[%dma_wait3A_1527, %dma_wait3A_1528] : memref<256x128xf32, #tpu.memory_space<vmem>> -> memref<64x128xf32, #tpu.memory_space<vmem>>
        %dma_wait3A_1530 = arith.constant 0 : i32
        %dma_wait3A_1531 = arith.constant 0 : i32
        %dma_wait3A_1532 = tpu.memref_slice %arg2[%dma_wait3A_1530, %dma_wait3A_1531] : memref<10000x128xf32, #tpu.memory_space<hbm>> -> memref<64x128xf32, #tpu.memory_space<hbm>>
        %dma_wait3A_1533 = arith.constant 64 : i32
        %dma_wait3A_1534 = arith.constant 0 : i32
        %dma_wait3A_1535 = tpu.memref_slice %arg9[%dma_wait3A_1533, %dma_wait3A_1534] : memref<256x128xf32, #tpu.memory_space<vmem>> -> memref<64x128xf32, #tpu.memory_space<vmem>>
        %dma_wait3A_1536 = arith.constant 0 : i32
        %dma_wait3A_1537 = arith.constant 0 : i32
        %dma_wait3A_1538 = tpu.memref_slice %arg2[%dma_wait3A_1536, %dma_wait3A_1537] : memref<10000x128xf32, #tpu.memory_space<hbm>> -> memref<64x128xf32, #tpu.memory_space<hbm>>
        tpu.wait_dma2 semaphore(%arg17 : memref<!tpu.dma_semaphore, #tpu.memory_space<semaphore_mem>>) src(%dma_wait3A_1538 : memref<64x128xf32, #tpu.memory_space<hbm>>) dst(%dma_wait3A_1535 : memref<64x128xf32, #tpu.memory_space<vmem>>)
        %dma_start3A_1539 = arith.constant 1 : i32
        %dma_start3A_1540 = arith.constant 64 : i32
        %dma_start3A_1541 = arith.constant 0 : i32
        %dma_start3A_1542 = tpu.memref_slice %arg9[%dma_start3A_1540, %dma_start3A_1541] : memref<256x128xf32, #tpu.memory_space<vmem>> -> memref<64x128xf32, #tpu.memory_space<vmem>>
        %dma_start3A_1543 = arith.constant 0 : i32
        %dma_start3A_1544 = tpu.memref_slice %arg11[%dma_start3A_1539, %dma_start3A_1543] : memref<6x64xi32, #tpu.memory_space<vmem>> -> memref<1x64xi32, #tpu.memory_space<vmem>>
        %dma_start3A_1545 = tpu.memref_squeeze %dma_start3A_1544 : memref<1x64xi32, #tpu.memory_space<vmem>> -> memref<64xi32, #tpu.memory_space<vmem>>
        %dma_start3A_1546 = arith.constant 0 : i32
        %dma_start3A_1547 = arith.constant 0 : i32
        %dma_start3A_1548 = tpu.memref_slice %arg8[%dma_start3A_1546, %dma_start3A_1547] : memref<10240x128xf32, #tpu.memory_space<vmem_shared>> -> memref<10240x128xf32, #tpu.memory_space<vmem_shared>>
        tpu.enqueue_indirect_dma source(%dma_start3A_1542 : memref<64x128xf32, #tpu.memory_space<vmem>>) target(%dma_start3A_1548 : memref<10240x128xf32, #tpu.memory_space<vmem_shared>>) offsets(%dma_start3A_1545 : memref<64xi32, #tpu.memory_space<vmem>>) semaphore(%arg21 : memref<!tpu.dma_semaphore, #tpu.memory_space<semaphore_mem>>) {add = true}
      }
      %scan3A_255 = arith.constant 26 : i32
      %dma_wait3A_256 = arith.constant 0 : i32
      %dma_wait3A_257 = arith.constant 0 : i32
      %dma_wait3A_258 = tpu.memref_slice %arg9[%dma_wait3A_256, %dma_wait3A_257] : memref<256x128xf32, #tpu.memory_space<vmem>> -> memref<64x128xf32, #tpu.memory_space<vmem>>
      %dma_wait3A_259 = arith.constant 0 : i32
      %dma_wait3A_260 = arith.constant 0 : i32
      %dma_wait3A_261 = tpu.memref_slice %arg8[%dma_wait3A_259, %dma_wait3A_260] : memref<10240x128xf32, #tpu.memory_space<vmem_shared>> -> memref<64x128xf32, #tpu.memory_space<vmem_shared>>
      %dma_wait3A_262 = arith.constant 0 : i32
      %dma_wait3A_263 = arith.constant 0 : i32
      %dma_wait3A_264 = tpu.memref_slice %arg8[%dma_wait3A_262, %dma_wait3A_263] : memref<10240x128xf32, #tpu.memory_space<vmem_shared>> -> memref<64x128xf32, #tpu.memory_space<vmem_shared>>
      %dma_wait3A_265 = arith.constant 0 : i32
      %dma_wait3A_266 = arith.constant 0 : i32
      %dma_wait3A_267 = tpu.memref_slice %arg9[%dma_wait3A_265, %dma_wait3A_266] : memref<256x128xf32, #tpu.memory_space<vmem>> -> memref<64x128xf32, #tpu.memory_space<vmem>>
      tpu.wait_dma2 semaphore(%arg20 : memref<!tpu.dma_semaphore, #tpu.memory_space<semaphore_mem>>) src(%dma_wait3A_267 : memref<64x128xf32, #tpu.memory_space<vmem>>) dst(%dma_wait3A_264 : memref<64x128xf32, #tpu.memory_space<vmem_shared>>)
      %dma_wait3A_268 = arith.constant 0 : i32
      %dma_wait3A_269 = arith.constant 0 : i32
      %dma_wait3A_270 = tpu.memref_slice %arg9[%dma_wait3A_268, %dma_wait3A_269] : memref<256x128xf32, #tpu.memory_space<vmem>> -> memref<64x128xf32, #tpu.memory_space<vmem>>
      %dma_wait3A_271 = arith.constant 0 : i32
      %dma_wait3A_272 = arith.constant 0 : i32
      %dma_wait3A_273 = tpu.memref_slice %arg8[%dma_wait3A_271, %dma_wait3A_272] : memref<10240x128xf32, #tpu.memory_space<vmem_shared>> -> memref<64x128xf32, #tpu.memory_space<vmem_shared>>
      %dma_wait3A_274 = arith.constant 0 : i32
      %dma_wait3A_275 = arith.constant 0 : i32
      %dma_wait3A_276 = tpu.memref_slice %arg8[%dma_wait3A_274, %dma_wait3A_275] : memref<10240x128xf32, #tpu.memory_space<vmem_shared>> -> memref<64x128xf32, #tpu.memory_space<vmem_shared>>
      %dma_wait3A_277 = arith.constant 0 : i32
      %dma_wait3A_278 = arith.constant 0 : i32
      %dma_wait3A_279 = tpu.memref_slice %arg9[%dma_wait3A_277, %dma_wait3A_278] : memref<256x128xf32, #tpu.memory_space<vmem>> -> memref<64x128xf32, #tpu.memory_space<vmem>>
      tpu.wait_dma2 semaphore(%arg21 : memref<!tpu.dma_semaphore, #tpu.memory_space<semaphore_mem>>) src(%dma_wait3A_279 : memref<64x128xf32, #tpu.memory_space<vmem>>) dst(%dma_wait3A_276 : memref<64x128xf32, #tpu.memory_space<vmem_shared>>)
      %dma_wait3A_280 = arith.constant 128 : i32
      %dma_wait3A_281 = arith.constant 0 : i32
      %dma_wait3A_282 = tpu.memref_slice %arg9[%dma_wait3A_280, %dma_wait3A_281] : memref<256x128xf32, #tpu.memory_space<vmem>> -> memref<64x128xf32, #tpu.memory_space<vmem>>
      %dma_wait3A_283 = arith.constant 0 : i32
      %dma_wait3A_284 = arith.constant 0 : i32
      %dma_wait3A_285 = tpu.memref_slice %arg2[%dma_wait3A_283, %dma_wait3A_284] : memref<10000x128xf32, #tpu.memory_space<hbm>> -> memref<64x128xf32, #tpu.memory_space<hbm>>
      %dma_wait3A_286 = arith.constant 128 : i32
      %dma_wait3A_287 = arith.constant 0 : i32
      %dma_wait3A_288 = tpu.memref_slice %arg9[%dma_wait3A_286, %dma_wait3A_287] : memref<256x128xf32, #tpu.memory_space<vmem>> -> memref<64x128xf32, #tpu.memory_space<vmem>>
      %dma_wait3A_289 = arith.constant 0 : i32
      %dma_wait3A_290 = arith.constant 0 : i32
      %dma_wait3A_291 = tpu.memref_slice %arg2[%dma_wait3A_289, %dma_wait3A_290] : memref<10000x128xf32, #tpu.memory_space<hbm>> -> memref<64x128xf32, #tpu.memory_space<hbm>>
      tpu.wait_dma2 semaphore(%arg18 : memref<!tpu.dma_semaphore, #tpu.memory_space<semaphore_mem>>) src(%dma_wait3A_291 : memref<64x128xf32, #tpu.memory_space<hbm>>) dst(%dma_wait3A_288 : memref<64x128xf32, #tpu.memory_space<vmem>>)
      %dma_wait3A_292 = arith.constant 192 : i32
      %dma_wait3A_293 = arith.constant 0 : i32
      %dma_wait3A_294 = tpu.memref_slice %arg9[%dma_wait3A_292, %dma_wait3A_293] : memref<256x128xf32, #tpu.memory_space<vmem>> -> memref<64x128xf32, #tpu.memory_space<vmem>>
      %dma_wait3A_295 = arith.constant 0 : i32
      %dma_wait3A_296 = arith.constant 0 : i32
      %dma_wait3A_297 = tpu.memref_slice %arg2[%dma_wait3A_295, %dma_wait3A_296] : memref<10000x128xf32, #tpu.memory_space<hbm>> -> memref<64x128xf32, #tpu.memory_space<hbm>>
      %dma_wait3A_298 = arith.constant 192 : i32
      %dma_wait3A_299 = arith.constant 0 : i32
      %dma_wait3A_300 = tpu.memref_slice %arg9[%dma_wait3A_298, %dma_wait3A_299] : memref<256x128xf32, #tpu.memory_space<vmem>> -> memref<64x128xf32, #tpu.memory_space<vmem>>
      %dma_wait3A_301 = arith.constant 0 : i32
      %dma_wait3A_302 = arith.constant 0 : i32
      %dma_wait3A_303 = tpu.memref_slice %arg2[%dma_wait3A_301, %dma_wait3A_302] : memref<10000x128xf32, #tpu.memory_space<hbm>> -> memref<64x128xf32, #tpu.memory_space<hbm>>
      tpu.wait_dma2 semaphore(%arg19 : memref<!tpu.dma_semaphore, #tpu.memory_space<semaphore_mem>>) src(%dma_wait3A_303 : memref<64x128xf32, #tpu.memory_space<hbm>>) dst(%dma_wait3A_300 : memref<64x128xf32, #tpu.memory_space<vmem>>)
      %dma_wait3A_304 = arith.constant 0 : i32
      %dma_wait3A_305 = arith.constant 0 : i32
      %dma_wait3A_306 = tpu.memref_slice %arg10[%dma_wait3A_304, %dma_wait3A_305] : memref<4x64xi32, #tpu.memory_space<vmem>> -> memref<1x64xi32, #tpu.memory_space<vmem>>
      %dma_wait3A_307 = tpu.memref_squeeze %dma_wait3A_306 : memref<1x64xi32, #tpu.memory_space<vmem>> -> memref<64xi32, #tpu.memory_space<vmem>>
      %dma_wait3A_308 = arith.constant 0 : i32
      %dma_wait3A_309 = tpu.memref_slice %arg3[%dma_wait3A_308] : memref<323840xi32, #tpu.memory_space<hbm>> -> memref<64xi32, #tpu.memory_space<hbm>>
      %dma_wait3A_310 = arith.constant 0 : i32
      %dma_wait3A_311 = tpu.memref_slice %arg10[%dma_wait3A_304, %dma_wait3A_310] : memref<4x64xi32, #tpu.memory_space<vmem>> -> memref<1x64xi32, #tpu.memory_space<vmem>>
      %dma_wait3A_312 = tpu.memref_squeeze %dma_wait3A_311 : memref<1x64xi32, #tpu.memory_space<vmem>> -> memref<64xi32, #tpu.memory_space<vmem>>
      %dma_wait3A_313 = arith.constant 0 : i32
      %dma_wait3A_314 = tpu.memref_slice %arg3[%dma_wait3A_313] : memref<323840xi32, #tpu.memory_space<hbm>> -> memref<64xi32, #tpu.memory_space<hbm>>
      tpu.wait_dma2 semaphore(%arg22 : memref<!tpu.dma_semaphore, #tpu.memory_space<semaphore_mem>>) src(%dma_wait3A_314 : memref<64xi32, #tpu.memory_space<hbm>>) dst(%dma_wait3A_312 : memref<64xi32, #tpu.memory_space<vmem>>)
      %dma_wait3A_315 = arith.constant 2 : i32
      %dma_wait3A_316 = arith.constant 0 : i32
      %dma_wait3A_317 = tpu.memref_slice %arg11[%dma_wait3A_315, %dma_wait3A_316] : memref<6x64xi32, #tpu.memory_space<vmem>> -> memref<1x64xi32, #tpu.memory_space<vmem>>
      %dma_wait3A_318 = tpu.memref_squeeze %dma_wait3A_317 : memref<1x64xi32, #tpu.memory_space<vmem>> -> memref<64xi32, #tpu.memory_space<vmem>>
      %dma_wait3A_319 = arith.constant 0 : i32
      %dma_wait3A_320 = tpu.memref_slice %arg4[%dma_wait3A_319] : memref<323840xi32, #tpu.memory_space<hbm>> -> memref<64xi32, #tpu.memory_space<hbm>>
      %dma_wait3A_321 = arith.constant 0 : i32
      %dma_wait3A_322 = tpu.memref_slice %arg11[%dma_wait3A_315, %dma_wait3A_321] : memref<6x64xi32, #tpu.memory_space<vmem>> -> memref<1x64xi32, #tpu.memory_space<vmem>>
      %dma_wait3A_323 = tpu.memref_squeeze %dma_wait3A_322 : memref<1x64xi32, #tpu.memory_space<vmem>> -> memref<64xi32, #tpu.memory_space<vmem>>
      %dma_wait3A_324 = arith.constant 0 : i32
      %dma_wait3A_325 = tpu.memref_slice %arg4[%dma_wait3A_324] : memref<323840xi32, #tpu.memory_space<hbm>> -> memref<64xi32, #tpu.memory_space<hbm>>
      tpu.wait_dma2 semaphore(%arg28 : memref<!tpu.dma_semaphore, #tpu.memory_space<semaphore_mem>>) src(%dma_wait3A_325 : memref<64xi32, #tpu.memory_space<hbm>>) dst(%dma_wait3A_323 : memref<64xi32, #tpu.memory_space<vmem>>)
      %dma_wait3A_326 = arith.constant 3 : i32
      %dma_wait3A_327 = arith.constant 0 : i32
      %dma_wait3A_328 = tpu.memref_slice %arg11[%dma_wait3A_326, %dma_wait3A_327] : memref<6x64xi32, #tpu.memory_space<vmem>> -> memref<1x64xi32, #tpu.memory_space<vmem>>
      %dma_wait3A_329 = tpu.memref_squeeze %dma_wait3A_328 : memref<1x64xi32, #tpu.memory_space<vmem>> -> memref<64xi32, #tpu.memory_space<vmem>>
      %dma_wait3A_330 = arith.constant 0 : i32
      %dma_wait3A_331 = tpu.memref_slice %arg4[%dma_wait3A_330] : memref<323840xi32, #tpu.memory_space<hbm>> -> memref<64xi32, #tpu.memory_space<hbm>>
      %dma_wait3A_332 = arith.constant 0 : i32
      %dma_wait3A_333 = tpu.memref_slice %arg11[%dma_wait3A_326, %dma_wait3A_332] : memref<6x64xi32, #tpu.memory_space<vmem>> -> memref<1x64xi32, #tpu.memory_space<vmem>>
      %dma_wait3A_334 = tpu.memref_squeeze %dma_wait3A_333 : memref<1x64xi32, #tpu.memory_space<vmem>> -> memref<64xi32, #tpu.memory_space<vmem>>
      %dma_wait3A_335 = arith.constant 0 : i32
      %dma_wait3A_336 = tpu.memref_slice %arg4[%dma_wait3A_335] : memref<323840xi32, #tpu.memory_space<hbm>> -> memref<64xi32, #tpu.memory_space<hbm>>
      tpu.wait_dma2 semaphore(%arg29 : memref<!tpu.dma_semaphore, #tpu.memory_space<semaphore_mem>>) src(%dma_wait3A_336 : memref<64xi32, #tpu.memory_space<hbm>>) dst(%dma_wait3A_334 : memref<64xi32, #tpu.memory_space<vmem>>)
      %dma_wait3A_337 = arith.constant 4 : i32
      %dma_wait3A_338 = arith.constant 0 : i32
      %dma_wait3A_339 = tpu.memref_slice %arg11[%dma_wait3A_337, %dma_wait3A_338] : memref<6x64xi32, #tpu.memory_space<vmem>> -> memref<1x64xi32, #tpu.memory_space<vmem>>
      %dma_wait3A_340 = tpu.memref_squeeze %dma_wait3A_339 : memref<1x64xi32, #tpu.memory_space<vmem>> -> memref<64xi32, #tpu.memory_space<vmem>>
      %dma_wait3A_341 = arith.constant 0 : i32
      %dma_wait3A_342 = tpu.memref_slice %arg4[%dma_wait3A_341] : memref<323840xi32, #tpu.memory_space<hbm>> -> memref<64xi32, #tpu.memory_space<hbm>>
      %dma_wait3A_343 = arith.constant 0 : i32
      %dma_wait3A_344 = tpu.memref_slice %arg11[%dma_wait3A_337, %dma_wait3A_343] : memref<6x64xi32, #tpu.memory_space<vmem>> -> memref<1x64xi32, #tpu.memory_space<vmem>>
      %dma_wait3A_345 = tpu.memref_squeeze %dma_wait3A_344 : memref<1x64xi32, #tpu.memory_space<vmem>> -> memref<64xi32, #tpu.memory_space<vmem>>
      %dma_wait3A_346 = arith.constant 0 : i32
      %dma_wait3A_347 = tpu.memref_slice %arg4[%dma_wait3A_346] : memref<323840xi32, #tpu.memory_space<hbm>> -> memref<64xi32, #tpu.memory_space<hbm>>
      tpu.wait_dma2 semaphore(%arg30 : memref<!tpu.dma_semaphore, #tpu.memory_space<semaphore_mem>>) src(%dma_wait3A_347 : memref<64xi32, #tpu.memory_space<hbm>>) dst(%dma_wait3A_345 : memref<64xi32, #tpu.memory_space<vmem>>)
    } else {
    }
    %eq3A_22 = arith.constant 1 : i32
    %eq3A_23 = arith.cmpi eq, %arg0, %eq3A_22 : i32
    %convert_element_type3A_24 = arith.extui %eq3A_23 : i1 to i32
    %cond3A_25 = arith.constant 0 : i32
    %cond3A_26 = arith.cmpi ne, %convert_element_type3A_24, %cond3A_25 : i32
    scf.if %cond3A_26 {
      %mul3A_48 = arith.constant 158 : i32
      %mul3A_49 = arith.muli %arg1, %mul3A_48 : i32
      "tpu.region"() ({
        %run_scoped3A = tpu.sem_alloc : memref<!tpu.dma_semaphore, #tpu.memory_space<semaphore_mem>>
        %dma_start3A_117 = arith.constant 0 : i32
        %dma_start3A_118 = arith.constant 0 : i32
        %dma_start3A_119 = tpu.memref_slice %arg9[%dma_start3A_117, %dma_start3A_118] : memref<256x128xf32, #tpu.memory_space<vmem>> -> memref<128x128xf32, #tpu.memory_space<vmem>>
        %dma_start3A_120 = arith.constant 0 : i32
        %dma_start3A_121 = arith.constant 0 : i32
        %dma_start3A_122 = tpu.memref_slice %arg9[%dma_start3A_120, %dma_start3A_121] : memref<256x128xf32, #tpu.memory_space<vmem>> -> memref<128x128xf32, #tpu.memory_space<vmem>>
        tpu.enqueue_dma source(%arg6 : memref<128x128xf32, #tpu.memory_space<hbm>>) target(%dma_start3A_122 : memref<128x128xf32, #tpu.memory_space<vmem>>) target_semaphore(%run_scoped3A : memref<!tpu.dma_semaphore, #tpu.memory_space<semaphore_mem>>)
        %dma_wait3A_123 = arith.constant 0 : i32
        %dma_wait3A_124 = arith.constant 0 : i32
        %dma_wait3A_125 = tpu.memref_slice %arg9[%dma_wait3A_123, %dma_wait3A_124] : memref<256x128xf32, #tpu.memory_space<vmem>> -> memref<128x128xf32, #tpu.memory_space<vmem>>
        %dma_wait3A_126 = arith.constant 0 : i32
        %dma_wait3A_127 = arith.constant 0 : i32
        %dma_wait3A_128 = tpu.memref_slice %arg9[%dma_wait3A_126, %dma_wait3A_127] : memref<256x128xf32, #tpu.memory_space<vmem>> -> memref<128x128xf32, #tpu.memory_space<vmem>>
        tpu.wait_dma2 semaphore(%run_scoped3A : memref<!tpu.dma_semaphore, #tpu.memory_space<semaphore_mem>>) src(%arg6 : memref<128x128xf32, #tpu.memory_space<hbm>>) dst(%dma_wait3A_128 : memref<128x128xf32, #tpu.memory_space<vmem>>)
        tpu.yield
      }) : () -> ()
      %add3A_50 = arith.constant 0 : i32
      %add3A_51 = arith.addi %mul3A_49, %add3A_50 : i32
      %mul3A_52 = arith.constant 128 : i32
      %mul3A_53 = arith.muli %add3A_51, %mul3A_52 : i32
      "tpu.region"() ({
        %run_scoped3A = tpu.sem_alloc : memref<!tpu.dma_semaphore, #tpu.memory_space<semaphore_mem>>
        %dma_start3A_117 = tpu.memref_slice %arg4[%mul3A_53] : memref<323840xi32, #tpu.memory_space<hbm>> -> memref<128xi32, #tpu.memory_space<hbm>>
        %dma_start3A_118 = tpu.memref_slice %arg4[%mul3A_53] : memref<323840xi32, #tpu.memory_space<hbm>> -> memref<128xi32, #tpu.memory_space<hbm>>
        tpu.enqueue_dma source(%dma_start3A_118 : memref<128xi32, #tpu.memory_space<hbm>>) target(%arg12 : memref<128xi32, #tpu.memory_space<vmem>>) target_semaphore(%run_scoped3A : memref<!tpu.dma_semaphore, #tpu.memory_space<semaphore_mem>>)
        %dma_wait3A_119 = tpu.memref_slice %arg4[%mul3A_53] : memref<323840xi32, #tpu.memory_space<hbm>> -> memref<128xi32, #tpu.memory_space<hbm>>
        %dma_wait3A_120 = tpu.memref_slice %arg4[%mul3A_53] : memref<323840xi32, #tpu.memory_space<hbm>> -> memref<128xi32, #tpu.memory_space<hbm>>
        tpu.wait_dma2 semaphore(%run_scoped3A : memref<!tpu.dma_semaphore, #tpu.memory_space<semaphore_mem>>) src(%dma_wait3A_120 : memref<128xi32, #tpu.memory_space<hbm>>) dst(%arg12 : memref<128xi32, #tpu.memory_space<vmem>>)
        tpu.yield
      }) : () -> ()
      %add3A_54 = arith.constant 1 : i32
      %add3A_55 = arith.addi %mul3A_49, %add3A_54 : i32
      %mul3A_56 = arith.constant 128 : i32
      %mul3A_57 = arith.muli %add3A_55, %mul3A_56 : i32
      "tpu.region"() ({
        %run_scoped3A = tpu.sem_alloc : memref<!tpu.dma_semaphore, #tpu.memory_space<semaphore_mem>>
        %dma_start3A_117 = tpu.memref_slice %arg4[%mul3A_57] : memref<323840xi32, #tpu.memory_space<hbm>> -> memref<128xi32, #tpu.memory_space<hbm>>
        %dma_start3A_118 = tpu.memref_slice %arg4[%mul3A_57] : memref<323840xi32, #tpu.memory_space<hbm>> -> memref<128xi32, #tpu.memory_space<hbm>>
        tpu.enqueue_dma source(%dma_start3A_118 : memref<128xi32, #tpu.memory_space<hbm>>) target(%arg13 : memref<128xi32, #tpu.memory_space<vmem>>) target_semaphore(%run_scoped3A : memref<!tpu.dma_semaphore, #tpu.memory_space<semaphore_mem>>)
        %dma_wait3A_119 = tpu.memref_slice %arg4[%mul3A_57] : memref<323840xi32, #tpu.memory_space<hbm>> -> memref<128xi32, #tpu.memory_space<hbm>>
        %dma_wait3A_120 = tpu.memref_slice %arg4[%mul3A_57] : memref<323840xi32, #tpu.memory_space<hbm>> -> memref<128xi32, #tpu.memory_space<hbm>>
        tpu.wait_dma2 semaphore(%run_scoped3A : memref<!tpu.dma_semaphore, #tpu.memory_space<semaphore_mem>>) src(%dma_wait3A_120 : memref<128xi32, #tpu.memory_space<hbm>>) dst(%arg13 : memref<128xi32, #tpu.memory_space<vmem>>)
        tpu.yield
      }) : () -> ()
      %dma_start3A = arith.constant 0 : i32
      %dma_start3A_58 = arith.constant 0 : i32
      %dma_start3A_59 = tpu.memref_slice %arg9[%dma_start3A, %dma_start3A_58] : memref<256x128xf32, #tpu.memory_space<vmem>> -> memref<128x128xf32, #tpu.memory_space<vmem>>
      %dma_start3A_60 = arith.constant 0 : i32
      %dma_start3A_61 = arith.constant 0 : i32
      %dma_start3A_62 = tpu.memref_slice %arg8[%dma_start3A_60, %dma_start3A_61] : memref<10240x128xf32, #tpu.memory_space<vmem_shared>> -> memref<10240x128xf32, #tpu.memory_space<vmem_shared>>
      tpu.enqueue_indirect_dma source(%dma_start3A_59 : memref<128x128xf32, #tpu.memory_space<vmem>>) target(%dma_start3A_62 : memref<10240x128xf32, #tpu.memory_space<vmem_shared>>) offsets(%arg12 : memref<128xi32, #tpu.memory_space<vmem>>) semaphore(%arg20 : memref<!tpu.dma_semaphore, #tpu.memory_space<semaphore_mem>>) {add = true}
      %add3A_63 = arith.constant 2 : i32
      %add3A_64 = arith.addi %mul3A_49, %add3A_63 : i32
      %mul3A_65 = arith.constant 128 : i32
      %mul3A_66 = arith.muli %add3A_64, %mul3A_65 : i32
      %dma_start3A_67 = tpu.memref_slice %arg4[%mul3A_66] : memref<323840xi32, #tpu.memory_space<hbm>> -> memref<128xi32, #tpu.memory_space<hbm>>
      %dma_start3A_68 = tpu.memref_slice %arg4[%mul3A_66] : memref<323840xi32, #tpu.memory_space<hbm>> -> memref<128xi32, #tpu.memory_space<hbm>>
      tpu.enqueue_dma source(%dma_start3A_68 : memref<128xi32, #tpu.memory_space<hbm>>) target(%arg14 : memref<128xi32, #tpu.memory_space<vmem>>) target_semaphore(%arg28 : memref<!tpu.dma_semaphore, #tpu.memory_space<semaphore_mem>>)
      %dma_start3A_69 = arith.constant 0 : i32
      %dma_start3A_70 = arith.constant 0 : i32
      %dma_start3A_71 = tpu.memref_slice %arg9[%dma_start3A_69, %dma_start3A_70] : memref<256x128xf32, #tpu.memory_space<vmem>> -> memref<128x128xf32, #tpu.memory_space<vmem>>
      %dma_start3A_72 = arith.constant 0 : i32
      %dma_start3A_73 = arith.constant 0 : i32
      %dma_start3A_74 = tpu.memref_slice %arg8[%dma_start3A_72, %dma_start3A_73] : memref<10240x128xf32, #tpu.memory_space<vmem_shared>> -> memref<10240x128xf32, #tpu.memory_space<vmem_shared>>
      tpu.enqueue_indirect_dma source(%dma_start3A_71 : memref<128x128xf32, #tpu.memory_space<vmem>>) target(%dma_start3A_74 : memref<10240x128xf32, #tpu.memory_space<vmem_shared>>) offsets(%arg13 : memref<128xi32, #tpu.memory_space<vmem>>) semaphore(%arg21 : memref<!tpu.dma_semaphore, #tpu.memory_space<semaphore_mem>>) {add = true}
      %add3A_75 = arith.constant 3 : i32
      %add3A_76 = arith.addi %mul3A_49, %add3A_75 : i32
      %mul3A_77 = arith.constant 128 : i32
      %mul3A_78 = arith.muli %add3A_76, %mul3A_77 : i32
      %dma_start3A_79 = tpu.memref_slice %arg4[%mul3A_78] : memref<323840xi32, #tpu.memory_space<hbm>> -> memref<128xi32, #tpu.memory_space<hbm>>
      %dma_start3A_80 = tpu.memref_slice %arg4[%mul3A_78] : memref<323840xi32, #tpu.memory_space<hbm>> -> memref<128xi32, #tpu.memory_space<hbm>>
      tpu.enqueue_dma source(%dma_start3A_80 : memref<128xi32, #tpu.memory_space<hbm>>) target(%arg15 : memref<128xi32, #tpu.memory_space<vmem>>) target_semaphore(%arg29 : memref<!tpu.dma_semaphore, #tpu.memory_space<semaphore_mem>>)
      %scan3A = arith.constant 0 : i32
      %scan3A_81 = arith.constant 0 : i32
      %scan3A_82 = arith.constant 39 : i32
      %scan3A_83 = arith.addi %scan3A_81, %scan3A_82 : i32
      %scan3A_84 = arith.constant 1 : i32
      scf.for %scan3A_117 = %scan3A_81 to %scan3A_83 step %scan3A_84  : i32 {
        %mul3A_118 = arith.constant 4 : i32
        %mul3A_119 = arith.muli %mul3A_118, %scan3A_117 : i32
        %add3A_120 = arith.constant 2 : i32
        %add3A_121 = arith.addi %mul3A_119, %add3A_120 : i32
        %add3A_122 = arith.constant 0 : i32
        %add3A_123 = arith.addi %add3A_121, %add3A_122 : i32
        %dma_wait3A_124 = arith.constant 0 : i32
        %dma_wait3A_125 = tpu.memref_slice %arg4[%dma_wait3A_124] : memref<323840xi32, #tpu.memory_space<hbm>> -> memref<128xi32, #tpu.memory_space<hbm>>
        %dma_wait3A_126 = arith.constant 0 : i32
        %dma_wait3A_127 = tpu.memref_slice %arg4[%dma_wait3A_126] : memref<323840xi32, #tpu.memory_space<hbm>> -> memref<128xi32, #tpu.memory_space<hbm>>
        tpu.wait_dma2 semaphore(%arg28 : memref<!tpu.dma_semaphore, #tpu.memory_space<semaphore_mem>>) src(%dma_wait3A_127 : memref<128xi32, #tpu.memory_space<hbm>>) dst(%arg14 : memref<128xi32, #tpu.memory_space<vmem>>)
        %dma_wait3A_128 = arith.constant 0 : i32
        %dma_wait3A_129 = arith.constant 0 : i32
        %dma_wait3A_130 = tpu.memref_slice %arg9[%dma_wait3A_128, %dma_wait3A_129] : memref<256x128xf32, #tpu.memory_space<vmem>> -> memref<128x128xf32, #tpu.memory_space<vmem>>
        %dma_wait3A_131 = arith.constant 0 : i32
        %dma_wait3A_132 = arith.constant 0 : i32
        %dma_wait3A_133 = tpu.memref_slice %arg8[%dma_wait3A_131, %dma_wait3A_132] : memref<10240x128xf32, #tpu.memory_space<vmem_shared>> -> memref<128x128xf32, #tpu.memory_space<vmem_shared>>
        %dma_wait3A_134 = arith.constant 0 : i32
        %dma_wait3A_135 = arith.constant 0 : i32
        %dma_wait3A_136 = tpu.memref_slice %arg8[%dma_wait3A_134, %dma_wait3A_135] : memref<10240x128xf32, #tpu.memory_space<vmem_shared>> -> memref<128x128xf32, #tpu.memory_space<vmem_shared>>
        %dma_wait3A_137 = arith.constant 0 : i32
        %dma_wait3A_138 = arith.constant 0 : i32
        %dma_wait3A_139 = tpu.memref_slice %arg9[%dma_wait3A_137, %dma_wait3A_138] : memref<256x128xf32, #tpu.memory_space<vmem>> -> memref<128x128xf32, #tpu.memory_space<vmem>>
        tpu.wait_dma2 semaphore(%arg20 : memref<!tpu.dma_semaphore, #tpu.memory_space<semaphore_mem>>) src(%dma_wait3A_139 : memref<128x128xf32, #tpu.memory_space<vmem>>) dst(%dma_wait3A_136 : memref<128x128xf32, #tpu.memory_space<vmem_shared>>)
        %dma_start3A_140 = arith.constant 0 : i32
        %dma_start3A_141 = arith.constant 0 : i32
        %dma_start3A_142 = tpu.memref_slice %arg9[%dma_start3A_140, %dma_start3A_141] : memref<256x128xf32, #tpu.memory_space<vmem>> -> memref<128x128xf32, #tpu.memory_space<vmem>>
        %dma_start3A_143 = arith.constant 0 : i32
        %dma_start3A_144 = arith.constant 0 : i32
        %dma_start3A_145 = tpu.memref_slice %arg8[%dma_start3A_143, %dma_start3A_144] : memref<10240x128xf32, #tpu.memory_space<vmem_shared>> -> memref<10240x128xf32, #tpu.memory_space<vmem_shared>>
        tpu.enqueue_indirect_dma source(%dma_start3A_142 : memref<128x128xf32, #tpu.memory_space<vmem>>) target(%dma_start3A_145 : memref<10240x128xf32, #tpu.memory_space<vmem_shared>>) offsets(%arg14 : memref<128xi32, #tpu.memory_space<vmem>>) semaphore(%arg20 : memref<!tpu.dma_semaphore, #tpu.memory_space<semaphore_mem>>) {add = true}
        %add3A_146 = arith.addi %mul3A_49, %add3A_123 : i32
        %add3A_147 = arith.constant 2 : i32
        %add3A_148 = arith.addi %add3A_146, %add3A_147 : i32
        %mul3A_149 = arith.constant 128 : i32
        %mul3A_150 = arith.muli %add3A_148, %mul3A_149 : i32
        %dma_start3A_151 = tpu.memref_slice %arg4[%mul3A_150] : memref<323840xi32, #tpu.memory_space<hbm>> -> memref<128xi32, #tpu.memory_space<hbm>>
        %dma_start3A_152 = tpu.memref_slice %arg4[%mul3A_150] : memref<323840xi32, #tpu.memory_space<hbm>> -> memref<128xi32, #tpu.memory_space<hbm>>
        tpu.enqueue_dma source(%dma_start3A_152 : memref<128xi32, #tpu.memory_space<hbm>>) target(%arg12 : memref<128xi32, #tpu.memory_space<vmem>>) target_semaphore(%arg26 : memref<!tpu.dma_semaphore, #tpu.memory_space<semaphore_mem>>)
        %mul3A_153 = arith.constant 4 : i32
        %mul3A_154 = arith.muli %mul3A_153, %scan3A_117 : i32
        %add3A_155 = arith.constant 2 : i32
        %add3A_156 = arith.addi %mul3A_154, %add3A_155 : i32
        %add3A_157 = arith.constant 1 : i32
        %add3A_158 = arith.addi %add3A_156, %add3A_157 : i32
        %dma_wait3A_159 = arith.constant 0 : i32
        %dma_wait3A_160 = tpu.memref_slice %arg4[%dma_wait3A_159] : memref<323840xi32, #tpu.memory_space<hbm>> -> memref<128xi32, #tpu.memory_space<hbm>>
        %dma_wait3A_161 = arith.constant 0 : i32
        %dma_wait3A_162 = tpu.memref_slice %arg4[%dma_wait3A_161] : memref<323840xi32, #tpu.memory_space<hbm>> -> memref<128xi32, #tpu.memory_space<hbm>>
        tpu.wait_dma2 semaphore(%arg29 : memref<!tpu.dma_semaphore, #tpu.memory_space<semaphore_mem>>) src(%dma_wait3A_162 : memref<128xi32, #tpu.memory_space<hbm>>) dst(%arg15 : memref<128xi32, #tpu.memory_space<vmem>>)
        %dma_wait3A_163 = arith.constant 0 : i32
        %dma_wait3A_164 = arith.constant 0 : i32
        %dma_wait3A_165 = tpu.memref_slice %arg9[%dma_wait3A_163, %dma_wait3A_164] : memref<256x128xf32, #tpu.memory_space<vmem>> -> memref<128x128xf32, #tpu.memory_space<vmem>>
        %dma_wait3A_166 = arith.constant 0 : i32
        %dma_wait3A_167 = arith.constant 0 : i32
        %dma_wait3A_168 = tpu.memref_slice %arg8[%dma_wait3A_166, %dma_wait3A_167] : memref<10240x128xf32, #tpu.memory_space<vmem_shared>> -> memref<128x128xf32, #tpu.memory_space<vmem_shared>>
        %dma_wait3A_169 = arith.constant 0 : i32
        %dma_wait3A_170 = arith.constant 0 : i32
        %dma_wait3A_171 = tpu.memref_slice %arg8[%dma_wait3A_169, %dma_wait3A_170] : memref<10240x128xf32, #tpu.memory_space<vmem_shared>> -> memref<128x128xf32, #tpu.memory_space<vmem_shared>>
        %dma_wait3A_172 = arith.constant 0 : i32
        %dma_wait3A_173 = arith.constant 0 : i32
        %dma_wait3A_174 = tpu.memref_slice %arg9[%dma_wait3A_172, %dma_wait3A_173] : memref<256x128xf32, #tpu.memory_space<vmem>> -> memref<128x128xf32, #tpu.memory_space<vmem>>
        tpu.wait_dma2 semaphore(%arg21 : memref<!tpu.dma_semaphore, #tpu.memory_space<semaphore_mem>>) src(%dma_wait3A_174 : memref<128x128xf32, #tpu.memory_space<vmem>>) dst(%dma_wait3A_171 : memref<128x128xf32, #tpu.memory_space<vmem_shared>>)
        %dma_start3A_175 = arith.constant 0 : i32
        %dma_start3A_176 = arith.constant 0 : i32
        %dma_start3A_177 = tpu.memref_slice %arg9[%dma_start3A_175, %dma_start3A_176] : memref<256x128xf32, #tpu.memory_space<vmem>> -> memref<128x128xf32, #tpu.memory_space<vmem>>
        %dma_start3A_178 = arith.constant 0 : i32
        %dma_start3A_179 = arith.constant 0 : i32
        %dma_start3A_180 = tpu.memref_slice %arg8[%dma_start3A_178, %dma_start3A_179] : memref<10240x128xf32, #tpu.memory_space<vmem_shared>> -> memref<10240x128xf32, #tpu.memory_space<vmem_shared>>
        tpu.enqueue_indirect_dma source(%dma_start3A_177 : memref<128x128xf32, #tpu.memory_space<vmem>>) target(%dma_start3A_180 : memref<10240x128xf32, #tpu.memory_space<vmem_shared>>) offsets(%arg15 : memref<128xi32, #tpu.memory_space<vmem>>) semaphore(%arg21 : memref<!tpu.dma_semaphore, #tpu.memory_space<semaphore_mem>>) {add = true}
        %add3A_181 = arith.addi %mul3A_49, %add3A_158 : i32
        %add3A_182 = arith.constant 2 : i32
        %add3A_183 = arith.addi %add3A_181, %add3A_182 : i32
        %mul3A_184 = arith.constant 128 : i32
        %mul3A_185 = arith.muli %add3A_183, %mul3A_184 : i32
        %dma_start3A_186 = tpu.memref_slice %arg4[%mul3A_185] : memref<323840xi32, #tpu.memory_space<hbm>> -> memref<128xi32, #tpu.memory_space<hbm>>
        %dma_start3A_187 = tpu.memref_slice %arg4[%mul3A_185] : memref<323840xi32, #tpu.memory_space<hbm>> -> memref<128xi32, #tpu.memory_space<hbm>>
        tpu.enqueue_dma source(%dma_start3A_187 : memref<128xi32, #tpu.memory_space<hbm>>) target(%arg13 : memref<128xi32, #tpu.memory_space<vmem>>) target_semaphore(%arg27 : memref<!tpu.dma_semaphore, #tpu.memory_space<semaphore_mem>>)
        %mul3A_188 = arith.constant 4 : i32
        %mul3A_189 = arith.muli %mul3A_188, %scan3A_117 : i32
        %add3A_190 = arith.constant 2 : i32
        %add3A_191 = arith.addi %mul3A_189, %add3A_190 : i32
        %add3A_192 = arith.constant 2 : i32
        %add3A_193 = arith.addi %add3A_191, %add3A_192 : i32
        %dma_wait3A_194 = arith.constant 0 : i32
        %dma_wait3A_195 = tpu.memref_slice %arg4[%dma_wait3A_194] : memref<323840xi32, #tpu.memory_space<hbm>> -> memref<128xi32, #tpu.memory_space<hbm>>
        %dma_wait3A_196 = arith.constant 0 : i32
        %dma_wait3A_197 = tpu.memref_slice %arg4[%dma_wait3A_196] : memref<323840xi32, #tpu.memory_space<hbm>> -> memref<128xi32, #tpu.memory_space<hbm>>
        tpu.wait_dma2 semaphore(%arg26 : memref<!tpu.dma_semaphore, #tpu.memory_space<semaphore_mem>>) src(%dma_wait3A_197 : memref<128xi32, #tpu.memory_space<hbm>>) dst(%arg12 : memref<128xi32, #tpu.memory_space<vmem>>)
        %dma_wait3A_198 = arith.constant 0 : i32
        %dma_wait3A_199 = arith.constant 0 : i32
        %dma_wait3A_200 = tpu.memref_slice %arg9[%dma_wait3A_198, %dma_wait3A_199] : memref<256x128xf32, #tpu.memory_space<vmem>> -> memref<128x128xf32, #tpu.memory_space<vmem>>
        %dma_wait3A_201 = arith.constant 0 : i32
        %dma_wait3A_202 = arith.constant 0 : i32
        %dma_wait3A_203 = tpu.memref_slice %arg8[%dma_wait3A_201, %dma_wait3A_202] : memref<10240x128xf32, #tpu.memory_space<vmem_shared>> -> memref<128x128xf32, #tpu.memory_space<vmem_shared>>
        %dma_wait3A_204 = arith.constant 0 : i32
        %dma_wait3A_205 = arith.constant 0 : i32
        %dma_wait3A_206 = tpu.memref_slice %arg8[%dma_wait3A_204, %dma_wait3A_205] : memref<10240x128xf32, #tpu.memory_space<vmem_shared>> -> memref<128x128xf32, #tpu.memory_space<vmem_shared>>
        %dma_wait3A_207 = arith.constant 0 : i32
        %dma_wait3A_208 = arith.constant 0 : i32
        %dma_wait3A_209 = tpu.memref_slice %arg9[%dma_wait3A_207, %dma_wait3A_208] : memref<256x128xf32, #tpu.memory_space<vmem>> -> memref<128x128xf32, #tpu.memory_space<vmem>>
        tpu.wait_dma2 semaphore(%arg20 : memref<!tpu.dma_semaphore, #tpu.memory_space<semaphore_mem>>) src(%dma_wait3A_209 : memref<128x128xf32, #tpu.memory_space<vmem>>) dst(%dma_wait3A_206 : memref<128x128xf32, #tpu.memory_space<vmem_shared>>)
        %dma_start3A_210 = arith.constant 0 : i32
        %dma_start3A_211 = arith.constant 0 : i32
        %dma_start3A_212 = tpu.memref_slice %arg9[%dma_start3A_210, %dma_start3A_211] : memref<256x128xf32, #tpu.memory_space<vmem>> -> memref<128x128xf32, #tpu.memory_space<vmem>>
        %dma_start3A_213 = arith.constant 0 : i32
        %dma_start3A_214 = arith.constant 0 : i32
        %dma_start3A_215 = tpu.memref_slice %arg8[%dma_start3A_213, %dma_start3A_214] : memref<10240x128xf32, #tpu.memory_space<vmem_shared>> -> memref<10240x128xf32, #tpu.memory_space<vmem_shared>>
        tpu.enqueue_indirect_dma source(%dma_start3A_212 : memref<128x128xf32, #tpu.memory_space<vmem>>) target(%dma_start3A_215 : memref<10240x128xf32, #tpu.memory_space<vmem_shared>>) offsets(%arg12 : memref<128xi32, #tpu.memory_space<vmem>>) semaphore(%arg20 : memref<!tpu.dma_semaphore, #tpu.memory_space<semaphore_mem>>) {add = true}
        %add3A_216 = arith.addi %mul3A_49, %add3A_193 : i32
        %add3A_217 = arith.constant 2 : i32
        %add3A_218 = arith.addi %add3A_216, %add3A_217 : i32
        %mul3A_219 = arith.constant 128 : i32
        %mul3A_220 = arith.muli %add3A_218, %mul3A_219 : i32
        %dma_start3A_221 = tpu.memref_slice %arg4[%mul3A_220] : memref<323840xi32, #tpu.memory_space<hbm>> -> memref<128xi32, #tpu.memory_space<hbm>>
        %dma_start3A_222 = tpu.memref_slice %arg4[%mul3A_220] : memref<323840xi32, #tpu.memory_space<hbm>> -> memref<128xi32, #tpu.memory_space<hbm>>
        tpu.enqueue_dma source(%dma_start3A_222 : memref<128xi32, #tpu.memory_space<hbm>>) target(%arg14 : memref<128xi32, #tpu.memory_space<vmem>>) target_semaphore(%arg28 : memref<!tpu.dma_semaphore, #tpu.memory_space<semaphore_mem>>)
        %mul3A_223 = arith.constant 4 : i32
        %mul3A_224 = arith.muli %mul3A_223, %scan3A_117 : i32
        %add3A_225 = arith.constant 2 : i32
        %add3A_226 = arith.addi %mul3A_224, %add3A_225 : i32
        %add3A_227 = arith.constant 3 : i32
        %add3A_228 = arith.addi %add3A_226, %add3A_227 : i32
        %dma_wait3A_229 = arith.constant 0 : i32
        %dma_wait3A_230 = tpu.memref_slice %arg4[%dma_wait3A_229] : memref<323840xi32, #tpu.memory_space<hbm>> -> memref<128xi32, #tpu.memory_space<hbm>>
        %dma_wait3A_231 = arith.constant 0 : i32
        %dma_wait3A_232 = tpu.memref_slice %arg4[%dma_wait3A_231] : memref<323840xi32, #tpu.memory_space<hbm>> -> memref<128xi32, #tpu.memory_space<hbm>>
        tpu.wait_dma2 semaphore(%arg27 : memref<!tpu.dma_semaphore, #tpu.memory_space<semaphore_mem>>) src(%dma_wait3A_232 : memref<128xi32, #tpu.memory_space<hbm>>) dst(%arg13 : memref<128xi32, #tpu.memory_space<vmem>>)
        %dma_wait3A_233 = arith.constant 0 : i32
        %dma_wait3A_234 = arith.constant 0 : i32
        %dma_wait3A_235 = tpu.memref_slice %arg9[%dma_wait3A_233, %dma_wait3A_234] : memref<256x128xf32, #tpu.memory_space<vmem>> -> memref<128x128xf32, #tpu.memory_space<vmem>>
        %dma_wait3A_236 = arith.constant 0 : i32
        %dma_wait3A_237 = arith.constant 0 : i32
        %dma_wait3A_238 = tpu.memref_slice %arg8[%dma_wait3A_236, %dma_wait3A_237] : memref<10240x128xf32, #tpu.memory_space<vmem_shared>> -> memref<128x128xf32, #tpu.memory_space<vmem_shared>>
        %dma_wait3A_239 = arith.constant 0 : i32
        %dma_wait3A_240 = arith.constant 0 : i32
        %dma_wait3A_241 = tpu.memref_slice %arg8[%dma_wait3A_239, %dma_wait3A_240] : memref<10240x128xf32, #tpu.memory_space<vmem_shared>> -> memref<128x128xf32, #tpu.memory_space<vmem_shared>>
        %dma_wait3A_242 = arith.constant 0 : i32
        %dma_wait3A_243 = arith.constant 0 : i32
        %dma_wait3A_244 = tpu.memref_slice %arg9[%dma_wait3A_242, %dma_wait3A_243] : memref<256x128xf32, #tpu.memory_space<vmem>> -> memref<128x128xf32, #tpu.memory_space<vmem>>
        tpu.wait_dma2 semaphore(%arg21 : memref<!tpu.dma_semaphore, #tpu.memory_space<semaphore_mem>>) src(%dma_wait3A_244 : memref<128x128xf32, #tpu.memory_space<vmem>>) dst(%dma_wait3A_241 : memref<128x128xf32, #tpu.memory_space<vmem_shared>>)
        %dma_start3A_245 = arith.constant 0 : i32
        %dma_start3A_246 = arith.constant 0 : i32
        %dma_start3A_247 = tpu.memref_slice %arg9[%dma_start3A_245, %dma_start3A_246] : memref<256x128xf32, #tpu.memory_space<vmem>> -> memref<128x128xf32, #tpu.memory_space<vmem>>
        %dma_start3A_248 = arith.constant 0 : i32
        %dma_start3A_249 = arith.constant 0 : i32
        %dma_start3A_250 = tpu.memref_slice %arg8[%dma_start3A_248, %dma_start3A_249] : memref<10240x128xf32, #tpu.memory_space<vmem_shared>> -> memref<10240x128xf32, #tpu.memory_space<vmem_shared>>
        tpu.enqueue_indirect_dma source(%dma_start3A_247 : memref<128x128xf32, #tpu.memory_space<vmem>>) target(%dma_start3A_250 : memref<10240x128xf32, #tpu.memory_space<vmem_shared>>) offsets(%arg13 : memref<128xi32, #tpu.memory_space<vmem>>) semaphore(%arg21 : memref<!tpu.dma_semaphore, #tpu.memory_space<semaphore_mem>>) {add = true}
        %add3A_251 = arith.addi %mul3A_49, %add3A_228 : i32
        %add3A_252 = arith.constant 2 : i32
        %add3A_253 = arith.addi %add3A_251, %add3A_252 : i32
        %mul3A_254 = arith.constant 128 : i32
        %mul3A_255 = arith.muli %add3A_253, %mul3A_254 : i32
        %dma_start3A_256 = tpu.memref_slice %arg4[%mul3A_255] : memref<323840xi32, #tpu.memory_space<hbm>> -> memref<128xi32, #tpu.memory_space<hbm>>
        %dma_start3A_257 = tpu.memref_slice %arg4[%mul3A_255] : memref<323840xi32, #tpu.memory_space<hbm>> -> memref<128xi32, #tpu.memory_space<hbm>>
        tpu.enqueue_dma source(%dma_start3A_257 : memref<128xi32, #tpu.memory_space<hbm>>) target(%arg15 : memref<128xi32, #tpu.memory_space<vmem>>) target_semaphore(%arg29 : memref<!tpu.dma_semaphore, #tpu.memory_space<semaphore_mem>>)
      }
      %scan3A_85 = arith.constant 39 : i32
      %dma_wait3A = arith.constant 0 : i32
      %dma_wait3A_86 = arith.constant 0 : i32
      %dma_wait3A_87 = tpu.memref_slice %arg9[%dma_wait3A, %dma_wait3A_86] : memref<256x128xf32, #tpu.memory_space<vmem>> -> memref<128x128xf32, #tpu.memory_space<vmem>>
      %dma_wait3A_88 = arith.constant 0 : i32
      %dma_wait3A_89 = arith.constant 0 : i32
      %dma_wait3A_90 = tpu.memref_slice %arg8[%dma_wait3A_88, %dma_wait3A_89] : memref<10240x128xf32, #tpu.memory_space<vmem_shared>> -> memref<128x128xf32, #tpu.memory_space<vmem_shared>>
      %dma_wait3A_91 = arith.constant 0 : i32
      %dma_wait3A_92 = arith.constant 0 : i32
      %dma_wait3A_93 = tpu.memref_slice %arg8[%dma_wait3A_91, %dma_wait3A_92] : memref<10240x128xf32, #tpu.memory_space<vmem_shared>> -> memref<128x128xf32, #tpu.memory_space<vmem_shared>>
      %dma_wait3A_94 = arith.constant 0 : i32
      %dma_wait3A_95 = arith.constant 0 : i32
      %dma_wait3A_96 = tpu.memref_slice %arg9[%dma_wait3A_94, %dma_wait3A_95] : memref<256x128xf32, #tpu.memory_space<vmem>> -> memref<128x128xf32, #tpu.memory_space<vmem>>
      tpu.wait_dma2 semaphore(%arg20 : memref<!tpu.dma_semaphore, #tpu.memory_space<semaphore_mem>>) src(%dma_wait3A_96 : memref<128x128xf32, #tpu.memory_space<vmem>>) dst(%dma_wait3A_93 : memref<128x128xf32, #tpu.memory_space<vmem_shared>>)
      %dma_wait3A_97 = arith.constant 0 : i32
      %dma_wait3A_98 = arith.constant 0 : i32
      %dma_wait3A_99 = tpu.memref_slice %arg9[%dma_wait3A_97, %dma_wait3A_98] : memref<256x128xf32, #tpu.memory_space<vmem>> -> memref<128x128xf32, #tpu.memory_space<vmem>>
      %dma_wait3A_100 = arith.constant 0 : i32
      %dma_wait3A_101 = arith.constant 0 : i32
      %dma_wait3A_102 = tpu.memref_slice %arg8[%dma_wait3A_100, %dma_wait3A_101] : memref<10240x128xf32, #tpu.memory_space<vmem_shared>> -> memref<128x128xf32, #tpu.memory_space<vmem_shared>>
      %dma_wait3A_103 = arith.constant 0 : i32
      %dma_wait3A_104 = arith.constant 0 : i32
      %dma_wait3A_105 = tpu.memref_slice %arg8[%dma_wait3A_103, %dma_wait3A_104] : memref<10240x128xf32, #tpu.memory_space<vmem_shared>> -> memref<128x128xf32, #tpu.memory_space<vmem_shared>>
      %dma_wait3A_106 = arith.constant 0 : i32
      %dma_wait3A_107 = arith.constant 0 : i32
      %dma_wait3A_108 = tpu.memref_slice %arg9[%dma_wait3A_106, %dma_wait3A_107] : memref<256x128xf32, #tpu.memory_space<vmem>> -> memref<128x128xf32, #tpu.memory_space<vmem>>
      tpu.wait_dma2 semaphore(%arg21 : memref<!tpu.dma_semaphore, #tpu.memory_space<semaphore_mem>>) src(%dma_wait3A_108 : memref<128x128xf32, #tpu.memory_space<vmem>>) dst(%dma_wait3A_105 : memref<128x128xf32, #tpu.memory_space<vmem_shared>>)
      %dma_wait3A_109 = arith.constant 0 : i32
      %dma_wait3A_110 = tpu.memref_slice %arg4[%dma_wait3A_109] : memref<323840xi32, #tpu.memory_space<hbm>> -> memref<128xi32, #tpu.memory_space<hbm>>
      %dma_wait3A_111 = arith.constant 0 : i32
      %dma_wait3A_112 = tpu.memref_slice %arg4[%dma_wait3A_111] : memref<323840xi32, #tpu.memory_space<hbm>> -> memref<128xi32, #tpu.memory_space<hbm>>
      tpu.wait_dma2 semaphore(%arg28 : memref<!tpu.dma_semaphore, #tpu.memory_space<semaphore_mem>>) src(%dma_wait3A_112 : memref<128xi32, #tpu.memory_space<hbm>>) dst(%arg14 : memref<128xi32, #tpu.memory_space<vmem>>)
      %dma_wait3A_113 = arith.constant 0 : i32
      %dma_wait3A_114 = tpu.memref_slice %arg4[%dma_wait3A_113] : memref<323840xi32, #tpu.memory_space<hbm>> -> memref<128xi32, #tpu.memory_space<hbm>>
      %dma_wait3A_115 = arith.constant 0 : i32
      %dma_wait3A_116 = tpu.memref_slice %arg4[%dma_wait3A_115] : memref<323840xi32, #tpu.memory_space<hbm>> -> memref<128xi32, #tpu.memory_space<hbm>>
      tpu.wait_dma2 semaphore(%arg29 : memref<!tpu.dma_semaphore, #tpu.memory_space<semaphore_mem>>) src(%dma_wait3A_116 : memref<128xi32, #tpu.memory_space<hbm>>) dst(%arg15 : memref<128xi32, #tpu.memory_space<vmem>>)
    } else {
    }
    %barrier3A_27 = arith.constant 0 : index
    tpu.barrier barrier_id(%barrier3A_27)
    %add3A_28 = arith.constant 0 : i32
    %add3A_29 = arith.addi %mul3A_0, %add3A_28 : i32
    "tpu.region"() ({
      %run_scoped3A = tpu.sem_alloc : memref<!tpu.dma_semaphore, #tpu.memory_space<semaphore_mem>>
      %dma_start3A = arith.constant 0 : i32
      %dma_start3A_48 = arith.constant 0 : i32
      %dma_start3A_49 = tpu.memref_slice %arg9[%dma_start3A, %dma_start3A_48] : memref<256x128xf32, #tpu.memory_space<vmem>> -> memref<64x128xf32, #tpu.memory_space<vmem>>
      %dma_start3A_50 = arith.constant 0 : i32
      %dma_start3A_51 = tpu.memref_slice %arg8[%add3A_29, %dma_start3A_50] : memref<10240x128xf32, #tpu.memory_space<vmem_shared>> -> memref<64x128xf32, #tpu.memory_space<vmem_shared>>
      %dma_start3A_52 = arith.constant 0 : i32
      %dma_start3A_53 = arith.constant 0 : i32
      %dma_start3A_54 = tpu.memref_slice %arg9[%dma_start3A_52, %dma_start3A_53] : memref<256x128xf32, #tpu.memory_space<vmem>> -> memref<64x128xf32, #tpu.memory_space<vmem>>
      %dma_start3A_55 = arith.constant 0 : i32
      %dma_start3A_56 = tpu.memref_slice %arg8[%add3A_29, %dma_start3A_55] : memref<10240x128xf32, #tpu.memory_space<vmem_shared>> -> memref<64x128xf32, #tpu.memory_space<vmem_shared>>
      tpu.enqueue_dma source(%dma_start3A_56 : memref<64x128xf32, #tpu.memory_space<vmem_shared>>) target(%dma_start3A_54 : memref<64x128xf32, #tpu.memory_space<vmem>>) target_semaphore(%run_scoped3A : memref<!tpu.dma_semaphore, #tpu.memory_space<semaphore_mem>>)
      %dma_wait3A = arith.constant 0 : i32
      %dma_wait3A_57 = arith.constant 0 : i32
      %dma_wait3A_58 = tpu.memref_slice %arg9[%dma_wait3A, %dma_wait3A_57] : memref<256x128xf32, #tpu.memory_space<vmem>> -> memref<64x128xf32, #tpu.memory_space<vmem>>
      %dma_wait3A_59 = arith.constant 0 : i32
      %dma_wait3A_60 = tpu.memref_slice %arg8[%add3A_29, %dma_wait3A_59] : memref<10240x128xf32, #tpu.memory_space<vmem_shared>> -> memref<64x128xf32, #tpu.memory_space<vmem_shared>>
      %dma_wait3A_61 = arith.constant 0 : i32
      %dma_wait3A_62 = arith.constant 0 : i32
      %dma_wait3A_63 = tpu.memref_slice %arg9[%dma_wait3A_61, %dma_wait3A_62] : memref<256x128xf32, #tpu.memory_space<vmem>> -> memref<64x128xf32, #tpu.memory_space<vmem>>
      %dma_wait3A_64 = arith.constant 0 : i32
      %dma_wait3A_65 = tpu.memref_slice %arg8[%add3A_29, %dma_wait3A_64] : memref<10240x128xf32, #tpu.memory_space<vmem_shared>> -> memref<64x128xf32, #tpu.memory_space<vmem_shared>>
      tpu.wait_dma2 semaphore(%run_scoped3A : memref<!tpu.dma_semaphore, #tpu.memory_space<semaphore_mem>>) src(%dma_wait3A_65 : memref<64x128xf32, #tpu.memory_space<vmem_shared>>) dst(%dma_wait3A_63 : memref<64x128xf32, #tpu.memory_space<vmem>>)
      tpu.yield
    }) : () -> ()
    "tpu.region"() ({
      %run_scoped3A = tpu.sem_alloc : memref<!tpu.dma_semaphore, #tpu.memory_space<semaphore_mem>>
      %dma_start3A = arith.constant 0 : i32
      %dma_start3A_48 = arith.constant 0 : i32
      %dma_start3A_49 = tpu.memref_slice %arg9[%dma_start3A, %dma_start3A_48] : memref<256x128xf32, #tpu.memory_space<vmem>> -> memref<64x128xf32, #tpu.memory_space<vmem>>
      %dma_start3A_50 = arith.constant 0 : i32
      %dma_start3A_51 = tpu.memref_slice %arg7[%arg0, %add3A_29, %dma_start3A_50] : memref<2x10240x128xf32, #tpu.memory_space<hbm>> -> memref<1x64x128xf32, #tpu.memory_space<hbm>>
      %dma_start3A_52 = tpu.memref_squeeze %dma_start3A_51 : memref<1x64x128xf32, #tpu.memory_space<hbm>> -> memref<64x128xf32, #tpu.memory_space<hbm>>
      %dma_start3A_53 = arith.constant 0 : i32
      %dma_start3A_54 = tpu.memref_slice %arg7[%arg0, %add3A_29, %dma_start3A_53] : memref<2x10240x128xf32, #tpu.memory_space<hbm>> -> memref<1x64x128xf32, #tpu.memory_space<hbm>>
      %dma_start3A_55 = tpu.memref_squeeze %dma_start3A_54 : memref<1x64x128xf32, #tpu.memory_space<hbm>> -> memref<64x128xf32, #tpu.memory_space<hbm>>
      %dma_start3A_56 = arith.constant 0 : i32
      %dma_start3A_57 = arith.constant 0 : i32
      %dma_start3A_58 = tpu.memref_slice %arg9[%dma_start3A_56, %dma_start3A_57] : memref<256x128xf32, #tpu.memory_space<vmem>> -> memref<64x128xf32, #tpu.memory_space<vmem>>
      tpu.enqueue_dma source(%dma_start3A_58 : memref<64x128xf32, #tpu.memory_space<vmem>>) target(%dma_start3A_55 : memref<64x128xf32, #tpu.memory_space<hbm>>) target_semaphore(%run_scoped3A : memref<!tpu.dma_semaphore, #tpu.memory_space<semaphore_mem>>)
      %dma_wait3A = arith.constant 0 : i32
      %dma_wait3A_59 = arith.constant 0 : i32
      %dma_wait3A_60 = tpu.memref_slice %arg9[%dma_wait3A, %dma_wait3A_59] : memref<256x128xf32, #tpu.memory_space<vmem>> -> memref<64x128xf32, #tpu.memory_space<vmem>>
      %dma_wait3A_61 = arith.constant 0 : i32
      %dma_wait3A_62 = tpu.memref_slice %arg7[%arg0, %add3A_29, %dma_wait3A_61] : memref<2x10240x128xf32, #tpu.memory_space<hbm>> -> memref<1x64x128xf32, #tpu.memory_space<hbm>>
      %dma_wait3A_63 = tpu.memref_squeeze %dma_wait3A_62 : memref<1x64x128xf32, #tpu.memory_space<hbm>> -> memref<64x128xf32, #tpu.memory_space<hbm>>
      %dma_wait3A_64 = arith.constant 0 : i32
      %dma_wait3A_65 = tpu.memref_slice %arg7[%arg0, %add3A_29, %dma_wait3A_64] : memref<2x10240x128xf32, #tpu.memory_space<hbm>> -> memref<1x64x128xf32, #tpu.memory_space<hbm>>
      %dma_wait3A_66 = tpu.memref_squeeze %dma_wait3A_65 : memref<1x64x128xf32, #tpu.memory_space<hbm>> -> memref<64x128xf32, #tpu.memory_space<hbm>>
      %dma_wait3A_67 = arith.constant 0 : i32
      %dma_wait3A_68 = arith.constant 0 : i32
      %dma_wait3A_69 = tpu.memref_slice %arg9[%dma_wait3A_67, %dma_wait3A_68] : memref<256x128xf32, #tpu.memory_space<vmem>> -> memref<64x128xf32, #tpu.memory_space<vmem>>
      tpu.wait_dma2 semaphore(%run_scoped3A : memref<!tpu.dma_semaphore, #tpu.memory_space<semaphore_mem>>) src(%dma_wait3A_69 : memref<64x128xf32, #tpu.memory_space<vmem>>) dst(%dma_wait3A_66 : memref<64x128xf32, #tpu.memory_space<hbm>>)
      tpu.yield
    }) : () -> ()
    %add3A_30 = arith.constant 64 : i32
    %add3A_31 = arith.addi %mul3A_0, %add3A_30 : i32
    "tpu.region"() ({
      %run_scoped3A = tpu.sem_alloc : memref<!tpu.dma_semaphore, #tpu.memory_space<semaphore_mem>>
      %dma_start3A = arith.constant 0 : i32
      %dma_start3A_48 = arith.constant 0 : i32
      %dma_start3A_49 = tpu.memref_slice %arg9[%dma_start3A, %dma_start3A_48] : memref<256x128xf32, #tpu.memory_space<vmem>> -> memref<64x128xf32, #tpu.memory_space<vmem>>
      %dma_start3A_50 = arith.constant 0 : i32
      %dma_start3A_51 = tpu.memref_slice %arg8[%add3A_31, %dma_start3A_50] : memref<10240x128xf32, #tpu.memory_space<vmem_shared>> -> memref<64x128xf32, #tpu.memory_space<vmem_shared>>
      %dma_start3A_52 = arith.constant 0 : i32
      %dma_start3A_53 = arith.constant 0 : i32
      %dma_start3A_54 = tpu.memref_slice %arg9[%dma_start3A_52, %dma_start3A_53] : memref<256x128xf32, #tpu.memory_space<vmem>> -> memref<64x128xf32, #tpu.memory_space<vmem>>
      %dma_start3A_55 = arith.constant 0 : i32
      %dma_start3A_56 = tpu.memref_slice %arg8[%add3A_31, %dma_start3A_55] : memref<10240x128xf32, #tpu.memory_space<vmem_shared>> -> memref<64x128xf32, #tpu.memory_space<vmem_shared>>
      tpu.enqueue_dma source(%dma_start3A_56 : memref<64x128xf32, #tpu.memory_space<vmem_shared>>) target(%dma_start3A_54 : memref<64x128xf32, #tpu.memory_space<vmem>>) target_semaphore(%run_scoped3A : memref<!tpu.dma_semaphore, #tpu.memory_space<semaphore_mem>>)
      %dma_wait3A = arith.constant 0 : i32
      %dma_wait3A_57 = arith.constant 0 : i32
      %dma_wait3A_58 = tpu.memref_slice %arg9[%dma_wait3A, %dma_wait3A_57] : memref<256x128xf32, #tpu.memory_space<vmem>> -> memref<64x128xf32, #tpu.memory_space<vmem>>
      %dma_wait3A_59 = arith.constant 0 : i32
      %dma_wait3A_60 = tpu.memref_slice %arg8[%add3A_31, %dma_wait3A_59] : memref<10240x128xf32, #tpu.memory_space<vmem_shared>> -> memref<64x128xf32, #tpu.memory_space<vmem_shared>>
      %dma_wait3A_61 = arith.constant 0 : i32
      %dma_wait3A_62 = arith.constant 0 : i32
      %dma_wait3A_63 = tpu.memref_slice %arg9[%dma_wait3A_61, %dma_wait3A_62] : memref<256x128xf32, #tpu.memory_space<vmem>> -> memref<64x128xf32, #tpu.memory_space<vmem>>
      %dma_wait3A_64 = arith.constant 0 : i32
      %dma_wait3A_65 = tpu.memref_slice %arg8[%add3A_31, %dma_wait3A_64] : memref<10240x128xf32, #tpu.memory_space<vmem_shared>> -> memref<64x128xf32, #tpu.memory_space<vmem_shared>>
      tpu.wait_dma2 semaphore(%run_scoped3A : memref<!tpu.dma_semaphore, #tpu.memory_space<semaphore_mem>>) src(%dma_wait3A_65 : memref<64x128xf32, #tpu.memory_space<vmem_shared>>) dst(%dma_wait3A_63 : memref<64x128xf32, #tpu.memory_space<vmem>>)
      tpu.yield
    }) : () -> ()
    "tpu.region"() ({
      %run_scoped3A = tpu.sem_alloc : memref<!tpu.dma_semaphore, #tpu.memory_space<semaphore_mem>>
      %dma_start3A = arith.constant 0 : i32
      %dma_start3A_48 = arith.constant 0 : i32
      %dma_start3A_49 = tpu.memref_slice %arg9[%dma_start3A, %dma_start3A_48] : memref<256x128xf32, #tpu.memory_space<vmem>> -> memref<64x128xf32, #tpu.memory_space<vmem>>
      %dma_start3A_50 = arith.constant 0 : i32
      %dma_start3A_51 = tpu.memref_slice %arg7[%arg0, %add3A_31, %dma_start3A_50] : memref<2x10240x128xf32, #tpu.memory_space<hbm>> -> memref<1x64x128xf32, #tpu.memory_space<hbm>>
      %dma_start3A_52 = tpu.memref_squeeze %dma_start3A_51 : memref<1x64x128xf32, #tpu.memory_space<hbm>> -> memref<64x128xf32, #tpu.memory_space<hbm>>
      %dma_start3A_53 = arith.constant 0 : i32
      %dma_start3A_54 = tpu.memref_slice %arg7[%arg0, %add3A_31, %dma_start3A_53] : memref<2x10240x128xf32, #tpu.memory_space<hbm>> -> memref<1x64x128xf32, #tpu.memory_space<hbm>>
      %dma_start3A_55 = tpu.memref_squeeze %dma_start3A_54 : memref<1x64x128xf32, #tpu.memory_space<hbm>> -> memref<64x128xf32, #tpu.memory_space<hbm>>
      %dma_start3A_56 = arith.constant 0 : i32
      %dma_start3A_57 = arith.constant 0 : i32
      %dma_start3A_58 = tpu.memref_slice %arg9[%dma_start3A_56, %dma_start3A_57] : memref<256x128xf32, #tpu.memory_space<vmem>> -> memref<64x128xf32, #tpu.memory_space<vmem>>
      tpu.enqueue_dma source(%dma_start3A_58 : memref<64x128xf32, #tpu.memory_space<vmem>>) target(%dma_start3A_55 : memref<64x128xf32, #tpu.memory_space<hbm>>) target_semaphore(%run_scoped3A : memref<!tpu.dma_semaphore, #tpu.memory_space<semaphore_mem>>)
      %dma_wait3A = arith.constant 0 : i32
      %dma_wait3A_59 = arith.constant 0 : i32
      %dma_wait3A_60 = tpu.memref_slice %arg9[%dma_wait3A, %dma_wait3A_59] : memref<256x128xf32, #tpu.memory_space<vmem>> -> memref<64x128xf32, #tpu.memory_space<vmem>>
      %dma_wait3A_61 = arith.constant 0 : i32
      %dma_wait3A_62 = tpu.memref_slice %arg7[%arg0, %add3A_31, %dma_wait3A_61] : memref<2x10240x128xf32, #tpu.memory_space<hbm>> -> memref<1x64x128xf32, #tpu.memory_space<hbm>>
      %dma_wait3A_63 = tpu.memref_squeeze %dma_wait3A_62 : memref<1x64x128xf32, #tpu.memory_space<hbm>> -> memref<64x128xf32, #tpu.memory_space<hbm>>
      %dma_wait3A_64 = arith.constant 0 : i32
      %dma_wait3A_65 = tpu.memref_slice %arg7[%arg0, %add3A_31, %dma_wait3A_64] : memref<2x10240x128xf32, #tpu.memory_space<hbm>> -> memref<1x64x128xf32, #tpu.memory_space<hbm>>
      %dma_wait3A_66 = tpu.memref_squeeze %dma_wait3A_65 : memref<1x64x128xf32, #tpu.memory_space<hbm>> -> memref<64x128xf32, #tpu.memory_space<hbm>>
      %dma_wait3A_67 = arith.constant 0 : i32
      %dma_wait3A_68 = arith.constant 0 : i32
      %dma_wait3A_69 = tpu.memref_slice %arg9[%dma_wait3A_67, %dma_wait3A_68] : memref<256x128xf32, #tpu.memory_space<vmem>> -> memref<64x128xf32, #tpu.memory_space<vmem>>
      tpu.wait_dma2 semaphore(%run_scoped3A : memref<!tpu.dma_semaphore, #tpu.memory_space<semaphore_mem>>) src(%dma_wait3A_69 : memref<64x128xf32, #tpu.memory_space<vmem>>) dst(%dma_wait3A_66 : memref<64x128xf32, #tpu.memory_space<hbm>>)
      tpu.yield
    }) : () -> ()
    %add3A_32 = arith.constant 128 : i32
    %add3A_33 = arith.addi %mul3A_0, %add3A_32 : i32
    "tpu.region"() ({
      %run_scoped3A = tpu.sem_alloc : memref<!tpu.dma_semaphore, #tpu.memory_space<semaphore_mem>>
      %dma_start3A = arith.constant 0 : i32
      %dma_start3A_48 = arith.constant 0 : i32
      %dma_start3A_49 = tpu.memref_slice %arg9[%dma_start3A, %dma_start3A_48] : memref<256x128xf32, #tpu.memory_space<vmem>> -> memref<64x128xf32, #tpu.memory_space<vmem>>
      %dma_start3A_50 = arith.constant 0 : i32
      %dma_start3A_51 = tpu.memref_slice %arg8[%add3A_33, %dma_start3A_50] : memref<10240x128xf32, #tpu.memory_space<vmem_shared>> -> memref<64x128xf32, #tpu.memory_space<vmem_shared>>
      %dma_start3A_52 = arith.constant 0 : i32
      %dma_start3A_53 = arith.constant 0 : i32
      %dma_start3A_54 = tpu.memref_slice %arg9[%dma_start3A_52, %dma_start3A_53] : memref<256x128xf32, #tpu.memory_space<vmem>> -> memref<64x128xf32, #tpu.memory_space<vmem>>
      %dma_start3A_55 = arith.constant 0 : i32
      %dma_start3A_56 = tpu.memref_slice %arg8[%add3A_33, %dma_start3A_55] : memref<10240x128xf32, #tpu.memory_space<vmem_shared>> -> memref<64x128xf32, #tpu.memory_space<vmem_shared>>
      tpu.enqueue_dma source(%dma_start3A_56 : memref<64x128xf32, #tpu.memory_space<vmem_shared>>) target(%dma_start3A_54 : memref<64x128xf32, #tpu.memory_space<vmem>>) target_semaphore(%run_scoped3A : memref<!tpu.dma_semaphore, #tpu.memory_space<semaphore_mem>>)
      %dma_wait3A = arith.constant 0 : i32
      %dma_wait3A_57 = arith.constant 0 : i32
      %dma_wait3A_58 = tpu.memref_slice %arg9[%dma_wait3A, %dma_wait3A_57] : memref<256x128xf32, #tpu.memory_space<vmem>> -> memref<64x128xf32, #tpu.memory_space<vmem>>
      %dma_wait3A_59 = arith.constant 0 : i32
      %dma_wait3A_60 = tpu.memref_slice %arg8[%add3A_33, %dma_wait3A_59] : memref<10240x128xf32, #tpu.memory_space<vmem_shared>> -> memref<64x128xf32, #tpu.memory_space<vmem_shared>>
      %dma_wait3A_61 = arith.constant 0 : i32
      %dma_wait3A_62 = arith.constant 0 : i32
      %dma_wait3A_63 = tpu.memref_slice %arg9[%dma_wait3A_61, %dma_wait3A_62] : memref<256x128xf32, #tpu.memory_space<vmem>> -> memref<64x128xf32, #tpu.memory_space<vmem>>
      %dma_wait3A_64 = arith.constant 0 : i32
      %dma_wait3A_65 = tpu.memref_slice %arg8[%add3A_33, %dma_wait3A_64] : memref<10240x128xf32, #tpu.memory_space<vmem_shared>> -> memref<64x128xf32, #tpu.memory_space<vmem_shared>>
      tpu.wait_dma2 semaphore(%run_scoped3A : memref<!tpu.dma_semaphore, #tpu.memory_space<semaphore_mem>>) src(%dma_wait3A_65 : memref<64x128xf32, #tpu.memory_space<vmem_shared>>) dst(%dma_wait3A_63 : memref<64x128xf32, #tpu.memory_space<vmem>>)
      tpu.yield
    }) : () -> ()
    "tpu.region"() ({
      %run_scoped3A = tpu.sem_alloc : memref<!tpu.dma_semaphore, #tpu.memory_space<semaphore_mem>>
      %dma_start3A = arith.constant 0 : i32
      %dma_start3A_48 = arith.constant 0 : i32
      %dma_start3A_49 = tpu.memref_slice %arg9[%dma_start3A, %dma_start3A_48] : memref<256x128xf32, #tpu.memory_space<vmem>> -> memref<64x128xf32, #tpu.memory_space<vmem>>
      %dma_start3A_50 = arith.constant 0 : i32
      %dma_start3A_51 = tpu.memref_slice %arg7[%arg0, %add3A_33, %dma_start3A_50] : memref<2x10240x128xf32, #tpu.memory_space<hbm>> -> memref<1x64x128xf32, #tpu.memory_space<hbm>>
      %dma_start3A_52 = tpu.memref_squeeze %dma_start3A_51 : memref<1x64x128xf32, #tpu.memory_space<hbm>> -> memref<64x128xf32, #tpu.memory_space<hbm>>
      %dma_start3A_53 = arith.constant 0 : i32
      %dma_start3A_54 = tpu.memref_slice %arg7[%arg0, %add3A_33, %dma_start3A_53] : memref<2x10240x128xf32, #tpu.memory_space<hbm>> -> memref<1x64x128xf32, #tpu.memory_space<hbm>>
      %dma_start3A_55 = tpu.memref_squeeze %dma_start3A_54 : memref<1x64x128xf32, #tpu.memory_space<hbm>> -> memref<64x128xf32, #tpu.memory_space<hbm>>
      %dma_start3A_56 = arith.constant 0 : i32
      %dma_start3A_57 = arith.constant 0 : i32
      %dma_start3A_58 = tpu.memref_slice %arg9[%dma_start3A_56, %dma_start3A_57] : memref<256x128xf32, #tpu.memory_space<vmem>> -> memref<64x128xf32, #tpu.memory_space<vmem>>
      tpu.enqueue_dma source(%dma_start3A_58 : memref<64x128xf32, #tpu.memory_space<vmem>>) target(%dma_start3A_55 : memref<64x128xf32, #tpu.memory_space<hbm>>) target_semaphore(%run_scoped3A : memref<!tpu.dma_semaphore, #tpu.memory_space<semaphore_mem>>)
      %dma_wait3A = arith.constant 0 : i32
      %dma_wait3A_59 = arith.constant 0 : i32
      %dma_wait3A_60 = tpu.memref_slice %arg9[%dma_wait3A, %dma_wait3A_59] : memref<256x128xf32, #tpu.memory_space<vmem>> -> memref<64x128xf32, #tpu.memory_space<vmem>>
      %dma_wait3A_61 = arith.constant 0 : i32
      %dma_wait3A_62 = tpu.memref_slice %arg7[%arg0, %add3A_33, %dma_wait3A_61] : memref<2x10240x128xf32, #tpu.memory_space<hbm>> -> memref<1x64x128xf32, #tpu.memory_space<hbm>>
      %dma_wait3A_63 = tpu.memref_squeeze %dma_wait3A_62 : memref<1x64x128xf32, #tpu.memory_space<hbm>> -> memref<64x128xf32, #tpu.memory_space<hbm>>
      %dma_wait3A_64 = arith.constant 0 : i32
      %dma_wait3A_65 = tpu.memref_slice %arg7[%arg0, %add3A_33, %dma_wait3A_64] : memref<2x10240x128xf32, #tpu.memory_space<hbm>> -> memref<1x64x128xf32, #tpu.memory_space<hbm>>
      %dma_wait3A_66 = tpu.memref_squeeze %dma_wait3A_65 : memref<1x64x128xf32, #tpu.memory_space<hbm>> -> memref<64x128xf32, #tpu.memory_space<hbm>>
      %dma_wait3A_67 = arith.constant 0 : i32
      %dma_wait3A_68 = arith.constant 0 : i32
      %dma_wait3A_69 = tpu.memref_slice %arg9[%dma_wait3A_67, %dma_wait3A_68] : memref<256x128xf32, #tpu.memory_space<vmem>> -> memref<64x128xf32, #tpu.memory_space<vmem>>
      tpu.wait_dma2 semaphore(%run_scoped3A : memref<!tpu.dma_semaphore, #tpu.memory_space<semaphore_mem>>) src(%dma_wait3A_69 : memref<64x128xf32, #tpu.memory_space<vmem>>) dst(%dma_wait3A_66 : memref<64x128xf32, #tpu.memory_space<hbm>>)
      tpu.yield
    }) : () -> ()
    %add3A_34 = arith.constant 192 : i32
    %add3A_35 = arith.addi %mul3A_0, %add3A_34 : i32
    "tpu.region"() ({
      %run_scoped3A = tpu.sem_alloc : memref<!tpu.dma_semaphore, #tpu.memory_space<semaphore_mem>>
      %dma_start3A = arith.constant 0 : i32
      %dma_start3A_48 = arith.constant 0 : i32
      %dma_start3A_49 = tpu.memref_slice %arg9[%dma_start3A, %dma_start3A_48] : memref<256x128xf32, #tpu.memory_space<vmem>> -> memref<64x128xf32, #tpu.memory_space<vmem>>
      %dma_start3A_50 = arith.constant 0 : i32
      %dma_start3A_51 = tpu.memref_slice %arg8[%add3A_35, %dma_start3A_50] : memref<10240x128xf32, #tpu.memory_space<vmem_shared>> -> memref<64x128xf32, #tpu.memory_space<vmem_shared>>
      %dma_start3A_52 = arith.constant 0 : i32
      %dma_start3A_53 = arith.constant 0 : i32
      %dma_start3A_54 = tpu.memref_slice %arg9[%dma_start3A_52, %dma_start3A_53] : memref<256x128xf32, #tpu.memory_space<vmem>> -> memref<64x128xf32, #tpu.memory_space<vmem>>
      %dma_start3A_55 = arith.constant 0 : i32
      %dma_start3A_56 = tpu.memref_slice %arg8[%add3A_35, %dma_start3A_55] : memref<10240x128xf32, #tpu.memory_space<vmem_shared>> -> memref<64x128xf32, #tpu.memory_space<vmem_shared>>
      tpu.enqueue_dma source(%dma_start3A_56 : memref<64x128xf32, #tpu.memory_space<vmem_shared>>) target(%dma_start3A_54 : memref<64x128xf32, #tpu.memory_space<vmem>>) target_semaphore(%run_scoped3A : memref<!tpu.dma_semaphore, #tpu.memory_space<semaphore_mem>>)
      %dma_wait3A = arith.constant 0 : i32
      %dma_wait3A_57 = arith.constant 0 : i32
      %dma_wait3A_58 = tpu.memref_slice %arg9[%dma_wait3A, %dma_wait3A_57] : memref<256x128xf32, #tpu.memory_space<vmem>> -> memref<64x128xf32, #tpu.memory_space<vmem>>
      %dma_wait3A_59 = arith.constant 0 : i32
      %dma_wait3A_60 = tpu.memref_slice %arg8[%add3A_35, %dma_wait3A_59] : memref<10240x128xf32, #tpu.memory_space<vmem_shared>> -> memref<64x128xf32, #tpu.memory_space<vmem_shared>>
      %dma_wait3A_61 = arith.constant 0 : i32
      %dma_wait3A_62 = arith.constant 0 : i32
      %dma_wait3A_63 = tpu.memref_slice %arg9[%dma_wait3A_61, %dma_wait3A_62] : memref<256x128xf32, #tpu.memory_space<vmem>> -> memref<64x128xf32, #tpu.memory_space<vmem>>
      %dma_wait3A_64 = arith.constant 0 : i32
      %dma_wait3A_65 = tpu.memref_slice %arg8[%add3A_35, %dma_wait3A_64] : memref<10240x128xf32, #tpu.memory_space<vmem_shared>> -> memref<64x128xf32, #tpu.memory_space<vmem_shared>>
      tpu.wait_dma2 semaphore(%run_scoped3A : memref<!tpu.dma_semaphore, #tpu.memory_space<semaphore_mem>>) src(%dma_wait3A_65 : memref<64x128xf32, #tpu.memory_space<vmem_shared>>) dst(%dma_wait3A_63 : memref<64x128xf32, #tpu.memory_space<vmem>>)
      tpu.yield
    }) : () -> ()
    "tpu.region"() ({
      %run_scoped3A = tpu.sem_alloc : memref<!tpu.dma_semaphore, #tpu.memory_space<semaphore_mem>>
      %dma_start3A = arith.constant 0 : i32
      %dma_start3A_48 = arith.constant 0 : i32
      %dma_start3A_49 = tpu.memref_slice %arg9[%dma_start3A, %dma_start3A_48] : memref<256x128xf32, #tpu.memory_space<vmem>> -> memref<64x128xf32, #tpu.memory_space<vmem>>
      %dma_start3A_50 = arith.constant 0 : i32
      %dma_start3A_51 = tpu.memref_slice %arg7[%arg0, %add3A_35, %dma_start3A_50] : memref<2x10240x128xf32, #tpu.memory_space<hbm>> -> memref<1x64x128xf32, #tpu.memory_space<hbm>>
      %dma_start3A_52 = tpu.memref_squeeze %dma_start3A_51 : memref<1x64x128xf32, #tpu.memory_space<hbm>> -> memref<64x128xf32, #tpu.memory_space<hbm>>
      %dma_start3A_53 = arith.constant 0 : i32
      %dma_start3A_54 = tpu.memref_slice %arg7[%arg0, %add3A_35, %dma_start3A_53] : memref<2x10240x128xf32, #tpu.memory_space<hbm>> -> memref<1x64x128xf32, #tpu.memory_space<hbm>>
      %dma_start3A_55 = tpu.memref_squeeze %dma_start3A_54 : memref<1x64x128xf32, #tpu.memory_space<hbm>> -> memref<64x128xf32, #tpu.memory_space<hbm>>
      %dma_start3A_56 = arith.constant 0 : i32
      %dma_start3A_57 = arith.constant 0 : i32
      %dma_start3A_58 = tpu.memref_slice %arg9[%dma_start3A_56, %dma_start3A_57] : memref<256x128xf32, #tpu.memory_space<vmem>> -> memref<64x128xf32, #tpu.memory_space<vmem>>
      tpu.enqueue_dma source(%dma_start3A_58 : memref<64x128xf32, #tpu.memory_space<vmem>>) target(%dma_start3A_55 : memref<64x128xf32, #tpu.memory_space<hbm>>) target_semaphore(%run_scoped3A : memref<!tpu.dma_semaphore, #tpu.memory_space<semaphore_mem>>)
      %dma_wait3A = arith.constant 0 : i32
      %dma_wait3A_59 = arith.constant 0 : i32
      %dma_wait3A_60 = tpu.memref_slice %arg9[%dma_wait3A, %dma_wait3A_59] : memref<256x128xf32, #tpu.memory_space<vmem>> -> memref<64x128xf32, #tpu.memory_space<vmem>>
      %dma_wait3A_61 = arith.constant 0 : i32
      %dma_wait3A_62 = tpu.memref_slice %arg7[%arg0, %add3A_35, %dma_wait3A_61] : memref<2x10240x128xf32, #tpu.memory_space<hbm>> -> memref<1x64x128xf32, #tpu.memory_space<hbm>>
      %dma_wait3A_63 = tpu.memref_squeeze %dma_wait3A_62 : memref<1x64x128xf32, #tpu.memory_space<hbm>> -> memref<64x128xf32, #tpu.memory_space<hbm>>
      %dma_wait3A_64 = arith.constant 0 : i32
      %dma_wait3A_65 = tpu.memref_slice %arg7[%arg0, %add3A_35, %dma_wait3A_64] : memref<2x10240x128xf32, #tpu.memory_space<hbm>> -> memref<1x64x128xf32, #tpu.memory_space<hbm>>
      %dma_wait3A_66 = tpu.memref_squeeze %dma_wait3A_65 : memref<1x64x128xf32, #tpu.memory_space<hbm>> -> memref<64x128xf32, #tpu.memory_space<hbm>>
      %dma_wait3A_67 = arith.constant 0 : i32
      %dma_wait3A_68 = arith.constant 0 : i32
      %dma_wait3A_69 = tpu.memref_slice %arg9[%dma_wait3A_67, %dma_wait3A_68] : memref<256x128xf32, #tpu.memory_space<vmem>> -> memref<64x128xf32, #tpu.memory_space<vmem>>
      tpu.wait_dma2 semaphore(%run_scoped3A : memref<!tpu.dma_semaphore, #tpu.memory_space<semaphore_mem>>) src(%dma_wait3A_69 : memref<64x128xf32, #tpu.memory_space<vmem>>) dst(%dma_wait3A_66 : memref<64x128xf32, #tpu.memory_space<hbm>>)
      tpu.yield
    }) : () -> ()
    %add3A_36 = arith.constant 256 : i32
    %add3A_37 = arith.addi %mul3A_0, %add3A_36 : i32
    "tpu.region"() ({
      %run_scoped3A = tpu.sem_alloc : memref<!tpu.dma_semaphore, #tpu.memory_space<semaphore_mem>>
      %dma_start3A = arith.constant 0 : i32
      %dma_start3A_48 = arith.constant 0 : i32
      %dma_start3A_49 = tpu.memref_slice %arg9[%dma_start3A, %dma_start3A_48] : memref<256x128xf32, #tpu.memory_space<vmem>> -> memref<64x128xf32, #tpu.memory_space<vmem>>
      %dma_start3A_50 = arith.constant 0 : i32
      %dma_start3A_51 = tpu.memref_slice %arg8[%add3A_37, %dma_start3A_50] : memref<10240x128xf32, #tpu.memory_space<vmem_shared>> -> memref<64x128xf32, #tpu.memory_space<vmem_shared>>
      %dma_start3A_52 = arith.constant 0 : i32
      %dma_start3A_53 = arith.constant 0 : i32
      %dma_start3A_54 = tpu.memref_slice %arg9[%dma_start3A_52, %dma_start3A_53] : memref<256x128xf32, #tpu.memory_space<vmem>> -> memref<64x128xf32, #tpu.memory_space<vmem>>
      %dma_start3A_55 = arith.constant 0 : i32
      %dma_start3A_56 = tpu.memref_slice %arg8[%add3A_37, %dma_start3A_55] : memref<10240x128xf32, #tpu.memory_space<vmem_shared>> -> memref<64x128xf32, #tpu.memory_space<vmem_shared>>
      tpu.enqueue_dma source(%dma_start3A_56 : memref<64x128xf32, #tpu.memory_space<vmem_shared>>) target(%dma_start3A_54 : memref<64x128xf32, #tpu.memory_space<vmem>>) target_semaphore(%run_scoped3A : memref<!tpu.dma_semaphore, #tpu.memory_space<semaphore_mem>>)
      %dma_wait3A = arith.constant 0 : i32
      %dma_wait3A_57 = arith.constant 0 : i32
      %dma_wait3A_58 = tpu.memref_slice %arg9[%dma_wait3A, %dma_wait3A_57] : memref<256x128xf32, #tpu.memory_space<vmem>> -> memref<64x128xf32, #tpu.memory_space<vmem>>
      %dma_wait3A_59 = arith.constant 0 : i32
      %dma_wait3A_60 = tpu.memref_slice %arg8[%add3A_37, %dma_wait3A_59] : memref<10240x128xf32, #tpu.memory_space<vmem_shared>> -> memref<64x128xf32, #tpu.memory_space<vmem_shared>>
      %dma_wait3A_61 = arith.constant 0 : i32
      %dma_wait3A_62 = arith.constant 0 : i32
      %dma_wait3A_63 = tpu.memref_slice %arg9[%dma_wait3A_61, %dma_wait3A_62] : memref<256x128xf32, #tpu.memory_space<vmem>> -> memref<64x128xf32, #tpu.memory_space<vmem>>
      %dma_wait3A_64 = arith.constant 0 : i32
      %dma_wait3A_65 = tpu.memref_slice %arg8[%add3A_37, %dma_wait3A_64] : memref<10240x128xf32, #tpu.memory_space<vmem_shared>> -> memref<64x128xf32, #tpu.memory_space<vmem_shared>>
      tpu.wait_dma2 semaphore(%run_scoped3A : memref<!tpu.dma_semaphore, #tpu.memory_space<semaphore_mem>>) src(%dma_wait3A_65 : memref<64x128xf32, #tpu.memory_space<vmem_shared>>) dst(%dma_wait3A_63 : memref<64x128xf32, #tpu.memory_space<vmem>>)
      tpu.yield
    }) : () -> ()
    "tpu.region"() ({
      %run_scoped3A = tpu.sem_alloc : memref<!tpu.dma_semaphore, #tpu.memory_space<semaphore_mem>>
      %dma_start3A = arith.constant 0 : i32
      %dma_start3A_48 = arith.constant 0 : i32
      %dma_start3A_49 = tpu.memref_slice %arg9[%dma_start3A, %dma_start3A_48] : memref<256x128xf32, #tpu.memory_space<vmem>> -> memref<64x128xf32, #tpu.memory_space<vmem>>
      %dma_start3A_50 = arith.constant 0 : i32
      %dma_start3A_51 = tpu.memref_slice %arg7[%arg0, %add3A_37, %dma_start3A_50] : memref<2x10240x128xf32, #tpu.memory_space<hbm>> -> memref<1x64x128xf32, #tpu.memory_space<hbm>>
      %dma_start3A_52 = tpu.memref_squeeze %dma_start3A_51 : memref<1x64x128xf32, #tpu.memory_space<hbm>> -> memref<64x128xf32, #tpu.memory_space<hbm>>
      %dma_start3A_53 = arith.constant 0 : i32
      %dma_start3A_54 = tpu.memref_slice %arg7[%arg0, %add3A_37, %dma_start3A_53] : memref<2x10240x128xf32, #tpu.memory_space<hbm>> -> memref<1x64x128xf32, #tpu.memory_space<hbm>>
      %dma_start3A_55 = tpu.memref_squeeze %dma_start3A_54 : memref<1x64x128xf32, #tpu.memory_space<hbm>> -> memref<64x128xf32, #tpu.memory_space<hbm>>
      %dma_start3A_56 = arith.constant 0 : i32
      %dma_start3A_57 = arith.constant 0 : i32
      %dma_start3A_58 = tpu.memref_slice %arg9[%dma_start3A_56, %dma_start3A_57] : memref<256x128xf32, #tpu.memory_space<vmem>> -> memref<64x128xf32, #tpu.memory_space<vmem>>
      tpu.enqueue_dma source(%dma_start3A_58 : memref<64x128xf32, #tpu.memory_space<vmem>>) target(%dma_start3A_55 : memref<64x128xf32, #tpu.memory_space<hbm>>) target_semaphore(%run_scoped3A : memref<!tpu.dma_semaphore, #tpu.memory_space<semaphore_mem>>)
      %dma_wait3A = arith.constant 0 : i32
      %dma_wait3A_59 = arith.constant 0 : i32
      %dma_wait3A_60 = tpu.memref_slice %arg9[%dma_wait3A, %dma_wait3A_59] : memref<256x128xf32, #tpu.memory_space<vmem>> -> memref<64x128xf32, #tpu.memory_space<vmem>>
      %dma_wait3A_61 = arith.constant 0 : i32
      %dma_wait3A_62 = tpu.memref_slice %arg7[%arg0, %add3A_37, %dma_wait3A_61] : memref<2x10240x128xf32, #tpu.memory_space<hbm>> -> memref<1x64x128xf32, #tpu.memory_space<hbm>>
      %dma_wait3A_63 = tpu.memref_squeeze %dma_wait3A_62 : memref<1x64x128xf32, #tpu.memory_space<hbm>> -> memref<64x128xf32, #tpu.memory_space<hbm>>
      %dma_wait3A_64 = arith.constant 0 : i32
      %dma_wait3A_65 = tpu.memref_slice %arg7[%arg0, %add3A_37, %dma_wait3A_64] : memref<2x10240x128xf32, #tpu.memory_space<hbm>> -> memref<1x64x128xf32, #tpu.memory_space<hbm>>
      %dma_wait3A_66 = tpu.memref_squeeze %dma_wait3A_65 : memref<1x64x128xf32, #tpu.memory_space<hbm>> -> memref<64x128xf32, #tpu.memory_space<hbm>>
      %dma_wait3A_67 = arith.constant 0 : i32
      %dma_wait3A_68 = arith.constant 0 : i32
      %dma_wait3A_69 = tpu.memref_slice %arg9[%dma_wait3A_67, %dma_wait3A_68] : memref<256x128xf32, #tpu.memory_space<vmem>> -> memref<64x128xf32, #tpu.memory_space<vmem>>
      tpu.wait_dma2 semaphore(%run_scoped3A : memref<!tpu.dma_semaphore, #tpu.memory_space<semaphore_mem>>) src(%dma_wait3A_69 : memref<64x128xf32, #tpu.memory_space<vmem>>) dst(%dma_wait3A_66 : memref<64x128xf32, #tpu.memory_space<hbm>>)
      tpu.yield
    }) : () -> ()
    %add3A_38 = arith.constant 320 : i32
    %add3A_39 = arith.addi %mul3A_0, %add3A_38 : i32
    "tpu.region"() ({
      %run_scoped3A = tpu.sem_alloc : memref<!tpu.dma_semaphore, #tpu.memory_space<semaphore_mem>>
      %dma_start3A = arith.constant 0 : i32
      %dma_start3A_48 = arith.constant 0 : i32
      %dma_start3A_49 = tpu.memref_slice %arg9[%dma_start3A, %dma_start3A_48] : memref<256x128xf32, #tpu.memory_space<vmem>> -> memref<64x128xf32, #tpu.memory_space<vmem>>
      %dma_start3A_50 = arith.constant 0 : i32
      %dma_start3A_51 = tpu.memref_slice %arg8[%add3A_39, %dma_start3A_50] : memref<10240x128xf32, #tpu.memory_space<vmem_shared>> -> memref<64x128xf32, #tpu.memory_space<vmem_shared>>
      %dma_start3A_52 = arith.constant 0 : i32
      %dma_start3A_53 = arith.constant 0 : i32
      %dma_start3A_54 = tpu.memref_slice %arg9[%dma_start3A_52, %dma_start3A_53] : memref<256x128xf32, #tpu.memory_space<vmem>> -> memref<64x128xf32, #tpu.memory_space<vmem>>
      %dma_start3A_55 = arith.constant 0 : i32
      %dma_start3A_56 = tpu.memref_slice %arg8[%add3A_39, %dma_start3A_55] : memref<10240x128xf32, #tpu.memory_space<vmem_shared>> -> memref<64x128xf32, #tpu.memory_space<vmem_shared>>
      tpu.enqueue_dma source(%dma_start3A_56 : memref<64x128xf32, #tpu.memory_space<vmem_shared>>) target(%dma_start3A_54 : memref<64x128xf32, #tpu.memory_space<vmem>>) target_semaphore(%run_scoped3A : memref<!tpu.dma_semaphore, #tpu.memory_space<semaphore_mem>>)
      %dma_wait3A = arith.constant 0 : i32
      %dma_wait3A_57 = arith.constant 0 : i32
      %dma_wait3A_58 = tpu.memref_slice %arg9[%dma_wait3A, %dma_wait3A_57] : memref<256x128xf32, #tpu.memory_space<vmem>> -> memref<64x128xf32, #tpu.memory_space<vmem>>
      %dma_wait3A_59 = arith.constant 0 : i32
      %dma_wait3A_60 = tpu.memref_slice %arg8[%add3A_39, %dma_wait3A_59] : memref<10240x128xf32, #tpu.memory_space<vmem_shared>> -> memref<64x128xf32, #tpu.memory_space<vmem_shared>>
      %dma_wait3A_61 = arith.constant 0 : i32
      %dma_wait3A_62 = arith.constant 0 : i32
      %dma_wait3A_63 = tpu.memref_slice %arg9[%dma_wait3A_61, %dma_wait3A_62] : memref<256x128xf32, #tpu.memory_space<vmem>> -> memref<64x128xf32, #tpu.memory_space<vmem>>
      %dma_wait3A_64 = arith.constant 0 : i32
      %dma_wait3A_65 = tpu.memref_slice %arg8[%add3A_39, %dma_wait3A_64] : memref<10240x128xf32, #tpu.memory_space<vmem_shared>> -> memref<64x128xf32, #tpu.memory_space<vmem_shared>>
      tpu.wait_dma2 semaphore(%run_scoped3A : memref<!tpu.dma_semaphore, #tpu.memory_space<semaphore_mem>>) src(%dma_wait3A_65 : memref<64x128xf32, #tpu.memory_space<vmem_shared>>) dst(%dma_wait3A_63 : memref<64x128xf32, #tpu.memory_space<vmem>>)
      tpu.yield
    }) : () -> ()
    "tpu.region"() ({
      %run_scoped3A = tpu.sem_alloc : memref<!tpu.dma_semaphore, #tpu.memory_space<semaphore_mem>>
      %dma_start3A = arith.constant 0 : i32
      %dma_start3A_48 = arith.constant 0 : i32
      %dma_start3A_49 = tpu.memref_slice %arg9[%dma_start3A, %dma_start3A_48] : memref<256x128xf32, #tpu.memory_space<vmem>> -> memref<64x128xf32, #tpu.memory_space<vmem>>
      %dma_start3A_50 = arith.constant 0 : i32
      %dma_start3A_51 = tpu.memref_slice %arg7[%arg0, %add3A_39, %dma_start3A_50] : memref<2x10240x128xf32, #tpu.memory_space<hbm>> -> memref<1x64x128xf32, #tpu.memory_space<hbm>>
      %dma_start3A_52 = tpu.memref_squeeze %dma_start3A_51 : memref<1x64x128xf32, #tpu.memory_space<hbm>> -> memref<64x128xf32, #tpu.memory_space<hbm>>
      %dma_start3A_53 = arith.constant 0 : i32
      %dma_start3A_54 = tpu.memref_slice %arg7[%arg0, %add3A_39, %dma_start3A_53] : memref<2x10240x128xf32, #tpu.memory_space<hbm>> -> memref<1x64x128xf32, #tpu.memory_space<hbm>>
      %dma_start3A_55 = tpu.memref_squeeze %dma_start3A_54 : memref<1x64x128xf32, #tpu.memory_space<hbm>> -> memref<64x128xf32, #tpu.memory_space<hbm>>
      %dma_start3A_56 = arith.constant 0 : i32
      %dma_start3A_57 = arith.constant 0 : i32
      %dma_start3A_58 = tpu.memref_slice %arg9[%dma_start3A_56, %dma_start3A_57] : memref<256x128xf32, #tpu.memory_space<vmem>> -> memref<64x128xf32, #tpu.memory_space<vmem>>
      tpu.enqueue_dma source(%dma_start3A_58 : memref<64x128xf32, #tpu.memory_space<vmem>>) target(%dma_start3A_55 : memref<64x128xf32, #tpu.memory_space<hbm>>) target_semaphore(%run_scoped3A : memref<!tpu.dma_semaphore, #tpu.memory_space<semaphore_mem>>)
      %dma_wait3A = arith.constant 0 : i32
      %dma_wait3A_59 = arith.constant 0 : i32
      %dma_wait3A_60 = tpu.memref_slice %arg9[%dma_wait3A, %dma_wait3A_59] : memref<256x128xf32, #tpu.memory_space<vmem>> -> memref<64x128xf32, #tpu.memory_space<vmem>>
      %dma_wait3A_61 = arith.constant 0 : i32
      %dma_wait3A_62 = tpu.memref_slice %arg7[%arg0, %add3A_39, %dma_wait3A_61] : memref<2x10240x128xf32, #tpu.memory_space<hbm>> -> memref<1x64x128xf32, #tpu.memory_space<hbm>>
      %dma_wait3A_63 = tpu.memref_squeeze %dma_wait3A_62 : memref<1x64x128xf32, #tpu.memory_space<hbm>> -> memref<64x128xf32, #tpu.memory_space<hbm>>
      %dma_wait3A_64 = arith.constant 0 : i32
      %dma_wait3A_65 = tpu.memref_slice %arg7[%arg0, %add3A_39, %dma_wait3A_64] : memref<2x10240x128xf32, #tpu.memory_space<hbm>> -> memref<1x64x128xf32, #tpu.memory_space<hbm>>
      %dma_wait3A_66 = tpu.memref_squeeze %dma_wait3A_65 : memref<1x64x128xf32, #tpu.memory_space<hbm>> -> memref<64x128xf32, #tpu.memory_space<hbm>>
      %dma_wait3A_67 = arith.constant 0 : i32
      %dma_wait3A_68 = arith.constant 0 : i32
      %dma_wait3A_69 = tpu.memref_slice %arg9[%dma_wait3A_67, %dma_wait3A_68] : memref<256x128xf32, #tpu.memory_space<vmem>> -> memref<64x128xf32, #tpu.memory_space<vmem>>
      tpu.wait_dma2 semaphore(%run_scoped3A : memref<!tpu.dma_semaphore, #tpu.memory_space<semaphore_mem>>) src(%dma_wait3A_69 : memref<64x128xf32, #tpu.memory_space<vmem>>) dst(%dma_wait3A_66 : memref<64x128xf32, #tpu.memory_space<hbm>>)
      tpu.yield
    }) : () -> ()
    %add3A_40 = arith.constant 384 : i32
    %add3A_41 = arith.addi %mul3A_0, %add3A_40 : i32
    "tpu.region"() ({
      %run_scoped3A = tpu.sem_alloc : memref<!tpu.dma_semaphore, #tpu.memory_space<semaphore_mem>>
      %dma_start3A = arith.constant 0 : i32
      %dma_start3A_48 = arith.constant 0 : i32
      %dma_start3A_49 = tpu.memref_slice %arg9[%dma_start3A, %dma_start3A_48] : memref<256x128xf32, #tpu.memory_space<vmem>> -> memref<64x128xf32, #tpu.memory_space<vmem>>
      %dma_start3A_50 = arith.constant 0 : i32
      %dma_start3A_51 = tpu.memref_slice %arg8[%add3A_41, %dma_start3A_50] : memref<10240x128xf32, #tpu.memory_space<vmem_shared>> -> memref<64x128xf32, #tpu.memory_space<vmem_shared>>
      %dma_start3A_52 = arith.constant 0 : i32
      %dma_start3A_53 = arith.constant 0 : i32
      %dma_start3A_54 = tpu.memref_slice %arg9[%dma_start3A_52, %dma_start3A_53] : memref<256x128xf32, #tpu.memory_space<vmem>> -> memref<64x128xf32, #tpu.memory_space<vmem>>
      %dma_start3A_55 = arith.constant 0 : i32
      %dma_start3A_56 = tpu.memref_slice %arg8[%add3A_41, %dma_start3A_55] : memref<10240x128xf32, #tpu.memory_space<vmem_shared>> -> memref<64x128xf32, #tpu.memory_space<vmem_shared>>
      tpu.enqueue_dma source(%dma_start3A_56 : memref<64x128xf32, #tpu.memory_space<vmem_shared>>) target(%dma_start3A_54 : memref<64x128xf32, #tpu.memory_space<vmem>>) target_semaphore(%run_scoped3A : memref<!tpu.dma_semaphore, #tpu.memory_space<semaphore_mem>>)
      %dma_wait3A = arith.constant 0 : i32
      %dma_wait3A_57 = arith.constant 0 : i32
      %dma_wait3A_58 = tpu.memref_slice %arg9[%dma_wait3A, %dma_wait3A_57] : memref<256x128xf32, #tpu.memory_space<vmem>> -> memref<64x128xf32, #tpu.memory_space<vmem>>
      %dma_wait3A_59 = arith.constant 0 : i32
      %dma_wait3A_60 = tpu.memref_slice %arg8[%add3A_41, %dma_wait3A_59] : memref<10240x128xf32, #tpu.memory_space<vmem_shared>> -> memref<64x128xf32, #tpu.memory_space<vmem_shared>>
      %dma_wait3A_61 = arith.constant 0 : i32
      %dma_wait3A_62 = arith.constant 0 : i32
      %dma_wait3A_63 = tpu.memref_slice %arg9[%dma_wait3A_61, %dma_wait3A_62] : memref<256x128xf32, #tpu.memory_space<vmem>> -> memref<64x128xf32, #tpu.memory_space<vmem>>
      %dma_wait3A_64 = arith.constant 0 : i32
      %dma_wait3A_65 = tpu.memref_slice %arg8[%add3A_41, %dma_wait3A_64] : memref<10240x128xf32, #tpu.memory_space<vmem_shared>> -> memref<64x128xf32, #tpu.memory_space<vmem_shared>>
      tpu.wait_dma2 semaphore(%run_scoped3A : memref<!tpu.dma_semaphore, #tpu.memory_space<semaphore_mem>>) src(%dma_wait3A_65 : memref<64x128xf32, #tpu.memory_space<vmem_shared>>) dst(%dma_wait3A_63 : memref<64x128xf32, #tpu.memory_space<vmem>>)
      tpu.yield
    }) : () -> ()
    "tpu.region"() ({
      %run_scoped3A = tpu.sem_alloc : memref<!tpu.dma_semaphore, #tpu.memory_space<semaphore_mem>>
      %dma_start3A = arith.constant 0 : i32
      %dma_start3A_48 = arith.constant 0 : i32
      %dma_start3A_49 = tpu.memref_slice %arg9[%dma_start3A, %dma_start3A_48] : memref<256x128xf32, #tpu.memory_space<vmem>> -> memref<64x128xf32, #tpu.memory_space<vmem>>
      %dma_start3A_50 = arith.constant 0 : i32
      %dma_start3A_51 = tpu.memref_slice %arg7[%arg0, %add3A_41, %dma_start3A_50] : memref<2x10240x128xf32, #tpu.memory_space<hbm>> -> memref<1x64x128xf32, #tpu.memory_space<hbm>>
      %dma_start3A_52 = tpu.memref_squeeze %dma_start3A_51 : memref<1x64x128xf32, #tpu.memory_space<hbm>> -> memref<64x128xf32, #tpu.memory_space<hbm>>
      %dma_start3A_53 = arith.constant 0 : i32
      %dma_start3A_54 = tpu.memref_slice %arg7[%arg0, %add3A_41, %dma_start3A_53] : memref<2x10240x128xf32, #tpu.memory_space<hbm>> -> memref<1x64x128xf32, #tpu.memory_space<hbm>>
      %dma_start3A_55 = tpu.memref_squeeze %dma_start3A_54 : memref<1x64x128xf32, #tpu.memory_space<hbm>> -> memref<64x128xf32, #tpu.memory_space<hbm>>
      %dma_start3A_56 = arith.constant 0 : i32
      %dma_start3A_57 = arith.constant 0 : i32
      %dma_start3A_58 = tpu.memref_slice %arg9[%dma_start3A_56, %dma_start3A_57] : memref<256x128xf32, #tpu.memory_space<vmem>> -> memref<64x128xf32, #tpu.memory_space<vmem>>
      tpu.enqueue_dma source(%dma_start3A_58 : memref<64x128xf32, #tpu.memory_space<vmem>>) target(%dma_start3A_55 : memref<64x128xf32, #tpu.memory_space<hbm>>) target_semaphore(%run_scoped3A : memref<!tpu.dma_semaphore, #tpu.memory_space<semaphore_mem>>)
      %dma_wait3A = arith.constant 0 : i32
      %dma_wait3A_59 = arith.constant 0 : i32
      %dma_wait3A_60 = tpu.memref_slice %arg9[%dma_wait3A, %dma_wait3A_59] : memref<256x128xf32, #tpu.memory_space<vmem>> -> memref<64x128xf32, #tpu.memory_space<vmem>>
      %dma_wait3A_61 = arith.constant 0 : i32
      %dma_wait3A_62 = tpu.memref_slice %arg7[%arg0, %add3A_41, %dma_wait3A_61] : memref<2x10240x128xf32, #tpu.memory_space<hbm>> -> memref<1x64x128xf32, #tpu.memory_space<hbm>>
      %dma_wait3A_63 = tpu.memref_squeeze %dma_wait3A_62 : memref<1x64x128xf32, #tpu.memory_space<hbm>> -> memref<64x128xf32, #tpu.memory_space<hbm>>
      %dma_wait3A_64 = arith.constant 0 : i32
      %dma_wait3A_65 = tpu.memref_slice %arg7[%arg0, %add3A_41, %dma_wait3A_64] : memref<2x10240x128xf32, #tpu.memory_space<hbm>> -> memref<1x64x128xf32, #tpu.memory_space<hbm>>
      %dma_wait3A_66 = tpu.memref_squeeze %dma_wait3A_65 : memref<1x64x128xf32, #tpu.memory_space<hbm>> -> memref<64x128xf32, #tpu.memory_space<hbm>>
      %dma_wait3A_67 = arith.constant 0 : i32
      %dma_wait3A_68 = arith.constant 0 : i32
      %dma_wait3A_69 = tpu.memref_slice %arg9[%dma_wait3A_67, %dma_wait3A_68] : memref<256x128xf32, #tpu.memory_space<vmem>> -> memref<64x128xf32, #tpu.memory_space<vmem>>
      tpu.wait_dma2 semaphore(%run_scoped3A : memref<!tpu.dma_semaphore, #tpu.memory_space<semaphore_mem>>) src(%dma_wait3A_69 : memref<64x128xf32, #tpu.memory_space<vmem>>) dst(%dma_wait3A_66 : memref<64x128xf32, #tpu.memory_space<hbm>>)
      tpu.yield
    }) : () -> ()
    %add3A_42 = arith.constant 448 : i32
    %add3A_43 = arith.addi %mul3A_0, %add3A_42 : i32
    "tpu.region"() ({
      %run_scoped3A = tpu.sem_alloc : memref<!tpu.dma_semaphore, #tpu.memory_space<semaphore_mem>>
      %dma_start3A = arith.constant 0 : i32
      %dma_start3A_48 = arith.constant 0 : i32
      %dma_start3A_49 = tpu.memref_slice %arg9[%dma_start3A, %dma_start3A_48] : memref<256x128xf32, #tpu.memory_space<vmem>> -> memref<64x128xf32, #tpu.memory_space<vmem>>
      %dma_start3A_50 = arith.constant 0 : i32
      %dma_start3A_51 = tpu.memref_slice %arg8[%add3A_43, %dma_start3A_50] : memref<10240x128xf32, #tpu.memory_space<vmem_shared>> -> memref<64x128xf32, #tpu.memory_space<vmem_shared>>
      %dma_start3A_52 = arith.constant 0 : i32
      %dma_start3A_53 = arith.constant 0 : i32
      %dma_start3A_54 = tpu.memref_slice %arg9[%dma_start3A_52, %dma_start3A_53] : memref<256x128xf32, #tpu.memory_space<vmem>> -> memref<64x128xf32, #tpu.memory_space<vmem>>
      %dma_start3A_55 = arith.constant 0 : i32
      %dma_start3A_56 = tpu.memref_slice %arg8[%add3A_43, %dma_start3A_55] : memref<10240x128xf32, #tpu.memory_space<vmem_shared>> -> memref<64x128xf32, #tpu.memory_space<vmem_shared>>
      tpu.enqueue_dma source(%dma_start3A_56 : memref<64x128xf32, #tpu.memory_space<vmem_shared>>) target(%dma_start3A_54 : memref<64x128xf32, #tpu.memory_space<vmem>>) target_semaphore(%run_scoped3A : memref<!tpu.dma_semaphore, #tpu.memory_space<semaphore_mem>>)
      %dma_wait3A = arith.constant 0 : i32
      %dma_wait3A_57 = arith.constant 0 : i32
      %dma_wait3A_58 = tpu.memref_slice %arg9[%dma_wait3A, %dma_wait3A_57] : memref<256x128xf32, #tpu.memory_space<vmem>> -> memref<64x128xf32, #tpu.memory_space<vmem>>
      %dma_wait3A_59 = arith.constant 0 : i32
      %dma_wait3A_60 = tpu.memref_slice %arg8[%add3A_43, %dma_wait3A_59] : memref<10240x128xf32, #tpu.memory_space<vmem_shared>> -> memref<64x128xf32, #tpu.memory_space<vmem_shared>>
      %dma_wait3A_61 = arith.constant 0 : i32
      %dma_wait3A_62 = arith.constant 0 : i32
      %dma_wait3A_63 = tpu.memref_slice %arg9[%dma_wait3A_61, %dma_wait3A_62] : memref<256x128xf32, #tpu.memory_space<vmem>> -> memref<64x128xf32, #tpu.memory_space<vmem>>
      %dma_wait3A_64 = arith.constant 0 : i32
      %dma_wait3A_65 = tpu.memref_slice %arg8[%add3A_43, %dma_wait3A_64] : memref<10240x128xf32, #tpu.memory_space<vmem_shared>> -> memref<64x128xf32, #tpu.memory_space<vmem_shared>>
      tpu.wait_dma2 semaphore(%run_scoped3A : memref<!tpu.dma_semaphore, #tpu.memory_space<semaphore_mem>>) src(%dma_wait3A_65 : memref<64x128xf32, #tpu.memory_space<vmem_shared>>) dst(%dma_wait3A_63 : memref<64x128xf32, #tpu.memory_space<vmem>>)
      tpu.yield
    }) : () -> ()
    "tpu.region"() ({
      %run_scoped3A = tpu.sem_alloc : memref<!tpu.dma_semaphore, #tpu.memory_space<semaphore_mem>>
      %dma_start3A = arith.constant 0 : i32
      %dma_start3A_48 = arith.constant 0 : i32
      %dma_start3A_49 = tpu.memref_slice %arg9[%dma_start3A, %dma_start3A_48] : memref<256x128xf32, #tpu.memory_space<vmem>> -> memref<64x128xf32, #tpu.memory_space<vmem>>
      %dma_start3A_50 = arith.constant 0 : i32
      %dma_start3A_51 = tpu.memref_slice %arg7[%arg0, %add3A_43, %dma_start3A_50] : memref<2x10240x128xf32, #tpu.memory_space<hbm>> -> memref<1x64x128xf32, #tpu.memory_space<hbm>>
      %dma_start3A_52 = tpu.memref_squeeze %dma_start3A_51 : memref<1x64x128xf32, #tpu.memory_space<hbm>> -> memref<64x128xf32, #tpu.memory_space<hbm>>
      %dma_start3A_53 = arith.constant 0 : i32
      %dma_start3A_54 = tpu.memref_slice %arg7[%arg0, %add3A_43, %dma_start3A_53] : memref<2x10240x128xf32, #tpu.memory_space<hbm>> -> memref<1x64x128xf32, #tpu.memory_space<hbm>>
      %dma_start3A_55 = tpu.memref_squeeze %dma_start3A_54 : memref<1x64x128xf32, #tpu.memory_space<hbm>> -> memref<64x128xf32, #tpu.memory_space<hbm>>
      %dma_start3A_56 = arith.constant 0 : i32
      %dma_start3A_57 = arith.constant 0 : i32
      %dma_start3A_58 = tpu.memref_slice %arg9[%dma_start3A_56, %dma_start3A_57] : memref<256x128xf32, #tpu.memory_space<vmem>> -> memref<64x128xf32, #tpu.memory_space<vmem>>
      tpu.enqueue_dma source(%dma_start3A_58 : memref<64x128xf32, #tpu.memory_space<vmem>>) target(%dma_start3A_55 : memref<64x128xf32, #tpu.memory_space<hbm>>) target_semaphore(%run_scoped3A : memref<!tpu.dma_semaphore, #tpu.memory_space<semaphore_mem>>)
      %dma_wait3A = arith.constant 0 : i32
      %dma_wait3A_59 = arith.constant 0 : i32
      %dma_wait3A_60 = tpu.memref_slice %arg9[%dma_wait3A, %dma_wait3A_59] : memref<256x128xf32, #tpu.memory_space<vmem>> -> memref<64x128xf32, #tpu.memory_space<vmem>>
      %dma_wait3A_61 = arith.constant 0 : i32
      %dma_wait3A_62 = tpu.memref_slice %arg7[%arg0, %add3A_43, %dma_wait3A_61] : memref<2x10240x128xf32, #tpu.memory_space<hbm>> -> memref<1x64x128xf32, #tpu.memory_space<hbm>>
      %dma_wait3A_63 = tpu.memref_squeeze %dma_wait3A_62 : memref<1x64x128xf32, #tpu.memory_space<hbm>> -> memref<64x128xf32, #tpu.memory_space<hbm>>
      %dma_wait3A_64 = arith.constant 0 : i32
      %dma_wait3A_65 = tpu.memref_slice %arg7[%arg0, %add3A_43, %dma_wait3A_64] : memref<2x10240x128xf32, #tpu.memory_space<hbm>> -> memref<1x64x128xf32, #tpu.memory_space<hbm>>
      %dma_wait3A_66 = tpu.memref_squeeze %dma_wait3A_65 : memref<1x64x128xf32, #tpu.memory_space<hbm>> -> memref<64x128xf32, #tpu.memory_space<hbm>>
      %dma_wait3A_67 = arith.constant 0 : i32
      %dma_wait3A_68 = arith.constant 0 : i32
      %dma_wait3A_69 = tpu.memref_slice %arg9[%dma_wait3A_67, %dma_wait3A_68] : memref<256x128xf32, #tpu.memory_space<vmem>> -> memref<64x128xf32, #tpu.memory_space<vmem>>
      tpu.wait_dma2 semaphore(%run_scoped3A : memref<!tpu.dma_semaphore, #tpu.memory_space<semaphore_mem>>) src(%dma_wait3A_69 : memref<64x128xf32, #tpu.memory_space<vmem>>) dst(%dma_wait3A_66 : memref<64x128xf32, #tpu.memory_space<hbm>>)
      tpu.yield
    }) : () -> ()
    %add3A_44 = arith.constant 512 : i32
    %add3A_45 = arith.addi %mul3A_0, %add3A_44 : i32
    "tpu.region"() ({
      %run_scoped3A = tpu.sem_alloc : memref<!tpu.dma_semaphore, #tpu.memory_space<semaphore_mem>>
      %dma_start3A = arith.constant 0 : i32
      %dma_start3A_48 = arith.constant 0 : i32
      %dma_start3A_49 = tpu.memref_slice %arg9[%dma_start3A, %dma_start3A_48] : memref<256x128xf32, #tpu.memory_space<vmem>> -> memref<64x128xf32, #tpu.memory_space<vmem>>
      %dma_start3A_50 = arith.constant 0 : i32
      %dma_start3A_51 = tpu.memref_slice %arg8[%add3A_45, %dma_start3A_50] : memref<10240x128xf32, #tpu.memory_space<vmem_shared>> -> memref<64x128xf32, #tpu.memory_space<vmem_shared>>
      %dma_start3A_52 = arith.constant 0 : i32
      %dma_start3A_53 = arith.constant 0 : i32
      %dma_start3A_54 = tpu.memref_slice %arg9[%dma_start3A_52, %dma_start3A_53] : memref<256x128xf32, #tpu.memory_space<vmem>> -> memref<64x128xf32, #tpu.memory_space<vmem>>
      %dma_start3A_55 = arith.constant 0 : i32
      %dma_start3A_56 = tpu.memref_slice %arg8[%add3A_45, %dma_start3A_55] : memref<10240x128xf32, #tpu.memory_space<vmem_shared>> -> memref<64x128xf32, #tpu.memory_space<vmem_shared>>
      tpu.enqueue_dma source(%dma_start3A_56 : memref<64x128xf32, #tpu.memory_space<vmem_shared>>) target(%dma_start3A_54 : memref<64x128xf32, #tpu.memory_space<vmem>>) target_semaphore(%run_scoped3A : memref<!tpu.dma_semaphore, #tpu.memory_space<semaphore_mem>>)
      %dma_wait3A = arith.constant 0 : i32
      %dma_wait3A_57 = arith.constant 0 : i32
      %dma_wait3A_58 = tpu.memref_slice %arg9[%dma_wait3A, %dma_wait3A_57] : memref<256x128xf32, #tpu.memory_space<vmem>> -> memref<64x128xf32, #tpu.memory_space<vmem>>
      %dma_wait3A_59 = arith.constant 0 : i32
      %dma_wait3A_60 = tpu.memref_slice %arg8[%add3A_45, %dma_wait3A_59] : memref<10240x128xf32, #tpu.memory_space<vmem_shared>> -> memref<64x128xf32, #tpu.memory_space<vmem_shared>>
      %dma_wait3A_61 = arith.constant 0 : i32
      %dma_wait3A_62 = arith.constant 0 : i32
      %dma_wait3A_63 = tpu.memref_slice %arg9[%dma_wait3A_61, %dma_wait3A_62] : memref<256x128xf32, #tpu.memory_space<vmem>> -> memref<64x128xf32, #tpu.memory_space<vmem>>
      %dma_wait3A_64 = arith.constant 0 : i32
      %dma_wait3A_65 = tpu.memref_slice %arg8[%add3A_45, %dma_wait3A_64] : memref<10240x128xf32, #tpu.memory_space<vmem_shared>> -> memref<64x128xf32, #tpu.memory_space<vmem_shared>>
      tpu.wait_dma2 semaphore(%run_scoped3A : memref<!tpu.dma_semaphore, #tpu.memory_space<semaphore_mem>>) src(%dma_wait3A_65 : memref<64x128xf32, #tpu.memory_space<vmem_shared>>) dst(%dma_wait3A_63 : memref<64x128xf32, #tpu.memory_space<vmem>>)
      tpu.yield
    }) : () -> ()
    "tpu.region"() ({
      %run_scoped3A = tpu.sem_alloc : memref<!tpu.dma_semaphore, #tpu.memory_space<semaphore_mem>>
      %dma_start3A = arith.constant 0 : i32
      %dma_start3A_48 = arith.constant 0 : i32
      %dma_start3A_49 = tpu.memref_slice %arg9[%dma_start3A, %dma_start3A_48] : memref<256x128xf32, #tpu.memory_space<vmem>> -> memref<64x128xf32, #tpu.memory_space<vmem>>
      %dma_start3A_50 = arith.constant 0 : i32
      %dma_start3A_51 = tpu.memref_slice %arg7[%arg0, %add3A_45, %dma_start3A_50] : memref<2x10240x128xf32, #tpu.memory_space<hbm>> -> memref<1x64x128xf32, #tpu.memory_space<hbm>>
      %dma_start3A_52 = tpu.memref_squeeze %dma_start3A_51 : memref<1x64x128xf32, #tpu.memory_space<hbm>> -> memref<64x128xf32, #tpu.memory_space<hbm>>
      %dma_start3A_53 = arith.constant 0 : i32
      %dma_start3A_54 = tpu.memref_slice %arg7[%arg0, %add3A_45, %dma_start3A_53] : memref<2x10240x128xf32, #tpu.memory_space<hbm>> -> memref<1x64x128xf32, #tpu.memory_space<hbm>>
      %dma_start3A_55 = tpu.memref_squeeze %dma_start3A_54 : memref<1x64x128xf32, #tpu.memory_space<hbm>> -> memref<64x128xf32, #tpu.memory_space<hbm>>
      %dma_start3A_56 = arith.constant 0 : i32
      %dma_start3A_57 = arith.constant 0 : i32
      %dma_start3A_58 = tpu.memref_slice %arg9[%dma_start3A_56, %dma_start3A_57] : memref<256x128xf32, #tpu.memory_space<vmem>> -> memref<64x128xf32, #tpu.memory_space<vmem>>
      tpu.enqueue_dma source(%dma_start3A_58 : memref<64x128xf32, #tpu.memory_space<vmem>>) target(%dma_start3A_55 : memref<64x128xf32, #tpu.memory_space<hbm>>) target_semaphore(%run_scoped3A : memref<!tpu.dma_semaphore, #tpu.memory_space<semaphore_mem>>)
      %dma_wait3A = arith.constant 0 : i32
      %dma_wait3A_59 = arith.constant 0 : i32
      %dma_wait3A_60 = tpu.memref_slice %arg9[%dma_wait3A, %dma_wait3A_59] : memref<256x128xf32, #tpu.memory_space<vmem>> -> memref<64x128xf32, #tpu.memory_space<vmem>>
      %dma_wait3A_61 = arith.constant 0 : i32
      %dma_wait3A_62 = tpu.memref_slice %arg7[%arg0, %add3A_45, %dma_wait3A_61] : memref<2x10240x128xf32, #tpu.memory_space<hbm>> -> memref<1x64x128xf32, #tpu.memory_space<hbm>>
      %dma_wait3A_63 = tpu.memref_squeeze %dma_wait3A_62 : memref<1x64x128xf32, #tpu.memory_space<hbm>> -> memref<64x128xf32, #tpu.memory_space<hbm>>
      %dma_wait3A_64 = arith.constant 0 : i32
      %dma_wait3A_65 = tpu.memref_slice %arg7[%arg0, %add3A_45, %dma_wait3A_64] : memref<2x10240x128xf32, #tpu.memory_space<hbm>> -> memref<1x64x128xf32, #tpu.memory_space<hbm>>
      %dma_wait3A_66 = tpu.memref_squeeze %dma_wait3A_65 : memref<1x64x128xf32, #tpu.memory_space<hbm>> -> memref<64x128xf32, #tpu.memory_space<hbm>>
      %dma_wait3A_67 = arith.constant 0 : i32
      %dma_wait3A_68 = arith.constant 0 : i32
      %dma_wait3A_69 = tpu.memref_slice %arg9[%dma_wait3A_67, %dma_wait3A_68] : memref<256x128xf32, #tpu.memory_space<vmem>> -> memref<64x128xf32, #tpu.memory_space<vmem>>
      tpu.wait_dma2 semaphore(%run_scoped3A : memref<!tpu.dma_semaphore, #tpu.memory_space<semaphore_mem>>) src(%dma_wait3A_69 : memref<64x128xf32, #tpu.memory_space<vmem>>) dst(%dma_wait3A_66 : memref<64x128xf32, #tpu.memory_space<hbm>>)
      tpu.yield
    }) : () -> ()
    %add3A_46 = arith.constant 576 : i32
    %add3A_47 = arith.addi %mul3A_0, %add3A_46 : i32
    "tpu.region"() ({
      %run_scoped3A = tpu.sem_alloc : memref<!tpu.dma_semaphore, #tpu.memory_space<semaphore_mem>>
      %dma_start3A = arith.constant 0 : i32
      %dma_start3A_48 = arith.constant 0 : i32
      %dma_start3A_49 = tpu.memref_slice %arg9[%dma_start3A, %dma_start3A_48] : memref<256x128xf32, #tpu.memory_space<vmem>> -> memref<64x128xf32, #tpu.memory_space<vmem>>
      %dma_start3A_50 = arith.constant 0 : i32
      %dma_start3A_51 = tpu.memref_slice %arg8[%add3A_47, %dma_start3A_50] : memref<10240x128xf32, #tpu.memory_space<vmem_shared>> -> memref<64x128xf32, #tpu.memory_space<vmem_shared>>
      %dma_start3A_52 = arith.constant 0 : i32
      %dma_start3A_53 = arith.constant 0 : i32
      %dma_start3A_54 = tpu.memref_slice %arg9[%dma_start3A_52, %dma_start3A_53] : memref<256x128xf32, #tpu.memory_space<vmem>> -> memref<64x128xf32, #tpu.memory_space<vmem>>
      %dma_start3A_55 = arith.constant 0 : i32
      %dma_start3A_56 = tpu.memref_slice %arg8[%add3A_47, %dma_start3A_55] : memref<10240x128xf32, #tpu.memory_space<vmem_shared>> -> memref<64x128xf32, #tpu.memory_space<vmem_shared>>
      tpu.enqueue_dma source(%dma_start3A_56 : memref<64x128xf32, #tpu.memory_space<vmem_shared>>) target(%dma_start3A_54 : memref<64x128xf32, #tpu.memory_space<vmem>>) target_semaphore(%run_scoped3A : memref<!tpu.dma_semaphore, #tpu.memory_space<semaphore_mem>>)
      %dma_wait3A = arith.constant 0 : i32
      %dma_wait3A_57 = arith.constant 0 : i32
      %dma_wait3A_58 = tpu.memref_slice %arg9[%dma_wait3A, %dma_wait3A_57] : memref<256x128xf32, #tpu.memory_space<vmem>> -> memref<64x128xf32, #tpu.memory_space<vmem>>
      %dma_wait3A_59 = arith.constant 0 : i32
      %dma_wait3A_60 = tpu.memref_slice %arg8[%add3A_47, %dma_wait3A_59] : memref<10240x128xf32, #tpu.memory_space<vmem_shared>> -> memref<64x128xf32, #tpu.memory_space<vmem_shared>>
      %dma_wait3A_61 = arith.constant 0 : i32
      %dma_wait3A_62 = arith.constant 0 : i32
      %dma_wait3A_63 = tpu.memref_slice %arg9[%dma_wait3A_61, %dma_wait3A_62] : memref<256x128xf32, #tpu.memory_space<vmem>> -> memref<64x128xf32, #tpu.memory_space<vmem>>
      %dma_wait3A_64 = arith.constant 0 : i32
      %dma_wait3A_65 = tpu.memref_slice %arg8[%add3A_47, %dma_wait3A_64] : memref<10240x128xf32, #tpu.memory_space<vmem_shared>> -> memref<64x128xf32, #tpu.memory_space<vmem_shared>>
      tpu.wait_dma2 semaphore(%run_scoped3A : memref<!tpu.dma_semaphore, #tpu.memory_space<semaphore_mem>>) src(%dma_wait3A_65 : memref<64x128xf32, #tpu.memory_space<vmem_shared>>) dst(%dma_wait3A_63 : memref<64x128xf32, #tpu.memory_space<vmem>>)
      tpu.yield
    }) : () -> ()
    "tpu.region"() ({
      %run_scoped3A = tpu.sem_alloc : memref<!tpu.dma_semaphore, #tpu.memory_space<semaphore_mem>>
      %dma_start3A = arith.constant 0 : i32
      %dma_start3A_48 = arith.constant 0 : i32
      %dma_start3A_49 = tpu.memref_slice %arg9[%dma_start3A, %dma_start3A_48] : memref<256x128xf32, #tpu.memory_space<vmem>> -> memref<64x128xf32, #tpu.memory_space<vmem>>
      %dma_start3A_50 = arith.constant 0 : i32
      %dma_start3A_51 = tpu.memref_slice %arg7[%arg0, %add3A_47, %dma_start3A_50] : memref<2x10240x128xf32, #tpu.memory_space<hbm>> -> memref<1x64x128xf32, #tpu.memory_space<hbm>>
      %dma_start3A_52 = tpu.memref_squeeze %dma_start3A_51 : memref<1x64x128xf32, #tpu.memory_space<hbm>> -> memref<64x128xf32, #tpu.memory_space<hbm>>
      %dma_start3A_53 = arith.constant 0 : i32
      %dma_start3A_54 = tpu.memref_slice %arg7[%arg0, %add3A_47, %dma_start3A_53] : memref<2x10240x128xf32, #tpu.memory_space<hbm>> -> memref<1x64x128xf32, #tpu.memory_space<hbm>>
      %dma_start3A_55 = tpu.memref_squeeze %dma_start3A_54 : memref<1x64x128xf32, #tpu.memory_space<hbm>> -> memref<64x128xf32, #tpu.memory_space<hbm>>
      %dma_start3A_56 = arith.constant 0 : i32
      %dma_start3A_57 = arith.constant 0 : i32
      %dma_start3A_58 = tpu.memref_slice %arg9[%dma_start3A_56, %dma_start3A_57] : memref<256x128xf32, #tpu.memory_space<vmem>> -> memref<64x128xf32, #tpu.memory_space<vmem>>
      tpu.enqueue_dma source(%dma_start3A_58 : memref<64x128xf32, #tpu.memory_space<vmem>>) target(%dma_start3A_55 : memref<64x128xf32, #tpu.memory_space<hbm>>) target_semaphore(%run_scoped3A : memref<!tpu.dma_semaphore, #tpu.memory_space<semaphore_mem>>)
      %dma_wait3A = arith.constant 0 : i32
      %dma_wait3A_59 = arith.constant 0 : i32
      %dma_wait3A_60 = tpu.memref_slice %arg9[%dma_wait3A, %dma_wait3A_59] : memref<256x128xf32, #tpu.memory_space<vmem>> -> memref<64x128xf32, #tpu.memory_space<vmem>>
      %dma_wait3A_61 = arith.constant 0 : i32
      %dma_wait3A_62 = tpu.memref_slice %arg7[%arg0, %add3A_47, %dma_wait3A_61] : memref<2x10240x128xf32, #tpu.memory_space<hbm>> -> memref<1x64x128xf32, #tpu.memory_space<hbm>>
      %dma_wait3A_63 = tpu.memref_squeeze %dma_wait3A_62 : memref<1x64x128xf32, #tpu.memory_space<hbm>> -> memref<64x128xf32, #tpu.memory_space<hbm>>
      %dma_wait3A_64 = arith.constant 0 : i32
      %dma_wait3A_65 = tpu.memref_slice %arg7[%arg0, %add3A_47, %dma_wait3A_64] : memref<2x10240x128xf32, #tpu.memory_space<hbm>> -> memref<1x64x128xf32, #tpu.memory_space<hbm>>
      %dma_wait3A_66 = tpu.memref_squeeze %dma_wait3A_65 : memref<1x64x128xf32, #tpu.memory_space<hbm>> -> memref<64x128xf32, #tpu.memory_space<hbm>>
      %dma_wait3A_67 = arith.constant 0 : i32
      %dma_wait3A_68 = arith.constant 0 : i32
      %dma_wait3A_69 = tpu.memref_slice %arg9[%dma_wait3A_67, %dma_wait3A_68] : memref<256x128xf32, #tpu.memory_space<vmem>> -> memref<64x128xf32, #tpu.memory_space<vmem>>
      tpu.wait_dma2 semaphore(%run_scoped3A : memref<!tpu.dma_semaphore, #tpu.memory_space<semaphore_mem>>) src(%dma_wait3A_69 : memref<64x128xf32, #tpu.memory_space<vmem>>) dst(%dma_wait3A_66 : memref<64x128xf32, #tpu.memory_space<hbm>>)
      tpu.yield
    }) : () -> ()
    return
  }
}

module attributes {stable_mosaic.version = 14 : i64} {
  func.func @_tc_body(%arg0: i32, %arg1: memref<1024x128xf32, #tpu.memory_space<vmem>>, %arg2: memref<1024x128xf32, #tpu.memory_space<vmem>>, %arg3: memref<1024x128xf32, #tpu.memory_space<vmem>>, %arg4: memref<128x128xf32, #tpu.memory_space<vmem>>, %arg5: memref<128x128xf32, #tpu.memory_space<vmem>>, %arg6: memref<1x128xf32, #tpu.memory_space<vmem>>, %arg7: memref<1x128xf32, #tpu.memory_space<vmem>>, %arg8: memref<1024x128xf32, #tpu.memory_space<vmem>>) attributes {dimension_semantics = [#tpu.dimension_semantics<arbitrary>], iteration_bounds = array<i64: 10>, scalar_prefetch = 0 : i64, scratch_operands = 0 : i64, tpu.core_type = #tpu.core_type<tc>, window_params = [{transform_indices = @transform_0, window_bounds = array<i64: 1024, 128>}, {transform_indices = @transform_1, window_bounds = array<i64: 1024, 128>}, {transform_indices = @transform_2, window_bounds = array<i64: 1024, 128>}, {pipeline_mode = #tpu.pipeline_mode<synchronous>, transform_indices = @transform_3, window_bounds = array<i64: 128, 128>}, {pipeline_mode = #tpu.pipeline_mode<synchronous>, transform_indices = @transform_4, window_bounds = array<i64: 128, 128>}, {pipeline_mode = #tpu.pipeline_mode<synchronous>, transform_indices = @transform_5, window_bounds = array<i64: 1, 128>}, {pipeline_mode = #tpu.pipeline_mode<synchronous>, transform_indices = @transform_6, window_bounds = array<i64: 1, 128>}, {transform_indices = @transform_7, window_bounds = array<i64: 1024, 128>}]} {
    %get3A = arith.constant 0 : index
    %get3A_0 = arith.constant 0 : index
    %get3A_1 = vector.load %arg3[%get3A, %get3A_0] : memref<1024x128xf32, #tpu.memory_space<vmem>>, vector<1024x1xf32>
    %get3A_2 = arith.constant 0 : index
    %get3A_3 = arith.constant 0 : index
    %get3A_4 = vector.load %arg2[%get3A_2, %get3A_3] : memref<1024x128xf32, #tpu.memory_space<vmem>>, vector<1024x128xf32>
    %add3A = arith.constant 9.99999971E-10 : f32
    %add3A_5 = vector.broadcast %add3A : f32 to vector<1024x1xf32>
    %add3A_6 = arith.addf %get3A_1, %add3A_5 : vector<1024x1xf32>
    %div3A = vector.broadcast %add3A_6 : vector<1024x1xf32> to vector<1024x128xf32>
    %div3A_7 = arith.divf %get3A_4, %div3A : vector<1024x128xf32>
    %get3A_8 = arith.constant 0 : index
    %get3A_9 = arith.constant 0 : index
    %get3A_10 = vector.load %arg1[%get3A_8, %get3A_9] : memref<1024x128xf32, #tpu.memory_space<vmem>>, vector<1024x128xf32>
    %get3A_11 = arith.constant 0 : index
    %get3A_12 = arith.constant 0 : index
    %get3A_13 = vector.load %arg4[%get3A_11, %get3A_12] : memref<128x128xf32, #tpu.memory_space<vmem>>, vector<128x128xf32>
    %dot_general3A = arith.constant dense<0.000000e+00> : vector<1024x128xf32>
    %dot_general3A_14 = tpu.matmul %get3A_10, %get3A_13, %dot_general3A {dimension_numbers = #tpu.dot_dimension_numbers<[1], [0], [0], [1], [0, 0, 1, 1], [], []>, transpose_lhs_hint = false} : vector<1024x128xf32>, vector<128x128xf32>, vector<1024x128xf32> -> vector<1024x128xf32>
    %get3A_15 = arith.constant 0 : index
    %get3A_16 = arith.constant 0 : index
    %get3A_17 = vector.load %arg5[%get3A_15, %get3A_16] : memref<128x128xf32, #tpu.memory_space<vmem>>, vector<128x128xf32>
    %dot_general3A_18 = arith.constant dense<0.000000e+00> : vector<1024x128xf32>
    %dot_general3A_19 = tpu.matmul %div3A_7, %get3A_17, %dot_general3A_18 {dimension_numbers = #tpu.dot_dimension_numbers<[1], [0], [0], [1], [0, 0, 1, 1], [], []>, transpose_lhs_hint = false} : vector<1024x128xf32>, vector<128x128xf32>, vector<1024x128xf32> -> vector<1024x128xf32>
    %add3A_20 = arith.addf %dot_general3A_14, %dot_general3A_19 : vector<1024x128xf32>
    %reduce_sum3A = arith.constant dense<0.000000e+00> : vector<1024xf32>
    %reduce_sum3A_21 = vector.multi_reduction <add>, %add3A_20, %reduce_sum3A [1] : vector<1024x128xf32> to vector<1024xf32>
    %broadcast_in_dim3A = vector.shape_cast %reduce_sum3A_21 : vector<1024xf32> to vector<1024x1xf32>
    %div3A_22 = arith.constant 1.280000e+02 : f32
    %div3A_23 = vector.broadcast %div3A_22 : f32 to vector<1024x1xf32>
    %div3A_24 = arith.divf %broadcast_in_dim3A, %div3A_23 : vector<1024x1xf32>
    %sub3A = vector.broadcast %div3A_24 : vector<1024x1xf32> to vector<1024x128xf32>
    %sub3A_25 = arith.subf %add3A_20, %sub3A : vector<1024x128xf32>
    %integer_pow3A = arith.mulf %sub3A_25, %sub3A_25 : vector<1024x128xf32>
    %reduce_sum3A_26 = arith.constant dense<0.000000e+00> : vector<1024xf32>
    %reduce_sum3A_27 = vector.multi_reduction <add>, %integer_pow3A, %reduce_sum3A_26 [1] : vector<1024x128xf32> to vector<1024xf32>
    %broadcast_in_dim3A_28 = vector.shape_cast %reduce_sum3A_27 : vector<1024xf32> to vector<1024x1xf32>
    %div3A_29 = arith.constant 1.280000e+02 : f32
    %div3A_30 = vector.broadcast %div3A_29 : f32 to vector<1024x1xf32>
    %div3A_31 = arith.divf %broadcast_in_dim3A_28, %div3A_30 : vector<1024x1xf32>
    %sub3A_32 = vector.broadcast %div3A_24 : vector<1024x1xf32> to vector<1024x128xf32>
    %sub3A_33 = arith.subf %add3A_20, %sub3A_32 : vector<1024x128xf32>
    %add3A_34 = arith.constant 9.99999974E-6 : f32
    %add3A_35 = vector.broadcast %add3A_34 : f32 to vector<1024x1xf32>
    %add3A_36 = arith.addf %div3A_31, %add3A_35 : vector<1024x1xf32>
    %sqrt3A = math.sqrt %add3A_36 : vector<1024x1xf32>
    %div3A_37 = vector.broadcast %sqrt3A : vector<1024x1xf32> to vector<1024x128xf32>
    %div3A_38 = arith.divf %sub3A_33, %div3A_37 : vector<1024x128xf32>
    %get3A_39 = arith.constant 0 : index
    %get3A_40 = arith.constant 0 : index
    %get3A_41 = vector.load %arg6[%get3A_39, %get3A_40] : memref<1x128xf32, #tpu.memory_space<vmem>>, vector<1x128xf32>
    %mul3A = vector.broadcast %get3A_41 : vector<1x128xf32> to vector<1024x128xf32>
    %mul3A_42 = arith.mulf %div3A_38, %mul3A : vector<1024x128xf32>
    %get3A_43 = arith.constant 0 : index
    %get3A_44 = arith.constant 0 : index
    %get3A_45 = vector.load %arg7[%get3A_43, %get3A_44] : memref<1x128xf32, #tpu.memory_space<vmem>>, vector<1x128xf32>
    %add3A_46 = vector.broadcast %get3A_45 : vector<1x128xf32> to vector<1024x128xf32>
    %add3A_47 = arith.addf %mul3A_42, %add3A_46 : vector<1024x128xf32>
    %swap3A = arith.constant 0 : index
    %swap3A_48 = arith.constant 0 : index
    %swap3A_49 = vector.load %arg8[%swap3A, %swap3A_48] : memref<1024x128xf32, #tpu.memory_space<vmem>>, vector<1024x128xf32>
    tpu.vector_store %arg8[%swap3A, %swap3A_48], %add3A_47 {strides = array<i32>} : memref<1024x128xf32, #tpu.memory_space<vmem>>, vector<1024x128xf32>,
    return
  }
  func.func @transform_0(%arg0: i32) -> (i32, i32) {
    %c0_i32 = arith.constant 0 : i32
    %c0_i32_0 = arith.constant 0 : i32
    return %arg0, %c0_i32 : i32, i32
  }
  func.func @transform_1(%arg0: i32) -> (i32, i32) {
    %c0_i32 = arith.constant 0 : i32
    %c0_i32_0 = arith.constant 0 : i32
    return %arg0, %c0_i32 : i32, i32
  }
  func.func @transform_2(%arg0: i32) -> (i32, i32) {
    %c0_i32 = arith.constant 0 : i32
    %c0_i32_0 = arith.constant 0 : i32
    return %arg0, %c0_i32 : i32, i32
  }
  func.func @transform_3(%arg0: i32) -> (i32, i32) {
    %c0_i32 = arith.constant 0 : i32
    %c0_i32_0 = arith.constant 0 : i32
    %c0_i32_1 = arith.constant 0 : i32
    return %c0_i32, %c0_i32_0 : i32, i32
  }
  func.func @transform_4(%arg0: i32) -> (i32, i32) {
    %c0_i32 = arith.constant 0 : i32
    %c0_i32_0 = arith.constant 0 : i32
    %c0_i32_1 = arith.constant 0 : i32
    return %c0_i32, %c0_i32_0 : i32, i32
  }
  func.func @transform_5(%arg0: i32) -> (i32, i32) {
    %c0_i32 = arith.constant 0 : i32
    %c0_i32_0 = arith.constant 0 : i32
    %c0_i32_1 = arith.constant 0 : i32
    return %c0_i32, %c0_i32_0 : i32, i32
  }
  func.func @transform_6(%arg0: i32) -> (i32, i32) {
    %c0_i32 = arith.constant 0 : i32
    %c0_i32_0 = arith.constant 0 : i32
    %c0_i32_1 = arith.constant 0 : i32
    return %c0_i32, %c0_i32_0 : i32, i32
  }
  func.func @transform_7(%arg0: i32) -> (i32, i32) {
    %c0_i32 = arith.constant 0 : i32
    %c0_i32_0 = arith.constant 0 : i32
    return %arg0, %c0_i32 : i32, i32
  }
}

</mosaic_0001>

<sc_bundles>
// kernel: kernel.4.cloned.1.call-start
scs
__scs_entry_jumppad:
0x0: {  	(pc) =	sbr.rel $0x88, $3  }
0x1: {  	(tag) =	ssettag $0x0;
	lr =	simm.s32 $0x1  }
0x2: {  	[smem:$0x3F9B] =	sst lr;
	_ =	strace $0xD0000000  }
0x3: {  	_ = 	snop  }
0x4: {  	_ = 	snop  }
0x5: {  	_ = 	snop  }
0x6: {  	_ = 	snop  }
0x7: {  	_ = 	snop  }
__scs_overlays_trampoline_lowered:
0x8: {  	[smem:$0x3FAA] =	sst s0  }
0x9: {  	[smem:$0x3FAB] =	sst s1  }
0xa: {  	[smem:$0x3FAC] =	sst s2  }
0xb: {  	[smem:$0x3FAD] =	sst s3  }
0xc: {  	[smem:$0x3FAE] =	sst s4  }
0xd: {  	[smem:$0x3FAF] =	sst s5  }
0xe: {  	[smem:$0x3FB0] =	sst s6  }
0xf: {  	[smem:$0x3FB1] =	sst s7  }
0x10: {  	[smem:$0x3FB2] =	sst s8  }
0x11: {  	[smem:$0x3FB3] =	sst s9;
	s0 =	simm.s32 @!p0 $0x0  }
0x12: {  	s1 =	sld [smem:$0x3F99];
	s0 =	simm.s32 @p0 $0x1  }
0x13: {  	[smem:$0x3FB4] =	sst s0;
	s0 =	simm.s32 @!p1 $0x0  }
0x14: {  	s2 =	sld [smem:$0x3F98];
	s0 =	simm.s32 @p1 $0x1  }
0x15: {  	[smem:$0x3FB5] =	sst s0;
	s0 =	simm.s32 @!p2 $0x0  }
0x16: {  	s3 =	sld [smem:$0x3FDB];
	s0 =	simm.s32 @p2 $0x1  }
0x17: {  	s4 =	simm.s32 $0x1BF5;
	[smem:$0x3FB7] =	sst s0  }
0x18: {  	s0 =	sld [smem:$0x3F9A];
	_ =	swait.ge [sflag:s4], $0x0  }
0x19: {  	s7 =	sld [smem:$0x3F9B]  }
0x1a: {  	s8 =	sadd.s32 $0xFFFFE003, lr  }
0x1b: {  	s9 =	sadd.s32 $0xFFFFFEF7, lr;
	s5 =	simm.s32 $0xFFFFFFFF;
	p2 =	slt.u32 s8, $0xFFFFF086  }
0x1c: {  	p1 =	slt.u32 s9, $0xF7A;
	s5 =	simm.s32 @!p2 $0x0  }
0x1d: {  	s5 =	simm.s32 @p1 $0x1;
	p0 =	seq.s32 s7, s2  }
0x1e: {  	s7 =	smul.u32 @!p0 $0xF7A, s2;
	p2 =	seq.s32 @!p0 s5, $0x0  }
0x1f: {  	s9 =	smul.u32 $0xF7A, s1;
	s8 =	simm.s32 @!p0 $0x1BF5;
	p2 =	por !p2, p0  }
0x20: {  	[sflag:s8] =	ssyncset.s32 @!p0 $0xFFFFF086;
	s6 =	sadd.s32 @!p0 s3, s7;
	s7 =	simm.s32 @!p0 $0x108  }
0x21: {  	s3 =	sadd.s32 s3, s9;
	s6 =	sadd.s32 @!p0 $0x88, s6;
	s7 =	simm.s32 @p2 $0x1082  }
0x22: {  	[simem:s7], [sflag:s8] =	dma.local @!p0 [hbm:s6], $0xF7A  }
0x23: {  	s9 =	sor.u32 $0xD0000000, s2;
	s6 =	simm.s32 $0x108;
	_ =	swait.ge @!p0 [sflag:s8], $0x0  }
0x24: {  	s3 =	sadd.s32 $0x88, s3;
	s6 =	simm.s32 @!p1 $0x1082;
	[sflag:s4] =	ssyncset.s32 $0xFFFFF086  }
0x25: {  	[simem:s6], [sflag:s4] =	dma.local [hbm:s3], $0xF7A  }
0x26: {  	[smem:$0x3F9B] =	sst s1;
	(tag) =	ssettag s2;
	_ =	strace s9  }
0x27: {  	s1 =	sld [smem:$0x3FAB]  }
0x28: {  	s2 =	sld [smem:$0x3FAC]  }
0x29: {  	s4 =	sld [smem:$0x3FAE]  }
0x2a: {  	p0 =	seq.s32 s5, $0x0;
	s5 =	sld [smem:$0x3FAF]  }
0x2b: {  	s6 =	sld [smem:$0x3FB0]  }
0x2c: {  	s7 =	sld [smem:$0x3FB1]  }
0x2d: {  	s3 =	simm.s32 $0x108;
	s8 =	sld [smem:$0x3FB2]  }
0x2e: {  	s3 =	simm.s32 @!p0 $0x1082;
	s9 =	sld [smem:$0x3FB3]  }
0x2f: {  	lr =	sadd.s32 s0, s3;
	s0 =	sld [smem:$0x3FAA]  }
0x30: {  	s3 =	sld [smem:$0x3FAD]  }
0x31: {  	[smem:$0x3FB6] =	sst s10  }
0x32: {  	s10 =	sld [smem:$0x3FB4];
	_ =	sdelay $0x3  }
0x33: {  	p0 =	seq.s32 s10, $0x1;
	s10 =	sld [smem:$0x3FB6];
	_ =	sdelay $0x3  }
0x34: {  	[smem:$0x3FB6] =	sst s10  }
0x35: {  	s10 =	sld [smem:$0x3FB5];
	_ =	sdelay $0x3  }
0x36: {  	p1 =	seq.s32 s10, $0x1;
	s10 =	sld [smem:$0x3FB6];
	_ =	sdelay $0x3  }
0x37: {  	[smem:$0x3FB6] =	sst s10  }
0x38: {  	s10 =	sld [smem:$0x3FB7]  }
0x39: {  	_ = 	snop;
	(pc) =	sbr.ind lr, $3  }
0x3a: {  	_ = 	snop  }
0x3b: {  	_ = 	snop  }
0x3c: {  	p2 =	seq.s32 s10, $0x1;
	s10 =	sld [smem:$0x3FB6]  }
0x3d: {  	_ =	shalt  }
0x3e: {  	_ =	shalt  }
0x3f: {  	_ =	shalt  }
0x40: {  	_ =	shalt  }
0x41: {  	_ =	shalt  }
0x42: {  	_ =	shalt  }
0x43: {  	_ =	shalt  }
0x44: {  	_ =	shalt  }
0x45: {  	_ =	shalt  }
0x46: {  	_ =	shalt  }
0x47: {  	_ =	shalt  }
0x48: {  	_ =	shalt  }
0x49: {  	_ =	shalt  }
0x4a: {  	_ =	shalt  }
0x4b: {  	_ =	shalt  }
0x4c: {  	_ =	shalt  }
0x4d: {  	_ =	shalt  }
0x4e: {  	_ =	shalt  }
0x4f: {  	_ =	shalt  }
0x50: {  	_ =	shalt  }
0x51: {  	_ =	shalt  }
0x52: {  	_ =	shalt  }
0x53: {  	_ =	shalt  }
0x54: {  	_ =	shalt  }
0x55: {  	_ =	shalt  }
0x56: {  	_ =	shalt  }
0x57: {  	_ =	shalt  }
0x58: {  	_ =	shalt  }
0x59: {  	_ =	shalt  }
0x5a: {  	_ =	shalt  }
0x5b: {  	_ =	shalt  }
0x5c: {  	_ =	shalt  }
0x5d: {  	_ =	shalt  }
0x5e: {  	_ =	shalt  }
0x5f: {  	_ =	shalt  }
0x60: {  	_ =	shalt  }
0x61: {  	_ =	shalt  }
0x62: {  	_ =	shalt  }
0x63: {  	_ =	shalt  }
0x64: {  	_ =	shalt  }
0x65: {  	_ =	shalt  }
0x66: {  	_ =	shalt  }
0x67: {  	_ =	shalt  }
0x68: {  	_ =	shalt  }
0x69: {  	_ =	shalt  }
0x6a: {  	_ =	shalt  }
0x6b: {  	_ =	shalt  }
0x6c: {  	_ =	shalt  }
0x6d: {  	_ =	shalt  }
0x6e: {  	_ =	shalt  }
0x6f: {  	_ =	shalt  }
0x70: {  	_ =	shalt  }
0x71: {  	_ =	shalt  }
0x72: {  	_ =	shalt  }
0x73: {  	_ =	shalt  }
0x74: {  	_ =	shalt  }
0x75: {  	_ =	shalt  }
0x76: {  	_ =	shalt  }
0x77: {  	_ =	shalt  }
0x78: {  	_ =	shalt  }
0x79: {  	_ =	shalt  }
0x7a: {  	_ =	shalt  }
0x7b: {  	_ =	shalt  }
0x7c: {  	_ =	shalt  }
0x7d: {  	_ =	shalt  }
0x7e: {  	_ =	shalt  }
0x7f: {  	_ =	shalt  }
0x80: {  	_ =	shalt  }
0x81: {  	_ =	shalt  }
0x82: {  	_ =	shalt  }
0x83: {  	_ =	shalt  }
0x84: {  	_ =	shalt  }
0x85: {  	_ =	shalt  }
0x86: {  	_ =	shalt  }
0x87: {  	_ =	shalt  }
.Lfunc_end0:
.L_simem_size_0:
called_computation_lowered:
.L_overlay_start_0:
0x88: {  	s2 =	sld [smem:$0x3FD9]  }
0x89: {  	s3 =	sld [smem:$0x3FFE];
	_ =	sdelay $0x1  }
0x8a: {  	s1 =	srdreg.scid  }
0x8b: {  	s0 =	sand.u32 $0x1, s1  }
0x8c: {  	s17 =	sshll.u32 s0, $0xA;
	s2 =	sadd.s32 s3, s2  }
0x8d: {  	s2 =	sadd.s32 s2, s17  }
0x8e: {  	[smem:$0x3FC2] =	sst s2  }
0x8f: {  	_ = 	snop  }
0x90: {  	s2 =	sld [smem:$0x3FC9]  }
0x91: {  	s18 =	sld [smem:$0x3FD0];
	(tm) =	ssettm $0x1  }
0x92: {  	s4 =	sld [smem:$0x3FFB];
	_ =	sdelay $0x3  }
0x93: {  	_ =	strace s4  }
0x94: {  	s4 =	sld [smem:$0x3FFC];
	_ =	sdelay $0x3  }
0x95: {  	_ =	strace s4  }
0x96: {  	s4 =	sld [smem:$0x3FFD];
	_ =	sdelay $0x3  }
0x97: {  	_ =	strace s4  }
0x98: {  	_ =	strace $0x8FFFFFFF  }
0x99: {  	s19 =	sld [smem:$0x3FDB];
	_ =	sdelay $0x1  }
0x9a: {  	s5 =	simm.s32 $_scs_section_size  }
0x9b: {  	s6 =	simm.s32 $_size__tile_overlayer_lowered;
	s7 =	simm.s32 $_tile_overlayer_lowered  }
0x9c: {  	s22 =	simm.s32 $0x1BFF;
	s21 =	sshll.u32 s7, $0x1;
	s4 =	sadd.s32 s5, s19  }
0x9d: {  	s8 =	simm.s32 $0x0;
	s20 =	sshll.u32 s6, $0x1;
	s6 =	sadd.s32 s21, s4  }
0x9e: {  	[timem:s8], [sflag:s22] =	dma.local [hbm:s6], s20  }
0x9f: {  	_ =	swait.ge [sflag:s22], s20  }
0xa0: {  	s5 =	ssub.s32 $0x0, s20;
	[sflag:s22] =	ssyncset.done $0x0  }
0xa1: {  	[sflag:s22] =	ssyncadd.s32 s5;
	_ =	sdelay $0x1  }
0xa2: {  	s23 =	simm.s32 $0x1B8B  }
0xa3: {  	_ =	swait.ge [sflag:s23], $0x1  }
0xa4: {  	[sflag:s23] =	ssyncset.done $0x0  }
0xa5: {  	s25 =	simm.s32 $0x1B8E;
	s24 =	sld [smem:$0x3FFE];
	[sflag:s23] =	ssyncadd.s32 $0xFFFFFFFF  }
0xa6: {  	s26 =	simm.s32 $execute0_lowered;
	[smem:$0x3FD2] =	sst s25  }
0xa7: {  	s6 =	sshll.u32 s26, $0x1;
	_ =	strace $0x80000046;
	[dreg:$0x1] =	wrdreg $0xFFFFFFFF  }
0xa8: {  	s28 =	simm.s32 $_size_execute0_lowered;
	s4 =	sadd.s32 s4, s6;
	[dreg:$0x0] =	wrdreg $0x0  }
0xa9: {  	s6 =	sshll.u32 s28, $0x1;
	[dreg:$0x2] =	wrdreg s4  }
0xaa: {  	[dreg:$0x3] =	wrdreg s6  }
0xab: {  	[dreg:$0x4] =	wrdreg $0xC0  }
0xac: {  	_ =	task [dreg:s8], $0x5FFFF  }
0xad: {  	[dreg:$0x1] =	wrdreg $0xFFFFFFFF  }
0xae: {  	[dreg:$0x0] =	wrdreg $0x60  }
0xaf: {  	[dreg:$0x2] =	wrdreg s2  }
0xb0: {  	[dreg:$0x3] =	wrdreg s18  }
0xb1: {  	[dreg:$0x4] =	wrdreg s24  }
0xb2: {  	[dreg:$0x5] =	wrdreg $0x0  }
0xb3: {  	[dreg:$0x6] =	wrdreg $0x9  }
0xb4: {  	_ =	task.clear_ibuf [dreg:s8], $0x7FFFF;
	_ =	strace $0x90000046  }
0xb5: {  	s29 =	simm.s32 $0x9;
	_ =	strace $0x80000048  }
0xb6: {  	_ =	swait.ge [sflag:s29], $0x1  }
0xb7: {  	[sflag:s29] =	ssyncadd.s32 $0xFFFFFFFF  }
0xb8: {  	_ =	strace $0x90000048  }
0xb9: {  	_ =	sfence  }
0xba: {  	s30 =	sld [smem:$0x0];
	_ =	sdelay $0x2  }
0xbb: {  	s31 =	sshll.u32 s1, $0xD;
	s1 =	sshrl.u32 s1, $0x2  }
0xbc: {  	s3 =	sand.u32 $0x4000, s31;
	s1 =	sadd.s32 s1, s30  }
0xbd: {  	s0 =	sor.u32 s3, s0;
	s1 =	sshll.u32 s1, $0x11  }
0xbe: {  	s0 =	sor.u32 s1, s0  }
0xbf: {  	s0 =	sadd.s32 $0x8F2B, s0  }
0xc0: {  	[sflag:s0] =	ssyncadd.remote.s32 $0x1  }
0xc1: {  	_ =	sfence.sel $0xFFFF  }
0xc2: {  	[dreg:$0x0] =	wrdreg $0xFFFFFFFF;
	(pc) =	sbr.abs _section_cstart, $3  }
0xc3: {  	[dreg:$0x1] =	wrdreg $0xFFFFFFFF  }
0xc4: {  	_ =	task.clear_ibuf [dreg:s8], $0x2FFFF;
	_ =	strace $0x9FFFFFFF  }
0xc5: {  	(tm) =	ssettm $0x7FFFFFFF  }
tec
execute0_lowered:
.L_overlay_start_1:
0x0: {  	(tag) =	ssettag $0x1  }
0x1: {  	s17 =	stileid.u32  }
0x2: {  	s10 =	rddreg [dreg:$0x1];
	s12 =	smul.u32 $0x14000, s17  }
0x3: {  	s0 =	srdreg.scid;
	s14 =	smul.u32 $0x9D0, s17  }
0x4: {  	s2 =	rddreg [dreg:$0x2];
	s15 =	smul.u32 $0x4E80, s17  }
0x5: {  	s1 =	simm.s32 $0x0;
	s11 =	sand.u32 $0x1, s0;
	s25 =	smul.u32 $0x4F00, s17  }
0x6: {  	[smem:$0x7FF] =	sst s1;
	s13 =	sadd.s32 $0xE00, s2;
	s18 =	smul.u32 $0x9E0, s17  }
0x7: {  	s0 =	ssub.s32 $0x2, s11;
	p0 =	seq.s32 s11, $0x1;
	s11 =	smul.u32 $0x140000, s11  }
0x8: {  	s3 =	sshrl.u32 s0, $0x1;
	s4 =	sadd.s32 $0x4000, s12;
	s5 =	sadd.s32 $0x6000, s12  }
0x9: {  	s6 =	sadd.s32 $0x8000, s12;
	s7 =	sadd.s32 $0xA000, s12;
	s8 =	sadd.s32 $0xC000, s12  }
0xa: {  	s9 =	sadd.s32 $0xE000, s12;
	s26 =	sadd.s32 s10, s14;
	s16 =	sor.u32 $0x8, s14  }
0xb: {  	s15 =	sshrl.u32 s15, $0x3;
	s30 =	sadd.s32 s13, s14;
	s19 =	sshrl.u32 s25, $0x3  }
0xc: {  	s18 =	sadd.s32 s13, s18;
	s0 =	ssub.s32 s0, s3;
	s20 =	sadd.s32 s10, s16  }
0xd: {  	s21 =	sadd.s32 $0x10, s15;
	s16 =	sadd.s32 s13, s16;
	[dreg:$0x8] =	wrdreg s20  }
0xe: {  	s3 =	sor.u32 $0x2000, s12;
	[dreg:$0x9] =	wrdreg s16;
	s22 =	sadd.s32 s10, s21  }
0xf: {  	s23 =	sadd.s32 $0x18, s15;
	s14 =	sadd.s32 s13, s21;
	[dreg:$0xa] =	wrdreg s22  }
0x10: {  	s15 =	sadd.s32 $0x20, s15;
	s24 =	sadd.s32 s10, s23;
	[dreg:$0xb] =	wrdreg s14  }
0x11: {  	s25 =	sadd.s32 s11, s5;
	s16 =	sadd.s32 s13, s23;
	[dreg:$0xc] =	wrdreg s24  }
0x12: {  	s10 =	sadd.s32 s10, s15;
	s20 =	sadd.s32 s13, s15;
	[dreg:$0xd] =	wrdreg s16  }
0x13: {  	s15 =	sadd.s32 $0xBA00, s2;
	s21 =	sadd.s32 s11, s3;
	[dreg:$0xe] =	wrdreg s10  }
0x14: {  	s23 =	sadd.s32 s11, s4;
	[dreg:$0xf] =	wrdreg s20;
	s10 =	sadd.s32 s13, s19  }
0x15: {  	s13 =	sadd.s32 $0x10000, s12;
	s14 =	sadd.s32 $0x12000, s12;
	s12 =	sadd.s32 s12, s11  }
0x16: {  	s22 =	sshrl.u32 s21, $0x3;
	s16 =	sshrl.u32 s25, $0x3;
	s19 =	sadd.s32 s11, s6  }
0x17: {  	s25 =	sadd.s32 s11, s9;
	s12 =	sshrl.u32 s12, $0x3;
	s20 =	sshrl.u32 s19, $0x3  }
0x18: {  	s19 =	sshrl.u32 s25, $0x3;
	s25 =	rddreg [dreg:$0x3];
	s12 =	sadd.s32 s15, s12  }
0x19: {  	s24 =	sshrl.u32 s23, $0x3;
	[dreg:$0x10] =	wrdreg s12;
	s12 =	sadd.s32 s15, s22  }
0x1a: {  	s21 =	sadd.s32 s11, s7;
	[dreg:$0x11] =	wrdreg s12;
	s12 =	sadd.s32 s15, s24  }
0x1b: {  	s23 =	sadd.s32 s11, s8;
	[dreg:$0x12] =	wrdreg s12;
	s12 =	sadd.s32 s15, s16  }
0x1c: {  	s22 =	sshrl.u32 s21, $0x3;
	[dreg:$0x13] =	wrdreg s12;
	s12 =	sadd.s32 s15, s20  }
0x1d: {  	s24 =	sshrl.u32 s23, $0x3;
	s20 =	sadd.s32 s11, s13;
	[dreg:$0x14] =	wrdreg s12  }
0x1e: {  	s11 =	sadd.s32 s11, s14;
	s12 =	sadd.s32 s15, s22;
	s22 =	rddreg [dreg:$0x0]  }
0x1f: {  	s11 =	sshrl.u32 s11, $0x3;
	[dreg:$0x15] =	wrdreg s12;
	s12 =	sadd.s32 s15, s24  }
0x20: {  	s11 =	sadd.s32 s15, s11;
	[dreg:$0x16] =	wrdreg s12  }
0x21: {  	s21 =	sshrl.u32 s20, $0x3;
	s12 =	sadd.s32 s15, s19;
	[dreg:$0x19] =	wrdreg s11  }
0x22: {  	[dreg:$0x17] =	wrdreg s12;
	s12 =	sadd.s32 s15, s21  }
0x23: {  	s16 =	sadd.s32 $0xB600, s2;
	[dreg:$0x18] =	wrdreg s12  }
0x24: {  	s2 =	sadd.s32 $0xAE00, s2;
	_ =	strace $0x80000047;
	[dreg:$0x1a] =	wrdreg s16  }
0x25: {  	s19 =	sadd.s32 $0x20, s10;
	[dreg:$0x1b] =	wrdreg s2  }
0x26: {  	s20 =	sadd.s32 $0x30, s10;
	[smem:$0x7F4] =	sst s19  }
0x27: {  	s0 =	smax.u32 s0, $0x1;
	[smem:$0x7F5] =	sst s20  }
0x28: {  	s23 =	smul.u32 $0x50000, s17;
	s15 =	smov.u32 s18;
	[smem:$0x7F6] =	sst s0  }
0x29: {  	s21 =	sadd.s32 s4, s25;
	[dreg:$0x5] =	wrdreg s15  }
0x2a: {  	s24 =	sshrl.u32 s23, $0x2;
	s23 =	sadd.s32 s5, s25;
	[dreg:$0x1e] =	wrdreg s21  }
0x2b: {  	s29 =	simm.s32 $0x11;
	s6 =	sadd.s32 s6, s25;
	[dreg:$0x1f] =	wrdreg s23  }
0x2c: {  	s31 =	simm.s32 $0x40;
	s28 =	sadd.s32 s7, s25;
	[smem:$0x7F8] =	sst s6  }
0x2d: {  	s9 =	sadd.s32 s9, s25;
	s7 =	simm.s32 $0x1C080;
	[smem:$0x7F9] =	sst s28  }
0x2e: {  	s17 =	sadd.s32 s8, s25;
	s13 =	sadd.s32 s13, s25;
	[smem:$0x7FB] =	sst s9  }
0x2f: {  	s5 =	simm.s32 $0xC;
	s12 =	sadd.s32 s14, s25;
	[smem:$0x7FC] =	sst s13  }
0x30: {  	s11 =	simm.s32 $0x14000;
	s18 =	sadd.s32 s3, s25;
	[smem:$0x7FD] =	sst s12  }
0x31: {  	s3 =	simm.s32 $0xD;
	s4 =	simm.s32 $0xE;
	[dreg:$0x1d] =	wrdreg s18  }
.Ltmp0:
0x32: {  	s14 =	simm.s32 $0x8;
	[dreg:$0x6] =	wrdreg s26;
	(pc) =	sbr.rel .LBB2_1-.Ltmp0, $4  }
0x33: {  	s16 =	sadd.s32 s24, s25;
	s24 =	sadd.s32 $0x10, s15;
	[dreg:$0x7] =	wrdreg s30  }
0x34: {  	s2 =	smov.u32 s17;
	s20 =	simm.s32 $0x6;
	[smem:$0x7F7] =	sst s24  }
0x35: {  	s17 =	simm.s32 $0xB;
	s0 =	simm.s32 $0x1C000;
	[smem:$0x7FA] =	sst s2  }
0x36: {  	s19 =	simm.s32 $0x0;
	s24 =	simm.s32 $0x5;
	[dreg:$0x1c] =	wrdreg s16  }
.LBB2_7:
0x37: {  	[tilespmem:s7], [sflag:$0xE] =	stream.linear.gather [hbm4b:s12+s1], $0x80, $0x38;
	[tilespmem:$0x1C800] =	vst v63  }
0x38: {  	_ =	swait.ge [sflag:s24], $0x4000  }
0x39: {  	[sflag:s24] =	ssyncset.done $0x0  }
0x3a: {  	[sflag:s24] =	ssyncadd.s32 $0xFFFFC000  }
0x3b: {  	_ =	swait.ge [sflag:s20], $0x4000  }
0x3c: {  	[sflag:s20] =	ssyncset.done $0x0  }
0x3d: {  	[sflag:s20] =	ssyncadd.s32 $0xFFFFC000  }
0x3e: {  	_ =	swait.ge [sflag:s3], $0x80  }
0x3f: {  	[sflag:s3] =	ssyncset.done $0x0  }
0x40: {  	[sflag:s3] =	ssyncadd.s32 $0xFFFFFF80  }
0x41: {  	_ =	swait.ge [sflag:s4], $0x80  }
0x42: {  	s0 =	simm.s32 $0x1C000;
	[sflag:s4] =	ssyncset.done $0x0  }
0x43: {  	s7 =	simm.s32 $0x1C080;
	s16 =	rddreg [dreg:$0x1c];
	[sflag:s4] =	ssyncadd.s32 $0xFFFFFF80  }
.LBB2_8:
0x44: {  	[bflag:$0x0] =	sbarrier.arrive $0xFFFF  }
0x45: {  	[tilespmem:s11], [sflag:$0x11] =	stream.linear.gather [spmem:s16], $0x2000, $0x38;
	[tilespmem:$0x1C800] =	vst v63  }
0x46: {  	_ =	swait.ge [sflag:s13], $0x2000  }
0x47: {  	[sflag:s13] =	ssyncset.done $0x0  }
0x48: {  	s8 =	rddreg [dreg:$0x10];
	[sflag:s13] =	ssyncadd.s32 $0xFFFFE000  }
0x49: {  	[hbm4b:s8+s1] =	stream.linear.scatter [tilespmem:s11], [sflag:$0x11], $0x2000, $0x38;
	[tilespmem:$0x1C800] =	vst v63  }
0x4a: {  	_ =	swait.ge [sflag:s13], $0x2000  }
0x4b: {  	[sflag:s13] =	ssyncset.done $0x0  }
0x4c: {  	s18 =	rddreg [dreg:$0x1d];
	[sflag:s13] =	ssyncadd.s32 $0xFFFFE000  }
0x4d: {  	[tilespmem:s11], [sflag:$0x11] =	stream.linear.gather [spmem:s18], $0x2000, $0x38;
	[tilespmem:$0x1C800] =	vst v63  }
0x4e: {  	_ =	swait.ge [sflag:s13], $0x2000  }
0x4f: {  	[sflag:s13] =	ssyncset.done $0x0  }
0x50: {  	s6 =	rddreg [dreg:$0x11];
	[sflag:s13] =	ssyncadd.s32 $0xFFFFE000  }
0x51: {  	[hbm4b:s6+s1] =	stream.linear.scatter [tilespmem:s11], [sflag:$0x11], $0x2000, $0x38;
	[tilespmem:$0x1C800] =	vst v63  }
0x52: {  	_ =	swait.ge [sflag:s13], $0x2000  }
0x53: {  	[sflag:s13] =	ssyncset.done $0x0  }
0x54: {  	s21 =	rddreg [dreg:$0x1e];
	[sflag:s13] =	ssyncadd.s32 $0xFFFFE000  }
0x55: {  	[tilespmem:s11], [sflag:$0x11] =	stream.linear.gather [spmem:s21], $0x2000, $0x38;
	[tilespmem:$0x1C800] =	vst v63  }
0x56: {  	_ =	swait.ge [sflag:s13], $0x2000  }
0x57: {  	[sflag:s13] =	ssyncset.done $0x0  }
0x58: {  	s9 =	rddreg [dreg:$0x12];
	[sflag:s13] =	ssyncadd.s32 $0xFFFFE000  }
0x59: {  	[hbm4b:s9+s1] =	stream.linear.scatter [tilespmem:s11], [sflag:$0x11], $0x2000, $0x38;
	[tilespmem:$0x1C800] =	vst v63  }
0x5a: {  	_ =	swait.ge [sflag:s13], $0x2000  }
0x5b: {  	[sflag:s13] =	ssyncset.done $0x0  }
0x5c: {  	s23 =	rddreg [dreg:$0x1f];
	[sflag:s13] =	ssyncadd.s32 $0xFFFFE000  }
0x5d: {  	[tilespmem:s11], [sflag:$0x11] =	stream.linear.gather [spmem:s23], $0x2000, $0x38;
	[tilespmem:$0x1C800] =	vst v63  }
0x5e: {  	_ =	swait.ge [sflag:s13], $0x2000  }
0x5f: {  	[sflag:s13] =	ssyncset.done $0x0  }
0x60: {  	s10 =	rddreg [dreg:$0x13];
	[sflag:s13] =	ssyncadd.s32 $0xFFFFE000  }
0x61: {  	[hbm4b:s10+s1] =	stream.linear.scatter [tilespmem:s11], [sflag:$0x11], $0x2000, $0x38;
	[tilespmem:$0x1C800] =	vst v63  }
0x62: {  	_ =	swait.ge [sflag:s13], $0x2000  }
0x63: {  	s6 =	sld [smem:$0x7F8]  }
0x64: {  	[sflag:s13] =	ssyncset.done $0x0  }
0x65: {  	[sflag:s13] =	ssyncadd.s32 $0xFFFFE000  }
0x66: {  	[tilespmem:s11], [sflag:$0x11] =	stream.linear.gather [spmem:s6], $0x2000, $0x38;
	[tilespmem:$0x1C800] =	vst v63  }
0x67: {  	_ =	swait.ge [sflag:s13], $0x2000  }
0x68: {  	[sflag:s13] =	ssyncset.done $0x0  }
0x69: {  	s12 =	rddreg [dreg:$0x14];
	[sflag:s13] =	ssyncadd.s32 $0xFFFFE000  }
0x6a: {  	[hbm4b:s12+s1] =	stream.linear.scatter [tilespmem:s11], [sflag:$0x11], $0x2000, $0x38;
	[tilespmem:$0x1C800] =	vst v63  }
0x6b: {  	_ =	swait.ge [sflag:s13], $0x2000  }
0x6c: {  	s28 =	sld [smem:$0x7F9]  }
0x6d: {  	[sflag:s13] =	ssyncset.done $0x0  }
0x6e: {  	[sflag:s13] =	ssyncadd.s32 $0xFFFFE000  }
0x6f: {  	[tilespmem:s11], [sflag:$0x11] =	stream.linear.gather [spmem:s28], $0x2000, $0x38;
	[tilespmem:$0x1C800] =	vst v63  }
0x70: {  	_ =	swait.ge [sflag:s13], $0x2000  }
0x71: {  	[sflag:s13] =	ssyncset.done $0x0  }
0x72: {  	s2 =	rddreg [dreg:$0x15];
	[sflag:s13] =	ssyncadd.s32 $0xFFFFE000  }
0x73: {  	[hbm4b:s2+s1] =	stream.linear.scatter [tilespmem:s11], [sflag:$0x11], $0x2000, $0x38;
	[tilespmem:$0x1C800] =	vst v63  }
0x74: {  	_ =	swait.ge [sflag:s13], $0x2000  }
0x75: {  	s2 =	sld [smem:$0x7FA]  }
0x76: {  	[sflag:s13] =	ssyncset.done $0x0  }
0x77: {  	[sflag:s13] =	ssyncadd.s32 $0xFFFFE000  }
0x78: {  	[tilespmem:s11], [sflag:$0x11] =	stream.linear.gather [spmem:s2], $0x2000, $0x38;
	[tilespmem:$0x1C800] =	vst v63  }
0x79: {  	_ =	swait.ge [sflag:s13], $0x2000  }
0x7a: {  	[sflag:s13] =	ssyncset.done $0x0  }
0x7b: {  	s9 =	rddreg [dreg:$0x16];
	[sflag:s13] =	ssyncadd.s32 $0xFFFFE000  }
0x7c: {  	[hbm4b:s9+s1] =	stream.linear.scatter [tilespmem:s11], [sflag:$0x11], $0x2000, $0x38;
	[tilespmem:$0x1C800] =	vst v63  }
0x7d: {  	_ =	swait.ge [sflag:s13], $0x2000  }
0x7e: {  	s9 =	sld [smem:$0x7FB]  }
0x7f: {  	[sflag:s13] =	ssyncset.done $0x0  }
0x80: {  	[sflag:s13] =	ssyncadd.s32 $0xFFFFE000  }
0x81: {  	[tilespmem:s11], [sflag:$0x11] =	stream.linear.gather [spmem:s9], $0x2000, $0x38;
	[tilespmem:$0x1C800] =	vst v63  }
0x82: {  	_ =	swait.ge [sflag:s13], $0x2000  }
0x83: {  	[sflag:s13] =	ssyncset.done $0x0  }
0x84: {  	s10 =	rddreg [dreg:$0x17];
	[sflag:s13] =	ssyncadd.s32 $0xFFFFE000  }
0x85: {  	[hbm4b:s10+s1] =	stream.linear.scatter [tilespmem:s11], [sflag:$0x11], $0x2000, $0x38;
	[tilespmem:$0x1C800] =	vst v63  }
0x86: {  	_ =	swait.ge [sflag:s13], $0x2000  }
0x87: {  	[sflag:s13] =	ssyncset.done $0x0  }
0x88: {  	[sflag:s13] =	ssyncadd.s32 $0xFFFFE000;
	s13 =	sld [smem:$0x7FC];
	_ =	sdelay $0x1  }
0x89: {  	s29 =	simm.s32 $0x11  }
0x8a: {  	[tilespmem:s11], [sflag:$0x11] =	stream.linear.gather [spmem:s13], $0x2000, $0x38;
	[tilespmem:$0x1C800] =	vst v63  }
0x8b: {  	_ =	swait.ge [sflag:s29], $0x2000  }
0x8c: {  	[sflag:s29] =	ssyncset.done $0x0  }
0x8d: {  	s12 =	rddreg [dreg:$0x18];
	[sflag:s29] =	ssyncadd.s32 $0xFFFFE000  }
0x8e: {  	[hbm4b:s12+s1] =	stream.linear.scatter [tilespmem:s11], [sflag:$0x11], $0x2000, $0x38;
	[tilespmem:$0x1C800] =	vst v63  }
0x8f: {  	_ =	swait.ge [sflag:s29], $0x2000  }
0x90: {  	s12 =	sld [smem:$0x7FD]  }
0x91: {  	[sflag:s29] =	ssyncset.done $0x0  }
0x92: {  	[sflag:s29] =	ssyncadd.s32 $0xFFFFE000  }
0x93: {  	[tilespmem:s11], [sflag:$0x11] =	stream.linear.gather [spmem:s12], $0x2000, $0x38;
	[tilespmem:$0x1C800] =	vst v63  }
0x94: {  	_ =	swait.ge [sflag:s29], $0x2000  }
0x95: {  	[sflag:s29] =	ssyncset.done $0x0  }
0x96: {  	s10 =	rddreg [dreg:$0x19];
	[sflag:s29] =	ssyncadd.s32 $0xFFFFE000  }
0x97: {  	[hbm4b:s10+s1] =	stream.linear.scatter [tilespmem:s11], [sflag:$0x11], $0x2000, $0x38;
	[tilespmem:$0x1C800] =	vst v63  }
0x98: {  	_ =	swait.ge [sflag:s29], $0x2000  }
0x99: {  	s10 =	sld [smem:$0x7F6];
	_ =	sdelay $0x1  }
0x9a: {  	s19 =	sadd.s32 $0x1, s19  }
0x9b: {  	p1 =	sne.s32 s19, s10  }
.Ltmp1:
0x9c: {  	_ = 	snop;
	(pc) =	sbr.rel @!p1 .LBB2_9-.Ltmp1, $3  }
0x9d: {  	_ =	sdelay $0x1  }
0x9e: {  	[sflag:s29] =	ssyncset.done $0x0  }
0x9f: {  	[sflag:s29] =	ssyncadd.s32 $0xFFFFE000  }
.LBB2_1:
0xa0: {  	s8 =	rddreg [dreg:$0x1a]  }
0xa1: {  	[tilespmem:s11], [sflag:$0x11] =	stream.linear.gather [hbm4b:s8+s1], $0x2000, $0x38;
	[tilespmem:$0x1C800] =	vst v63  }
0xa2: {  	_ =	swait.ge [sflag:s29], $0x2000  }
0xa3: {  	[sflag:s29] =	ssyncset.done $0x0  }
0xa4: {  	[sflag:s29] =	ssyncadd.s32 $0xFFFFE000  }
0xa5: {  	[spmem:s16] =	stream.linear.scatter [tilespmem:s11], [sflag:$0x11], $0x2000, $0x38;
	[tilespmem:$0x1C800] =	vst v63  }
0xa6: {  	_ =	swait.ge [sflag:s29], $0x2000  }
0xa7: {  	[sflag:s29] =	ssyncset.done $0x0  }
0xa8: {  	[sflag:s29] =	ssyncadd.s32 $0xFFFFE000  }
0xa9: {  	[spmem:s18] =	stream.linear.scatter [tilespmem:s11], [sflag:$0x11], $0x2000, $0x38;
	[tilespmem:$0x1C800] =	vst v63  }
0xaa: {  	_ =	swait.ge [sflag:s29], $0x2000  }
0xab: {  	[sflag:s29] =	ssyncset.done $0x0  }
0xac: {  	[sflag:s29] =	ssyncadd.s32 $0xFFFFE000  }
0xad: {  	[spmem:s21] =	stream.linear.scatter [tilespmem:s11], [sflag:$0x11], $0x2000, $0x38;
	[tilespmem:$0x1C800] =	vst v63  }
0xae: {  	_ =	swait.ge [sflag:s29], $0x2000  }
0xaf: {  	[sflag:s29] =	ssyncset.done $0x0  }
0xb0: {  	[sflag:s29] =	ssyncadd.s32 $0xFFFFE000  }
0xb1: {  	[spmem:s23] =	stream.linear.scatter [tilespmem:s11], [sflag:$0x11], $0x2000, $0x38;
	[tilespmem:$0x1C800] =	vst v63  }
0xb2: {  	_ =	swait.ge [sflag:s29], $0x2000  }
0xb3: {  	[sflag:s29] =	ssyncset.done $0x0  }
0xb4: {  	[sflag:s29] =	ssyncadd.s32 $0xFFFFE000  }
0xb5: {  	[spmem:s6] =	stream.linear.scatter [tilespmem:s11], [sflag:$0x11], $0x2000, $0x38;
	[tilespmem:$0x1C800] =	vst v63  }
0xb6: {  	_ =	swait.ge [sflag:s29], $0x2000  }
0xb7: {  	[sflag:s29] =	ssyncset.done $0x0  }
0xb8: {  	[sflag:s29] =	ssyncadd.s32 $0xFFFFE000  }
0xb9: {  	[spmem:s28] =	stream.linear.scatter [tilespmem:s11], [sflag:$0x11], $0x2000, $0x38;
	[tilespmem:$0x1C800] =	vst v63  }
0xba: {  	_ =	swait.ge [sflag:s29], $0x2000  }
0xbb: {  	[sflag:s29] =	ssyncset.done $0x0  }
0xbc: {  	[sflag:s29] =	ssyncadd.s32 $0xFFFFE000  }
0xbd: {  	[spmem:s2] =	stream.linear.scatter [tilespmem:s11], [sflag:$0x11], $0x2000, $0x38;
	[tilespmem:$0x1C800] =	vst v63  }
0xbe: {  	_ =	swait.ge [sflag:s29], $0x2000  }
0xbf: {  	[sflag:s29] =	ssyncset.done $0x0  }
0xc0: {  	[sflag:s29] =	ssyncadd.s32 $0xFFFFE000  }
0xc1: {  	[spmem:s9] =	stream.linear.scatter [tilespmem:s11], [sflag:$0x11], $0x2000, $0x38;
	[tilespmem:$0x1C800] =	vst v63  }
0xc2: {  	_ =	swait.ge [sflag:s29], $0x2000  }
0xc3: {  	[sflag:s29] =	ssyncset.done $0x0  }
0xc4: {  	[sflag:s29] =	ssyncadd.s32 $0xFFFFE000  }
0xc5: {  	[spmem:s13] =	stream.linear.scatter [tilespmem:s11], [sflag:$0x11], $0x2000, $0x38;
	[tilespmem:$0x1C800] =	vst v63  }
0xc6: {  	_ =	swait.ge [sflag:s29], $0x2000  }
0xc7: {  	[sflag:s29] =	ssyncset.done $0x0  }
0xc8: {  	[sflag:s29] =	ssyncadd.s32 $0xFFFFE000  }
0xc9: {  	[spmem:s12] =	stream.linear.scatter [tilespmem:s11], [sflag:$0x11], $0x2000, $0x38;
	[tilespmem:$0x1C800] =	vst v63  }
.Ltmp2:
0xca: {  	_ =	swait.ge [sflag:s29], $0x2000;
	(pc) =	sbr.rel @!p0 .LBB2_2-.Ltmp2, $4  }
0xcb: {  	[sflag:s29] =	ssyncset.done $0x0  }
0xcc: {  	[sflag:s29] =	ssyncadd.s32 $0xFFFFE000  }
0xcd: {  	[bflag:$0x0] =	sbarrier.arrive $0xFFFF  }
0xce: {  	s13 =	simm.s32 $0x11  }
0xcf: {  	s8 =	rddreg [dreg:$0x1b]  }
0xd0: {  	[tilespmem:s11], [sflag:$0x11] =	stream.linear.gather [hbm4b:s8+s1], $0x4000, $0x38;
	[tilespmem:$0x1C800] =	vst v63  }
0xd1: {  	_ =	swait.ge [sflag:s13], $0x4000  }
0xd2: {  	[sflag:s13] =	ssyncset.done $0x0  }
0xd3: {  	s29 =	simm.s32 $0x1C600;
	[sflag:s13] =	ssyncadd.s32 $0xFFFFC000  }
0xd4: {  	[tilespmem:s29], [sflag:$0x11] =	stream.linear.gather [hbm4b:s15+s1], $0x80, $0x38;
	[tilespmem:$0x1C800] =	vst v63  }
0xd5: {  	_ =	swait.ge [sflag:s13], $0x80  }
0xd6: {  	s10 =	sld [smem:$0x7F7]  }
0xd7: {  	[sflag:s13] =	ssyncset.done $0x0  }
0xd8: {  	s21 =	simm.s32 $0x1C680;
	[sflag:s13] =	ssyncadd.s32 $0xFFFFFF80  }
0xd9: {  	[tilespmem:s21], [sflag:$0x11] =	stream.linear.gather [hbm4b:s10+s1], $0x80, $0x38;
	[tilespmem:$0x1C800] =	vst v63  }
0xda: {  	_ =	swait.ge [sflag:s13], $0x80  }
0xdb: {  	[sflag:s13] =	ssyncset.done $0x0  }
0xdc: {  	s0 =	simm.s32 $0x80;
	s12 =	sld [smem:$0x7F4];
	[sflag:s13] =	ssyncadd.s32 $0xFFFFFF80  }
0xdd: {  	[spmem:s25] =	stream.indirect.scatter.add.f32 [tilespmem:s11], [sflag:$0x5], $0x80, s29, s0, $0xb8;
	[tilespmem:$0x1C800] =	vst v63  }
0xde: {  	s6 =	simm.s32 $0x1C700  }
0xdf: {  	[tilespmem:s6], [sflag:$0xD] =	stream.linear.gather [hbm4b:s12+s1], $0x80, $0x38;
	[tilespmem:$0x1C800] =	vst v63  }
0xe0: {  	s16 =	sld [smem:$0x7F5]  }
0xe1: {  	[spmem:s25] =	stream.indirect.scatter.add.f32 [tilespmem:s11], [sflag:$0x6], $0x80, s21, s0, $0xb8;
	[tilespmem:$0x1C800] =	vst v63  }
0xe2: {  	s7 =	simm.s32 $0x1C780  }
0xe3: {  	[tilespmem:s7], [sflag:$0xE] =	stream.linear.gather [hbm4b:s16+s1], $0x80, $0x38;
	[tilespmem:$0x1C800] =	vst v63  }
0xe4: {  	_ =	swait.ge [sflag:s3], $0x80  }
0xe5: {  	[sflag:s3] =	ssyncset.done $0x0  }
0xe6: {  	[sflag:s3] =	ssyncadd.s32 $0xFFFFFF80  }
0xe7: {  	_ =	swait.ge [sflag:s24], $0x4000  }
0xe8: {  	[sflag:s24] =	ssyncset.done $0x0  }
0xe9: {  	s12 =	sadd.s32 $0xFFFFF640, s15;
	[sflag:s24] =	ssyncadd.s32 $0xFFFFC000  }
0xea: {  	[spmem:s25] =	stream.indirect.scatter.add.f32 [tilespmem:s11], [sflag:$0x5], $0x80, s6, s0, $0xb8;
	[tilespmem:$0x1C800] =	vst v63  }
0xeb: {  	s18 =	sadd.s32 $0xA00, s12  }
0xec: {  	[tilespmem:s29], [sflag:$0xB] =	stream.linear.gather [hbm4b:s18+s1], $0x80, $0x38;
	[tilespmem:$0x1C800] =	vst v63  }
0xed: {  	_ =	swait.ge [sflag:s4], $0x80  }
0xee: {  	[sflag:s4] =	ssyncset.done $0x0  }
0xef: {  	[sflag:s4] =	ssyncadd.s32 $0xFFFFFF80  }
0xf0: {  	_ =	swait.ge [sflag:s20], $0x4000  }
0xf1: {  	[sflag:s20] =	ssyncset.done $0x0  }
0xf2: {  	[sflag:s20] =	ssyncadd.s32 $0xFFFFC000  }
0xf3: {  	[spmem:s25] =	stream.indirect.scatter.add.f32 [tilespmem:s11], [sflag:$0x6], $0x80, s7, s0, $0xb8;
	[tilespmem:$0x1C800] =	vst v63  }
0xf4: {  	s23 =	sadd.s32 $0xA10, s12  }
0xf5: {  	[tilespmem:s21], [sflag:$0xC] =	stream.linear.gather [hbm4b:s23+s1], $0x80, $0x38;
	[tilespmem:$0x1C800] =	vst v63  }
0xf6: {  	_ =	swait.ge [sflag:s17], $0x80  }
0xf7: {  	[sflag:s17] =	ssyncset.done $0x0  }
0xf8: {  	[sflag:s17] =	ssyncadd.s32 $0xFFFFFF80  }
0xf9: {  	_ =	swait.ge [sflag:s24], $0x4000  }
0xfa: {  	[sflag:s24] =	ssyncset.done $0x0  }
0xfb: {  	[sflag:s24] =	ssyncadd.s32 $0xFFFFC000  }
0xfc: {  	[spmem:s25] =	stream.indirect.scatter.add.f32 [tilespmem:s11], [sflag:$0x5], $0x80, s29, s0, $0xb8;
	[tilespmem:$0x1C800] =	vst v63  }
0xfd: {  	s28 =	sadd.s32 $0xA20, s12  }
0xfe: {  	[tilespmem:s6], [sflag:$0xD] =	stream.linear.gather [hbm4b:s28+s1], $0x80, $0x38;
	[tilespmem:$0x1C800] =	vst v63  }
0xff: {  	_ =	swait.ge [sflag:s5], $0x80  }
0x100: {  	[sflag:s5] =	ssyncset.done $0x0  }
0x101: {  	[sflag:s5] =	ssyncadd.s32 $0xFFFFFF80  }
0x102: {  	_ =	swait.ge [sflag:s20], $0x4000  }
0x103: {  	[sflag:s20] =	ssyncset.done $0x0  }
0x104: {  	s8 =	simm.s32 $0xFFFFF680;
	s12 =	sadd.s32 $0xA30, s12;
	[sflag:s20] =	ssyncadd.s32 $0xFFFFC000  }
0x105: {  	[spmem:s25] =	stream.indirect.scatter.add.f32 [tilespmem:s11], [sflag:$0x6], $0x80, s21, s0, $0xb8;
	[tilespmem:$0x1C800] =	vst v63  }
.LBB2_6:
0x106: {  	[tilespmem:s7], [sflag:$0xE] =	stream.linear.gather [hbm4b:s12+s1], $0x80, $0x38;
	[tilespmem:$0x1C800] =	vst v63  }
0x107: {  	_ =	swait.ge [sflag:s3], $0x80  }
0x108: {  	[sflag:s3] =	ssyncset.done $0x0  }
0x109: {  	[sflag:s3] =	ssyncadd.s32 $0xFFFFFF80  }
0x10a: {  	_ =	swait.ge [sflag:s24], $0x4000  }
0x10b: {  	s18 =	smov.u32 s8;
	[sflag:s24] =	ssyncset.done $0x0  }
0x10c: {  	s12 =	sadd.s32 s18, s15;
	[sflag:s24] =	ssyncadd.s32 $0xFFFFC000  }
0x10d: {  	[spmem:s25] =	stream.indirect.scatter.add.f32 [tilespmem:s11], [sflag:$0x5], $0x80, s6, s0, $0xb8;
	[tilespmem:$0x1C800] =	vst v63  }
0x10e: {  	s15 =	sadd.s32 $0xA00, s12  }
0x10f: {  	[tilespmem:s29], [sflag:$0xB] =	stream.linear.gather [hbm4b:s15+s1], $0x80, $0x38;
	[tilespmem:$0x1C800] =	vst v63  }
0x110: {  	_ =	swait.ge [sflag:s4], $0x80  }
0x111: {  	[sflag:s4] =	ssyncset.done $0x0  }
0x112: {  	[sflag:s4] =	ssyncadd.s32 $0xFFFFFF80  }
0x113: {  	_ =	swait.ge [sflag:s20], $0x4000  }
0x114: {  	[sflag:s20] =	ssyncset.done $0x0  }
0x115: {  	[sflag:s20] =	ssyncadd.s32 $0xFFFFC000  }
0x116: {  	[spmem:s25] =	stream.indirect.scatter.add.f32 [tilespmem:s11], [sflag:$0x6], $0x80, s7, s0, $0xb8;
	[tilespmem:$0x1C800] =	vst v63  }
0x117: {  	s23 =	sadd.s32 $0xA10, s12  }
0x118: {  	[tilespmem:s21], [sflag:$0xC] =	stream.linear.gather [hbm4b:s23+s1], $0x80, $0x38;
	[tilespmem:$0x1C800] =	vst v63  }
0x119: {  	_ =	swait.ge [sflag:s17], $0x80  }
0x11a: {  	[sflag:s17] =	ssyncset.done $0x0  }
0x11b: {  	[sflag:s17] =	ssyncadd.s32 $0xFFFFFF80  }
0x11c: {  	_ =	swait.ge [sflag:s24], $0x4000  }
0x11d: {  	[sflag:s24] =	ssyncset.done $0x0  }
0x11e: {  	[sflag:s24] =	ssyncadd.s32 $0xFFFFC000  }
0x11f: {  	[spmem:s25] =	stream.indirect.scatter.add.f32 [tilespmem:s11], [sflag:$0x5], $0x80, s29, s0, $0xb8;
	[tilespmem:$0x1C800] =	vst v63  }
0x120: {  	s28 =	sadd.s32 $0xA20, s12  }
0x121: {  	[tilespmem:s6], [sflag:$0xD] =	stream.linear.gather [hbm4b:s28+s1], $0x80, $0x38;
	[tilespmem:$0x1C800] =	vst v63  }
0x122: {  	s15 =	rddreg [dreg:$0x5];
	_ =	swait.ge [sflag:s5], $0x80  }
0x123: {  	p1 =	sne.s32 s8, $0xFFFFFFC0;
	[sflag:s5] =	ssyncset.done $0x0  }
.Ltmp3:
0x124: {  	[sflag:s5] =	ssyncadd.s32 $0xFFFFFF80;
	(pc) =	sbr.rel @p1 .LBB2_6-.Ltmp3, $4  }
0x125: {  	_ =	swait.ge [sflag:s20], $0x4000  }
0x126: {  	[sflag:s20] =	ssyncset.done $0x0  }
0x127: {  	s8 =	sadd.s32 $0x40, s8;
	s12 =	sadd.s32 $0xA30, s12;
	[sflag:s20] =	ssyncadd.s32 $0xFFFFC000  }
0x128: {  	[spmem:s25] =	stream.indirect.scatter.add.f32 [tilespmem:s11], [sflag:$0x6], $0x80, s21, s0, $0xb8;
	[tilespmem:$0x1C800] =	vst v63  }
.Ltmp4:
0x129: {  	_ = 	snop;
	(pc) =	sbr.rel .LBB2_7-.Ltmp4, $1  }
0x12a: {  	_ =	sdelay $0x3  }
.LBB2_2:
0x12b: {  	[smem:$0x7F3] =	sst s19;
	s8 =	simm.s32 $0x0  }
0x12c: {  	[tilespmem:s0], [sflag:$0x11] =	stream.linear.gather [hbm4b:s26+s8], $0x40, $0x38;
	[tilespmem:$0x1C800] =	vst v63  }
0x12d: {  	_ =	swait.ge [sflag:s13], $0x40  }
0x12e: {  	[sflag:s13] =	ssyncset.done $0x0  }
0x12f: {  	s3 =	simm.s32 $0x1C200;
	[sflag:s13] =	ssyncadd.s32 $0xFFFFFFC0  }
0x130: {  	[tilespmem:s3], [sflag:$0x11] =	stream.linear.gather [hbm4b:s30+s8], $0x40, $0x38;
	[tilespmem:$0x1C800] =	vst v63  }
0x131: {  	_ =	swait.ge [sflag:s13], $0x40  }
0x132: {  	[sflag:s13] =	ssyncset.done $0x0  }
0x133: {  	s12 =	rddreg [dreg:$0x8];
	[sflag:s13] =	ssyncadd.s32 $0xFFFFFFC0  }
0x134: {  	[tilespmem:s7], [sflag:$0x11] =	stream.linear.gather [hbm4b:s12+s8], $0x40, $0x38;
	[tilespmem:$0x1C800] =	vst v63  }
0x135: {  	_ =	swait.ge [sflag:s13], $0x40  }
0x136: {  	[sflag:s13] =	ssyncset.done $0x0  }
0x137: {  	s2 =	simm.s32 $0x1C280;
	s18 =	rddreg [dreg:$0x9];
	[sflag:s13] =	ssyncadd.s32 $0xFFFFFFC0  }
0x138: {  	[tilespmem:s2], [sflag:$0x11] =	stream.linear.gather [hbm4b:s18+s8], $0x40, $0x38;
	[tilespmem:$0x1C800] =	vst v63  }
0x139: {  	_ =	swait.ge [sflag:s13], $0x40  }
0x13a: {  	[sflag:s13] =	ssyncset.done $0x0  }
0x13b: {  	[sflag:s13] =	ssyncadd.s32 $0xFFFFFFC0  }
0x13c: {  	[tilespmem:s11], [sflag:$0x1] =	stream.indirect.gather [hbm4b:s22+s31], $0x80, s0, s31, $0xb8;
	[tilespmem:$0x1C800] =	vst v63  }
0x13d: {  	s29 =	smov.u32 s22;
	s3 =	simm.s32 $0x16000;
	s11 =	simm.s32 $0x1C080  }
0x13e: {  	[tilespmem:s3], [sflag:$0x2] =	stream.indirect.gather [hbm4b:s29+s31], $0x80, s11, s31, $0xb8;
	[tilespmem:$0x1C800] =	vst v63  }
0x13f: {  	s21 =	simm.s32 $0x1C100;
	s19 =	rddreg [dreg:$0xa]  }
0x140: {  	[tilespmem:s21], [sflag:$0x9] =	stream.linear.gather [hbm4b:s19+s8], $0x40, $0x38;
	[tilespmem:$0x1C800] =	vst v63  }
0x141: {  	s2 =	simm.s32 $0x9;
	s0 =	simm.s32 $0x1C300;
	s19 =	rddreg [dreg:$0xb]  }
0x142: {  	[tilespmem:s0], [sflag:$0xD] =	stream.linear.gather [hbm4b:s19+s8], $0x40, $0x38;
	[tilespmem:$0x1C800] =	vst v63  }
0x143: {  	_ =	swait.ge [sflag:s2], $0x40  }
0x144: {  	[sflag:s2] =	ssyncset.done $0x0  }
0x145: {  	s0 =	simm.s32 $0x18000;
	[sflag:s2] =	ssyncadd.s32 $0xFFFFFFC0  }
0x146: {  	[tilespmem:s0], [sflag:$0x3] =	stream.indirect.gather [hbm4b:s29+s31], $0x80, s21, s31, $0xb8;
	[tilespmem:$0x1C800] =	vst v63  }
0x147: {  	s18 =	simm.s32 $0x1C180;
	s12 =	rddreg [dreg:$0xc]  }
0x148: {  	[tilespmem:s18], [sflag:$0xA] =	stream.linear.gather [hbm4b:s12+s8], $0x40, $0x38;
	[tilespmem:$0x1C800] =	vst v63  }
0x149: {  	s4 =	simm.s32 $0x1C380;
	s23 =	simm.s32 $0x1;
	s12 =	rddreg [dreg:$0xd]  }
0x14a: {  	[tilespmem:s4], [sflag:$0xE] =	stream.linear.gather [hbm4b:s12+s8], $0x40, $0x38;
	[tilespmem:$0x1C800] =	vst v63  }
0x14b: {  	_ =	swait.ge [sflag:s23], $0x2000  }
0x14c: {  	s15 =	simm.s32 $0x1C200;
	[sflag:s23] =	ssyncset.done $0x0  }
0x14d: {  	s10 =	simm.s32 $0xA;
	s12 =	simm.s32 $0x14000;
	[sflag:s23] =	ssyncadd.s32 $0xFFFFE000  }
0x14e: {  	[spmem:s25] =	stream.indirect.scatter.add.f32 [tilespmem:s12], [sflag:$0x5], $0x80, s15, s31, $0xb8;
	[tilespmem:$0x1C800] =	vst v63  }
0x14f: {  	_ =	swait.ge [sflag:s10], $0x40  }
0x150: {  	[sflag:s10] =	ssyncset.done $0x0  }
0x151: {  	s7 =	simm.s32 $0x1A000;
	[sflag:s10] =	ssyncadd.s32 $0xFFFFFFC0  }
0x152: {  	[tilespmem:s7], [sflag:$0x4] =	stream.indirect.gather [hbm4b:s29+s31], $0x80, s18, s31, $0xb8;
	[tilespmem:$0x1C800] =	vst v63  }
0x153: {  	s15 =	rddreg [dreg:$0xe];
	s18 =	simm.s32 $0x1C000  }
0x154: {  	[tilespmem:s18], [sflag:$0x7] =	stream.linear.gather [hbm4b:s15+s8], $0x40, $0x38;
	[tilespmem:$0x1C800] =	vst v63  }
0x155: {  	s5 =	simm.s32 $0x2;
	s13 =	simm.s32 $0x1C400;
	s7 =	rddreg [dreg:$0xf]  }
0x156: {  	[tilespmem:s13], [sflag:$0xF] =	stream.linear.gather [hbm4b:s7+s8], $0x40, $0x38;
	[tilespmem:$0x1C800] =	vst v63  }
0x157: {  	_ =	swait.ge [sflag:s5], $0x2000  }
0x158: {  	[sflag:s5] =	ssyncset.done $0x0  }
0x159: {  	s9 =	smov.u32 s25;
	s7 =	simm.s32 $0x1C280;
	[sflag:s5] =	ssyncadd.s32 $0xFFFFE000  }
0x15a: {  	[spmem:s9] =	stream.indirect.scatter.add.f32 [tilespmem:s3], [sflag:$0x6], $0x80, s7, s31, $0xb8;
	[tilespmem:$0x1C800] =	vst v63  }
0x15b: {  	_ =	swait.ge [sflag:s24], $0x2000  }
0x15c: {  	[sflag:s24] =	ssyncset.done $0x0  }
0x15d: {  	s28 =	simm.s32 $0x7;
	[sflag:s24] =	ssyncadd.s32 $0xFFFFE000  }
0x15e: {  	_ =	swait.ge [sflag:s28], $0x40  }
0x15f: {  	s15 =	simm.s32 $0x14000;
	[sflag:s28] =	ssyncset.done $0x0  }
0x160: {  	s18 =	simm.s32 $0x1C000;
	s8 =	sadd.s32 $0x0, s26;
	[sflag:s28] =	ssyncadd.s32 $0xFFFFFFC0  }
0x161: {  	[tilespmem:s15], [sflag:$0x1] =	stream.indirect.gather [hbm4b:s29+s31], $0x80, s18, s31, $0xb8;
	[tilespmem:$0x1C800] =	vst v63  }
0x162: {  	s12 =	sadd.s32 $0x0, s30;
	s13 =	sadd.s32 $0x28, s8  }
0x163: {  	[tilespmem:s11], [sflag:$0x8] =	stream.linear.gather [hbm4b:s13+s1], $0x40, $0x38;
	[tilespmem:$0x1C800] =	vst v63  }
0x164: {  	s17 =	simm.s32 $0xD;
	s22 =	simm.s32 $0x1C480;
	s18 =	sadd.s32 $0x28, s12  }
0x165: {  	[tilespmem:s22], [sflag:$0x10] =	stream.linear.gather [hbm4b:s18+s1], $0x40, $0x38;
	[tilespmem:$0x1C800] =	vst v63  }
0x166: {  	_ =	swait.ge [sflag:s17], $0x40  }
0x167: {  	[sflag:s17] =	ssyncset.done $0x0  }
0x168: {  	s16 =	simm.s32 $0x3;
	[sflag:s17] =	ssyncadd.s32 $0xFFFFFFC0  }
0x169: {  	_ =	swait.ge [sflag:s16], $0x2000  }
0x16a: {  	[sflag:s16] =	ssyncset.done $0x0  }
0x16b: {  	s19 =	simm.s32 $0x1C300;
	[sflag:s16] =	ssyncadd.s32 $0xFFFFE000  }
0x16c: {  	[spmem:s9] =	stream.indirect.scatter.add.f32 [tilespmem:s0], [sflag:$0x5], $0x80, s19, s31, $0xb8;
	[tilespmem:$0x1C800] =	vst v63  }
0x16d: {  	_ =	swait.ge [sflag:s20], $0x2000  }
0x16e: {  	[sflag:s20] =	ssyncset.done $0x0  }
0x16f: {  	[sflag:s20] =	ssyncadd.s32 $0xFFFFE000  }
0x170: {  	_ =	swait.ge [sflag:s14], $0x40  }
0x171: {  	[sflag:s14] =	ssyncset.done $0x0  }
0x172: {  	[sflag:s14] =	ssyncadd.s32 $0xFFFFFFC0  }
0x173: {  	[tilespmem:s3], [sflag:$0x2] =	stream.indirect.gather [hbm4b:s29+s31], $0x80, s11, s31, $0xb8;
	[tilespmem:$0x1C800] =	vst v63  }
0x174: {  	s13 =	sadd.s32 $0x30, s8  }
0x175: {  	[tilespmem:s21], [sflag:$0x9] =	stream.linear.gather [hbm4b:s13+s1], $0x40, $0x38;
	[tilespmem:$0x1C800] =	vst v63  }
0x176: {  	s18 =	sadd.s32 $0x30, s12;
	s22 =	simm.s32 $0xE;
	s13 =	simm.s32 $0x1C200  }
0x177: {  	[tilespmem:s13], [sflag:$0xB] =	stream.linear.gather [hbm4b:s18+s1], $0x40, $0x38;
	[tilespmem:$0x1C800] =	vst v63  }
0x178: {  	_ =	swait.ge [sflag:s22], $0x40  }
0x179: {  	[sflag:s22] =	ssyncset.done $0x0  }
0x17a: {  	s6 =	simm.s32 $0x4;
	[sflag:s22] =	ssyncadd.s32 $0xFFFFFFC0  }
0x17b: {  	_ =	swait.ge [sflag:s6], $0x2000  }
0x17c: {  	[sflag:s6] =	ssyncset.done $0x0  }
0x17d: {  	s4 =	simm.s32 $0x1C380;
	s25 =	simm.s32 $0x1A000;
	[sflag:s6] =	ssyncadd.s32 $0xFFFFE000  }
0x17e: {  	[spmem:s9] =	stream.indirect.scatter.add.f32 [tilespmem:s25], [sflag:$0x6], $0x80, s4, s31, $0xb8;
	[tilespmem:$0x1C800] =	vst v63  }
0x17f: {  	_ =	swait.ge [sflag:s24], $0x2000  }
0x180: {  	[sflag:s24] =	ssyncset.done $0x0  }
0x181: {  	[sflag:s24] =	ssyncadd.s32 $0xFFFFE000  }
0x182: {  	_ =	swait.ge [sflag:s2], $0x40  }
0x183: {  	[sflag:s2] =	ssyncset.done $0x0  }
0x184: {  	s30 =	simm.s32 $0x18000;
	[sflag:s2] =	ssyncadd.s32 $0xFFFFFFC0  }
0x185: {  	[tilespmem:s30], [sflag:$0x3] =	stream.indirect.gather [hbm4b:s29+s31], $0x80, s21, s31, $0xb8;
	[tilespmem:$0x1C800] =	vst v63  }
0x186: {  	s18 =	simm.s32 $0x1C180;
	s30 =	sadd.s32 $0x38, s8  }
0x187: {  	[tilespmem:s18], [sflag:$0xA] =	stream.linear.gather [hbm4b:s30+s1], $0x40, $0x38;
	[tilespmem:$0x1C800] =	vst v63  }
0x188: {  	s0 =	sadd.s32 $0x38, s12  }
0x189: {  	[tilespmem:s7], [sflag:$0xC] =	stream.linear.gather [hbm4b:s0+s1], $0x40, $0x38;
	[tilespmem:$0x1C800] =	vst v63  }
0x18a: {  	s7 =	simm.s32 $0xF  }
0x18b: {  	_ =	swait.ge [sflag:s7], $0x40  }
0x18c: {  	[sflag:s7] =	ssyncset.done $0x0  }
0x18d: {  	[sflag:s7] =	ssyncadd.s32 $0xFFFFFFC0  }
0x18e: {  	_ =	swait.ge [sflag:s23], $0x2000  }
0x18f: {  	[sflag:s23] =	ssyncset.done $0x0  }
0x190: {  	s15 =	simm.s32 $0x14000;
	s30 =	simm.s32 $0x1C400;
	[sflag:s23] =	ssyncadd.s32 $0xFFFFE000  }
0x191: {  	[spmem:s9] =	stream.indirect.scatter.add.f32 [tilespmem:s15], [sflag:$0x5], $0x80, s30, s31, $0xb8;
	[tilespmem:$0x1C800] =	vst v63  }
0x192: {  	_ =	swait.ge [sflag:s20], $0x2000  }
0x193: {  	[sflag:s20] =	ssyncset.done $0x0  }
0x194: {  	[sflag:s20] =	ssyncadd.s32 $0xFFFFE000  }
0x195: {  	_ =	swait.ge [sflag:s10], $0x40  }
0x196: {  	[sflag:s10] =	ssyncset.done $0x0  }
0x197: {  	[sflag:s10] =	ssyncadd.s32 $0xFFFFFFC0  }
0x198: {  	[tilespmem:s25], [sflag:$0x4] =	stream.indirect.gather [hbm4b:s29+s31], $0x80, s18, s31, $0xb8;
	[tilespmem:$0x1C800] =	vst v63  }
0x199: {  	s18 =	sadd.s32 $0x40, s8;
	s25 =	simm.s32 $0x1C000  }
0x19a: {  	[tilespmem:s25], [sflag:$0x7] =	stream.linear.gather [hbm4b:s18+s1], $0x40, $0x38;
	[tilespmem:$0x1C800] =	vst v63  }
0x19b: {  	s19 =	simm.s32 $0x1C300;
	s0 =	sadd.s32 $0x40, s12;
	s7 =	simm.s32 $0x10  }
0x19c: {  	[tilespmem:s19], [sflag:$0xD] =	stream.linear.gather [hbm4b:s0+s1], $0x40, $0x38;
	[tilespmem:$0x1C800] =	vst v63  }
0x19d: {  	_ =	swait.ge [sflag:s7], $0x40  }
0x19e: {  	[sflag:s7] =	ssyncset.done $0x0  }
0x19f: {  	[sflag:s7] =	ssyncadd.s32 $0xFFFFFFC0  }
0x1a0: {  	_ =	swait.ge [sflag:s5], $0x2000  }
0x1a1: {  	[sflag:s5] =	ssyncset.done $0x0  }
0x1a2: {  	s19 =	simm.s32 $0x1C480;
	[sflag:s5] =	ssyncadd.s32 $0xFFFFE000  }
0x1a3: {  	[spmem:s9] =	stream.indirect.scatter.add.f32 [tilespmem:s3], [sflag:$0x6], $0x80, s19, s31, $0xb8;
	[tilespmem:$0x1C800] =	vst v63  }
0x1a4: {  	_ =	swait.ge [sflag:s24], $0x2000  }
0x1a5: {  	[sflag:s24] =	ssyncset.done $0x0  }
0x1a6: {  	[sflag:s24] =	ssyncadd.s32 $0xFFFFE000  }
0x1a7: {  	_ =	swait.ge [sflag:s28], $0x40  }
0x1a8: {  	[sflag:s28] =	ssyncset.done $0x0  }
0x1a9: {  	s15 =	simm.s32 $0x14000;
	s25 =	simm.s32 $0x1C000;
	[sflag:s28] =	ssyncadd.s32 $0xFFFFFFC0  }
0x1aa: {  	[tilespmem:s15], [sflag:$0x1] =	stream.indirect.gather [hbm4b:s29+s31], $0x80, s25, s31, $0xb8;
	[tilespmem:$0x1C800] =	vst v63  }
0x1ab: {  	s0 =	sadd.s32 $0x48, s8  }
0x1ac: {  	[tilespmem:s11], [sflag:$0x8] =	stream.linear.gather [hbm4b:s0+s1], $0x40, $0x38;
	[tilespmem:$0x1C800] =	vst v63  }
0x1ad: {  	s7 =	sadd.s32 $0x48, s12;
	s15 =	simm.s32 $0xB  }
0x1ae: {  	[tilespmem:s4], [sflag:$0xE] =	stream.linear.gather [hbm4b:s7+s1], $0x40, $0x38;
	[tilespmem:$0x1C800] =	vst v63  }
0x1af: {  	_ =	swait.ge [sflag:s15], $0x40  }
0x1b0: {  	[sflag:s15] =	ssyncset.done $0x0  }
0x1b1: {  	[sflag:s15] =	ssyncadd.s32 $0xFFFFFFC0  }
0x1b2: {  	_ =	swait.ge [sflag:s16], $0x2000  }
0x1b3: {  	[sflag:s16] =	ssyncset.done $0x0  }
0x1b4: {  	s4 =	simm.s32 $0x18000;
	[sflag:s16] =	ssyncadd.s32 $0xFFFFE000  }
0x1b5: {  	[spmem:s9] =	stream.indirect.scatter.add.f32 [tilespmem:s4], [sflag:$0x5], $0x80, s13, s31, $0xb8;
	[tilespmem:$0x1C800] =	vst v63  }
0x1b6: {  	_ =	swait.ge [sflag:s20], $0x2000  }
0x1b7: {  	[sflag:s20] =	ssyncset.done $0x0  }
0x1b8: {  	[sflag:s20] =	ssyncadd.s32 $0xFFFFE000  }
0x1b9: {  	_ =	swait.ge [sflag:s14], $0x40  }
0x1ba: {  	[sflag:s14] =	ssyncset.done $0x0  }
0x1bb: {  	[sflag:s14] =	ssyncadd.s32 $0xFFFFFFC0  }
0x1bc: {  	[tilespmem:s3], [sflag:$0x2] =	stream.indirect.gather [hbm4b:s29+s31], $0x80, s11, s31, $0xb8;
	[tilespmem:$0x1C800] =	vst v63  }
0x1bd: {  	s16 =	sadd.s32 $0x50, s8  }
0x1be: {  	[tilespmem:s21], [sflag:$0x9] =	stream.linear.gather [hbm4b:s16+s1], $0x40, $0x38;
	[tilespmem:$0x1C800] =	vst v63  }
0x1bf: {  	s25 =	sadd.s32 $0x50, s12  }
0x1c0: {  	[tilespmem:s30], [sflag:$0xF] =	stream.linear.gather [hbm4b:s25+s1], $0x40, $0x38;
	[tilespmem:$0x1C800] =	vst v63  }
0x1c1: {  	s30 =	simm.s32 $0xC  }
0x1c2: {  	_ =	swait.ge [sflag:s30], $0x40  }
0x1c3: {  	[sflag:s30] =	ssyncset.done $0x0  }
0x1c4: {  	[sflag:s30] =	ssyncadd.s32 $0xFFFFFFC0  }
0x1c5: {  	_ =	swait.ge [sflag:s6], $0x2000  }
0x1c6: {  	[sflag:s6] =	ssyncset.done $0x0  }
0x1c7: {  	s0 =	simm.s32 $0x1A000;
	s11 =	simm.s32 $0x1C280;
	[sflag:s6] =	ssyncadd.s32 $0xFFFFE000  }
0x1c8: {  	[spmem:s9] =	stream.indirect.scatter.add.f32 [tilespmem:s0], [sflag:$0x6], $0x80, s11, s31, $0xb8;
	[tilespmem:$0x1C800] =	vst v63  }
0x1c9: {  	_ =	swait.ge [sflag:s24], $0x2000  }
0x1ca: {  	[sflag:s24] =	ssyncset.done $0x0  }
0x1cb: {  	[sflag:s24] =	ssyncadd.s32 $0xFFFFE000  }
0x1cc: {  	_ =	swait.ge [sflag:s2], $0x40  }
0x1cd: {  	[sflag:s2] =	ssyncset.done $0x0  }
0x1ce: {  	[sflag:s2] =	ssyncadd.s32 $0xFFFFFFC0  }
0x1cf: {  	[tilespmem:s4], [sflag:$0x3] =	stream.indirect.gather [hbm4b:s29+s31], $0x80, s21, s31, $0xb8;
	[tilespmem:$0x1C800] =	vst v63  }
0x1d0: {  	s6 =	simm.s32 $0x1C180;
	s4 =	sadd.s32 $0x58, s8  }
0x1d1: {  	[tilespmem:s6], [sflag:$0xA] =	stream.linear.gather [hbm4b:s4+s1], $0x40, $0x38;
	[tilespmem:$0x1C800] =	vst v63  }
0x1d2: {  	s13 =	sadd.s32 $0x58, s12  }
0x1d3: {  	[tilespmem:s19], [sflag:$0x10] =	stream.linear.gather [hbm4b:s13+s1], $0x40, $0x38;
	[tilespmem:$0x1C800] =	vst v63  }
0x1d4: {  	_ =	swait.ge [sflag:s17], $0x40  }
0x1d5: {  	[sflag:s17] =	ssyncset.done $0x0  }
0x1d6: {  	[sflag:s17] =	ssyncadd.s32 $0xFFFFFFC0  }
0x1d7: {  	_ =	swait.ge [sflag:s23], $0x2000  }
0x1d8: {  	[sflag:s23] =	ssyncset.done $0x0  }
0x1d9: {  	s25 =	simm.s32 $0x1C300;
	s19 =	simm.s32 $0x14000;
	[sflag:s23] =	ssyncadd.s32 $0xFFFFE000  }
0x1da: {  	[spmem:s9] =	stream.indirect.scatter.add.f32 [tilespmem:s19], [sflag:$0x5], $0x80, s25, s31, $0xb8;
	[tilespmem:$0x1C800] =	vst v63  }
0x1db: {  	_ =	swait.ge [sflag:s20], $0x2000  }
0x1dc: {  	[sflag:s20] =	ssyncset.done $0x0  }
0x1dd: {  	[sflag:s20] =	ssyncadd.s32 $0xFFFFE000  }
0x1de: {  	_ =	swait.ge [sflag:s10], $0x40  }
0x1df: {  	[sflag:s10] =	ssyncset.done $0x0  }
0x1e0: {  	[sflag:s10] =	ssyncadd.s32 $0xFFFFFFC0  }
0x1e1: {  	[tilespmem:s0], [sflag:$0x4] =	stream.indirect.gather [hbm4b:s29+s31], $0x80, s6, s31, $0xb8;
	[tilespmem:$0x1C800] =	vst v63  }
0x1e2: {  	s13 =	simm.s32 $0x1C000;
	s6 =	sadd.s32 $0x60, s8  }
0x1e3: {  	[tilespmem:s13], [sflag:$0x7] =	stream.linear.gather [hbm4b:s6+s1], $0x40, $0x38;
	[tilespmem:$0x1C800] =	vst v63  }
0x1e4: {  	s22 =	simm.s32 $0xE;
	s7 =	simm.s32 $0x1C200;
	s19 =	sadd.s32 $0x60, s12  }
0x1e5: {  	[tilespmem:s7], [sflag:$0xB] =	stream.linear.gather [hbm4b:s19+s1], $0x40, $0x38;
	[tilespmem:$0x1C800] =	vst v63  }
0x1e6: {  	_ =	swait.ge [sflag:s22], $0x40  }
0x1e7: {  	[sflag:s22] =	ssyncset.done $0x0  }
0x1e8: {  	[sflag:s22] =	ssyncadd.s32 $0xFFFFFFC0  }
0x1e9: {  	_ =	swait.ge [sflag:s5], $0x2000  }
0x1ea: {  	[sflag:s5] =	ssyncset.done $0x0  }
0x1eb: {  	s22 =	simm.s32 $0x1C380;
	[sflag:s5] =	ssyncadd.s32 $0xFFFFE000  }
0x1ec: {  	[spmem:s9] =	stream.indirect.scatter.add.f32 [tilespmem:s3], [sflag:$0x6], $0x80, s22, s31, $0xb8;
	[tilespmem:$0x1C800] =	vst v63  }
0x1ed: {  	_ =	swait.ge [sflag:s24], $0x2000  }
0x1ee: {  	[sflag:s24] =	ssyncset.done $0x0  }
0x1ef: {  	[sflag:s24] =	ssyncadd.s32 $0xFFFFE000  }
0x1f0: {  	_ =	swait.ge [sflag:s28], $0x40  }
0x1f1: {  	[sflag:s28] =	ssyncset.done $0x0  }
0x1f2: {  	s25 =	simm.s32 $0x14000;
	[sflag:s28] =	ssyncadd.s32 $0xFFFFFFC0;
	s28 =	simm.s32 $0x1C000  }
0x1f3: {  	[tilespmem:s25], [sflag:$0x1] =	stream.indirect.gather [hbm4b:s29+s31], $0x80, s28, s31, $0xb8;
	[tilespmem:$0x1C800] =	vst v63  }
0x1f4: {  	s6 =	sadd.s32 $0x68, s8;
	s7 =	simm.s32 $0x1C080  }
0x1f5: {  	[tilespmem:s7], [sflag:$0x8] =	stream.linear.gather [hbm4b:s6+s1], $0x40, $0x38;
	[tilespmem:$0x1C800] =	vst v63  }
0x1f6: {  	s19 =	sadd.s32 $0x68, s12;
	s25 =	simm.s32 $0xF  }
0x1f7: {  	[tilespmem:s11], [sflag:$0xC] =	stream.linear.gather [hbm4b:s19+s1], $0x40, $0x38;
	[tilespmem:$0x1C800] =	vst v63  }
0x1f8: {  	_ =	swait.ge [sflag:s25], $0x40  }
0x1f9: {  	[sflag:s25] =	ssyncset.done $0x0  }
0x1fa: {  	s19 =	simm.s32 $0x3;
	[sflag:s25] =	ssyncadd.s32 $0xFFFFFFC0  }
0x1fb: {  	_ =	swait.ge [sflag:s19], $0x2000  }
0x1fc: {  	[sflag:s19] =	ssyncset.done $0x0  }
0x1fd: {  	s16 =	simm.s32 $0x18000;
	s6 =	simm.s32 $0x1C400;
	[sflag:s19] =	ssyncadd.s32 $0xFFFFE000  }
0x1fe: {  	[spmem:s9] =	stream.indirect.scatter.add.f32 [tilespmem:s16], [sflag:$0x5], $0x80, s6, s31, $0xb8;
	[tilespmem:$0x1C800] =	vst v63  }
0x1ff: {  	_ =	swait.ge [sflag:s20], $0x2000  }
0x200: {  	[sflag:s20] =	ssyncset.done $0x0  }
0x201: {  	[sflag:s20] =	ssyncadd.s32 $0xFFFFE000  }
0x202: {  	_ =	swait.ge [sflag:s14], $0x40  }
0x203: {  	[sflag:s14] =	ssyncset.done $0x0  }
0x204: {  	[sflag:s14] =	ssyncadd.s32 $0xFFFFFFC0  }
0x205: {  	[tilespmem:s3], [sflag:$0x2] =	stream.indirect.gather [hbm4b:s29+s31], $0x80, s7, s31, $0xb8;
	[tilespmem:$0x1C800] =	vst v63  }
0x206: {  	s28 =	sadd.s32 $0x70, s8  }
0x207: {  	[tilespmem:s21], [sflag:$0x9] =	stream.linear.gather [hbm4b:s28+s1], $0x40, $0x38;
	[tilespmem:$0x1C800] =	vst v63  }
0x208: {  	s18 =	simm.s32 $0x10;
	s0 =	sadd.s32 $0x70, s12;
	s11 =	simm.s32 $0x1C300  }
0x209: {  	[tilespmem:s11], [sflag:$0xD] =	stream.linear.gather [hbm4b:s0+s1], $0x40, $0x38;
	[tilespmem:$0x1C800] =	vst v63  }
0x20a: {  	_ =	swait.ge [sflag:s18], $0x40  }
0x20b: {  	[sflag:s18] =	ssyncset.done $0x0  }
0x20c: {  	s25 =	simm.s32 $0x4;
	[sflag:s18] =	ssyncadd.s32 $0xFFFFFFC0  }
0x20d: {  	_ =	swait.ge [sflag:s25], $0x2000  }
0x20e: {  	[sflag:s25] =	ssyncset.done $0x0  }
0x20f: {  	s15 =	simm.s32 $0x1C480;
	s4 =	simm.s32 $0x1A000;
	[sflag:s25] =	ssyncadd.s32 $0xFFFFE000  }
0x210: {  	[spmem:s9] =	stream.indirect.scatter.add.f32 [tilespmem:s4], [sflag:$0x6], $0x80, s15, s31, $0xb8;
	[tilespmem:$0x1C800] =	vst v63  }
0x211: {  	_ =	swait.ge [sflag:s24], $0x2000  }
0x212: {  	[sflag:s24] =	ssyncset.done $0x0  }
0x213: {  	[sflag:s24] =	ssyncadd.s32 $0xFFFFE000  }
0x214: {  	_ =	swait.ge [sflag:s2], $0x40  }
0x215: {  	[sflag:s2] =	ssyncset.done $0x0  }
0x216: {  	[sflag:s2] =	ssyncadd.s32 $0xFFFFFFC0  }
0x217: {  	[tilespmem:s16], [sflag:$0x3] =	stream.indirect.gather [hbm4b:s29+s31], $0x80, s21, s31, $0xb8;
	[tilespmem:$0x1C800] =	vst v63  }
0x218: {  	s17 =	simm.s32 $0x1C180;
	s16 =	sadd.s32 $0x78, s8  }
0x219: {  	[tilespmem:s17], [sflag:$0xA] =	stream.linear.gather [hbm4b:s16+s1], $0x40, $0x38;
	[tilespmem:$0x1C800] =	vst v63  }
0x21a: {  	s13 =	simm.s32 $0x1C380;
	s18 =	sadd.s32 $0x78, s12;
	s21 =	simm.s32 $0xB  }
0x21b: {  	[tilespmem:s13], [sflag:$0xE] =	stream.linear.gather [hbm4b:s18+s1], $0x40, $0x38;
	[tilespmem:$0x1C800] =	vst v63  }
0x21c: {  	_ =	swait.ge [sflag:s21], $0x40  }
0x21d: {  	[sflag:s21] =	ssyncset.done $0x0  }
0x21e: {  	[sflag:s21] =	ssyncadd.s32 $0xFFFFFFC0  }
0x21f: {  	_ =	swait.ge [sflag:s23], $0x2000  }
0x220: {  	[sflag:s23] =	ssyncset.done $0x0  }
0x221: {  	s11 =	simm.s32 $0x14000;
	[sflag:s23] =	ssyncadd.s32 $0xFFFFE000;
	s23 =	simm.s32 $0x1C200  }
0x222: {  	[spmem:s9] =	stream.indirect.scatter.add.f32 [tilespmem:s11], [sflag:$0x5], $0x80, s23, s31, $0xb8;
	[tilespmem:$0x1C800] =	vst v63  }
0x223: {  	_ =	swait.ge [sflag:s20], $0x2000  }
0x224: {  	[sflag:s20] =	ssyncset.done $0x0  }
0x225: {  	[sflag:s20] =	ssyncadd.s32 $0xFFFFE000  }
0x226: {  	_ =	swait.ge [sflag:s10], $0x40  }
0x227: {  	[sflag:s10] =	ssyncset.done $0x0  }
0x228: {  	[sflag:s10] =	ssyncadd.s32 $0xFFFFFFC0  }
0x229: {  	[tilespmem:s4], [sflag:$0x4] =	stream.indirect.gather [hbm4b:s29+s31], $0x80, s17, s31, $0xb8;
	[tilespmem:$0x1C800] =	vst v63  }
0x22a: {  	s0 =	simm.s32 $0x1C000;
	s8 =	sadd.s32 $0x80, s8  }
0x22b: {  	[tilespmem:s0], [sflag:$0x7] =	stream.linear.gather [hbm4b:s8+s1], $0x40, $0x38;
	[tilespmem:$0x1C800] =	vst v63  }
0x22c: {  	s30 =	simm.s32 $0xC;
	s28 =	sadd.s32 $0x80, s12  }
0x22d: {  	[tilespmem:s6], [sflag:$0xF] =	stream.linear.gather [hbm4b:s28+s1], $0x40, $0x38;
	[tilespmem:$0x1C800] =	vst v63  }
0x22e: {  	_ =	swait.ge [sflag:s30], $0x40  }
0x22f: {  	[sflag:s30] =	ssyncset.done $0x0  }
0x230: {  	[sflag:s30] =	ssyncadd.s32 $0xFFFFFFC0  }
0x231: {  	_ =	swait.ge [sflag:s5], $0x2000  }
0x232: {  	s22 =	smov.u32 s29;
	[sflag:s5] =	ssyncset.done $0x0  }
0x233: {  	s13 =	simm.s32 $0x1C200;
	s8 =	simm.s32 $0x60;
	[sflag:s5] =	ssyncadd.s32 $0xFFFFE000  }
.LBB2_3:
0x234: {  	s16 =	simm.s32 $0x1C280  }
0x235: {  	[spmem:s9] =	stream.indirect.scatter.add.f32 [tilespmem:s3], [sflag:$0x6], $0x80, s16, s31, $0xb8;
	[tilespmem:$0x1C800] =	vst v63  }
0x236: {  	_ =	swait.ge [sflag:s24], $0x2000  }
0x237: {  	[sflag:s24] =	ssyncset.done $0x0  }
0x238: {  	s10 =	simm.s32 $0x7;
	[sflag:s24] =	ssyncadd.s32 $0xFFFFE000  }
0x239: {  	_ =	swait.ge [sflag:s10], $0x40  }
0x23a: {  	s15 =	smov.u32 s8;
	[sflag:s10] =	ssyncset.done $0x0  }
0x23b: {  	s12 =	sadd.s32 s15, s26;
	s30 =	rddreg [dreg:$0x7];
	[sflag:s10] =	ssyncadd.s32 $0xFFFFFFC0  }
0x23c: {  	[tilespmem:s11], [sflag:$0x1] =	stream.indirect.gather [hbm4b:s22+s31], $0x80, s0, s31, $0xb8;
	[tilespmem:$0x1C800] =	vst v63  }
0x23d: {  	s26 =	sadd.s32 $0x28, s12;
	s15 =	sadd.s32 s15, s30  }
0x23e: {  	[tilespmem:s7], [sflag:$0x8] =	stream.linear.gather [hbm4b:s26+s1], $0x40, $0x38;
	[tilespmem:$0x1C800] =	vst v63  }
0x23f: {  	s4 =	simm.s32 $0x1C480;
	s17 =	simm.s32 $0xD;
	s2 =	sadd.s32 $0x28, s15  }
0x240: {  	[tilespmem:s4], [sflag:$0x10] =	stream.linear.gather [hbm4b:s2+s1], $0x40, $0x38;
	[tilespmem:$0x1C800] =	vst v63  }
0x241: {  	_ =	swait.ge [sflag:s17], $0x40  }
0x242: {  	[sflag:s17] =	ssyncset.done $0x0  }
0x243: {  	[sflag:s17] =	ssyncadd.s32 $0xFFFFFFC0  }
0x244: {  	_ =	swait.ge [sflag:s19], $0x2000  }
0x245: {  	[sflag:s19] =	ssyncset.done $0x0  }
0x246: {  	s3 =	simm.s32 $0x1C300;
	s11 =	simm.s32 $0x18000;
	[sflag:s19] =	ssyncadd.s32 $0xFFFFE000  }
0x247: {  	[spmem:s9] =	stream.indirect.scatter.add.f32 [tilespmem:s11], [sflag:$0x5], $0x80, s3, s31, $0xb8;
	[tilespmem:$0x1C800] =	vst v63  }
0x248: {  	_ =	swait.ge [sflag:s20], $0x2000  }
0x249: {  	[sflag:s20] =	ssyncset.done $0x0  }
0x24a: {  	[sflag:s20] =	ssyncadd.s32 $0xFFFFE000  }
0x24b: {  	_ =	swait.ge [sflag:s14], $0x40  }
0x24c: {  	[sflag:s14] =	ssyncset.done $0x0  }
0x24d: {  	s0 =	simm.s32 $0x1C080;
	s2 =	simm.s32 $0x16000;
	[sflag:s14] =	ssyncadd.s32 $0xFFFFFFC0  }
0x24e: {  	[tilespmem:s2], [sflag:$0x2] =	stream.indirect.gather [hbm4b:s29+s31], $0x80, s0, s31, $0xb8;
	[tilespmem:$0x1C800] =	vst v63  }
0x24f: {  	s5 =	sadd.s32 $0x30, s12;
	s4 =	simm.s32 $0x1C100  }
0x250: {  	[tilespmem:s4], [sflag:$0x9] =	stream.linear.gather [hbm4b:s5+s1], $0x40, $0x38;
	[tilespmem:$0x1C800] =	vst v63  }
0x251: {  	s6 =	sadd.s32 $0x30, s15;
	s19 =	simm.s32 $0xE  }
0x252: {  	[tilespmem:s13], [sflag:$0xB] =	stream.linear.gather [hbm4b:s6+s1], $0x40, $0x38;
	[tilespmem:$0x1C800] =	vst v63  }
0x253: {  	_ =	swait.ge [sflag:s19], $0x40  }
0x254: {  	[sflag:s19] =	ssyncset.done $0x0  }
0x255: {  	[sflag:s19] =	ssyncadd.s32 $0xFFFFFFC0  }
0x256: {  	_ =	swait.ge [sflag:s25], $0x2000  }
0x257: {  	[sflag:s25] =	ssyncset.done $0x0  }
0x258: {  	s13 =	simm.s32 $0x1C380;
	s6 =	simm.s32 $0x1A000;
	[sflag:s25] =	ssyncadd.s32 $0xFFFFE000  }
0x259: {  	[spmem:s9] =	stream.indirect.scatter.add.f32 [tilespmem:s6], [sflag:$0x6], $0x80, s13, s31, $0xb8;
	[tilespmem:$0x1C800] =	vst v63  }
0x25a: {  	_ =	swait.ge [sflag:s24], $0x2000  }
0x25b: {  	[sflag:s24] =	ssyncset.done $0x0  }
0x25c: {  	s28 =	simm.s32 $0x9;
	[sflag:s24] =	ssyncadd.s32 $0xFFFFE000  }
0x25d: {  	_ =	swait.ge [sflag:s28], $0x40  }
0x25e: {  	[sflag:s28] =	ssyncset.done $0x0  }
0x25f: {  	[sflag:s28] =	ssyncadd.s32 $0xFFFFFFC0  }
0x260: {  	[tilespmem:s11], [sflag:$0x3] =	stream.indirect.gather [hbm4b:s29+s31], $0x80, s4, s31, $0xb8;
	[tilespmem:$0x1C800] =	vst v63  }
0x261: {  	s23 =	simm.s32 $0x1C180;
	s14 =	sadd.s32 $0x38, s12  }
0x262: {  	[tilespmem:s23], [sflag:$0xA] =	stream.linear.gather [hbm4b:s14+s1], $0x40, $0x38;
	[tilespmem:$0x1C800] =	vst v63  }
0x263: {  	s25 =	sadd.s32 $0x38, s15  }
0x264: {  	[tilespmem:s16], [sflag:$0xC] =	stream.linear.gather [hbm4b:s25+s1], $0x40, $0x38;
	[tilespmem:$0x1C800] =	vst v63  }
0x265: {  	s25 =	simm.s32 $0xF  }
0x266: {  	_ =	swait.ge [sflag:s25], $0x40  }
0x267: {  	[sflag:s25] =	ssyncset.done $0x0  }
0x268: {  	s13 =	simm.s32 $0x1;
	[sflag:s25] =	ssyncadd.s32 $0xFFFFFFC0  }
0x269: {  	_ =	swait.ge [sflag:s13], $0x2000  }
0x26a: {  	[sflag:s13] =	ssyncset.done $0x0  }
0x26b: {  	s22 =	simm.s32 $0x14000;
	s2 =	simm.s32 $0x1C400;
	[sflag:s13] =	ssyncadd.s32 $0xFFFFE000  }
0x26c: {  	[spmem:s9] =	stream.indirect.scatter.add.f32 [tilespmem:s22], [sflag:$0x5], $0x80, s2, s31, $0xb8;
	[tilespmem:$0x1C800] =	vst v63  }
0x26d: {  	_ =	swait.ge [sflag:s20], $0x2000  }
0x26e: {  	[sflag:s20] =	ssyncset.done $0x0  }
0x26f: {  	s2 =	simm.s32 $0xA;
	[sflag:s20] =	ssyncadd.s32 $0xFFFFE000  }
0x270: {  	_ =	swait.ge [sflag:s2], $0x40  }
0x271: {  	[sflag:s2] =	ssyncset.done $0x0  }
0x272: {  	s21 =	simm.s32 $0x1A000;
	s5 =	simm.s32 $0x1C180;
	[sflag:s2] =	ssyncadd.s32 $0xFFFFFFC0  }
0x273: {  	[tilespmem:s21], [sflag:$0x4] =	stream.indirect.gather [hbm4b:s29+s31], $0x80, s5, s31, $0xb8;
	[tilespmem:$0x1C800] =	vst v63  }
0x274: {  	s3 =	sadd.s32 $0x40, s12;
	s5 =	simm.s32 $0x1C000  }
0x275: {  	[tilespmem:s5], [sflag:$0x7] =	stream.linear.gather [hbm4b:s3+s1], $0x40, $0x38;
	[tilespmem:$0x1C800] =	vst v63  }
0x276: {  	s18 =	simm.s32 $0x1C300;
	s21 =	sadd.s32 $0x40, s15  }
0x277: {  	[tilespmem:s18], [sflag:$0xD] =	stream.linear.gather [hbm4b:s21+s1], $0x40, $0x38;
	[tilespmem:$0x1C800] =	vst v63  }
0x278: {  	s21 =	simm.s32 $0x10  }
0x279: {  	_ =	swait.ge [sflag:s21], $0x40  }
0x27a: {  	[sflag:s21] =	ssyncset.done $0x0  }
0x27b: {  	s18 =	simm.s32 $0x2;
	[sflag:s21] =	ssyncadd.s32 $0xFFFFFFC0  }
0x27c: {  	_ =	swait.ge [sflag:s18], $0x2000  }
0x27d: {  	[sflag:s18] =	ssyncset.done $0x0  }
0x27e: {  	s7 =	simm.s32 $0x1C480;
	s26 =	simm.s32 $0x16000;
	[sflag:s18] =	ssyncadd.s32 $0xFFFFE000  }
0x27f: {  	[spmem:s9] =	stream.indirect.scatter.add.f32 [tilespmem:s26], [sflag:$0x6], $0x80, s7, s31, $0xb8;
	[tilespmem:$0x1C800] =	vst v63  }
0x280: {  	_ =	swait.ge [sflag:s24], $0x2000  }
0x281: {  	[sflag:s24] =	ssyncset.done $0x0  }
0x282: {  	[sflag:s24] =	ssyncadd.s32 $0xFFFFE000  }
0x283: {  	_ =	swait.ge [sflag:s10], $0x40  }
0x284: {  	[sflag:s10] =	ssyncset.done $0x0  }
0x285: {  	s3 =	simm.s32 $0x1C000;
	[sflag:s10] =	ssyncadd.s32 $0xFFFFFFC0  }
0x286: {  	[tilespmem:s22], [sflag:$0x1] =	stream.indirect.gather [hbm4b:s29+s31], $0x80, s3, s31, $0xb8;
	[tilespmem:$0x1C800] =	vst v63  }
0x287: {  	s5 =	sadd.s32 $0x48, s12  }
0x288: {  	[tilespmem:s0], [sflag:$0x8] =	stream.linear.gather [hbm4b:s5+s1], $0x40, $0x38;
	[tilespmem:$0x1C800] =	vst v63  }
0x289: {  	s30 =	simm.s32 $0x1C380;
	s16 =	sadd.s32 $0x48, s15  }
0x28a: {  	[tilespmem:s30], [sflag:$0xE] =	stream.linear.gather [hbm4b:s16+s1], $0x40, $0x38;
	[tilespmem:$0x1C800] =	vst v63  }
0x28b: {  	s30 =	simm.s32 $0xB  }
0x28c: {  	_ =	swait.ge [sflag:s30], $0x40  }
0x28d: {  	[sflag:s30] =	ssyncset.done $0x0  }
0x28e: {  	s14 =	simm.s32 $0x3;
	[sflag:s30] =	ssyncadd.s32 $0xFFFFFFC0  }
0x28f: {  	_ =	swait.ge [sflag:s14], $0x2000  }
0x290: {  	[sflag:s14] =	ssyncset.done $0x0  }
0x291: {  	s23 =	simm.s32 $0x1C200;
	[sflag:s14] =	ssyncadd.s32 $0xFFFFE000  }
0x292: {  	[spmem:s9] =	stream.indirect.scatter.add.f32 [tilespmem:s11], [sflag:$0x5], $0x80, s23, s31, $0xb8;
	[tilespmem:$0x1C800] =	vst v63  }
0x293: {  	_ =	swait.ge [sflag:s20], $0x2000  }
0x294: {  	[sflag:s20] =	ssyncset.done $0x0  }
0x295: {  	s14 =	simm.s32 $0x8;
	[sflag:s20] =	ssyncadd.s32 $0xFFFFE000  }
0x296: {  	_ =	swait.ge [sflag:s14], $0x40  }
0x297: {  	[sflag:s14] =	ssyncset.done $0x0  }
0x298: {  	s26 =	simm.s32 $0x16000;
	[sflag:s14] =	ssyncadd.s32 $0xFFFFFFC0  }
0x299: {  	[tilespmem:s26], [sflag:$0x2] =	stream.indirect.gather [hbm4b:s29+s31], $0x80, s0, s31, $0xb8;
	[tilespmem:$0x1C800] =	vst v63  }
0x29a: {  	s5 =	sadd.s32 $0x50, s12  }
0x29b: {  	[tilespmem:s4], [sflag:$0x9] =	stream.linear.gather [hbm4b:s5+s1], $0x40, $0x38;
	[tilespmem:$0x1C800] =	vst v63  }
0x29c: {  	s23 =	sadd.s32 $0x50, s15;
	s5 =	simm.s32 $0x1C400  }
0x29d: {  	[tilespmem:s5], [sflag:$0xF] =	stream.linear.gather [hbm4b:s23+s1], $0x40, $0x38;
	[tilespmem:$0x1C800] =	vst v63  }
0x29e: {  	s23 =	simm.s32 $0xC  }
0x29f: {  	_ =	swait.ge [sflag:s23], $0x40  }
0x2a0: {  	[sflag:s23] =	ssyncset.done $0x0  }
0x2a1: {  	s6 =	simm.s32 $0x4;
	[sflag:s23] =	ssyncadd.s32 $0xFFFFFFC0  }
0x2a2: {  	_ =	swait.ge [sflag:s6], $0x2000  }
0x2a3: {  	[sflag:s6] =	ssyncset.done $0x0  }
0x2a4: {  	s16 =	simm.s32 $0x1C280;
	[sflag:s6] =	ssyncadd.s32 $0xFFFFE000;
	s6 =	simm.s32 $0x1A000  }
0x2a5: {  	[spmem:s9] =	stream.indirect.scatter.add.f32 [tilespmem:s6], [sflag:$0x6], $0x80, s16, s31, $0xb8;
	[tilespmem:$0x1C800] =	vst v63  }
0x2a6: {  	_ =	swait.ge [sflag:s24], $0x2000  }
0x2a7: {  	[sflag:s24] =	ssyncset.done $0x0  }
0x2a8: {  	[sflag:s24] =	ssyncadd.s32 $0xFFFFE000  }
0x2a9: {  	_ =	swait.ge [sflag:s28], $0x40  }
0x2aa: {  	[sflag:s28] =	ssyncset.done $0x0  }
0x2ab: {  	[sflag:s28] =	ssyncadd.s32 $0xFFFFFFC0  }
0x2ac: {  	[tilespmem:s11], [sflag:$0x3] =	stream.indirect.gather [hbm4b:s29+s31], $0x80, s4, s31, $0xb8;
	[tilespmem:$0x1C800] =	vst v63  }
0x2ad: {  	s26 =	sadd.s32 $0x58, s12;
	s0 =	simm.s32 $0x1C180  }
0x2ae: {  	[tilespmem:s0], [sflag:$0xA] =	stream.linear.gather [hbm4b:s26+s1], $0x40, $0x38;
	[tilespmem:$0x1C800] =	vst v63  }
0x2af: {  	s7 =	simm.s32 $0x1C480;
	s26 =	sadd.s32 $0x58, s15  }
0x2b0: {  	[tilespmem:s7], [sflag:$0x10] =	stream.linear.gather [hbm4b:s26+s1], $0x40, $0x38;
	[tilespmem:$0x1C800] =	vst v63  }
0x2b1: {  	_ =	swait.ge [sflag:s17], $0x40  }
0x2b2: {  	[sflag:s17] =	ssyncset.done $0x0  }
0x2b3: {  	[sflag:s17] =	ssyncadd.s32 $0xFFFFFFC0  }
0x2b4: {  	_ =	swait.ge [sflag:s13], $0x2000  }
0x2b5: {  	[sflag:s13] =	ssyncset.done $0x0  }
0x2b6: {  	s17 =	simm.s32 $0x1C300;
	[sflag:s13] =	ssyncadd.s32 $0xFFFFE000  }
0x2b7: {  	[spmem:s9] =	stream.indirect.scatter.add.f32 [tilespmem:s22], [sflag:$0x5], $0x80, s17, s31, $0xb8;
	[tilespmem:$0x1C800] =	vst v63  }
0x2b8: {  	_ =	swait.ge [sflag:s20], $0x2000  }
0x2b9: {  	[sflag:s20] =	ssyncset.done $0x0  }
0x2ba: {  	[sflag:s20] =	ssyncadd.s32 $0xFFFFE000  }
0x2bb: {  	_ =	swait.ge [sflag:s2], $0x40  }
0x2bc: {  	[sflag:s2] =	ssyncset.done $0x0  }
0x2bd: {  	[sflag:s2] =	ssyncadd.s32 $0xFFFFFFC0  }
0x2be: {  	[tilespmem:s6], [sflag:$0x4] =	stream.indirect.gather [hbm4b:s29+s31], $0x80, s0, s31, $0xb8;
	[tilespmem:$0x1C800] =	vst v63  }
0x2bf: {  	s7 =	simm.s32 $0x1C000;
	s0 =	sadd.s32 $0x60, s12  }
0x2c0: {  	[tilespmem:s7], [sflag:$0x7] =	stream.linear.gather [hbm4b:s0+s1], $0x40, $0x38;
	[tilespmem:$0x1C800] =	vst v63  }
0x2c1: {  	s3 =	simm.s32 $0x1C200;
	s7 =	sadd.s32 $0x60, s15  }
0x2c2: {  	[tilespmem:s3], [sflag:$0xB] =	stream.linear.gather [hbm4b:s7+s1], $0x40, $0x38;
	[tilespmem:$0x1C800] =	vst v63  }
0x2c3: {  	_ =	swait.ge [sflag:s19], $0x40  }
0x2c4: {  	[sflag:s19] =	ssyncset.done $0x0  }
0x2c5: {  	[sflag:s19] =	ssyncadd.s32 $0xFFFFFFC0  }
0x2c6: {  	_ =	swait.ge [sflag:s18], $0x2000  }
0x2c7: {  	[sflag:s18] =	ssyncset.done $0x0  }
0x2c8: {  	s26 =	simm.s32 $0x16000;
	s19 =	simm.s32 $0x1C380;
	[sflag:s18] =	ssyncadd.s32 $0xFFFFE000  }
0x2c9: {  	[spmem:s9] =	stream.indirect.scatter.add.f32 [tilespmem:s26], [sflag:$0x6], $0x80, s19, s31, $0xb8;
	[tilespmem:$0x1C800] =	vst v63  }
0x2ca: {  	_ =	swait.ge [sflag:s24], $0x2000  }
0x2cb: {  	[sflag:s24] =	ssyncset.done $0x0  }
0x2cc: {  	[sflag:s24] =	ssyncadd.s32 $0xFFFFE000  }
0x2cd: {  	_ =	swait.ge [sflag:s10], $0x40  }
0x2ce: {  	[sflag:s10] =	ssyncset.done $0x0  }
0x2cf: {  	s7 =	simm.s32 $0x1C000;
	[sflag:s10] =	ssyncadd.s32 $0xFFFFFFC0  }
0x2d0: {  	[tilespmem:s22], [sflag:$0x1] =	stream.indirect.gather [hbm4b:s29+s31], $0x80, s7, s31, $0xb8;
	[tilespmem:$0x1C800] =	vst v63  }
0x2d1: {  	s10 =	sadd.s32 $0x68, s12;
	s7 =	simm.s32 $0x1C080  }
0x2d2: {  	[tilespmem:s7], [sflag:$0x8] =	stream.linear.gather [hbm4b:s10+s1], $0x40, $0x38;
	[tilespmem:$0x1C800] =	vst v63  }
0x2d3: {  	s19 =	sadd.s32 $0x68, s15  }
0x2d4: {  	[tilespmem:s16], [sflag:$0xC] =	stream.linear.gather [hbm4b:s19+s1], $0x40, $0x38;
	[tilespmem:$0x1C800] =	vst v63  }
0x2d5: {  	_ =	swait.ge [sflag:s25], $0x40  }
0x2d6: {  	[sflag:s25] =	ssyncset.done $0x0  }
0x2d7: {  	s19 =	simm.s32 $0x3;
	[sflag:s25] =	ssyncadd.s32 $0xFFFFFFC0  }
0x2d8: {  	_ =	swait.ge [sflag:s19], $0x2000  }
0x2d9: {  	[sflag:s19] =	ssyncset.done $0x0  }
0x2da: {  	[sflag:s19] =	ssyncadd.s32 $0xFFFFE000  }
0x2db: {  	[spmem:s9] =	stream.indirect.scatter.add.f32 [tilespmem:s11], [sflag:$0x5], $0x80, s5, s31, $0xb8;
	[tilespmem:$0x1C800] =	vst v63  }
0x2dc: {  	_ =	swait.ge [sflag:s20], $0x2000  }
0x2dd: {  	[sflag:s20] =	ssyncset.done $0x0  }
0x2de: {  	[sflag:s20] =	ssyncadd.s32 $0xFFFFE000  }
0x2df: {  	_ =	swait.ge [sflag:s14], $0x40  }
0x2e0: {  	[sflag:s14] =	ssyncset.done $0x0  }
0x2e1: {  	s26 =	simm.s32 $0x16000;
	[sflag:s14] =	ssyncadd.s32 $0xFFFFFFC0  }
0x2e2: {  	[tilespmem:s26], [sflag:$0x2] =	stream.indirect.gather [hbm4b:s29+s31], $0x80, s7, s31, $0xb8;
	[tilespmem:$0x1C800] =	vst v63  }
0x2e3: {  	s0 =	sadd.s32 $0x70, s12  }
0x2e4: {  	[tilespmem:s4], [sflag:$0x9] =	stream.linear.gather [hbm4b:s0+s1], $0x40, $0x38;
	[tilespmem:$0x1C800] =	vst v63  }
0x2e5: {  	s16 =	sadd.s32 $0x70, s15  }
0x2e6: {  	[tilespmem:s17], [sflag:$0xD] =	stream.linear.gather [hbm4b:s16+s1], $0x40, $0x38;
	[tilespmem:$0x1C800] =	vst v63  }
0x2e7: {  	_ =	swait.ge [sflag:s21], $0x40  }
0x2e8: {  	[sflag:s21] =	ssyncset.done $0x0  }
0x2e9: {  	s25 =	simm.s32 $0x4;
	[sflag:s21] =	ssyncadd.s32 $0xFFFFFFC0  }
0x2ea: {  	_ =	swait.ge [sflag:s25], $0x2000  }
0x2eb: {  	[sflag:s25] =	ssyncset.done $0x0  }
0x2ec: {  	s26 =	simm.s32 $0x1C480;
	s16 =	simm.s32 $0x1A000;
	[sflag:s25] =	ssyncadd.s32 $0xFFFFE000  }
0x2ed: {  	[spmem:s9] =	stream.indirect.scatter.add.f32 [tilespmem:s16], [sflag:$0x6], $0x80, s26, s31, $0xb8;
	[tilespmem:$0x1C800] =	vst v63  }
0x2ee: {  	_ =	swait.ge [sflag:s24], $0x2000  }
0x2ef: {  	[sflag:s24] =	ssyncset.done $0x0  }
0x2f0: {  	[sflag:s24] =	ssyncadd.s32 $0xFFFFE000  }
0x2f1: {  	_ =	swait.ge [sflag:s28], $0x40  }
0x2f2: {  	[sflag:s28] =	ssyncset.done $0x0  }
0x2f3: {  	[sflag:s28] =	ssyncadd.s32 $0xFFFFFFC0  }
0x2f4: {  	[tilespmem:s11], [sflag:$0x3] =	stream.indirect.gather [hbm4b:s29+s31], $0x80, s4, s31, $0xb8;
	[tilespmem:$0x1C800] =	vst v63  }
0x2f5: {  	s6 =	simm.s32 $0x1C180;
	s17 =	sadd.s32 $0x78, s12  }
0x2f6: {  	[tilespmem:s6], [sflag:$0xA] =	stream.linear.gather [hbm4b:s17+s1], $0x40, $0x38;
	[tilespmem:$0x1C800] =	vst v63  }
0x2f7: {  	s3 =	simm.s32 $0x1C380;
	s21 =	sadd.s32 $0x78, s15  }
0x2f8: {  	[tilespmem:s3], [sflag:$0xE] =	stream.linear.gather [hbm4b:s21+s1], $0x40, $0x38;
	[tilespmem:$0x1C800] =	vst v63  }
0x2f9: {  	s26 =	rddreg [dreg:$0x6];
	_ =	swait.ge [sflag:s30], $0x40  }
0x2fa: {  	[sflag:s30] =	ssyncset.done $0x0  }
0x2fb: {  	[sflag:s30] =	ssyncadd.s32 $0xFFFFFFC0  }
0x2fc: {  	_ =	swait.ge [sflag:s13], $0x2000  }
0x2fd: {  	[sflag:s13] =	ssyncset.done $0x0  }
0x2fe: {  	s28 =	simm.s32 $0x1C200;
	s11 =	simm.s32 $0x14000;
	[sflag:s13] =	ssyncadd.s32 $0xFFFFE000  }
0x2ff: {  	[spmem:s9] =	stream.indirect.scatter.add.f32 [tilespmem:s11], [sflag:$0x5], $0x80, s28, s31, $0xb8;
	[tilespmem:$0x1C800] =	vst v63  }
0x300: {  	_ =	swait.ge [sflag:s20], $0x2000  }
0x301: {  	[sflag:s20] =	ssyncset.done $0x0  }
0x302: {  	[sflag:s20] =	ssyncadd.s32 $0xFFFFE000  }
0x303: {  	_ =	swait.ge [sflag:s2], $0x40  }
0x304: {  	[sflag:s2] =	ssyncset.done $0x0  }
0x305: {  	[sflag:s2] =	ssyncadd.s32 $0xFFFFFFC0  }
0x306: {  	[tilespmem:s16], [sflag:$0x4] =	stream.indirect.gather [hbm4b:s29+s31], $0x80, s6, s31, $0xb8;
	[tilespmem:$0x1C800] =	vst v63  }
0x307: {  	s0 =	simm.s32 $0x1C000;
	s12 =	sadd.s32 $0x80, s12  }
0x308: {  	[tilespmem:s0], [sflag:$0x7] =	stream.linear.gather [hbm4b:s12+s1], $0x40, $0x38;
	[tilespmem:$0x1C800] =	vst v63  }
0x309: {  	s5 =	simm.s32 $0x1C400;
	s30 =	sadd.s32 $0x80, s15  }
0x30a: {  	[tilespmem:s5], [sflag:$0xF] =	stream.linear.gather [hbm4b:s30+s1], $0x40, $0x38;
	[tilespmem:$0x1C800] =	vst v63  }
0x30b: {  	p1 =	sne.s32 s8, $0x960;
	_ =	swait.ge [sflag:s23], $0x40  }
.Ltmp5:
0x30c: {  	[sflag:s23] =	ssyncset.done $0x0;
	(pc) =	sbr.rel @p1 .LBB2_3-.Ltmp5, $4  }
0x30d: {  	[sflag:s23] =	ssyncadd.s32 $0xFFFFFFC0  }
0x30e: {  	s8 =	sadd.s32 $0x60, s8;
	_ =	swait.ge [sflag:s18], $0x2000  }
0x30f: {  	s22 =	smov.u32 s29;
	s10 =	simm.s32 $0x1C280;
	[sflag:s18] =	ssyncset.done $0x0  }
0x310: {  	s3 =	simm.s32 $0x16000;
	s13 =	simm.s32 $0x1C200;
	[sflag:s18] =	ssyncadd.s32 $0xFFFFE000  }
0x311: {  	[spmem:s9] =	stream.indirect.scatter.add.f32 [tilespmem:s3], [sflag:$0x6], $0x80, s10, s31, $0xb8;
	[tilespmem:$0x1C800] =	vst v63  }
0x312: {  	_ =	swait.ge [sflag:s24], $0x2000  }
0x313: {  	[sflag:s24] =	ssyncset.done $0x0  }
0x314: {  	[sflag:s24] =	ssyncadd.s32 $0xFFFFE000  }
0x315: {  	_ =	swait.ge [sflag:s20], $0x2000  }
0x316: {  	[sflag:s20] =	ssyncset.done $0x0  }
0x317: {  	[sflag:s20] =	ssyncadd.s32 $0xFFFFE000  }
0x318: {  	_ =	swait.ge [sflag:s19], $0x2000  }
0x319: {  	[sflag:s19] =	ssyncset.done $0x0  }
0x31a: {  	[sflag:s19] =	ssyncadd.s32 $0xFFFFE000  }
0x31b: {  	_ =	swait.ge [sflag:s25], $0x2000  }
0x31c: {  	[sflag:s25] =	ssyncset.done $0x0  }
0x31d: {  	s2 =	simm.s32 $0x7;
	[sflag:s25] =	ssyncadd.s32 $0xFFFFE000  }
0x31e: {  	_ =	swait.ge [sflag:s2], $0x40  }
0x31f: {  	[sflag:s2] =	ssyncset.done $0x0  }
0x320: {  	s25 =	simm.s32 $0xD;
	[sflag:s2] =	ssyncadd.s32 $0xFFFFFFC0  }
0x321: {  	_ =	swait.ge [sflag:s25], $0x40  }
0x322: {  	[sflag:s25] =	ssyncset.done $0x0  }
0x323: {  	s28 =	simm.s32 $0xE;
	[sflag:s25] =	ssyncadd.s32 $0xFFFFFFC0  }
0x324: {  	_ =	swait.ge [sflag:s28], $0x40  }
0x325: {  	[sflag:s28] =	ssyncset.done $0x0  }
0x326: {  	s29 =	simm.s32 $0xF;
	[sflag:s28] =	ssyncadd.s32 $0xFFFFFFC0  }
.Ltmp6:
0x327: {  	_ =	swait.ge [sflag:s29], $0x40;
	(pc) =	sbr.rel .LBB2_8-.Ltmp6, $4  }
0x328: {  	s13 =	simm.s32 $0x11;
	s3 =	simm.s32 $0xD;
	s30 =	rddreg [dreg:$0x7]  }
0x329: {  	s4 =	simm.s32 $0xE;
	s17 =	simm.s32 $0xB;
	s15 =	rddreg [dreg:$0x5]  }
0x32a: {  	s5 =	simm.s32 $0xC;
	[sflag:s29] =	ssyncset.done $0x0;
	s16 =	rddreg [dreg:$0x1c]  }
0x32b: {  	s25 =	smov.u32 s9;
	s19 =	sld [smem:$0x7F3];
	[sflag:s29] =	ssyncadd.s32 $0xFFFFFFC0  }
.LBB2_9:
0x32c: {  	_ =	sfence.sel $0x180000  }
0x32d: {  	[bflag:$0x0] =	sbarrier.arrive $0xFFFF  }
0x32e: {  	_ =	strace $0x90000047  }
0x32f: {  	s0 =	stileid.u32;
	[bflag:$0x2] =	sbarrier.arrive $0xFFFF  }
0x330: {  	p0 =	sne.s32 s0, $0x0;
	s0 =	rddreg [dreg:$0x4]  }
0x331: {  	s0 =	sadd.s32 @!p0 $0x100000, s0  }
0x332: {  	[sflag:s0] =	ssyncadd.tile.s32 @!p0 $0x1;
	_ =	shalt  }
.Lfunc_end2:
_tile_overlayer_lowered:
.L_overlay_start_2:
0x333: {  	(tag) =	ssettag $0x2  }
0x334: {  	s0 =	rddreg [dreg:$0x0];
	s2 =	stileid.u32  }
0x335: {  	s1 =	rddreg [dreg:$0x1];
	p0 =	sne.s32 s2, $0x0  }
0x336: {  	s3 =	rddreg [dreg:$0x2];
	[bflag:$0x3] =	sbarrier.arrive $0xFFFF;
	s2 =	simm.s32 @!p0 $0x1C11  }
0x337: {  	[timem:s3], [sflag:s2] =	dma.local @!p0 [hbm:s0], s1  }
0x338: {  	s0 =	simm.s32 @!p0 $0x11  }
0x339: {  	_ =	swait.ge @!p0 [sflag:s0], s1  }
0x33a: {  	s1 =	ssub.s32 @!p0 $0x0, s1;
	[sflag:s0] =	ssyncset.done @!p0 $0x0  }
0x33b: {  	[sflag:s0] =	ssyncadd.s32 @!p0 s1  }
0x33c: {  	[bflag:$0x3] =	sbarrier.arrive $0xFFFF  }
0x33d: {  	_ =	shalt  }

</sc_bundles>
